<compile_context>
chip_gen: v7x
topology: tpu7x:2x2x1
jax: 0.10.2.dev20260603
libtpu: 0.0.44.dev20260713+nightly
codegen_flags: <defaults>
</compile_context>

<pallas_src>
import functools
import jax
import jax.numpy as jnp
from jax import lax
from jax.experimental import pallas as pl
from jax.experimental.pallas import tpu as pltpu
from jax.experimental.pallas import tpu_sc as plsc

N = 10000
E = 320000
D = 128
DP = D // 2
NH = N // 2
L = 16
NC = 2
NS = 16
NW = NC * NS
NPW = 320
NPAD = NW * NPW
C = 800
NCHUNK = E // C
FT = 10744
MBUF = FT + 2 * C + 64
NBIN = N + L
XR = 8
NXC = NH // XR
DUMP = NPW

_mesh = plsc.VectorSubcoreMesh(
    core_axis_name="c", subcore_axis_name="s", num_cores=NC, num_subcores=NS
)


@functools.partial(
    pl.kernel,
    out_type=jax.ShapeDtypeStruct((NPAD * D,), jnp.float32),
    mesh=_mesh,
    compiler_params=pltpu.CompilerParams(needs_layout_passes=False),
    scratch_types=[
        pltpu.VMEM(((NPW + 1) * D,), jnp.float32),
        pltpu.VMEM(((NPW + 1) * D,), jnp.float32),
        pltpu.VMEM((NPW + 2 * L,), jnp.float32),
        pltpu.VMEM((NBIN,), jnp.int32),
        pltpu.VMEM((MBUF,), jnp.int32),
        pltpu.VMEM((MBUF,), jnp.int32),
        pltpu.VMEM((C,), jnp.int32),
        pltpu.VMEM((C,), jnp.int32),
        pltpu.VMEM((XR, D), jnp.int32),
        pltpu.VMEM((XR, D), jnp.int32),
        pltpu.VMEM((L,), jnp.float32),
        pltpu.SemaphoreType.DMA,
        pltpu.SemaphoreType.DMA,
        pltpu.SemaphoreType.DMA,
        pltpu.SemaphoreType.DMA,
    ],
)
def _mp(z_hbm, ep_hbm, w_hbm, out_hbm,
        s_acc, m_acc, cnt_acc, bins, mpack, srt, chA, chB, xchA, xchB, zv,
        semA, semB, semXA, semXB):
    cid = lax.axis_index("c")
    sid = lax.axis_index("s")
    wid = cid * NS + sid
    lo = wid * NPW

    fzeros = jnp.zeros((L,), jnp.float32)
    fones = jnp.ones((L,), jnp.float32)
    izeros = jnp.zeros((L,), jnp.int32)
    iones = jnp.ones((L,), jnp.int32)
    negs = jnp.full((L,), -3.0e38, jnp.float32)
    dumpv = jnp.full((L,), DUMP << 14, jnp.int32)
    lowm = jnp.full((L,), 16383, jnp.int32)
    highm = jnp.full((L,), -65536, jnp.int32)
    sh16 = jnp.full((L,), 16, jnp.int32)
    lanes = lax.iota(jnp.int32, L)
    e1f = jnp.where(lanes == izeros, fones, fzeros)
    e1i = jnp.where(lanes == izeros, iones, izeros)
    lov14 = jnp.full((L,), lo * 16384, jnp.int32)
    hiv14 = jnp.full((L,), (lo + NPW) * 16384, jnp.int32)

    def init_acc(i, carry):
        s_acc[pl.ds(i * L, L)] = fzeros
        m_acc[pl.ds(i * L, L)] = negs
        return carry
    lax.fori_loop(0, (NPW + 1) * D // L, init_acc, 0)

    def init_cnt(i, carry):
        cnt_acc[pl.ds(i * L, L)] = fzeros
        return carry
    lax.fori_loop(0, (NPW + 2 * L) // L, init_cnt, 0)

    def init_bins(i, carry):
        bins[pl.ds(i * L, L)] = izeros
        return carry
    lax.fori_loop(0, NBIN // L, init_bins, 0)

    def init_srt(i, carry):
        srt[pl.ds(i * L, L)] = izeros
        return carry
    lax.fori_loop(0, MBUF // L, init_srt, 0)

    pltpu.sync_copy(z_hbm, zv)

    def issue_x(k, xb, sem):
        pltpu.async_copy(w_hbm.at[pl.ds(k * XR, XR), :], xb, sem)

    def wait_x(xb, sem):
        pltpu.make_async_copy(w_hbm.at[pl.ds(0, XR), :], xb, sem).wait()

    def walk(xi, xb):
        r0 = xi * (2 * XR)
        ks = bins[pl.ds(r0, L)][0]
        ke = bins[pl.ds(r0 + 2 * XR, L)][0]
        rh = r0 >> 1

        def edge(i, carry):
            lsp = srt[pl.ds(ks + i, L)][0]
            ls = lax.shift_right_logical(lsp, 14)
            dv = lsp & 16383
            baseS = ls * D
            sl = lax.shift_right_logical(dv, 1) - rh
            hof = (dv & 1) * DP
            for h in range(DP // L):
                wv = xb[sl, pl.ds(hof + h * L, L)]
                lof = plsc.bitcast(lax.shift_left(wv, sh16), jnp.float32)
                hif = plsc.bitcast(wv & highm, jnp.float32)
                plsc.addupdate(s_acc.at[pl.ds(baseS + h * 2 * L, L)], lof)
                plsc.addupdate(
                    s_acc.at[pl.ds(baseS + h * 2 * L + L, L)], hif)
                mlo = m_acc[pl.ds(baseS + h * 2 * L, L)]
                m_acc[pl.ds(baseS + h * 2 * L, L)] = jnp.maximum(mlo, lof)
                mhi = m_acc[pl.ds(baseS + h * 2 * L + L, L)]
                m_acc[pl.ds(baseS + h * 2 * L + L, L)] = (
                    jnp.maximum(mhi, hif))
            return carry
        lax.fori_loop(0, ke - ks, edge, 0)

    def flush(m):
        m16 = ((m + (L - 1)) >> 4) << 4
        mal = (m >> 4) << 4

        @pl.when(mal < m16)
        def _():
            v = mpack[pl.ds(mal, L)]
            posv = jnp.full((L,), mal, jnp.int32) + lanes
            mpack[pl.ds(mal, L)] = jnp.where(
                posv >= jnp.full((L,), m, jnp.int32), dumpv, v)

        nv = m16 >> 4

        issue_x(0, xchA, semXA)
        issue_x(1, xchB, semXB)

        def hist(i, carry):
            pv = mpack[pl.ds(i * L, L)]
            for t in range(L):
                dv = pv[t] & 16383
                plsc.addupdate(bins.at[pl.ds(dv, L)], e1i)
            return carry
        lax.fori_loop(0, nv, hist, 0)

        def pfx(i, tot):
            v = bins[pl.ds(i * L, L)]
            cum = plsc.cumsum(v)
            bins[pl.ds(i * L, L)] = cum + jnp.full((L,), tot, jnp.int32)
            return tot + cum[L - 1]
        lax.fori_loop(0, NBIN // L, pfx, 0)

        ne1i = izeros - e1i

        def place(i, carry):
            pv = mpack[pl.ds(i * L, L)]
            for t in range(L):
                lsp = pv[t]
                dv = lsp & 16383
                ls = lax.shift_right_logical(lsp, 14)
                p = bins[pl.ds(dv, L)][0] - 1
                plsc.addupdate(bins.at[pl.ds(dv, L)], ne1i)
                plsc.addupdate(cnt_acc.at[pl.ds(ls, L)], e1f)
                plsc.addupdate(
                    srt.at[pl.ds(p, L)],
                    jnp.where(lanes == izeros,
                              jnp.full((L,), lsp, jnp.int32), izeros))
            return carry
        lax.fori_loop(0, nv, place, 0)

        def xpair(cp, carry):
            ca = 2 * cp
            wait_x(xchA, semXA)
            walk(ca, xchA)

            @pl.when(ca + 2 < NXC)
            def _():
                issue_x(ca + 2, xchA, semXA)

            @pl.when(ca + 1 < NXC)
            def _():
                wait_x(xchB, semXB)
                walk(ca + 1, xchB)

                @pl.when(ca + 3 < NXC)
                def __():
                    issue_x(ca + 3, xchB, semXB)
            return carry
        lax.fori_loop(0, (NXC + 1) // 2, xpair, 0)

        def rz_bins(i, carry):
            bins[pl.ds(i * L, L)] = izeros
            return carry
        lax.fori_loop(0, NBIN // L, rz_bins, 0)

        def rz_srt(i, carry):
            srt[pl.ds(i * L, L)] = izeros
            return carry
        lax.fori_loop(0, nv, rz_srt, 0)

    def scan_chunk(cb, m0):
        def scan_body(i, off):
            ev = cb[pl.ds(i * L, L)]
            msk = (ev >= lov14) & (ev < hiv14)
            inc = jnp.where(msk, iones, izeros)
            pos = plsc.cumsum(inc)
            idx = jnp.full((L,), off - 1, jnp.int32) + pos
            plsc.store_scatter(mpack, [idx], ev - lov14, mask=msk)
            pc = plsc.all_reduce_population_count(msk)
            return off + pc[0]
        return lax.fori_loop(0, C // L, scan_body, m0)

    issue_chunk = lambda k, cb, sem: pltpu.async_copy(
        ep_hbm.at[pl.ds(k * C, C)], cb, sem)
    wait_chunk = lambda cb, sem: pltpu.make_async_copy(
        ep_hbm.at[pl.ds(0, C)], cb, sem).wait()

    issue_chunk(0, chA, semA)

    def chunk_pair(p, m):
        last = p == NCHUNK // 2

        k0 = 2 * p

        @pl.when(jnp.logical_not(last))
        def _():
            wait_chunk(chA, semA)
            issue_chunk(k0 + 1, chB, semB)
        m = jnp.where(last, m, scan_chunk(chA, m))

        @pl.when(jnp.logical_not(last))
        def _():
            wait_chunk(chB, semB)

            @pl.when(k0 + 2 < NCHUNK)
            def __():
                issue_chunk(k0 + 2, chA, semA)
        m = jnp.where(last, m, scan_chunk(chB, m))
        do_flush = (m >= FT) | (last & (m > 0))

        @pl.when(do_flush)
        def _():
            flush(m)
        return jnp.where(do_flush, 0, m)
    m = lax.fori_loop(0, NCHUNK // 2 + 1, chunk_pair, 0)

    zvec = zv[pl.ds(0, L)]
    z0v = jnp.full((L,), zvec[0])
    z1v = jnp.full((L,), zvec[1])
    z2v = jnp.full((L,), zvec[2])

    def comb_group(ng, carry):
        n0 = ng * L
        cv = cnt_acc[pl.ds(n0, L)]
        scalev = z0v + z1v / jnp.maximum(cv, fones)
        zmxv = jnp.where(cv > fzeros, z2v, fzeros)
        for t in range(L):
            sc = jnp.full((L,), scalev[t])
            zm = jnp.full((L,), zmxv[t])
            base = (n0 + t) * D
            for j in range(D // L):
                sj = s_acc[pl.ds(base + j * L, L)]
                mj = m_acc[pl.ds(base + j * L, L)]
                s_acc[pl.ds(base + j * L, L)] = sj * sc + zm * mj
        return carry
    lax.fori_loop(0, NPW // L, comb_group, 0)

    pltpu.sync_copy(s_acc.at[pl.ds(0, NPW * D)],
                    out_hbm.at[pl.ds(wid * (NPW * D), NPW * D)])


def kernel(z_agg_hard, edge_index, x):
    z = jnp.pad(z_agg_hard.reshape(3).astype(jnp.float32), (0, L - 3))
    src = edge_index[0].astype(jnp.int32)
    dst = edge_index[1].astype(jnp.int32)
    epack = lax.shift_left(src, 14) | dst
    u = lax.bitcast_convert_type(x.astype(jnp.bfloat16), jnp.uint16)
    k_idx = jnp.arange(DP)
    idx_lo = 32 * (k_idx // L) + (k_idx % L)
    w = (u[:, idx_lo].astype(jnp.uint32)
         | (u[:, idx_lo + L].astype(jnp.uint32) << 16)).astype(jnp.int32)
    out = _mp(z, epack, w.reshape(NH, D))
    return out.reshape(NPAD, D)[:N]

# --- scband reference (transcript-rebuilt; emitter-appended) ---
"""Pipeline reference for scband-message-passing-2259152798319 (READ-ONLY COPY).

The authoritative reference and input builder live on the scoring server;
editing this copy changes nothing except your own understanding.
"""

import jax, jax.numpy as jnp
import numpy as np

N = 10000
E = 320000
D = 128
NUM_AGG = 3  # SearchSpace agg choices: ['add', 'mean', 'max']


def setup_inputs(seed: int = 0) -> dict:
    key = jax.random.key(seed)
    k1, k2, k3 = jax.random.split(key, 3)
    x = jax.random.normal(k1, (N, D), dtype=jnp.float32)
    edge_index = jax.random.randint(k2, (2, E), 0, N, dtype=jnp.int32)
    # z_agg_hard is a (possibly straight-through one-hot) mixture over the agg search space
    z_agg_hard = jax.random.uniform(k3, (1, NUM_AGG), dtype=jnp.float32)
    return {"z_agg_hard": z_agg_hard, "edge_index": edge_index, "x": x}


def _scatter_multi_agg(z_agg_hard, msg, seg, dim_size):
    # reduce='add'
    s = jax.ops.segment_sum(msg, seg, num_segments=dim_size)
    # reduce='mean' (torch_scatter: sum / count, count clamped to >= 1)
    cnt = jax.ops.segment_sum(jnp.ones((msg.shape[0], 1), dtype=msg.dtype), seg, num_segments=dim_size)
    mean = s / jnp.clip(cnt, 1.0, None)
    # reduce='max' (torch_scatter fills empty segments with 0)
    mx = jax.ops.segment_max(msg, seg, num_segments=dim_size)
    mx = jnp.where(jnp.isfinite(mx), mx, jnp.zeros_like(mx))
    stacked = jnp.stack([s, mean, mx], axis=0)  # [NUM_AGG, N, D]
    out = jnp.einsum('ij,jkl->ikl', z_agg_hard, stacked)
    return jnp.squeeze(out, axis=0)


def reference(z_agg_hard, edge_index, x):
    # propagate(): message_args built from suffix _j -> x[edge_index[1]]
    src_idx = edge_index[0]
    dst_idx = edge_index[1]
    size = x.shape[0]
    # message(x_j) -> identity
    msg = jnp.take(x, dst_idx, axis=0)
    # scatter_ over agg list ['add','mean','max'] at edge_index[0], mixed by z_agg_hard
    out = _scatter_multi_agg(z_agg_hard, msg, src_idx, size)
    # update(aggr_out) -> identity
    return out

if __name__ == "__main__":
    import jax
    _d = setup_inputs()
    print(jax.jit(kernel)(*tuple(_d.values())))

</pallas_src>

<mosaic_0001>
#map = affine_map<(d0, d1) -> (0)>
#map1 = affine_map<(d0, d1) -> (0, 0)>
module attributes {stable_mosaic.version = 14 : i64} {
  func.func @_mp(%arg0: i32, %arg1: i32, %arg2: memref<16xf32, #tpu.memory_space<hbm>>, %arg3: memref<320000xi32, #tpu.memory_space<hbm>>, %arg4: memref<5000x128xi32, #tpu.memory_space<hbm>>, %arg5: memref<1310720xf32, #tpu.memory_space<hbm>>, %arg6: memref<41088xf32, #tpu.memory_space<vmem>>, %arg7: memref<41088xf32, #tpu.memory_space<vmem>>, %arg8: memref<352xf32, #tpu.memory_space<vmem>>, %arg9: memref<10016xi32, #tpu.memory_space<vmem>>, %arg10: memref<12408xi32, #tpu.memory_space<vmem>>, %arg11: memref<12408xi32, #tpu.memory_space<vmem>>, %arg12: memref<800xi32, #tpu.memory_space<vmem>>, %arg13: memref<800xi32, #tpu.memory_space<vmem>>, %arg14: memref<8x128xi32, #tpu.memory_space<vmem>>, %arg15: memref<8x128xi32, #tpu.memory_space<vmem>>, %arg16: memref<16xf32, #tpu.memory_space<vmem>>, %arg17: memref<!tpu.dma_semaphore, #tpu.memory_space<semaphore_mem>>, %arg18: memref<!tpu.dma_semaphore, #tpu.memory_space<semaphore_mem>>, %arg19: memref<!tpu.dma_semaphore, #tpu.memory_space<semaphore_mem>>, %arg20: memref<!tpu.dma_semaphore, #tpu.memory_space<semaphore_mem>>) attributes {dimension_semantics = [#tpu.dimension_semantics<core_parallel>, #tpu.dimension_semantics<subcore_parallel>], iteration_bounds = array<i64: 2, 16>, scalar_prefetch = 0 : i64, scratch_operands = 15 : i64, tpu.core_type = #tpu.core_type<sc_vector_subcore>, window_params = [{transform_indices = #map}, {transform_indices = #map}, {transform_indices = #map1}, {transform_indices = #map}]} {
    %mul3A = arith.constant 16 : i32
    %mul3A_0 = arith.muli %arg0, %mul3A : i32
    %add3A = arith.addi %mul3A_0, %arg1 : i32
    %mul3A_1 = arith.constant 320 : i32
    %mul3A_2 = arith.muli %add3A, %mul3A_1 : i32
    %broadcast_in_dim3A = arith.constant 0.000000e+00 : f32
    %broadcast_in_dim3A_3 = vector.broadcast %broadcast_in_dim3A : f32 to vector<16xf32>
    %broadcast_in_dim3A_4 = arith.constant 1.000000e+00 : f32
    %broadcast_in_dim3A_5 = vector.broadcast %broadcast_in_dim3A_4 : f32 to vector<16xf32>
    %broadcast_in_dim3A_6 = arith.constant 0 : i32
    %broadcast_in_dim3A_7 = vector.broadcast %broadcast_in_dim3A_6 : i32 to vector<16xi32>
    %broadcast_in_dim3A_8 = arith.constant 1 : i32
    %broadcast_in_dim3A_9 = vector.broadcast %broadcast_in_dim3A_8 : i32 to vector<16xi32>
    %broadcast_in_dim3A_10 = arith.constant -3.000000e+38 : f32
    %broadcast_in_dim3A_11 = vector.broadcast %broadcast_in_dim3A_10 : f32 to vector<16xf32>
    %broadcast_in_dim3A_12 = arith.constant 5242880 : i32
    %broadcast_in_dim3A_13 = vector.broadcast %broadcast_in_dim3A_12 : i32 to vector<16xi32>
    %broadcast_in_dim3A_14 = arith.constant 16383 : i32
    %broadcast_in_dim3A_15 = vector.broadcast %broadcast_in_dim3A_14 : i32 to vector<16xi32>
    %broadcast_in_dim3A_16 = arith.constant -65536 : i32
    %broadcast_in_dim3A_17 = vector.broadcast %broadcast_in_dim3A_16 : i32 to vector<16xi32>
    %broadcast_in_dim3A_18 = arith.constant 16 : i32
    %broadcast_in_dim3A_19 = vector.broadcast %broadcast_in_dim3A_18 : i32 to vector<16xi32>
    %iota3A = tpu.iota {dimensions = array<i32: 0>} : vector<16xi32>
    %eq3A = arith.cmpi eq, %iota3A, %broadcast_in_dim3A_7 : vector<16xi32>
    %select_n3A = arith.select %eq3A, %broadcast_in_dim3A_5, %broadcast_in_dim3A_3 : vector<16xi1>, vector<16xf32>
    %eq3A_20 = arith.cmpi eq, %iota3A, %broadcast_in_dim3A_7 : vector<16xi32>
    %select_n3A_21 = arith.select %eq3A_20, %broadcast_in_dim3A_9, %broadcast_in_dim3A_7 : vector<16xi1>, vector<16xi32>
    %mul3A_22 = arith.constant 16384 : i32
    %mul3A_23 = arith.muli %mul3A_2, %mul3A_22 : i32
    %broadcast_in_dim3A_24 = vector.broadcast %mul3A_23 : i32 to vector<16xi32>
    %add3A_25 = arith.constant 320 : i32
    %add3A_26 = arith.addi %mul3A_2, %add3A_25 : i32
    %mul3A_27 = arith.constant 16384 : i32
    %mul3A_28 = arith.muli %add3A_26, %mul3A_27 : i32
    %broadcast_in_dim3A_29 = vector.broadcast %mul3A_28 : i32 to vector<16xi32>
    %scan3A = arith.constant 0 : i32
    %scan3A_30 = arith.constant 0 : i32
    %scan3A_31 = arith.constant 2568 : i32
    %scan3A_32 = arith.addi %scan3A_30, %scan3A_31 : i32
    %scan3A_33 = arith.constant 1 : i32
    scf.for %scan3A_79 = %scan3A_30 to %scan3A_32 step %scan3A_33  : i32 {
      %mul3A_80 = arith.constant 16 : i32
      %mul3A_81 = arith.muli %scan3A_79, %mul3A_80 : i32
      %swap3A = arith.index_cast %mul3A_81 : i32 to index
      %swap3A_82 = tpu.vector_load %arg6[%swap3A] {strides = array<i32>} : memref<41088xf32, #tpu.memory_space<vmem>>, vector<16xf32>,
      tpu.vector_store %arg6[%swap3A], %broadcast_in_dim3A_3 {strides = array<i32>} : memref<41088xf32, #tpu.memory_space<vmem>>, vector<16xf32>,
      %mul3A_83 = arith.constant 16 : i32
      %mul3A_84 = arith.muli %scan3A_79, %mul3A_83 : i32
      %swap3A_85 = arith.index_cast %mul3A_84 : i32 to index
      %swap3A_86 = tpu.vector_load %arg7[%swap3A_85] {strides = array<i32>} : memref<41088xf32, #tpu.memory_space<vmem>>, vector<16xf32>,
      tpu.vector_store %arg7[%swap3A_85], %broadcast_in_dim3A_11 {strides = array<i32>} : memref<41088xf32, #tpu.memory_space<vmem>>, vector<16xf32>,
    }
    %scan3A_34 = arith.constant 2568 : i32
    %scan3A_35 = arith.constant 0 : i32
    %scan3A_36 = arith.constant 0 : i32
    %scan3A_37 = arith.constant 22 : i32
    %scan3A_38 = arith.addi %scan3A_36, %scan3A_37 : i32
    %scan3A_39 = arith.constant 1 : i32
    scf.for %scan3A_79 = %scan3A_36 to %scan3A_38 step %scan3A_39  : i32 {
      %mul3A_80 = arith.constant 16 : i32
      %mul3A_81 = arith.muli %scan3A_79, %mul3A_80 : i32
      %swap3A = arith.index_cast %mul3A_81 : i32 to index
      %swap3A_82 = tpu.vector_load %arg8[%swap3A] {strides = array<i32>} : memref<352xf32, #tpu.memory_space<vmem>>, vector<16xf32>,
      tpu.vector_store %arg8[%swap3A], %broadcast_in_dim3A_3 {strides = array<i32>} : memref<352xf32, #tpu.memory_space<vmem>>, vector<16xf32>,
    }
    %scan3A_40 = arith.constant 22 : i32
    %scan3A_41 = arith.constant 0 : i32
    %scan3A_42 = arith.constant 0 : i32
    %scan3A_43 = arith.constant 626 : i32
    %scan3A_44 = arith.addi %scan3A_42, %scan3A_43 : i32
    %scan3A_45 = arith.constant 1 : i32
    scf.for %scan3A_79 = %scan3A_42 to %scan3A_44 step %scan3A_45  : i32 {
      %mul3A_80 = arith.constant 16 : i32
      %mul3A_81 = arith.muli %scan3A_79, %mul3A_80 : i32
      %swap3A = arith.index_cast %mul3A_81 : i32 to index
      %swap3A_82 = tpu.vector_load %arg9[%swap3A] {strides = array<i32>} : memref<10016xi32, #tpu.memory_space<vmem>>, vector<16xi32>,
      tpu.vector_store %arg9[%swap3A], %broadcast_in_dim3A_7 {strides = array<i32>} : memref<10016xi32, #tpu.memory_space<vmem>>, vector<16xi32>,
    }
    %scan3A_46 = arith.constant 626 : i32
    %scan3A_47 = arith.constant 0 : i32
    %scan3A_48 = arith.constant 0 : i32
    %scan3A_49 = arith.constant 775 : i32
    %scan3A_50 = arith.addi %scan3A_48, %scan3A_49 : i32
    %scan3A_51 = arith.constant 1 : i32
    scf.for %scan3A_79 = %scan3A_48 to %scan3A_50 step %scan3A_51  : i32 {
      %mul3A_80 = arith.constant 16 : i32
      %mul3A_81 = arith.muli %scan3A_79, %mul3A_80 : i32
      %swap3A = arith.index_cast %mul3A_81 : i32 to index
      %swap3A_82 = tpu.vector_load %arg11[%swap3A] {strides = array<i32>} : memref<12408xi32, #tpu.memory_space<vmem>>, vector<16xi32>,
      tpu.vector_store %arg11[%swap3A], %broadcast_in_dim3A_7 {strides = array<i32>} : memref<12408xi32, #tpu.memory_space<vmem>>, vector<16xi32>,
    }
    %scan3A_52 = arith.constant 775 : i32
    "tpu.region"() ({
      %run_scoped3A = tpu.sem_alloc : memref<!tpu.dma_semaphore, #tpu.memory_space<semaphore_mem>>
      tpu.enqueue_dma source(%arg2 : memref<16xf32, #tpu.memory_space<hbm>>) target(%arg16 : memref<16xf32, #tpu.memory_space<vmem>>) target_semaphore(%run_scoped3A : memref<!tpu.dma_semaphore, #tpu.memory_space<semaphore_mem>>)
      tpu.wait_dma2 semaphore(%run_scoped3A : memref<!tpu.dma_semaphore, #tpu.memory_space<semaphore_mem>>) src(%arg2 : memref<16xf32, #tpu.memory_space<hbm>>) dst(%arg16 : memref<16xf32, #tpu.memory_space<vmem>>)
      tpu.yield
    }) : () -> ()
    %dma_start3A = arith.constant 0 : i32
    %dma_start3A_53 = tpu.memref_slice %arg3[%dma_start3A] : memref<320000xi32, #tpu.memory_space<hbm>> -> memref<800xi32, #tpu.memory_space<hbm>>
    %dma_start3A_54 = arith.constant 0 : i32
    %dma_start3A_55 = tpu.memref_slice %arg3[%dma_start3A_54] : memref<320000xi32, #tpu.memory_space<hbm>> -> memref<800xi32, #tpu.memory_space<hbm>>
    tpu.enqueue_dma source(%dma_start3A_55 : memref<800xi32, #tpu.memory_space<hbm>>) target(%arg12 : memref<800xi32, #tpu.memory_space<vmem>>) target_semaphore(%arg17 : memref<!tpu.dma_semaphore, #tpu.memory_space<semaphore_mem>>)
    %scan3A_56 = arith.constant 0 : i32
    %scan3A_57 = arith.constant 0 : i32
    %scan3A_58 = arith.constant 201 : i32
    %scan3A_59 = arith.addi %scan3A_57, %scan3A_58 : i32
    %scan3A_60 = arith.constant 1 : i32
    %scan3A_61 = scf.for %scan3A_79 = %scan3A_57 to %scan3A_59 step %scan3A_60 iter_args(%scan3A_80 = %scan3A_56) -> (i32)  : i32 {
      %eq3A_81 = arith.constant 200 : i32
      %eq3A_82 = arith.cmpi eq, %scan3A_79, %eq3A_81 : i32
      %mul3A_83 = arith.constant 2 : i32
      %mul3A_84 = arith.muli %mul3A_83, %scan3A_79 : i32
      %not3A = arith.constant true
      %not3A_85 = arith.xori %eq3A_82, %not3A : i1
      %convert_element_type3A = arith.extui %not3A_85 : i1 to i32
      %cond3A = arith.constant 0 : i32
      %cond3A_86 = arith.cmpi ne, %convert_element_type3A, %cond3A : i32
      scf.if %cond3A_86 {
        %dma_wait3A = arith.constant 0 : i32
        %dma_wait3A_112 = tpu.memref_slice %arg3[%dma_wait3A] : memref<320000xi32, #tpu.memory_space<hbm>> -> memref<800xi32, #tpu.memory_space<hbm>>
        %dma_wait3A_113 = arith.constant 0 : i32
        %dma_wait3A_114 = tpu.memref_slice %arg3[%dma_wait3A_113] : memref<320000xi32, #tpu.memory_space<hbm>> -> memref<800xi32, #tpu.memory_space<hbm>>
        tpu.wait_dma2 semaphore(%arg17 : memref<!tpu.dma_semaphore, #tpu.memory_space<semaphore_mem>>) src(%dma_wait3A_114 : memref<800xi32, #tpu.memory_space<hbm>>) dst(%arg12 : memref<800xi32, #tpu.memory_space<vmem>>)
        %add3A_115 = arith.constant 1 : i32
        %add3A_116 = arith.addi %mul3A_84, %add3A_115 : i32
        %mul3A_117 = arith.constant 800 : i32
        %mul3A_118 = arith.muli %add3A_116, %mul3A_117 : i32
        %dma_start3A_119 = tpu.memref_slice %arg3[%mul3A_118] : memref<320000xi32, #tpu.memory_space<hbm>> -> memref<800xi32, #tpu.memory_space<hbm>>
        %dma_start3A_120 = tpu.memref_slice %arg3[%mul3A_118] : memref<320000xi32, #tpu.memory_space<hbm>> -> memref<800xi32, #tpu.memory_space<hbm>>
        tpu.enqueue_dma source(%dma_start3A_120 : memref<800xi32, #tpu.memory_space<hbm>>) target(%arg13 : memref<800xi32, #tpu.memory_space<vmem>>) target_semaphore(%arg18 : memref<!tpu.dma_semaphore, #tpu.memory_space<semaphore_mem>>)
      } else {
      }
      %scan3A_87 = arith.constant 0 : i32
      %scan3A_88 = arith.constant 50 : i32
      %scan3A_89 = arith.addi %scan3A_87, %scan3A_88 : i32
      %scan3A_90 = arith.constant 1 : i32
      %scan3A_91 = scf.for %scan3A_112 = %scan3A_87 to %scan3A_89 step %scan3A_90 iter_args(%scan3A_113 = %scan3A_80) -> (i32)  : i32 {
        %mul3A_114 = arith.constant 16 : i32
        %mul3A_115 = arith.muli %scan3A_112, %mul3A_114 : i32
        %get3A_116 = arith.index_cast %mul3A_115 : i32 to index
        %get3A_117 = tpu.vector_load %arg12[%get3A_116] {strides = array<i32>} : memref<800xi32, #tpu.memory_space<vmem>>, vector<16xi32>,
        %ge3A_118 = arith.cmpi sge, %get3A_117, %broadcast_in_dim3A_24 : vector<16xi32>
        %lt3A = arith.cmpi slt, %get3A_117, %broadcast_in_dim3A_29 : vector<16xi32>
        %and3A_119 = arith.andi %ge3A_118, %lt3A : vector<16xi1>
        %select_n3A_120 = arith.select %and3A_119, %broadcast_in_dim3A_9, %broadcast_in_dim3A_7 : vector<16xi1>, vector<16xi32>
        %broadcast_in_dim3A_121 = arith.constant true
        %broadcast_in_dim3A_122 = vector.broadcast %broadcast_in_dim3A_121 : i1 to vector<16xi1>
        %masked_cumsum3A = tpu.scan <sum>, %select_n3A_120 masked %broadcast_in_dim3A_122 : vector<16xi32>, vector<16xi1> -> vector<16xi32>
        %sub3A = arith.constant 1 : i32
        %sub3A_123 = arith.subi %scan3A_113, %sub3A : i32
        %broadcast_in_dim3A_124 = vector.broadcast %sub3A_123 : i32 to vector<16xi32>
        %add3A_125 = arith.addi %broadcast_in_dim3A_124, %masked_cumsum3A : vector<16xi32>
        %sub3A_126 = arith.subi %get3A_117, %broadcast_in_dim3A_24 : vector<16xi32>
        tpu.vector_store_idx %arg10[%add3A_125], %sub3A_126 masked %and3A_119 : memref<12408xi32, #tpu.memory_space<vmem>>[vector<16xi32>], vector<16xi32>, vector<16xi1>
        %all_reduce_population_count3A = tpu.all_reduce %and3A_119 {dim = 0 : i64, kind = #tpu.reduction_kind<sum>} : vector<16xi1> -> vector<16xi32>
        %slice3A_127 = vector.extract_strided_slice %all_reduce_population_count3A {offsets = [0], sizes = [1], strides = [1]} : vector<16xi32> to vector<1xi32>
        %squeeze3A_128 = vector.extract %slice3A_127[0] : i32 from vector<1xi32>
        %add3A_129 = arith.addi %scan3A_113, %squeeze3A_128 : i32
        scf.yield %add3A_129 : i32
      }
      %scan3A_92 = arith.constant 50 : i32
      %select_n3A_93 = arith.select %eq3A_82, %scan3A_80, %scan3A_91 : i32
      %not3A_94 = arith.constant true
      %not3A_95 = arith.xori %eq3A_82, %not3A_94 : i1
      %convert_element_type3A_96 = arith.extui %not3A_95 : i1 to i32
      %cond3A_97 = arith.constant 0 : i32
      %cond3A_98 = arith.cmpi ne, %convert_element_type3A_96, %cond3A_97 : i32
      scf.if %cond3A_98 {
        %dma_wait3A = arith.constant 0 : i32
        %dma_wait3A_112 = tpu.memref_slice %arg3[%dma_wait3A] : memref<320000xi32, #tpu.memory_space<hbm>> -> memref<800xi32, #tpu.memory_space<hbm>>
        %dma_wait3A_113 = arith.constant 0 : i32
        %dma_wait3A_114 = tpu.memref_slice %arg3[%dma_wait3A_113] : memref<320000xi32, #tpu.memory_space<hbm>> -> memref<800xi32, #tpu.memory_space<hbm>>
        tpu.wait_dma2 semaphore(%arg18 : memref<!tpu.dma_semaphore, #tpu.memory_space<semaphore_mem>>) src(%dma_wait3A_114 : memref<800xi32, #tpu.memory_space<hbm>>) dst(%arg13 : memref<800xi32, #tpu.memory_space<vmem>>)
        %add3A_115 = arith.constant 2 : i32
        %add3A_116 = arith.addi %mul3A_84, %add3A_115 : i32
        %lt3A = arith.constant 400 : i32
        %lt3A_117 = arith.cmpi slt, %add3A_116, %lt3A : i32
        %convert_element_type3A_118 = arith.extui %lt3A_117 : i1 to i32
        %cond3A_119 = arith.constant 0 : i32
        %cond3A_120 = arith.cmpi ne, %convert_element_type3A_118, %cond3A_119 : i32
        scf.if %cond3A_120 {
          %add3A_121 = arith.constant 2 : i32
          %add3A_122 = arith.addi %mul3A_84, %add3A_121 : i32
          %mul3A_123 = arith.constant 800 : i32
          %mul3A_124 = arith.muli %add3A_122, %mul3A_123 : i32
          %dma_start3A_125 = tpu.memref_slice %arg3[%mul3A_124] : memref<320000xi32, #tpu.memory_space<hbm>> -> memref<800xi32, #tpu.memory_space<hbm>>
          %dma_start3A_126 = tpu.memref_slice %arg3[%mul3A_124] : memref<320000xi32, #tpu.memory_space<hbm>> -> memref<800xi32, #tpu.memory_space<hbm>>
          tpu.enqueue_dma source(%dma_start3A_126 : memref<800xi32, #tpu.memory_space<hbm>>) target(%arg12 : memref<800xi32, #tpu.memory_space<vmem>>) target_semaphore(%arg17 : memref<!tpu.dma_semaphore, #tpu.memory_space<semaphore_mem>>)
        } else {
        }
      } else {
      }
      %scan3A_99 = arith.constant 0 : i32
      %scan3A_100 = arith.constant 50 : i32
      %scan3A_101 = arith.addi %scan3A_99, %scan3A_100 : i32
      %scan3A_102 = arith.constant 1 : i32
      %scan3A_103 = scf.for %scan3A_112 = %scan3A_99 to %scan3A_101 step %scan3A_102 iter_args(%scan3A_113 = %select_n3A_93) -> (i32)  : i32 {
        %mul3A_114 = arith.constant 16 : i32
        %mul3A_115 = arith.muli %scan3A_112, %mul3A_114 : i32
        %get3A_116 = arith.index_cast %mul3A_115 : i32 to index
        %get3A_117 = tpu.vector_load %arg13[%get3A_116] {strides = array<i32>} : memref<800xi32, #tpu.memory_space<vmem>>, vector<16xi32>,
        %ge3A_118 = arith.cmpi sge, %get3A_117, %broadcast_in_dim3A_24 : vector<16xi32>
        %lt3A = arith.cmpi slt, %get3A_117, %broadcast_in_dim3A_29 : vector<16xi32>
        %and3A_119 = arith.andi %ge3A_118, %lt3A : vector<16xi1>
        %select_n3A_120 = arith.select %and3A_119, %broadcast_in_dim3A_9, %broadcast_in_dim3A_7 : vector<16xi1>, vector<16xi32>
        %broadcast_in_dim3A_121 = arith.constant true
        %broadcast_in_dim3A_122 = vector.broadcast %broadcast_in_dim3A_121 : i1 to vector<16xi1>
        %masked_cumsum3A = tpu.scan <sum>, %select_n3A_120 masked %broadcast_in_dim3A_122 : vector<16xi32>, vector<16xi1> -> vector<16xi32>
        %sub3A = arith.constant 1 : i32
        %sub3A_123 = arith.subi %scan3A_113, %sub3A : i32
        %broadcast_in_dim3A_124 = vector.broadcast %sub3A_123 : i32 to vector<16xi32>
        %add3A_125 = arith.addi %broadcast_in_dim3A_124, %masked_cumsum3A : vector<16xi32>
        %sub3A_126 = arith.subi %get3A_117, %broadcast_in_dim3A_24 : vector<16xi32>
        tpu.vector_store_idx %arg10[%add3A_125], %sub3A_126 masked %and3A_119 : memref<12408xi32, #tpu.memory_space<vmem>>[vector<16xi32>], vector<16xi32>, vector<16xi1>
        %all_reduce_population_count3A = tpu.all_reduce %and3A_119 {dim = 0 : i64, kind = #tpu.reduction_kind<sum>} : vector<16xi1> -> vector<16xi32>
        %slice3A_127 = vector.extract_strided_slice %all_reduce_population_count3A {offsets = [0], sizes = [1], strides = [1]} : vector<16xi32> to vector<1xi32>
        %squeeze3A_128 = vector.extract %slice3A_127[0] : i32 from vector<1xi32>
        %add3A_129 = arith.addi %scan3A_113, %squeeze3A_128 : i32
        scf.yield %add3A_129 : i32
      }
      %scan3A_104 = arith.constant 50 : i32
      %select_n3A_105 = arith.select %eq3A_82, %select_n3A_93, %scan3A_103 : i32
      %ge3A = arith.constant 10744 : i32
      %ge3A_106 = arith.cmpi sge, %select_n3A_105, %ge3A : i32
      %gt3A = arith.constant 0 : i32
      %gt3A_107 = arith.cmpi sgt, %select_n3A_105, %gt3A : i32
      %and3A = arith.andi %eq3A_82, %gt3A_107 : i1
      %or3A = arith.ori %ge3A_106, %and3A : i1
      %convert_element_type3A_108 = arith.extui %or3A : i1 to i32
      %cond3A_109 = arith.constant 0 : i32
      %cond3A_110 = arith.cmpi ne, %convert_element_type3A_108, %cond3A_109 : i32
      scf.if %cond3A_110 {
        %add3A_112 = arith.constant 15 : i32
        %add3A_113 = arith.addi %select_n3A_105, %add3A_112 : i32
        %shift_right_arithmetic3A = arith.constant 4 : i32
        %shift_right_arithmetic3A_114 = arith.shrsi %add3A_113, %shift_right_arithmetic3A : i32
        %shift_left3A = arith.constant 4 : i32
        %shift_left3A_115 = arith.shli %shift_right_arithmetic3A_114, %shift_left3A : i32
        %shift_right_arithmetic3A_116 = arith.constant 4 : i32
        %shift_right_arithmetic3A_117 = arith.shrsi %select_n3A_105, %shift_right_arithmetic3A_116 : i32
        %shift_left3A_118 = arith.constant 4 : i32
        %shift_left3A_119 = arith.shli %shift_right_arithmetic3A_117, %shift_left3A_118 : i32
        %lt3A = arith.cmpi slt, %shift_left3A_119, %shift_left3A_115 : i32
        %convert_element_type3A_120 = arith.extui %lt3A : i1 to i32
        %cond3A_121 = arith.constant 0 : i32
        %cond3A_122 = arith.cmpi ne, %convert_element_type3A_120, %cond3A_121 : i32
        scf.if %cond3A_122 {
          %get3A_185 = arith.index_cast %shift_left3A_119 : i32 to index
          %get3A_186 = tpu.vector_load %arg10[%get3A_185] {strides = array<i32>} : memref<12408xi32, #tpu.memory_space<vmem>>, vector<16xi32>,
          %broadcast_in_dim3A_187 = vector.broadcast %shift_left3A_119 : i32 to vector<16xi32>
          %add3A_188 = arith.addi %broadcast_in_dim3A_187, %iota3A : vector<16xi32>
          %broadcast_in_dim3A_189 = vector.broadcast %select_n3A_105 : i32 to vector<16xi32>
          %ge3A_190 = arith.cmpi sge, %add3A_188, %broadcast_in_dim3A_189 : vector<16xi32>
          %select_n3A_191 = arith.select %ge3A_190, %broadcast_in_dim3A_13, %get3A_186 : vector<16xi1>, vector<16xi32>
          %swap3A = arith.index_cast %shift_left3A_119 : i32 to index
          %swap3A_192 = tpu.vector_load %arg10[%swap3A] {strides = array<i32>} : memref<12408xi32, #tpu.memory_space<vmem>>, vector<16xi32>,
          tpu.vector_store %arg10[%swap3A], %select_n3A_191 {strides = array<i32>} : memref<12408xi32, #tpu.memory_space<vmem>>, vector<16xi32>,
        } else {
        }
        %shift_right_arithmetic3A_123 = arith.constant 4 : i32
        %shift_right_arithmetic3A_124 = arith.shrsi %shift_left3A_115, %shift_right_arithmetic3A_123 : i32
        %dma_start3A_125 = arith.constant 0 : i32
        %dma_start3A_126 = arith.constant 0 : i32
        %dma_start3A_127 = tpu.memref_slice %arg4[%dma_start3A_125, %dma_start3A_126] : memref<5000x128xi32, #tpu.memory_space<hbm>> -> memref<8x128xi32, #tpu.memory_space<hbm>>
        %dma_start3A_128 = arith.constant 0 : i32
        %dma_start3A_129 = arith.constant 0 : i32
        %dma_start3A_130 = tpu.memref_slice %arg4[%dma_start3A_128, %dma_start3A_129] : memref<5000x128xi32, #tpu.memory_space<hbm>> -> memref<8x128xi32, #tpu.memory_space<hbm>>
        tpu.enqueue_dma source(%dma_start3A_130 : memref<8x128xi32, #tpu.memory_space<hbm>>) target(%arg14 : memref<8x128xi32, #tpu.memory_space<vmem>>) target_semaphore(%arg19 : memref<!tpu.dma_semaphore, #tpu.memory_space<semaphore_mem>>)
        %dma_start3A_131 = arith.constant 8 : i32
        %dma_start3A_132 = arith.constant 0 : i32
        %dma_start3A_133 = tpu.memref_slice %arg4[%dma_start3A_131, %dma_start3A_132] : memref<5000x128xi32, #tpu.memory_space<hbm>> -> memref<8x128xi32, #tpu.memory_space<hbm>>
        %dma_start3A_134 = arith.constant 8 : i32
        %dma_start3A_135 = arith.constant 0 : i32
        %dma_start3A_136 = tpu.memref_slice %arg4[%dma_start3A_134, %dma_start3A_135] : memref<5000x128xi32, #tpu.memory_space<hbm>> -> memref<8x128xi32, #tpu.memory_space<hbm>>
        tpu.enqueue_dma source(%dma_start3A_136 : memref<8x128xi32, #tpu.memory_space<hbm>>) target(%arg15 : memref<8x128xi32, #tpu.memory_space<vmem>>) target_semaphore(%arg20 : memref<!tpu.dma_semaphore, #tpu.memory_space<semaphore_mem>>)
        %while3A = arith.constant 0 : i32
        %while3A_137 = arith.constant 0 : i32
        %while3A_138 = arith.subi %shift_right_arithmetic3A_124, %while3A_137 : i32
        %while3A_139 = arith.addi %while3A_137, %while3A_138 : i32
        %while3A_140 = arith.constant 1 : i32
        %while3A_141 = arith.divsi %while3A_138, %while3A_140 : i32
        %while3A_142 = arith.muli %while3A_141, %while3A_140 : i32
        %while3A_143 = arith.addi %while3A_137, %while3A_142 : i32
        %while3A_144 = arith.constant 1 : i32
        scf.for %while3A_185 = %while3A_137 to %while3A_143 step %while3A_144  : i32 {
          %mul3A_186 = arith.constant 16 : i32
          %mul3A_187 = arith.muli %while3A_185, %mul3A_186 : i32
          %get3A_188 = arith.index_cast %mul3A_187 : i32 to index
          %get3A_189 = tpu.vector_load %arg10[%get3A_188] {strides = array<i32>} : memref<12408xi32, #tpu.memory_space<vmem>>, vector<16xi32>,
          %slice3A_190 = vector.extract_strided_slice %get3A_189 {offsets = [0], sizes = [1], strides = [1]} : vector<16xi32> to vector<1xi32>
          %squeeze3A_191 = vector.extract %slice3A_190[0] : i32 from vector<1xi32>
          %and3A_192 = arith.constant 16383 : i32
          %and3A_193 = arith.andi %squeeze3A_191, %and3A_192 : i32
          %swap3A = arith.index_cast %and3A_193 : i32 to index
          %swap3A_194 = tpu.vector_load %arg9[%swap3A] {strides = array<i32>} : memref<10016xi32, #tpu.memory_space<vmem>>, vector<16xi32>,
          tpu.vector_store %arg9[%swap3A], %select_n3A_21 {add = true, strides = array<i32>} : memref<10016xi32, #tpu.memory_space<vmem>>, vector<16xi32>,
          %slice3A_195 = vector.extract_strided_slice %get3A_189 {offsets = [1], sizes = [1], strides = [1]} : vector<16xi32> to vector<1xi32>
          %squeeze3A_196 = vector.extract %slice3A_195[0] : i32 from vector<1xi32>
          %and3A_197 = arith.constant 16383 : i32
          %and3A_198 = arith.andi %squeeze3A_196, %and3A_197 : i32
          %swap3A_199 = arith.index_cast %and3A_198 : i32 to index
          %swap3A_200 = tpu.vector_load %arg9[%swap3A_199] {strides = array<i32>} : memref<10016xi32, #tpu.memory_space<vmem>>, vector<16xi32>,
          tpu.vector_store %arg9[%swap3A_199], %select_n3A_21 {add = true, strides = array<i32>} : memref<10016xi32, #tpu.memory_space<vmem>>, vector<16xi32>,
          %slice3A_201 = vector.extract_strided_slice %get3A_189 {offsets = [2], sizes = [1], strides = [1]} : vector<16xi32> to vector<1xi32>
          %squeeze3A_202 = vector.extract %slice3A_201[0] : i32 from vector<1xi32>
          %and3A_203 = arith.constant 16383 : i32
          %and3A_204 = arith.andi %squeeze3A_202, %and3A_203 : i32
          %swap3A_205 = arith.index_cast %and3A_204 : i32 to index
          %swap3A_206 = tpu.vector_load %arg9[%swap3A_205] {strides = array<i32>} : memref<10016xi32, #tpu.memory_space<vmem>>, vector<16xi32>,
          tpu.vector_store %arg9[%swap3A_205], %select_n3A_21 {add = true, strides = array<i32>} : memref<10016xi32, #tpu.memory_space<vmem>>, vector<16xi32>,
          %slice3A_207 = vector.extract_strided_slice %get3A_189 {offsets = [3], sizes = [1], strides = [1]} : vector<16xi32> to vector<1xi32>
          %squeeze3A_208 = vector.extract %slice3A_207[0] : i32 from vector<1xi32>
          %and3A_209 = arith.constant 16383 : i32
          %and3A_210 = arith.andi %squeeze3A_208, %and3A_209 : i32
          %swap3A_211 = arith.index_cast %and3A_210 : i32 to index
          %swap3A_212 = tpu.vector_load %arg9[%swap3A_211] {strides = array<i32>} : memref<10016xi32, #tpu.memory_space<vmem>>, vector<16xi32>,
          tpu.vector_store %arg9[%swap3A_211], %select_n3A_21 {add = true, strides = array<i32>} : memref<10016xi32, #tpu.memory_space<vmem>>, vector<16xi32>,
          %slice3A_213 = vector.extract_strided_slice %get3A_189 {offsets = [4], sizes = [1], strides = [1]} : vector<16xi32> to vector<1xi32>
          %squeeze3A_214 = vector.extract %slice3A_213[0] : i32 from vector<1xi32>
          %and3A_215 = arith.constant 16383 : i32
          %and3A_216 = arith.andi %squeeze3A_214, %and3A_215 : i32
          %swap3A_217 = arith.index_cast %and3A_216 : i32 to index
          %swap3A_218 = tpu.vector_load %arg9[%swap3A_217] {strides = array<i32>} : memref<10016xi32, #tpu.memory_space<vmem>>, vector<16xi32>,
          tpu.vector_store %arg9[%swap3A_217], %select_n3A_21 {add = true, strides = array<i32>} : memref<10016xi32, #tpu.memory_space<vmem>>, vector<16xi32>,
          %slice3A_219 = vector.extract_strided_slice %get3A_189 {offsets = [5], sizes = [1], strides = [1]} : vector<16xi32> to vector<1xi32>
          %squeeze3A_220 = vector.extract %slice3A_219[0] : i32 from vector<1xi32>
          %and3A_221 = arith.constant 16383 : i32
          %and3A_222 = arith.andi %squeeze3A_220, %and3A_221 : i32
          %swap3A_223 = arith.index_cast %and3A_222 : i32 to index
          %swap3A_224 = tpu.vector_load %arg9[%swap3A_223] {strides = array<i32>} : memref<10016xi32, #tpu.memory_space<vmem>>, vector<16xi32>,
          tpu.vector_store %arg9[%swap3A_223], %select_n3A_21 {add = true, strides = array<i32>} : memref<10016xi32, #tpu.memory_space<vmem>>, vector<16xi32>,
          %slice3A_225 = vector.extract_strided_slice %get3A_189 {offsets = [6], sizes = [1], strides = [1]} : vector<16xi32> to vector<1xi32>
          %squeeze3A_226 = vector.extract %slice3A_225[0] : i32 from vector<1xi32>
          %and3A_227 = arith.constant 16383 : i32
          %and3A_228 = arith.andi %squeeze3A_226, %and3A_227 : i32
          %swap3A_229 = arith.index_cast %and3A_228 : i32 to index
          %swap3A_230 = tpu.vector_load %arg9[%swap3A_229] {strides = array<i32>} : memref<10016xi32, #tpu.memory_space<vmem>>, vector<16xi32>,
          tpu.vector_store %arg9[%swap3A_229], %select_n3A_21 {add = true, strides = array<i32>} : memref<10016xi32, #tpu.memory_space<vmem>>, vector<16xi32>,
          %slice3A_231 = vector.extract_strided_slice %get3A_189 {offsets = [7], sizes = [1], strides = [1]} : vector<16xi32> to vector<1xi32>
          %squeeze3A_232 = vector.extract %slice3A_231[0] : i32 from vector<1xi32>
          %and3A_233 = arith.constant 16383 : i32
          %and3A_234 = arith.andi %squeeze3A_232, %and3A_233 : i32
          %swap3A_235 = arith.index_cast %and3A_234 : i32 to index
          %swap3A_236 = tpu.vector_load %arg9[%swap3A_235] {strides = array<i32>} : memref<10016xi32, #tpu.memory_space<vmem>>, vector<16xi32>,
          tpu.vector_store %arg9[%swap3A_235], %select_n3A_21 {add = true, strides = array<i32>} : memref<10016xi32, #tpu.memory_space<vmem>>, vector<16xi32>,
          %slice3A_237 = vector.extract_strided_slice %get3A_189 {offsets = [8], sizes = [1], strides = [1]} : vector<16xi32> to vector<1xi32>
          %squeeze3A_238 = vector.extract %slice3A_237[0] : i32 from vector<1xi32>
          %and3A_239 = arith.constant 16383 : i32
          %and3A_240 = arith.andi %squeeze3A_238, %and3A_239 : i32
          %swap3A_241 = arith.index_cast %and3A_240 : i32 to index
          %swap3A_242 = tpu.vector_load %arg9[%swap3A_241] {strides = array<i32>} : memref<10016xi32, #tpu.memory_space<vmem>>, vector<16xi32>,
          tpu.vector_store %arg9[%swap3A_241], %select_n3A_21 {add = true, strides = array<i32>} : memref<10016xi32, #tpu.memory_space<vmem>>, vector<16xi32>,
          %slice3A_243 = vector.extract_strided_slice %get3A_189 {offsets = [9], sizes = [1], strides = [1]} : vector<16xi32> to vector<1xi32>
          %squeeze3A_244 = vector.extract %slice3A_243[0] : i32 from vector<1xi32>
          %and3A_245 = arith.constant 16383 : i32
          %and3A_246 = arith.andi %squeeze3A_244, %and3A_245 : i32
          %swap3A_247 = arith.index_cast %and3A_246 : i32 to index
          %swap3A_248 = tpu.vector_load %arg9[%swap3A_247] {strides = array<i32>} : memref<10016xi32, #tpu.memory_space<vmem>>, vector<16xi32>,
          tpu.vector_store %arg9[%swap3A_247], %select_n3A_21 {add = true, strides = array<i32>} : memref<10016xi32, #tpu.memory_space<vmem>>, vector<16xi32>,
          %slice3A_249 = vector.extract_strided_slice %get3A_189 {offsets = [10], sizes = [1], strides = [1]} : vector<16xi32> to vector<1xi32>
          %squeeze3A_250 = vector.extract %slice3A_249[0] : i32 from vector<1xi32>
          %and3A_251 = arith.constant 16383 : i32
          %and3A_252 = arith.andi %squeeze3A_250, %and3A_251 : i32
          %swap3A_253 = arith.index_cast %and3A_252 : i32 to index
          %swap3A_254 = tpu.vector_load %arg9[%swap3A_253] {strides = array<i32>} : memref<10016xi32, #tpu.memory_space<vmem>>, vector<16xi32>,
          tpu.vector_store %arg9[%swap3A_253], %select_n3A_21 {add = true, strides = array<i32>} : memref<10016xi32, #tpu.memory_space<vmem>>, vector<16xi32>,
          %slice3A_255 = vector.extract_strided_slice %get3A_189 {offsets = [11], sizes = [1], strides = [1]} : vector<16xi32> to vector<1xi32>
          %squeeze3A_256 = vector.extract %slice3A_255[0] : i32 from vector<1xi32>
          %and3A_257 = arith.constant 16383 : i32
          %and3A_258 = arith.andi %squeeze3A_256, %and3A_257 : i32
          %swap3A_259 = arith.index_cast %and3A_258 : i32 to index
          %swap3A_260 = tpu.vector_load %arg9[%swap3A_259] {strides = array<i32>} : memref<10016xi32, #tpu.memory_space<vmem>>, vector<16xi32>,
          tpu.vector_store %arg9[%swap3A_259], %select_n3A_21 {add = true, strides = array<i32>} : memref<10016xi32, #tpu.memory_space<vmem>>, vector<16xi32>,
          %slice3A_261 = vector.extract_strided_slice %get3A_189 {offsets = [12], sizes = [1], strides = [1]} : vector<16xi32> to vector<1xi32>
          %squeeze3A_262 = vector.extract %slice3A_261[0] : i32 from vector<1xi32>
          %and3A_263 = arith.constant 16383 : i32
          %and3A_264 = arith.andi %squeeze3A_262, %and3A_263 : i32
          %swap3A_265 = arith.index_cast %and3A_264 : i32 to index
          %swap3A_266 = tpu.vector_load %arg9[%swap3A_265] {strides = array<i32>} : memref<10016xi32, #tpu.memory_space<vmem>>, vector<16xi32>,
          tpu.vector_store %arg9[%swap3A_265], %select_n3A_21 {add = true, strides = array<i32>} : memref<10016xi32, #tpu.memory_space<vmem>>, vector<16xi32>,
          %slice3A_267 = vector.extract_strided_slice %get3A_189 {offsets = [13], sizes = [1], strides = [1]} : vector<16xi32> to vector<1xi32>
          %squeeze3A_268 = vector.extract %slice3A_267[0] : i32 from vector<1xi32>
          %and3A_269 = arith.constant 16383 : i32
          %and3A_270 = arith.andi %squeeze3A_268, %and3A_269 : i32
          %swap3A_271 = arith.index_cast %and3A_270 : i32 to index
          %swap3A_272 = tpu.vector_load %arg9[%swap3A_271] {strides = array<i32>} : memref<10016xi32, #tpu.memory_space<vmem>>, vector<16xi32>,
          tpu.vector_store %arg9[%swap3A_271], %select_n3A_21 {add = true, strides = array<i32>} : memref<10016xi32, #tpu.memory_space<vmem>>, vector<16xi32>,
          %slice3A_273 = vector.extract_strided_slice %get3A_189 {offsets = [14], sizes = [1], strides = [1]} : vector<16xi32> to vector<1xi32>
          %squeeze3A_274 = vector.extract %slice3A_273[0] : i32 from vector<1xi32>
          %and3A_275 = arith.constant 16383 : i32
          %and3A_276 = arith.andi %squeeze3A_274, %and3A_275 : i32
          %swap3A_277 = arith.index_cast %and3A_276 : i32 to index
          %swap3A_278 = tpu.vector_load %arg9[%swap3A_277] {strides = array<i32>} : memref<10016xi32, #tpu.memory_space<vmem>>, vector<16xi32>,
          tpu.vector_store %arg9[%swap3A_277], %select_n3A_21 {add = true, strides = array<i32>} : memref<10016xi32, #tpu.memory_space<vmem>>, vector<16xi32>,
          %slice3A_279 = vector.extract_strided_slice %get3A_189 {offsets = [15], sizes = [1], strides = [1]} : vector<16xi32> to vector<1xi32>
          %squeeze3A_280 = vector.extract %slice3A_279[0] : i32 from vector<1xi32>
          %and3A_281 = arith.constant 16383 : i32
          %and3A_282 = arith.andi %squeeze3A_280, %and3A_281 : i32
          %swap3A_283 = arith.index_cast %and3A_282 : i32 to index
          %swap3A_284 = tpu.vector_load %arg9[%swap3A_283] {strides = array<i32>} : memref<10016xi32, #tpu.memory_space<vmem>>, vector<16xi32>,
          tpu.vector_store %arg9[%swap3A_283], %select_n3A_21 {add = true, strides = array<i32>} : memref<10016xi32, #tpu.memory_space<vmem>>, vector<16xi32>,
        }
        %while3A_145 = arith.constant 1 : i32
        scf.for %while3A_185 = %while3A_143 to %while3A_139 step %while3A_145  : i32 {
          %mul3A_186 = arith.constant 16 : i32
          %mul3A_187 = arith.muli %while3A_185, %mul3A_186 : i32
          %get3A_188 = arith.index_cast %mul3A_187 : i32 to index
          %get3A_189 = tpu.vector_load %arg10[%get3A_188] {strides = array<i32>} : memref<12408xi32, #tpu.memory_space<vmem>>, vector<16xi32>,
          %slice3A_190 = vector.extract_strided_slice %get3A_189 {offsets = [0], sizes = [1], strides = [1]} : vector<16xi32> to vector<1xi32>
          %squeeze3A_191 = vector.extract %slice3A_190[0] : i32 from vector<1xi32>
          %and3A_192 = arith.constant 16383 : i32
          %and3A_193 = arith.andi %squeeze3A_191, %and3A_192 : i32
          %swap3A = arith.index_cast %and3A_193 : i32 to index
          %swap3A_194 = tpu.vector_load %arg9[%swap3A] {strides = array<i32>} : memref<10016xi32, #tpu.memory_space<vmem>>, vector<16xi32>,
          tpu.vector_store %arg9[%swap3A], %select_n3A_21 {add = true, strides = array<i32>} : memref<10016xi32, #tpu.memory_space<vmem>>, vector<16xi32>,
          %slice3A_195 = vector.extract_strided_slice %get3A_189 {offsets = [1], sizes = [1], strides = [1]} : vector<16xi32> to vector<1xi32>
          %squeeze3A_196 = vector.extract %slice3A_195[0] : i32 from vector<1xi32>
          %and3A_197 = arith.constant 16383 : i32
          %and3A_198 = arith.andi %squeeze3A_196, %and3A_197 : i32
          %swap3A_199 = arith.index_cast %and3A_198 : i32 to index
          %swap3A_200 = tpu.vector_load %arg9[%swap3A_199] {strides = array<i32>} : memref<10016xi32, #tpu.memory_space<vmem>>, vector<16xi32>,
          tpu.vector_store %arg9[%swap3A_199], %select_n3A_21 {add = true, strides = array<i32>} : memref<10016xi32, #tpu.memory_space<vmem>>, vector<16xi32>,
          %slice3A_201 = vector.extract_strided_slice %get3A_189 {offsets = [2], sizes = [1], strides = [1]} : vector<16xi32> to vector<1xi32>
          %squeeze3A_202 = vector.extract %slice3A_201[0] : i32 from vector<1xi32>
          %and3A_203 = arith.constant 16383 : i32
          %and3A_204 = arith.andi %squeeze3A_202, %and3A_203 : i32
          %swap3A_205 = arith.index_cast %and3A_204 : i32 to index
          %swap3A_206 = tpu.vector_load %arg9[%swap3A_205] {strides = array<i32>} : memref<10016xi32, #tpu.memory_space<vmem>>, vector<16xi32>,
          tpu.vector_store %arg9[%swap3A_205], %select_n3A_21 {add = true, strides = array<i32>} : memref<10016xi32, #tpu.memory_space<vmem>>, vector<16xi32>,
          %slice3A_207 = vector.extract_strided_slice %get3A_189 {offsets = [3], sizes = [1], strides = [1]} : vector<16xi32> to vector<1xi32>
          %squeeze3A_208 = vector.extract %slice3A_207[0] : i32 from vector<1xi32>
          %and3A_209 = arith.constant 16383 : i32
          %and3A_210 = arith.andi %squeeze3A_208, %and3A_209 : i32
          %swap3A_211 = arith.index_cast %and3A_210 : i32 to index
          %swap3A_212 = tpu.vector_load %arg9[%swap3A_211] {strides = array<i32>} : memref<10016xi32, #tpu.memory_space<vmem>>, vector<16xi32>,
          tpu.vector_store %arg9[%swap3A_211], %select_n3A_21 {add = true, strides = array<i32>} : memref<10016xi32, #tpu.memory_space<vmem>>, vector<16xi32>,
          %slice3A_213 = vector.extract_strided_slice %get3A_189 {offsets = [4], sizes = [1], strides = [1]} : vector<16xi32> to vector<1xi32>
          %squeeze3A_214 = vector.extract %slice3A_213[0] : i32 from vector<1xi32>
          %and3A_215 = arith.constant 16383 : i32
          %and3A_216 = arith.andi %squeeze3A_214, %and3A_215 : i32
          %swap3A_217 = arith.index_cast %and3A_216 : i32 to index
          %swap3A_218 = tpu.vector_load %arg9[%swap3A_217] {strides = array<i32>} : memref<10016xi32, #tpu.memory_space<vmem>>, vector<16xi32>,
          tpu.vector_store %arg9[%swap3A_217], %select_n3A_21 {add = true, strides = array<i32>} : memref<10016xi32, #tpu.memory_space<vmem>>, vector<16xi32>,
          %slice3A_219 = vector.extract_strided_slice %get3A_189 {offsets = [5], sizes = [1], strides = [1]} : vector<16xi32> to vector<1xi32>
          %squeeze3A_220 = vector.extract %slice3A_219[0] : i32 from vector<1xi32>
          %and3A_221 = arith.constant 16383 : i32
          %and3A_222 = arith.andi %squeeze3A_220, %and3A_221 : i32
          %swap3A_223 = arith.index_cast %and3A_222 : i32 to index
          %swap3A_224 = tpu.vector_load %arg9[%swap3A_223] {strides = array<i32>} : memref<10016xi32, #tpu.memory_space<vmem>>, vector<16xi32>,
          tpu.vector_store %arg9[%swap3A_223], %select_n3A_21 {add = true, strides = array<i32>} : memref<10016xi32, #tpu.memory_space<vmem>>, vector<16xi32>,
          %slice3A_225 = vector.extract_strided_slice %get3A_189 {offsets = [6], sizes = [1], strides = [1]} : vector<16xi32> to vector<1xi32>
          %squeeze3A_226 = vector.extract %slice3A_225[0] : i32 from vector<1xi32>
          %and3A_227 = arith.constant 16383 : i32
          %and3A_228 = arith.andi %squeeze3A_226, %and3A_227 : i32
          %swap3A_229 = arith.index_cast %and3A_228 : i32 to index
          %swap3A_230 = tpu.vector_load %arg9[%swap3A_229] {strides = array<i32>} : memref<10016xi32, #tpu.memory_space<vmem>>, vector<16xi32>,
          tpu.vector_store %arg9[%swap3A_229], %select_n3A_21 {add = true, strides = array<i32>} : memref<10016xi32, #tpu.memory_space<vmem>>, vector<16xi32>,
          %slice3A_231 = vector.extract_strided_slice %get3A_189 {offsets = [7], sizes = [1], strides = [1]} : vector<16xi32> to vector<1xi32>
          %squeeze3A_232 = vector.extract %slice3A_231[0] : i32 from vector<1xi32>
          %and3A_233 = arith.constant 16383 : i32
          %and3A_234 = arith.andi %squeeze3A_232, %and3A_233 : i32
          %swap3A_235 = arith.index_cast %and3A_234 : i32 to index
          %swap3A_236 = tpu.vector_load %arg9[%swap3A_235] {strides = array<i32>} : memref<10016xi32, #tpu.memory_space<vmem>>, vector<16xi32>,
          tpu.vector_store %arg9[%swap3A_235], %select_n3A_21 {add = true, strides = array<i32>} : memref<10016xi32, #tpu.memory_space<vmem>>, vector<16xi32>,
          %slice3A_237 = vector.extract_strided_slice %get3A_189 {offsets = [8], sizes = [1], strides = [1]} : vector<16xi32> to vector<1xi32>
          %squeeze3A_238 = vector.extract %slice3A_237[0] : i32 from vector<1xi32>
          %and3A_239 = arith.constant 16383 : i32
          %and3A_240 = arith.andi %squeeze3A_238, %and3A_239 : i32
          %swap3A_241 = arith.index_cast %and3A_240 : i32 to index
          %swap3A_242 = tpu.vector_load %arg9[%swap3A_241] {strides = array<i32>} : memref<10016xi32, #tpu.memory_space<vmem>>, vector<16xi32>,
          tpu.vector_store %arg9[%swap3A_241], %select_n3A_21 {add = true, strides = array<i32>} : memref<10016xi32, #tpu.memory_space<vmem>>, vector<16xi32>,
          %slice3A_243 = vector.extract_strided_slice %get3A_189 {offsets = [9], sizes = [1], strides = [1]} : vector<16xi32> to vector<1xi32>
          %squeeze3A_244 = vector.extract %slice3A_243[0] : i32 from vector<1xi32>
          %and3A_245 = arith.constant 16383 : i32
          %and3A_246 = arith.andi %squeeze3A_244, %and3A_245 : i32
          %swap3A_247 = arith.index_cast %and3A_246 : i32 to index
          %swap3A_248 = tpu.vector_load %arg9[%swap3A_247] {strides = array<i32>} : memref<10016xi32, #tpu.memory_space<vmem>>, vector<16xi32>,
          tpu.vector_store %arg9[%swap3A_247], %select_n3A_21 {add = true, strides = array<i32>} : memref<10016xi32, #tpu.memory_space<vmem>>, vector<16xi32>,
          %slice3A_249 = vector.extract_strided_slice %get3A_189 {offsets = [10], sizes = [1], strides = [1]} : vector<16xi32> to vector<1xi32>
          %squeeze3A_250 = vector.extract %slice3A_249[0] : i32 from vector<1xi32>
          %and3A_251 = arith.constant 16383 : i32
          %and3A_252 = arith.andi %squeeze3A_250, %and3A_251 : i32
          %swap3A_253 = arith.index_cast %and3A_252 : i32 to index
          %swap3A_254 = tpu.vector_load %arg9[%swap3A_253] {strides = array<i32>} : memref<10016xi32, #tpu.memory_space<vmem>>, vector<16xi32>,
          tpu.vector_store %arg9[%swap3A_253], %select_n3A_21 {add = true, strides = array<i32>} : memref<10016xi32, #tpu.memory_space<vmem>>, vector<16xi32>,
          %slice3A_255 = vector.extract_strided_slice %get3A_189 {offsets = [11], sizes = [1], strides = [1]} : vector<16xi32> to vector<1xi32>
          %squeeze3A_256 = vector.extract %slice3A_255[0] : i32 from vector<1xi32>
          %and3A_257 = arith.constant 16383 : i32
          %and3A_258 = arith.andi %squeeze3A_256, %and3A_257 : i32
          %swap3A_259 = arith.index_cast %and3A_258 : i32 to index
          %swap3A_260 = tpu.vector_load %arg9[%swap3A_259] {strides = array<i32>} : memref<10016xi32, #tpu.memory_space<vmem>>, vector<16xi32>,
          tpu.vector_store %arg9[%swap3A_259], %select_n3A_21 {add = true, strides = array<i32>} : memref<10016xi32, #tpu.memory_space<vmem>>, vector<16xi32>,
          %slice3A_261 = vector.extract_strided_slice %get3A_189 {offsets = [12], sizes = [1], strides = [1]} : vector<16xi32> to vector<1xi32>
          %squeeze3A_262 = vector.extract %slice3A_261[0] : i32 from vector<1xi32>
          %and3A_263 = arith.constant 16383 : i32
          %and3A_264 = arith.andi %squeeze3A_262, %and3A_263 : i32
          %swap3A_265 = arith.index_cast %and3A_264 : i32 to index
          %swap3A_266 = tpu.vector_load %arg9[%swap3A_265] {strides = array<i32>} : memref<10016xi32, #tpu.memory_space<vmem>>, vector<16xi32>,
          tpu.vector_store %arg9[%swap3A_265], %select_n3A_21 {add = true, strides = array<i32>} : memref<10016xi32, #tpu.memory_space<vmem>>, vector<16xi32>,
          %slice3A_267 = vector.extract_strided_slice %get3A_189 {offsets = [13], sizes = [1], strides = [1]} : vector<16xi32> to vector<1xi32>
          %squeeze3A_268 = vector.extract %slice3A_267[0] : i32 from vector<1xi32>
          %and3A_269 = arith.constant 16383 : i32
          %and3A_270 = arith.andi %squeeze3A_268, %and3A_269 : i32
          %swap3A_271 = arith.index_cast %and3A_270 : i32 to index
          %swap3A_272 = tpu.vector_load %arg9[%swap3A_271] {strides = array<i32>} : memref<10016xi32, #tpu.memory_space<vmem>>, vector<16xi32>,
          tpu.vector_store %arg9[%swap3A_271], %select_n3A_21 {add = true, strides = array<i32>} : memref<10016xi32, #tpu.memory_space<vmem>>, vector<16xi32>,
          %slice3A_273 = vector.extract_strided_slice %get3A_189 {offsets = [14], sizes = [1], strides = [1]} : vector<16xi32> to vector<1xi32>
          %squeeze3A_274 = vector.extract %slice3A_273[0] : i32 from vector<1xi32>
          %and3A_275 = arith.constant 16383 : i32
          %and3A_276 = arith.andi %squeeze3A_274, %and3A_275 : i32
          %swap3A_277 = arith.index_cast %and3A_276 : i32 to index
          %swap3A_278 = tpu.vector_load %arg9[%swap3A_277] {strides = array<i32>} : memref<10016xi32, #tpu.memory_space<vmem>>, vector<16xi32>,
          tpu.vector_store %arg9[%swap3A_277], %select_n3A_21 {add = true, strides = array<i32>} : memref<10016xi32, #tpu.memory_space<vmem>>, vector<16xi32>,
          %slice3A_279 = vector.extract_strided_slice %get3A_189 {offsets = [15], sizes = [1], strides = [1]} : vector<16xi32> to vector<1xi32>
          %squeeze3A_280 = vector.extract %slice3A_279[0] : i32 from vector<1xi32>
          %and3A_281 = arith.constant 16383 : i32
          %and3A_282 = arith.andi %squeeze3A_280, %and3A_281 : i32
          %swap3A_283 = arith.index_cast %and3A_282 : i32 to index
          %swap3A_284 = tpu.vector_load %arg9[%swap3A_283] {strides = array<i32>} : memref<10016xi32, #tpu.memory_space<vmem>>, vector<16xi32>,
          tpu.vector_store %arg9[%swap3A_283], %select_n3A_21 {add = true, strides = array<i32>} : memref<10016xi32, #tpu.memory_space<vmem>>, vector<16xi32>,
        }
        %scan3A_146 = arith.constant 0 : i32
        %scan3A_147 = arith.constant 0 : i32
        %scan3A_148 = arith.constant 626 : i32
        %scan3A_149 = arith.addi %scan3A_147, %scan3A_148 : i32
        %scan3A_150 = arith.constant 1 : i32
        %scan3A_151 = scf.for %scan3A_185 = %scan3A_147 to %scan3A_149 step %scan3A_150 iter_args(%scan3A_186 = %scan3A_146) -> (i32)  : i32 {
          %mul3A_187 = arith.constant 16 : i32
          %mul3A_188 = arith.muli %scan3A_185, %mul3A_187 : i32
          %get3A_189 = arith.index_cast %mul3A_188 : i32 to index
          %get3A_190 = tpu.vector_load %arg9[%get3A_189] {strides = array<i32>} : memref<10016xi32, #tpu.memory_space<vmem>>, vector<16xi32>,
          %broadcast_in_dim3A_191 = arith.constant true
          %broadcast_in_dim3A_192 = vector.broadcast %broadcast_in_dim3A_191 : i1 to vector<16xi1>
          %masked_cumsum3A = tpu.scan <sum>, %get3A_190 masked %broadcast_in_dim3A_192 : vector<16xi32>, vector<16xi1> -> vector<16xi32>
          %broadcast_in_dim3A_193 = vector.broadcast %scan3A_186 : i32 to vector<16xi32>
          %add3A_194 = arith.addi %masked_cumsum3A, %broadcast_in_dim3A_193 : vector<16xi32>
          %mul3A_195 = arith.constant 16 : i32
          %mul3A_196 = arith.muli %scan3A_185, %mul3A_195 : i32
          %swap3A = arith.index_cast %mul3A_196 : i32 to index
          %swap3A_197 = tpu.vector_load %arg9[%swap3A] {strides = array<i32>} : memref<10016xi32, #tpu.memory_space<vmem>>, vector<16xi32>,
          tpu.vector_store %arg9[%swap3A], %add3A_194 {strides = array<i32>} : memref<10016xi32, #tpu.memory_space<vmem>>, vector<16xi32>,
          %slice3A_198 = vector.extract_strided_slice %masked_cumsum3A {offsets = [15], sizes = [1], strides = [1]} : vector<16xi32> to vector<1xi32>
          %squeeze3A_199 = vector.extract %slice3A_198[0] : i32 from vector<1xi32>
          %add3A_200 = arith.addi %scan3A_186, %squeeze3A_199 : i32
          scf.yield %add3A_200 : i32
        }
        %scan3A_152 = arith.constant 626 : i32
        %sub3A = arith.subi %broadcast_in_dim3A_7, %select_n3A_21 : vector<16xi32>
        %while3A_153 = arith.constant 0 : i32
        %while3A_154 = arith.constant 0 : i32
        %while3A_155 = arith.subi %shift_right_arithmetic3A_124, %while3A_154 : i32
        %while3A_156 = arith.addi %while3A_154, %while3A_155 : i32
        %while3A_157 = arith.constant 1 : i32
        %while3A_158 = arith.divsi %while3A_155, %while3A_157 : i32
        %while3A_159 = arith.muli %while3A_158, %while3A_157 : i32
        %while3A_160 = arith.addi %while3A_154, %while3A_159 : i32
        %while3A_161 = arith.constant 1 : i32
        scf.for %while3A_185 = %while3A_154 to %while3A_160 step %while3A_161  : i32 {
          %mul3A_186 = arith.constant 16 : i32
          %mul3A_187 = arith.muli %while3A_185, %mul3A_186 : i32
          %get3A_188 = arith.index_cast %mul3A_187 : i32 to index
          %get3A_189 = tpu.vector_load %arg10[%get3A_188] {strides = array<i32>} : memref<12408xi32, #tpu.memory_space<vmem>>, vector<16xi32>,
          %slice3A_190 = vector.extract_strided_slice %get3A_189 {offsets = [0], sizes = [1], strides = [1]} : vector<16xi32> to vector<1xi32>
          %squeeze3A_191 = vector.extract %slice3A_190[0] : i32 from vector<1xi32>
          %and3A_192 = arith.constant 16383 : i32
          %and3A_193 = arith.andi %squeeze3A_191, %and3A_192 : i32
          %shift_right_logical3A = arith.constant 14 : i32
          %shift_right_logical3A_194 = arith.shrui %squeeze3A_191, %shift_right_logical3A : i32
          %get3A_195 = arith.index_cast %and3A_193 : i32 to index
          %get3A_196 = tpu.vector_load %arg9[%get3A_195] {strides = array<i32>} : memref<10016xi32, #tpu.memory_space<vmem>>, vector<16xi32>,
          %slice3A_197 = vector.extract_strided_slice %get3A_196 {offsets = [0], sizes = [1], strides = [1]} : vector<16xi32> to vector<1xi32>
          %squeeze3A_198 = vector.extract %slice3A_197[0] : i32 from vector<1xi32>
          %sub3A_199 = arith.constant 1 : i32
          %sub3A_200 = arith.subi %squeeze3A_198, %sub3A_199 : i32
          %swap3A = arith.index_cast %and3A_193 : i32 to index
          %swap3A_201 = tpu.vector_load %arg9[%swap3A] {strides = array<i32>} : memref<10016xi32, #tpu.memory_space<vmem>>, vector<16xi32>,
          tpu.vector_store %arg9[%swap3A], %sub3A {add = true, strides = array<i32>} : memref<10016xi32, #tpu.memory_space<vmem>>, vector<16xi32>,
          %swap3A_202 = arith.index_cast %shift_right_logical3A_194 : i32 to index
          %swap3A_203 = tpu.vector_load %arg8[%swap3A_202] {strides = array<i32>} : memref<352xf32, #tpu.memory_space<vmem>>, vector<16xf32>,
          tpu.vector_store %arg8[%swap3A_202], %select_n3A {add = true, strides = array<i32>} : memref<352xf32, #tpu.memory_space<vmem>>, vector<16xf32>,
          %eq3A_204 = arith.cmpi eq, %iota3A, %broadcast_in_dim3A_7 : vector<16xi32>
          %broadcast_in_dim3A_205 = vector.broadcast %squeeze3A_191 : i32 to vector<16xi32>
          %select_n3A_206 = arith.select %eq3A_204, %broadcast_in_dim3A_205, %broadcast_in_dim3A_7 : vector<16xi1>, vector<16xi32>
          %swap3A_207 = arith.index_cast %sub3A_200 : i32 to index
          %swap3A_208 = tpu.vector_load %arg11[%swap3A_207] {strides = array<i32>} : memref<12408xi32, #tpu.memory_space<vmem>>, vector<16xi32>,
          tpu.vector_store %arg11[%swap3A_207], %select_n3A_206 {add = true, strides = array<i32>} : memref<12408xi32, #tpu.memory_space<vmem>>, vector<16xi32>,
          %slice3A_209 = vector.extract_strided_slice %get3A_189 {offsets = [1], sizes = [1], strides = [1]} : vector<16xi32> to vector<1xi32>
          %squeeze3A_210 = vector.extract %slice3A_209[0] : i32 from vector<1xi32>
          %and3A_211 = arith.constant 16383 : i32
          %and3A_212 = arith.andi %squeeze3A_210, %and3A_211 : i32
          %shift_right_logical3A_213 = arith.constant 14 : i32
          %shift_right_logical3A_214 = arith.shrui %squeeze3A_210, %shift_right_logical3A_213 : i32
          %get3A_215 = arith.index_cast %and3A_212 : i32 to index
          %get3A_216 = tpu.vector_load %arg9[%get3A_215] {strides = array<i32>} : memref<10016xi32, #tpu.memory_space<vmem>>, vector<16xi32>,
          %slice3A_217 = vector.extract_strided_slice %get3A_216 {offsets = [0], sizes = [1], strides = [1]} : vector<16xi32> to vector<1xi32>
          %squeeze3A_218 = vector.extract %slice3A_217[0] : i32 from vector<1xi32>
          %sub3A_219 = arith.constant 1 : i32
          %sub3A_220 = arith.subi %squeeze3A_218, %sub3A_219 : i32
          %swap3A_221 = arith.index_cast %and3A_212 : i32 to index
          %swap3A_222 = tpu.vector_load %arg9[%swap3A_221] {strides = array<i32>} : memref<10016xi32, #tpu.memory_space<vmem>>, vector<16xi32>,
          tpu.vector_store %arg9[%swap3A_221], %sub3A {add = true, strides = array<i32>} : memref<10016xi32, #tpu.memory_space<vmem>>, vector<16xi32>,
          %swap3A_223 = arith.index_cast %shift_right_logical3A_214 : i32 to index
          %swap3A_224 = tpu.vector_load %arg8[%swap3A_223] {strides = array<i32>} : memref<352xf32, #tpu.memory_space<vmem>>, vector<16xf32>,
          tpu.vector_store %arg8[%swap3A_223], %select_n3A {add = true, strides = array<i32>} : memref<352xf32, #tpu.memory_space<vmem>>, vector<16xf32>,
          %eq3A_225 = arith.cmpi eq, %iota3A, %broadcast_in_dim3A_7 : vector<16xi32>
          %broadcast_in_dim3A_226 = vector.broadcast %squeeze3A_210 : i32 to vector<16xi32>
          %select_n3A_227 = arith.select %eq3A_225, %broadcast_in_dim3A_226, %broadcast_in_dim3A_7 : vector<16xi1>, vector<16xi32>
          %swap3A_228 = arith.index_cast %sub3A_220 : i32 to index
          %swap3A_229 = tpu.vector_load %arg11[%swap3A_228] {strides = array<i32>} : memref<12408xi32, #tpu.memory_space<vmem>>, vector<16xi32>,
          tpu.vector_store %arg11[%swap3A_228], %select_n3A_227 {add = true, strides = array<i32>} : memref<12408xi32, #tpu.memory_space<vmem>>, vector<16xi32>,
          %slice3A_230 = vector.extract_strided_slice %get3A_189 {offsets = [2], sizes = [1], strides = [1]} : vector<16xi32> to vector<1xi32>
          %squeeze3A_231 = vector.extract %slice3A_230[0] : i32 from vector<1xi32>
          %and3A_232 = arith.constant 16383 : i32
          %and3A_233 = arith.andi %squeeze3A_231, %and3A_232 : i32
          %shift_right_logical3A_234 = arith.constant 14 : i32
          %shift_right_logical3A_235 = arith.shrui %squeeze3A_231, %shift_right_logical3A_234 : i32
          %get3A_236 = arith.index_cast %and3A_233 : i32 to index
          %get3A_237 = tpu.vector_load %arg9[%get3A_236] {strides = array<i32>} : memref<10016xi32, #tpu.memory_space<vmem>>, vector<16xi32>,
          %slice3A_238 = vector.extract_strided_slice %get3A_237 {offsets = [0], sizes = [1], strides = [1]} : vector<16xi32> to vector<1xi32>
          %squeeze3A_239 = vector.extract %slice3A_238[0] : i32 from vector<1xi32>
          %sub3A_240 = arith.constant 1 : i32
          %sub3A_241 = arith.subi %squeeze3A_239, %sub3A_240 : i32
          %swap3A_242 = arith.index_cast %and3A_233 : i32 to index
          %swap3A_243 = tpu.vector_load %arg9[%swap3A_242] {strides = array<i32>} : memref<10016xi32, #tpu.memory_space<vmem>>, vector<16xi32>,
          tpu.vector_store %arg9[%swap3A_242], %sub3A {add = true, strides = array<i32>} : memref<10016xi32, #tpu.memory_space<vmem>>, vector<16xi32>,
          %swap3A_244 = arith.index_cast %shift_right_logical3A_235 : i32 to index
          %swap3A_245 = tpu.vector_load %arg8[%swap3A_244] {strides = array<i32>} : memref<352xf32, #tpu.memory_space<vmem>>, vector<16xf32>,
          tpu.vector_store %arg8[%swap3A_244], %select_n3A {add = true, strides = array<i32>} : memref<352xf32, #tpu.memory_space<vmem>>, vector<16xf32>,
          %eq3A_246 = arith.cmpi eq, %iota3A, %broadcast_in_dim3A_7 : vector<16xi32>
          %broadcast_in_dim3A_247 = vector.broadcast %squeeze3A_231 : i32 to vector<16xi32>
          %select_n3A_248 = arith.select %eq3A_246, %broadcast_in_dim3A_247, %broadcast_in_dim3A_7 : vector<16xi1>, vector<16xi32>
          %swap3A_249 = arith.index_cast %sub3A_241 : i32 to index
          %swap3A_250 = tpu.vector_load %arg11[%swap3A_249] {strides = array<i32>} : memref<12408xi32, #tpu.memory_space<vmem>>, vector<16xi32>,
          tpu.vector_store %arg11[%swap3A_249], %select_n3A_248 {add = true, strides = array<i32>} : memref<12408xi32, #tpu.memory_space<vmem>>, vector<16xi32>,
          %slice3A_251 = vector.extract_strided_slice %get3A_189 {offsets = [3], sizes = [1], strides = [1]} : vector<16xi32> to vector<1xi32>
          %squeeze3A_252 = vector.extract %slice3A_251[0] : i32 from vector<1xi32>
          %and3A_253 = arith.constant 16383 : i32
          %and3A_254 = arith.andi %squeeze3A_252, %and3A_253 : i32
          %shift_right_logical3A_255 = arith.constant 14 : i32
          %shift_right_logical3A_256 = arith.shrui %squeeze3A_252, %shift_right_logical3A_255 : i32
          %get3A_257 = arith.index_cast %and3A_254 : i32 to index
          %get3A_258 = tpu.vector_load %arg9[%get3A_257] {strides = array<i32>} : memref<10016xi32, #tpu.memory_space<vmem>>, vector<16xi32>,
          %slice3A_259 = vector.extract_strided_slice %get3A_258 {offsets = [0], sizes = [1], strides = [1]} : vector<16xi32> to vector<1xi32>
          %squeeze3A_260 = vector.extract %slice3A_259[0] : i32 from vector<1xi32>
          %sub3A_261 = arith.constant 1 : i32
          %sub3A_262 = arith.subi %squeeze3A_260, %sub3A_261 : i32
          %swap3A_263 = arith.index_cast %and3A_254 : i32 to index
          %swap3A_264 = tpu.vector_load %arg9[%swap3A_263] {strides = array<i32>} : memref<10016xi32, #tpu.memory_space<vmem>>, vector<16xi32>,
          tpu.vector_store %arg9[%swap3A_263], %sub3A {add = true, strides = array<i32>} : memref<10016xi32, #tpu.memory_space<vmem>>, vector<16xi32>,
          %swap3A_265 = arith.index_cast %shift_right_logical3A_256 : i32 to index
          %swap3A_266 = tpu.vector_load %arg8[%swap3A_265] {strides = array<i32>} : memref<352xf32, #tpu.memory_space<vmem>>, vector<16xf32>,
          tpu.vector_store %arg8[%swap3A_265], %select_n3A {add = true, strides = array<i32>} : memref<352xf32, #tpu.memory_space<vmem>>, vector<16xf32>,
          %eq3A_267 = arith.cmpi eq, %iota3A, %broadcast_in_dim3A_7 : vector<16xi32>
          %broadcast_in_dim3A_268 = vector.broadcast %squeeze3A_252 : i32 to vector<16xi32>
          %select_n3A_269 = arith.select %eq3A_267, %broadcast_in_dim3A_268, %broadcast_in_dim3A_7 : vector<16xi1>, vector<16xi32>
          %swap3A_270 = arith.index_cast %sub3A_262 : i32 to index
          %swap3A_271 = tpu.vector_load %arg11[%swap3A_270] {strides = array<i32>} : memref<12408xi32, #tpu.memory_space<vmem>>, vector<16xi32>,
          tpu.vector_store %arg11[%swap3A_270], %select_n3A_269 {add = true, strides = array<i32>} : memref<12408xi32, #tpu.memory_space<vmem>>, vector<16xi32>,
          %slice3A_272 = vector.extract_strided_slice %get3A_189 {offsets = [4], sizes = [1], strides = [1]} : vector<16xi32> to vector<1xi32>
          %squeeze3A_273 = vector.extract %slice3A_272[0] : i32 from vector<1xi32>
          %and3A_274 = arith.constant 16383 : i32
          %and3A_275 = arith.andi %squeeze3A_273, %and3A_274 : i32
          %shift_right_logical3A_276 = arith.constant 14 : i32
          %shift_right_logical3A_277 = arith.shrui %squeeze3A_273, %shift_right_logical3A_276 : i32
          %get3A_278 = arith.index_cast %and3A_275 : i32 to index
          %get3A_279 = tpu.vector_load %arg9[%get3A_278] {strides = array<i32>} : memref<10016xi32, #tpu.memory_space<vmem>>, vector<16xi32>,
          %slice3A_280 = vector.extract_strided_slice %get3A_279 {offsets = [0], sizes = [1], strides = [1]} : vector<16xi32> to vector<1xi32>
          %squeeze3A_281 = vector.extract %slice3A_280[0] : i32 from vector<1xi32>
          %sub3A_282 = arith.constant 1 : i32
          %sub3A_283 = arith.subi %squeeze3A_281, %sub3A_282 : i32
          %swap3A_284 = arith.index_cast %and3A_275 : i32 to index
          %swap3A_285 = tpu.vector_load %arg9[%swap3A_284] {strides = array<i32>} : memref<10016xi32, #tpu.memory_space<vmem>>, vector<16xi32>,
          tpu.vector_store %arg9[%swap3A_284], %sub3A {add = true, strides = array<i32>} : memref<10016xi32, #tpu.memory_space<vmem>>, vector<16xi32>,
          %swap3A_286 = arith.index_cast %shift_right_logical3A_277 : i32 to index
          %swap3A_287 = tpu.vector_load %arg8[%swap3A_286] {strides = array<i32>} : memref<352xf32, #tpu.memory_space<vmem>>, vector<16xf32>,
          tpu.vector_store %arg8[%swap3A_286], %select_n3A {add = true, strides = array<i32>} : memref<352xf32, #tpu.memory_space<vmem>>, vector<16xf32>,
          %eq3A_288 = arith.cmpi eq, %iota3A, %broadcast_in_dim3A_7 : vector<16xi32>
          %broadcast_in_dim3A_289 = vector.broadcast %squeeze3A_273 : i32 to vector<16xi32>
          %select_n3A_290 = arith.select %eq3A_288, %broadcast_in_dim3A_289, %broadcast_in_dim3A_7 : vector<16xi1>, vector<16xi32>
          %swap3A_291 = arith.index_cast %sub3A_283 : i32 to index
          %swap3A_292 = tpu.vector_load %arg11[%swap3A_291] {strides = array<i32>} : memref<12408xi32, #tpu.memory_space<vmem>>, vector<16xi32>,
          tpu.vector_store %arg11[%swap3A_291], %select_n3A_290 {add = true, strides = array<i32>} : memref<12408xi32, #tpu.memory_space<vmem>>, vector<16xi32>,
          %slice3A_293 = vector.extract_strided_slice %get3A_189 {offsets = [5], sizes = [1], strides = [1]} : vector<16xi32> to vector<1xi32>
          %squeeze3A_294 = vector.extract %slice3A_293[0] : i32 from vector<1xi32>
          %and3A_295 = arith.constant 16383 : i32
          %and3A_296 = arith.andi %squeeze3A_294, %and3A_295 : i32
          %shift_right_logical3A_297 = arith.constant 14 : i32
          %shift_right_logical3A_298 = arith.shrui %squeeze3A_294, %shift_right_logical3A_297 : i32
          %get3A_299 = arith.index_cast %and3A_296 : i32 to index
          %get3A_300 = tpu.vector_load %arg9[%get3A_299] {strides = array<i32>} : memref<10016xi32, #tpu.memory_space<vmem>>, vector<16xi32>,
          %slice3A_301 = vector.extract_strided_slice %get3A_300 {offsets = [0], sizes = [1], strides = [1]} : vector<16xi32> to vector<1xi32>
          %squeeze3A_302 = vector.extract %slice3A_301[0] : i32 from vector<1xi32>
          %sub3A_303 = arith.constant 1 : i32
          %sub3A_304 = arith.subi %squeeze3A_302, %sub3A_303 : i32
          %swap3A_305 = arith.index_cast %and3A_296 : i32 to index
          %swap3A_306 = tpu.vector_load %arg9[%swap3A_305] {strides = array<i32>} : memref<10016xi32, #tpu.memory_space<vmem>>, vector<16xi32>,
          tpu.vector_store %arg9[%swap3A_305], %sub3A {add = true, strides = array<i32>} : memref<10016xi32, #tpu.memory_space<vmem>>, vector<16xi32>,
          %swap3A_307 = arith.index_cast %shift_right_logical3A_298 : i32 to index
          %swap3A_308 = tpu.vector_load %arg8[%swap3A_307] {strides = array<i32>} : memref<352xf32, #tpu.memory_space<vmem>>, vector<16xf32>,
          tpu.vector_store %arg8[%swap3A_307], %select_n3A {add = true, strides = array<i32>} : memref<352xf32, #tpu.memory_space<vmem>>, vector<16xf32>,
          %eq3A_309 = arith.cmpi eq, %iota3A, %broadcast_in_dim3A_7 : vector<16xi32>
          %broadcast_in_dim3A_310 = vector.broadcast %squeeze3A_294 : i32 to vector<16xi32>
          %select_n3A_311 = arith.select %eq3A_309, %broadcast_in_dim3A_310, %broadcast_in_dim3A_7 : vector<16xi1>, vector<16xi32>
          %swap3A_312 = arith.index_cast %sub3A_304 : i32 to index
          %swap3A_313 = tpu.vector_load %arg11[%swap3A_312] {strides = array<i32>} : memref<12408xi32, #tpu.memory_space<vmem>>, vector<16xi32>,
          tpu.vector_store %arg11[%swap3A_312], %select_n3A_311 {add = true, strides = array<i32>} : memref<12408xi32, #tpu.memory_space<vmem>>, vector<16xi32>,
          %slice3A_314 = vector.extract_strided_slice %get3A_189 {offsets = [6], sizes = [1], strides = [1]} : vector<16xi32> to vector<1xi32>
          %squeeze3A_315 = vector.extract %slice3A_314[0] : i32 from vector<1xi32>
          %and3A_316 = arith.constant 16383 : i32
          %and3A_317 = arith.andi %squeeze3A_315, %and3A_316 : i32
          %shift_right_logical3A_318 = arith.constant 14 : i32
          %shift_right_logical3A_319 = arith.shrui %squeeze3A_315, %shift_right_logical3A_318 : i32
          %get3A_320 = arith.index_cast %and3A_317 : i32 to index
          %get3A_321 = tpu.vector_load %arg9[%get3A_320] {strides = array<i32>} : memref<10016xi32, #tpu.memory_space<vmem>>, vector<16xi32>,
          %slice3A_322 = vector.extract_strided_slice %get3A_321 {offsets = [0], sizes = [1], strides = [1]} : vector<16xi32> to vector<1xi32>
          %squeeze3A_323 = vector.extract %slice3A_322[0] : i32 from vector<1xi32>
          %sub3A_324 = arith.constant 1 : i32
          %sub3A_325 = arith.subi %squeeze3A_323, %sub3A_324 : i32
          %swap3A_326 = arith.index_cast %and3A_317 : i32 to index
          %swap3A_327 = tpu.vector_load %arg9[%swap3A_326] {strides = array<i32>} : memref<10016xi32, #tpu.memory_space<vmem>>, vector<16xi32>,
          tpu.vector_store %arg9[%swap3A_326], %sub3A {add = true, strides = array<i32>} : memref<10016xi32, #tpu.memory_space<vmem>>, vector<16xi32>,
          %swap3A_328 = arith.index_cast %shift_right_logical3A_319 : i32 to index
          %swap3A_329 = tpu.vector_load %arg8[%swap3A_328] {strides = array<i32>} : memref<352xf32, #tpu.memory_space<vmem>>, vector<16xf32>,
          tpu.vector_store %arg8[%swap3A_328], %select_n3A {add = true, strides = array<i32>} : memref<352xf32, #tpu.memory_space<vmem>>, vector<16xf32>,
          %eq3A_330 = arith.cmpi eq, %iota3A, %broadcast_in_dim3A_7 : vector<16xi32>
          %broadcast_in_dim3A_331 = vector.broadcast %squeeze3A_315 : i32 to vector<16xi32>
          %select_n3A_332 = arith.select %eq3A_330, %broadcast_in_dim3A_331, %broadcast_in_dim3A_7 : vector<16xi1>, vector<16xi32>
          %swap3A_333 = arith.index_cast %sub3A_325 : i32 to index
          %swap3A_334 = tpu.vector_load %arg11[%swap3A_333] {strides = array<i32>} : memref<12408xi32, #tpu.memory_space<vmem>>, vector<16xi32>,
          tpu.vector_store %arg11[%swap3A_333], %select_n3A_332 {add = true, strides = array<i32>} : memref<12408xi32, #tpu.memory_space<vmem>>, vector<16xi32>,
          %slice3A_335 = vector.extract_strided_slice %get3A_189 {offsets = [7], sizes = [1], strides = [1]} : vector<16xi32> to vector<1xi32>
          %squeeze3A_336 = vector.extract %slice3A_335[0] : i32 from vector<1xi32>
          %and3A_337 = arith.constant 16383 : i32
          %and3A_338 = arith.andi %squeeze3A_336, %and3A_337 : i32
          %shift_right_logical3A_339 = arith.constant 14 : i32
          %shift_right_logical3A_340 = arith.shrui %squeeze3A_336, %shift_right_logical3A_339 : i32
          %get3A_341 = arith.index_cast %and3A_338 : i32 to index
          %get3A_342 = tpu.vector_load %arg9[%get3A_341] {strides = array<i32>} : memref<10016xi32, #tpu.memory_space<vmem>>, vector<16xi32>,
          %slice3A_343 = vector.extract_strided_slice %get3A_342 {offsets = [0], sizes = [1], strides = [1]} : vector<16xi32> to vector<1xi32>
          %squeeze3A_344 = vector.extract %slice3A_343[0] : i32 from vector<1xi32>
          %sub3A_345 = arith.constant 1 : i32
          %sub3A_346 = arith.subi %squeeze3A_344, %sub3A_345 : i32
          %swap3A_347 = arith.index_cast %and3A_338 : i32 to index
          %swap3A_348 = tpu.vector_load %arg9[%swap3A_347] {strides = array<i32>} : memref<10016xi32, #tpu.memory_space<vmem>>, vector<16xi32>,
          tpu.vector_store %arg9[%swap3A_347], %sub3A {add = true, strides = array<i32>} : memref<10016xi32, #tpu.memory_space<vmem>>, vector<16xi32>,
          %swap3A_349 = arith.index_cast %shift_right_logical3A_340 : i32 to index
          %swap3A_350 = tpu.vector_load %arg8[%swap3A_349] {strides = array<i32>} : memref<352xf32, #tpu.memory_space<vmem>>, vector<16xf32>,
          tpu.vector_store %arg8[%swap3A_349], %select_n3A {add = true, strides = array<i32>} : memref<352xf32, #tpu.memory_space<vmem>>, vector<16xf32>,
          %eq3A_351 = arith.cmpi eq, %iota3A, %broadcast_in_dim3A_7 : vector<16xi32>
          %broadcast_in_dim3A_352 = vector.broadcast %squeeze3A_336 : i32 to vector<16xi32>
          %select_n3A_353 = arith.select %eq3A_351, %broadcast_in_dim3A_352, %broadcast_in_dim3A_7 : vector<16xi1>, vector<16xi32>
          %swap3A_354 = arith.index_cast %sub3A_346 : i32 to index
          %swap3A_355 = tpu.vector_load %arg11[%swap3A_354] {strides = array<i32>} : memref<12408xi32, #tpu.memory_space<vmem>>, vector<16xi32>,
          tpu.vector_store %arg11[%swap3A_354], %select_n3A_353 {add = true, strides = array<i32>} : memref<12408xi32, #tpu.memory_space<vmem>>, vector<16xi32>,
          %slice3A_356 = vector.extract_strided_slice %get3A_189 {offsets = [8], sizes = [1], strides = [1]} : vector<16xi32> to vector<1xi32>
          %squeeze3A_357 = vector.extract %slice3A_356[0] : i32 from vector<1xi32>
          %and3A_358 = arith.constant 16383 : i32
          %and3A_359 = arith.andi %squeeze3A_357, %and3A_358 : i32
          %shift_right_logical3A_360 = arith.constant 14 : i32
          %shift_right_logical3A_361 = arith.shrui %squeeze3A_357, %shift_right_logical3A_360 : i32
          %get3A_362 = arith.index_cast %and3A_359 : i32 to index
          %get3A_363 = tpu.vector_load %arg9[%get3A_362] {strides = array<i32>} : memref<10016xi32, #tpu.memory_space<vmem>>, vector<16xi32>,
          %slice3A_364 = vector.extract_strided_slice %get3A_363 {offsets = [0], sizes = [1], strides = [1]} : vector<16xi32> to vector<1xi32>
          %squeeze3A_365 = vector.extract %slice3A_364[0] : i32 from vector<1xi32>
          %sub3A_366 = arith.constant 1 : i32
          %sub3A_367 = arith.subi %squeeze3A_365, %sub3A_366 : i32
          %swap3A_368 = arith.index_cast %and3A_359 : i32 to index
          %swap3A_369 = tpu.vector_load %arg9[%swap3A_368] {strides = array<i32>} : memref<10016xi32, #tpu.memory_space<vmem>>, vector<16xi32>,
          tpu.vector_store %arg9[%swap3A_368], %sub3A {add = true, strides = array<i32>} : memref<10016xi32, #tpu.memory_space<vmem>>, vector<16xi32>,
          %swap3A_370 = arith.index_cast %shift_right_logical3A_361 : i32 to index
          %swap3A_371 = tpu.vector_load %arg8[%swap3A_370] {strides = array<i32>} : memref<352xf32, #tpu.memory_space<vmem>>, vector<16xf32>,
          tpu.vector_store %arg8[%swap3A_370], %select_n3A {add = true, strides = array<i32>} : memref<352xf32, #tpu.memory_space<vmem>>, vector<16xf32>,
          %eq3A_372 = arith.cmpi eq, %iota3A, %broadcast_in_dim3A_7 : vector<16xi32>
          %broadcast_in_dim3A_373 = vector.broadcast %squeeze3A_357 : i32 to vector<16xi32>
          %select_n3A_374 = arith.select %eq3A_372, %broadcast_in_dim3A_373, %broadcast_in_dim3A_7 : vector<16xi1>, vector<16xi32>
          %swap3A_375 = arith.index_cast %sub3A_367 : i32 to index
          %swap3A_376 = tpu.vector_load %arg11[%swap3A_375] {strides = array<i32>} : memref<12408xi32, #tpu.memory_space<vmem>>, vector<16xi32>,
          tpu.vector_store %arg11[%swap3A_375], %select_n3A_374 {add = true, strides = array<i32>} : memref<12408xi32, #tpu.memory_space<vmem>>, vector<16xi32>,
          %slice3A_377 = vector.extract_strided_slice %get3A_189 {offsets = [9], sizes = [1], strides = [1]} : vector<16xi32> to vector<1xi32>
          %squeeze3A_378 = vector.extract %slice3A_377[0] : i32 from vector<1xi32>
          %and3A_379 = arith.constant 16383 : i32
          %and3A_380 = arith.andi %squeeze3A_378, %and3A_379 : i32
          %shift_right_logical3A_381 = arith.constant 14 : i32
          %shift_right_logical3A_382 = arith.shrui %squeeze3A_378, %shift_right_logical3A_381 : i32
          %get3A_383 = arith.index_cast %and3A_380 : i32 to index
          %get3A_384 = tpu.vector_load %arg9[%get3A_383] {strides = array<i32>} : memref<10016xi32, #tpu.memory_space<vmem>>, vector<16xi32>,
          %slice3A_385 = vector.extract_strided_slice %get3A_384 {offsets = [0], sizes = [1], strides = [1]} : vector<16xi32> to vector<1xi32>
          %squeeze3A_386 = vector.extract %slice3A_385[0] : i32 from vector<1xi32>
          %sub3A_387 = arith.constant 1 : i32
          %sub3A_388 = arith.subi %squeeze3A_386, %sub3A_387 : i32
          %swap3A_389 = arith.index_cast %and3A_380 : i32 to index
          %swap3A_390 = tpu.vector_load %arg9[%swap3A_389] {strides = array<i32>} : memref<10016xi32, #tpu.memory_space<vmem>>, vector<16xi32>,
          tpu.vector_store %arg9[%swap3A_389], %sub3A {add = true, strides = array<i32>} : memref<10016xi32, #tpu.memory_space<vmem>>, vector<16xi32>,
          %swap3A_391 = arith.index_cast %shift_right_logical3A_382 : i32 to index
          %swap3A_392 = tpu.vector_load %arg8[%swap3A_391] {strides = array<i32>} : memref<352xf32, #tpu.memory_space<vmem>>, vector<16xf32>,
          tpu.vector_store %arg8[%swap3A_391], %select_n3A {add = true, strides = array<i32>} : memref<352xf32, #tpu.memory_space<vmem>>, vector<16xf32>,
          %eq3A_393 = arith.cmpi eq, %iota3A, %broadcast_in_dim3A_7 : vector<16xi32>
          %broadcast_in_dim3A_394 = vector.broadcast %squeeze3A_378 : i32 to vector<16xi32>
          %select_n3A_395 = arith.select %eq3A_393, %broadcast_in_dim3A_394, %broadcast_in_dim3A_7 : vector<16xi1>, vector<16xi32>
          %swap3A_396 = arith.index_cast %sub3A_388 : i32 to index
          %swap3A_397 = tpu.vector_load %arg11[%swap3A_396] {strides = array<i32>} : memref<12408xi32, #tpu.memory_space<vmem>>, vector<16xi32>,
          tpu.vector_store %arg11[%swap3A_396], %select_n3A_395 {add = true, strides = array<i32>} : memref<12408xi32, #tpu.memory_space<vmem>>, vector<16xi32>,
          %slice3A_398 = vector.extract_strided_slice %get3A_189 {offsets = [10], sizes = [1], strides = [1]} : vector<16xi32> to vector<1xi32>
          %squeeze3A_399 = vector.extract %slice3A_398[0] : i32 from vector<1xi32>
          %and3A_400 = arith.constant 16383 : i32
          %and3A_401 = arith.andi %squeeze3A_399, %and3A_400 : i32
          %shift_right_logical3A_402 = arith.constant 14 : i32
          %shift_right_logical3A_403 = arith.shrui %squeeze3A_399, %shift_right_logical3A_402 : i32
          %get3A_404 = arith.index_cast %and3A_401 : i32 to index
          %get3A_405 = tpu.vector_load %arg9[%get3A_404] {strides = array<i32>} : memref<10016xi32, #tpu.memory_space<vmem>>, vector<16xi32>,
          %slice3A_406 = vector.extract_strided_slice %get3A_405 {offsets = [0], sizes = [1], strides = [1]} : vector<16xi32> to vector<1xi32>
          %squeeze3A_407 = vector.extract %slice3A_406[0] : i32 from vector<1xi32>
          %sub3A_408 = arith.constant 1 : i32
          %sub3A_409 = arith.subi %squeeze3A_407, %sub3A_408 : i32
          %swap3A_410 = arith.index_cast %and3A_401 : i32 to index
          %swap3A_411 = tpu.vector_load %arg9[%swap3A_410] {strides = array<i32>} : memref<10016xi32, #tpu.memory_space<vmem>>, vector<16xi32>,
          tpu.vector_store %arg9[%swap3A_410], %sub3A {add = true, strides = array<i32>} : memref<10016xi32, #tpu.memory_space<vmem>>, vector<16xi32>,
          %swap3A_412 = arith.index_cast %shift_right_logical3A_403 : i32 to index
          %swap3A_413 = tpu.vector_load %arg8[%swap3A_412] {strides = array<i32>} : memref<352xf32, #tpu.memory_space<vmem>>, vector<16xf32>,
          tpu.vector_store %arg8[%swap3A_412], %select_n3A {add = true, strides = array<i32>} : memref<352xf32, #tpu.memory_space<vmem>>, vector<16xf32>,
          %eq3A_414 = arith.cmpi eq, %iota3A, %broadcast_in_dim3A_7 : vector<16xi32>
          %broadcast_in_dim3A_415 = vector.broadcast %squeeze3A_399 : i32 to vector<16xi32>
          %select_n3A_416 = arith.select %eq3A_414, %broadcast_in_dim3A_415, %broadcast_in_dim3A_7 : vector<16xi1>, vector<16xi32>
          %swap3A_417 = arith.index_cast %sub3A_409 : i32 to index
          %swap3A_418 = tpu.vector_load %arg11[%swap3A_417] {strides = array<i32>} : memref<12408xi32, #tpu.memory_space<vmem>>, vector<16xi32>,
          tpu.vector_store %arg11[%swap3A_417], %select_n3A_416 {add = true, strides = array<i32>} : memref<12408xi32, #tpu.memory_space<vmem>>, vector<16xi32>,
          %slice3A_419 = vector.extract_strided_slice %get3A_189 {offsets = [11], sizes = [1], strides = [1]} : vector<16xi32> to vector<1xi32>
          %squeeze3A_420 = vector.extract %slice3A_419[0] : i32 from vector<1xi32>
          %and3A_421 = arith.constant 16383 : i32
          %and3A_422 = arith.andi %squeeze3A_420, %and3A_421 : i32
          %shift_right_logical3A_423 = arith.constant 14 : i32
          %shift_right_logical3A_424 = arith.shrui %squeeze3A_420, %shift_right_logical3A_423 : i32
          %get3A_425 = arith.index_cast %and3A_422 : i32 to index
          %get3A_426 = tpu.vector_load %arg9[%get3A_425] {strides = array<i32>} : memref<10016xi32, #tpu.memory_space<vmem>>, vector<16xi32>,
          %slice3A_427 = vector.extract_strided_slice %get3A_426 {offsets = [0], sizes = [1], strides = [1]} : vector<16xi32> to vector<1xi32>
          %squeeze3A_428 = vector.extract %slice3A_427[0] : i32 from vector<1xi32>
          %sub3A_429 = arith.constant 1 : i32
          %sub3A_430 = arith.subi %squeeze3A_428, %sub3A_429 : i32
          %swap3A_431 = arith.index_cast %and3A_422 : i32 to index
          %swap3A_432 = tpu.vector_load %arg9[%swap3A_431] {strides = array<i32>} : memref<10016xi32, #tpu.memory_space<vmem>>, vector<16xi32>,
          tpu.vector_store %arg9[%swap3A_431], %sub3A {add = true, strides = array<i32>} : memref<10016xi32, #tpu.memory_space<vmem>>, vector<16xi32>,
          %swap3A_433 = arith.index_cast %shift_right_logical3A_424 : i32 to index
          %swap3A_434 = tpu.vector_load %arg8[%swap3A_433] {strides = array<i32>} : memref<352xf32, #tpu.memory_space<vmem>>, vector<16xf32>,
          tpu.vector_store %arg8[%swap3A_433], %select_n3A {add = true, strides = array<i32>} : memref<352xf32, #tpu.memory_space<vmem>>, vector<16xf32>,
          %eq3A_435 = arith.cmpi eq, %iota3A, %broadcast_in_dim3A_7 : vector<16xi32>
          %broadcast_in_dim3A_436 = vector.broadcast %squeeze3A_420 : i32 to vector<16xi32>
          %select_n3A_437 = arith.select %eq3A_435, %broadcast_in_dim3A_436, %broadcast_in_dim3A_7 : vector<16xi1>, vector<16xi32>
          %swap3A_438 = arith.index_cast %sub3A_430 : i32 to index
          %swap3A_439 = tpu.vector_load %arg11[%swap3A_438] {strides = array<i32>} : memref<12408xi32, #tpu.memory_space<vmem>>, vector<16xi32>,
          tpu.vector_store %arg11[%swap3A_438], %select_n3A_437 {add = true, strides = array<i32>} : memref<12408xi32, #tpu.memory_space<vmem>>, vector<16xi32>,
          %slice3A_440 = vector.extract_strided_slice %get3A_189 {offsets = [12], sizes = [1], strides = [1]} : vector<16xi32> to vector<1xi32>
          %squeeze3A_441 = vector.extract %slice3A_440[0] : i32 from vector<1xi32>
          %and3A_442 = arith.constant 16383 : i32
          %and3A_443 = arith.andi %squeeze3A_441, %and3A_442 : i32
          %shift_right_logical3A_444 = arith.constant 14 : i32
          %shift_right_logical3A_445 = arith.shrui %squeeze3A_441, %shift_right_logical3A_444 : i32
          %get3A_446 = arith.index_cast %and3A_443 : i32 to index
          %get3A_447 = tpu.vector_load %arg9[%get3A_446] {strides = array<i32>} : memref<10016xi32, #tpu.memory_space<vmem>>, vector<16xi32>,
          %slice3A_448 = vector.extract_strided_slice %get3A_447 {offsets = [0], sizes = [1], strides = [1]} : vector<16xi32> to vector<1xi32>
          %squeeze3A_449 = vector.extract %slice3A_448[0] : i32 from vector<1xi32>
          %sub3A_450 = arith.constant 1 : i32
          %sub3A_451 = arith.subi %squeeze3A_449, %sub3A_450 : i32
          %swap3A_452 = arith.index_cast %and3A_443 : i32 to index
          %swap3A_453 = tpu.vector_load %arg9[%swap3A_452] {strides = array<i32>} : memref<10016xi32, #tpu.memory_space<vmem>>, vector<16xi32>,
          tpu.vector_store %arg9[%swap3A_452], %sub3A {add = true, strides = array<i32>} : memref<10016xi32, #tpu.memory_space<vmem>>, vector<16xi32>,
          %swap3A_454 = arith.index_cast %shift_right_logical3A_445 : i32 to index
          %swap3A_455 = tpu.vector_load %arg8[%swap3A_454] {strides = array<i32>} : memref<352xf32, #tpu.memory_space<vmem>>, vector<16xf32>,
          tpu.vector_store %arg8[%swap3A_454], %select_n3A {add = true, strides = array<i32>} : memref<352xf32, #tpu.memory_space<vmem>>, vector<16xf32>,
          %eq3A_456 = arith.cmpi eq, %iota3A, %broadcast_in_dim3A_7 : vector<16xi32>
          %broadcast_in_dim3A_457 = vector.broadcast %squeeze3A_441 : i32 to vector<16xi32>
          %select_n3A_458 = arith.select %eq3A_456, %broadcast_in_dim3A_457, %broadcast_in_dim3A_7 : vector<16xi1>, vector<16xi32>
          %swap3A_459 = arith.index_cast %sub3A_451 : i32 to index
          %swap3A_460 = tpu.vector_load %arg11[%swap3A_459] {strides = array<i32>} : memref<12408xi32, #tpu.memory_space<vmem>>, vector<16xi32>,
          tpu.vector_store %arg11[%swap3A_459], %select_n3A_458 {add = true, strides = array<i32>} : memref<12408xi32, #tpu.memory_space<vmem>>, vector<16xi32>,
          %slice3A_461 = vector.extract_strided_slice %get3A_189 {offsets = [13], sizes = [1], strides = [1]} : vector<16xi32> to vector<1xi32>
          %squeeze3A_462 = vector.extract %slice3A_461[0] : i32 from vector<1xi32>
          %and3A_463 = arith.constant 16383 : i32
          %and3A_464 = arith.andi %squeeze3A_462, %and3A_463 : i32
          %shift_right_logical3A_465 = arith.constant 14 : i32
          %shift_right_logical3A_466 = arith.shrui %squeeze3A_462, %shift_right_logical3A_465 : i32
          %get3A_467 = arith.index_cast %and3A_464 : i32 to index
          %get3A_468 = tpu.vector_load %arg9[%get3A_467] {strides = array<i32>} : memref<10016xi32, #tpu.memory_space<vmem>>, vector<16xi32>,
          %slice3A_469 = vector.extract_strided_slice %get3A_468 {offsets = [0], sizes = [1], strides = [1]} : vector<16xi32> to vector<1xi32>
          %squeeze3A_470 = vector.extract %slice3A_469[0] : i32 from vector<1xi32>
          %sub3A_471 = arith.constant 1 : i32
          %sub3A_472 = arith.subi %squeeze3A_470, %sub3A_471 : i32
          %swap3A_473 = arith.index_cast %and3A_464 : i32 to index
          %swap3A_474 = tpu.vector_load %arg9[%swap3A_473] {strides = array<i32>} : memref<10016xi32, #tpu.memory_space<vmem>>, vector<16xi32>,
          tpu.vector_store %arg9[%swap3A_473], %sub3A {add = true, strides = array<i32>} : memref<10016xi32, #tpu.memory_space<vmem>>, vector<16xi32>,
          %swap3A_475 = arith.index_cast %shift_right_logical3A_466 : i32 to index
          %swap3A_476 = tpu.vector_load %arg8[%swap3A_475] {strides = array<i32>} : memref<352xf32, #tpu.memory_space<vmem>>, vector<16xf32>,
          tpu.vector_store %arg8[%swap3A_475], %select_n3A {add = true, strides = array<i32>} : memref<352xf32, #tpu.memory_space<vmem>>, vector<16xf32>,
          %eq3A_477 = arith.cmpi eq, %iota3A, %broadcast_in_dim3A_7 : vector<16xi32>
          %broadcast_in_dim3A_478 = vector.broadcast %squeeze3A_462 : i32 to vector<16xi32>
          %select_n3A_479 = arith.select %eq3A_477, %broadcast_in_dim3A_478, %broadcast_in_dim3A_7 : vector<16xi1>, vector<16xi32>
          %swap3A_480 = arith.index_cast %sub3A_472 : i32 to index
          %swap3A_481 = tpu.vector_load %arg11[%swap3A_480] {strides = array<i32>} : memref<12408xi32, #tpu.memory_space<vmem>>, vector<16xi32>,
          tpu.vector_store %arg11[%swap3A_480], %select_n3A_479 {add = true, strides = array<i32>} : memref<12408xi32, #tpu.memory_space<vmem>>, vector<16xi32>,
          %slice3A_482 = vector.extract_strided_slice %get3A_189 {offsets = [14], sizes = [1], strides = [1]} : vector<16xi32> to vector<1xi32>
          %squeeze3A_483 = vector.extract %slice3A_482[0] : i32 from vector<1xi32>
          %and3A_484 = arith.constant 16383 : i32
          %and3A_485 = arith.andi %squeeze3A_483, %and3A_484 : i32
          %shift_right_logical3A_486 = arith.constant 14 : i32
          %shift_right_logical3A_487 = arith.shrui %squeeze3A_483, %shift_right_logical3A_486 : i32
          %get3A_488 = arith.index_cast %and3A_485 : i32 to index
          %get3A_489 = tpu.vector_load %arg9[%get3A_488] {strides = array<i32>} : memref<10016xi32, #tpu.memory_space<vmem>>, vector<16xi32>,
          %slice3A_490 = vector.extract_strided_slice %get3A_489 {offsets = [0], sizes = [1], strides = [1]} : vector<16xi32> to vector<1xi32>
          %squeeze3A_491 = vector.extract %slice3A_490[0] : i32 from vector<1xi32>
          %sub3A_492 = arith.constant 1 : i32
          %sub3A_493 = arith.subi %squeeze3A_491, %sub3A_492 : i32
          %swap3A_494 = arith.index_cast %and3A_485 : i32 to index
          %swap3A_495 = tpu.vector_load %arg9[%swap3A_494] {strides = array<i32>} : memref<10016xi32, #tpu.memory_space<vmem>>, vector<16xi32>,
          tpu.vector_store %arg9[%swap3A_494], %sub3A {add = true, strides = array<i32>} : memref<10016xi32, #tpu.memory_space<vmem>>, vector<16xi32>,
          %swap3A_496 = arith.index_cast %shift_right_logical3A_487 : i32 to index
          %swap3A_497 = tpu.vector_load %arg8[%swap3A_496] {strides = array<i32>} : memref<352xf32, #tpu.memory_space<vmem>>, vector<16xf32>,
          tpu.vector_store %arg8[%swap3A_496], %select_n3A {add = true, strides = array<i32>} : memref<352xf32, #tpu.memory_space<vmem>>, vector<16xf32>,
          %eq3A_498 = arith.cmpi eq, %iota3A, %broadcast_in_dim3A_7 : vector<16xi32>
          %broadcast_in_dim3A_499 = vector.broadcast %squeeze3A_483 : i32 to vector<16xi32>
          %select_n3A_500 = arith.select %eq3A_498, %broadcast_in_dim3A_499, %broadcast_in_dim3A_7 : vector<16xi1>, vector<16xi32>
          %swap3A_501 = arith.index_cast %sub3A_493 : i32 to index
          %swap3A_502 = tpu.vector_load %arg11[%swap3A_501] {strides = array<i32>} : memref<12408xi32, #tpu.memory_space<vmem>>, vector<16xi32>,
          tpu.vector_store %arg11[%swap3A_501], %select_n3A_500 {add = true, strides = array<i32>} : memref<12408xi32, #tpu.memory_space<vmem>>, vector<16xi32>,
          %slice3A_503 = vector.extract_strided_slice %get3A_189 {offsets = [15], sizes = [1], strides = [1]} : vector<16xi32> to vector<1xi32>
          %squeeze3A_504 = vector.extract %slice3A_503[0] : i32 from vector<1xi32>
          %and3A_505 = arith.constant 16383 : i32
          %and3A_506 = arith.andi %squeeze3A_504, %and3A_505 : i32
          %shift_right_logical3A_507 = arith.constant 14 : i32
          %shift_right_logical3A_508 = arith.shrui %squeeze3A_504, %shift_right_logical3A_507 : i32
          %get3A_509 = arith.index_cast %and3A_506 : i32 to index
          %get3A_510 = tpu.vector_load %arg9[%get3A_509] {strides = array<i32>} : memref<10016xi32, #tpu.memory_space<vmem>>, vector<16xi32>,
          %slice3A_511 = vector.extract_strided_slice %get3A_510 {offsets = [0], sizes = [1], strides = [1]} : vector<16xi32> to vector<1xi32>
          %squeeze3A_512 = vector.extract %slice3A_511[0] : i32 from vector<1xi32>
          %sub3A_513 = arith.constant 1 : i32
          %sub3A_514 = arith.subi %squeeze3A_512, %sub3A_513 : i32
          %swap3A_515 = arith.index_cast %and3A_506 : i32 to index
          %swap3A_516 = tpu.vector_load %arg9[%swap3A_515] {strides = array<i32>} : memref<10016xi32, #tpu.memory_space<vmem>>, vector<16xi32>,
          tpu.vector_store %arg9[%swap3A_515], %sub3A {add = true, strides = array<i32>} : memref<10016xi32, #tpu.memory_space<vmem>>, vector<16xi32>,
          %swap3A_517 = arith.index_cast %shift_right_logical3A_508 : i32 to index
          %swap3A_518 = tpu.vector_load %arg8[%swap3A_517] {strides = array<i32>} : memref<352xf32, #tpu.memory_space<vmem>>, vector<16xf32>,
          tpu.vector_store %arg8[%swap3A_517], %select_n3A {add = true, strides = array<i32>} : memref<352xf32, #tpu.memory_space<vmem>>, vector<16xf32>,
          %eq3A_519 = arith.cmpi eq, %iota3A, %broadcast_in_dim3A_7 : vector<16xi32>
          %broadcast_in_dim3A_520 = vector.broadcast %squeeze3A_504 : i32 to vector<16xi32>
          %select_n3A_521 = arith.select %eq3A_519, %broadcast_in_dim3A_520, %broadcast_in_dim3A_7 : vector<16xi1>, vector<16xi32>
          %swap3A_522 = arith.index_cast %sub3A_514 : i32 to index
          %swap3A_523 = tpu.vector_load %arg11[%swap3A_522] {strides = array<i32>} : memref<12408xi32, #tpu.memory_space<vmem>>, vector<16xi32>,
          tpu.vector_store %arg11[%swap3A_522], %select_n3A_521 {add = true, strides = array<i32>} : memref<12408xi32, #tpu.memory_space<vmem>>, vector<16xi32>,
        }
        %while3A_162 = arith.constant 1 : i32
        scf.for %while3A_185 = %while3A_160 to %while3A_156 step %while3A_162  : i32 {
          %mul3A_186 = arith.constant 16 : i32
          %mul3A_187 = arith.muli %while3A_185, %mul3A_186 : i32
          %get3A_188 = arith.index_cast %mul3A_187 : i32 to index
          %get3A_189 = tpu.vector_load %arg10[%get3A_188] {strides = array<i32>} : memref<12408xi32, #tpu.memory_space<vmem>>, vector<16xi32>,
          %slice3A_190 = vector.extract_strided_slice %get3A_189 {offsets = [0], sizes = [1], strides = [1]} : vector<16xi32> to vector<1xi32>
          %squeeze3A_191 = vector.extract %slice3A_190[0] : i32 from vector<1xi32>
          %and3A_192 = arith.constant 16383 : i32
          %and3A_193 = arith.andi %squeeze3A_191, %and3A_192 : i32
          %shift_right_logical3A = arith.constant 14 : i32
          %shift_right_logical3A_194 = arith.shrui %squeeze3A_191, %shift_right_logical3A : i32
          %get3A_195 = arith.index_cast %and3A_193 : i32 to index
          %get3A_196 = tpu.vector_load %arg9[%get3A_195] {strides = array<i32>} : memref<10016xi32, #tpu.memory_space<vmem>>, vector<16xi32>,
          %slice3A_197 = vector.extract_strided_slice %get3A_196 {offsets = [0], sizes = [1], strides = [1]} : vector<16xi32> to vector<1xi32>
          %squeeze3A_198 = vector.extract %slice3A_197[0] : i32 from vector<1xi32>
          %sub3A_199 = arith.constant 1 : i32
          %sub3A_200 = arith.subi %squeeze3A_198, %sub3A_199 : i32
          %swap3A = arith.index_cast %and3A_193 : i32 to index
          %swap3A_201 = tpu.vector_load %arg9[%swap3A] {strides = array<i32>} : memref<10016xi32, #tpu.memory_space<vmem>>, vector<16xi32>,
          tpu.vector_store %arg9[%swap3A], %sub3A {add = true, strides = array<i32>} : memref<10016xi32, #tpu.memory_space<vmem>>, vector<16xi32>,
          %swap3A_202 = arith.index_cast %shift_right_logical3A_194 : i32 to index
          %swap3A_203 = tpu.vector_load %arg8[%swap3A_202] {strides = array<i32>} : memref<352xf32, #tpu.memory_space<vmem>>, vector<16xf32>,
          tpu.vector_store %arg8[%swap3A_202], %select_n3A {add = true, strides = array<i32>} : memref<352xf32, #tpu.memory_space<vmem>>, vector<16xf32>,
          %eq3A_204 = arith.cmpi eq, %iota3A, %broadcast_in_dim3A_7 : vector<16xi32>
          %broadcast_in_dim3A_205 = vector.broadcast %squeeze3A_191 : i32 to vector<16xi32>
          %select_n3A_206 = arith.select %eq3A_204, %broadcast_in_dim3A_205, %broadcast_in_dim3A_7 : vector<16xi1>, vector<16xi32>
          %swap3A_207 = arith.index_cast %sub3A_200 : i32 to index
          %swap3A_208 = tpu.vector_load %arg11[%swap3A_207] {strides = array<i32>} : memref<12408xi32, #tpu.memory_space<vmem>>, vector<16xi32>,
          tpu.vector_store %arg11[%swap3A_207], %select_n3A_206 {add = true, strides = array<i32>} : memref<12408xi32, #tpu.memory_space<vmem>>, vector<16xi32>,
          %slice3A_209 = vector.extract_strided_slice %get3A_189 {offsets = [1], sizes = [1], strides = [1]} : vector<16xi32> to vector<1xi32>
          %squeeze3A_210 = vector.extract %slice3A_209[0] : i32 from vector<1xi32>
          %and3A_211 = arith.constant 16383 : i32
          %and3A_212 = arith.andi %squeeze3A_210, %and3A_211 : i32
          %shift_right_logical3A_213 = arith.constant 14 : i32
          %shift_right_logical3A_214 = arith.shrui %squeeze3A_210, %shift_right_logical3A_213 : i32
          %get3A_215 = arith.index_cast %and3A_212 : i32 to index
          %get3A_216 = tpu.vector_load %arg9[%get3A_215] {strides = array<i32>} : memref<10016xi32, #tpu.memory_space<vmem>>, vector<16xi32>,
          %slice3A_217 = vector.extract_strided_slice %get3A_216 {offsets = [0], sizes = [1], strides = [1]} : vector<16xi32> to vector<1xi32>
          %squeeze3A_218 = vector.extract %slice3A_217[0] : i32 from vector<1xi32>
          %sub3A_219 = arith.constant 1 : i32
          %sub3A_220 = arith.subi %squeeze3A_218, %sub3A_219 : i32
          %swap3A_221 = arith.index_cast %and3A_212 : i32 to index
          %swap3A_222 = tpu.vector_load %arg9[%swap3A_221] {strides = array<i32>} : memref<10016xi32, #tpu.memory_space<vmem>>, vector<16xi32>,
          tpu.vector_store %arg9[%swap3A_221], %sub3A {add = true, strides = array<i32>} : memref<10016xi32, #tpu.memory_space<vmem>>, vector<16xi32>,
          %swap3A_223 = arith.index_cast %shift_right_logical3A_214 : i32 to index
          %swap3A_224 = tpu.vector_load %arg8[%swap3A_223] {strides = array<i32>} : memref<352xf32, #tpu.memory_space<vmem>>, vector<16xf32>,
          tpu.vector_store %arg8[%swap3A_223], %select_n3A {add = true, strides = array<i32>} : memref<352xf32, #tpu.memory_space<vmem>>, vector<16xf32>,
          %eq3A_225 = arith.cmpi eq, %iota3A, %broadcast_in_dim3A_7 : vector<16xi32>
          %broadcast_in_dim3A_226 = vector.broadcast %squeeze3A_210 : i32 to vector<16xi32>
          %select_n3A_227 = arith.select %eq3A_225, %broadcast_in_dim3A_226, %broadcast_in_dim3A_7 : vector<16xi1>, vector<16xi32>
          %swap3A_228 = arith.index_cast %sub3A_220 : i32 to index
          %swap3A_229 = tpu.vector_load %arg11[%swap3A_228] {strides = array<i32>} : memref<12408xi32, #tpu.memory_space<vmem>>, vector<16xi32>,
          tpu.vector_store %arg11[%swap3A_228], %select_n3A_227 {add = true, strides = array<i32>} : memref<12408xi32, #tpu.memory_space<vmem>>, vector<16xi32>,
          %slice3A_230 = vector.extract_strided_slice %get3A_189 {offsets = [2], sizes = [1], strides = [1]} : vector<16xi32> to vector<1xi32>
          %squeeze3A_231 = vector.extract %slice3A_230[0] : i32 from vector<1xi32>
          %and3A_232 = arith.constant 16383 : i32
          %and3A_233 = arith.andi %squeeze3A_231, %and3A_232 : i32
          %shift_right_logical3A_234 = arith.constant 14 : i32
          %shift_right_logical3A_235 = arith.shrui %squeeze3A_231, %shift_right_logical3A_234 : i32
          %get3A_236 = arith.index_cast %and3A_233 : i32 to index
          %get3A_237 = tpu.vector_load %arg9[%get3A_236] {strides = array<i32>} : memref<10016xi32, #tpu.memory_space<vmem>>, vector<16xi32>,
          %slice3A_238 = vector.extract_strided_slice %get3A_237 {offsets = [0], sizes = [1], strides = [1]} : vector<16xi32> to vector<1xi32>
          %squeeze3A_239 = vector.extract %slice3A_238[0] : i32 from vector<1xi32>
          %sub3A_240 = arith.constant 1 : i32
          %sub3A_241 = arith.subi %squeeze3A_239, %sub3A_240 : i32
          %swap3A_242 = arith.index_cast %and3A_233 : i32 to index
          %swap3A_243 = tpu.vector_load %arg9[%swap3A_242] {strides = array<i32>} : memref<10016xi32, #tpu.memory_space<vmem>>, vector<16xi32>,
          tpu.vector_store %arg9[%swap3A_242], %sub3A {add = true, strides = array<i32>} : memref<10016xi32, #tpu.memory_space<vmem>>, vector<16xi32>,
          %swap3A_244 = arith.index_cast %shift_right_logical3A_235 : i32 to index
          %swap3A_245 = tpu.vector_load %arg8[%swap3A_244] {strides = array<i32>} : memref<352xf32, #tpu.memory_space<vmem>>, vector<16xf32>,
          tpu.vector_store %arg8[%swap3A_244], %select_n3A {add = true, strides = array<i32>} : memref<352xf32, #tpu.memory_space<vmem>>, vector<16xf32>,
          %eq3A_246 = arith.cmpi eq, %iota3A, %broadcast_in_dim3A_7 : vector<16xi32>
          %broadcast_in_dim3A_247 = vector.broadcast %squeeze3A_231 : i32 to vector<16xi32>
          %select_n3A_248 = arith.select %eq3A_246, %broadcast_in_dim3A_247, %broadcast_in_dim3A_7 : vector<16xi1>, vector<16xi32>
          %swap3A_249 = arith.index_cast %sub3A_241 : i32 to index
          %swap3A_250 = tpu.vector_load %arg11[%swap3A_249] {strides = array<i32>} : memref<12408xi32, #tpu.memory_space<vmem>>, vector<16xi32>,
          tpu.vector_store %arg11[%swap3A_249], %select_n3A_248 {add = true, strides = array<i32>} : memref<12408xi32, #tpu.memory_space<vmem>>, vector<16xi32>,
          %slice3A_251 = vector.extract_strided_slice %get3A_189 {offsets = [3], sizes = [1], strides = [1]} : vector<16xi32> to vector<1xi32>
          %squeeze3A_252 = vector.extract %slice3A_251[0] : i32 from vector<1xi32>
          %and3A_253 = arith.constant 16383 : i32
          %and3A_254 = arith.andi %squeeze3A_252, %and3A_253 : i32
          %shift_right_logical3A_255 = arith.constant 14 : i32
          %shift_right_logical3A_256 = arith.shrui %squeeze3A_252, %shift_right_logical3A_255 : i32
          %get3A_257 = arith.index_cast %and3A_254 : i32 to index
          %get3A_258 = tpu.vector_load %arg9[%get3A_257] {strides = array<i32>} : memref<10016xi32, #tpu.memory_space<vmem>>, vector<16xi32>,
          %slice3A_259 = vector.extract_strided_slice %get3A_258 {offsets = [0], sizes = [1], strides = [1]} : vector<16xi32> to vector<1xi32>
          %squeeze3A_260 = vector.extract %slice3A_259[0] : i32 from vector<1xi32>
          %sub3A_261 = arith.constant 1 : i32
          %sub3A_262 = arith.subi %squeeze3A_260, %sub3A_261 : i32
          %swap3A_263 = arith.index_cast %and3A_254 : i32 to index
          %swap3A_264 = tpu.vector_load %arg9[%swap3A_263] {strides = array<i32>} : memref<10016xi32, #tpu.memory_space<vmem>>, vector<16xi32>,
          tpu.vector_store %arg9[%swap3A_263], %sub3A {add = true, strides = array<i32>} : memref<10016xi32, #tpu.memory_space<vmem>>, vector<16xi32>,
          %swap3A_265 = arith.index_cast %shift_right_logical3A_256 : i32 to index
          %swap3A_266 = tpu.vector_load %arg8[%swap3A_265] {strides = array<i32>} : memref<352xf32, #tpu.memory_space<vmem>>, vector<16xf32>,
          tpu.vector_store %arg8[%swap3A_265], %select_n3A {add = true, strides = array<i32>} : memref<352xf32, #tpu.memory_space<vmem>>, vector<16xf32>,
          %eq3A_267 = arith.cmpi eq, %iota3A, %broadcast_in_dim3A_7 : vector<16xi32>
          %broadcast_in_dim3A_268 = vector.broadcast %squeeze3A_252 : i32 to vector<16xi32>
          %select_n3A_269 = arith.select %eq3A_267, %broadcast_in_dim3A_268, %broadcast_in_dim3A_7 : vector<16xi1>, vector<16xi32>
          %swap3A_270 = arith.index_cast %sub3A_262 : i32 to index
          %swap3A_271 = tpu.vector_load %arg11[%swap3A_270] {strides = array<i32>} : memref<12408xi32, #tpu.memory_space<vmem>>, vector<16xi32>,
          tpu.vector_store %arg11[%swap3A_270], %select_n3A_269 {add = true, strides = array<i32>} : memref<12408xi32, #tpu.memory_space<vmem>>, vector<16xi32>,
          %slice3A_272 = vector.extract_strided_slice %get3A_189 {offsets = [4], sizes = [1], strides = [1]} : vector<16xi32> to vector<1xi32>
          %squeeze3A_273 = vector.extract %slice3A_272[0] : i32 from vector<1xi32>
          %and3A_274 = arith.constant 16383 : i32
          %and3A_275 = arith.andi %squeeze3A_273, %and3A_274 : i32
          %shift_right_logical3A_276 = arith.constant 14 : i32
          %shift_right_logical3A_277 = arith.shrui %squeeze3A_273, %shift_right_logical3A_276 : i32
          %get3A_278 = arith.index_cast %and3A_275 : i32 to index
          %get3A_279 = tpu.vector_load %arg9[%get3A_278] {strides = array<i32>} : memref<10016xi32, #tpu.memory_space<vmem>>, vector<16xi32>,
          %slice3A_280 = vector.extract_strided_slice %get3A_279 {offsets = [0], sizes = [1], strides = [1]} : vector<16xi32> to vector<1xi32>
          %squeeze3A_281 = vector.extract %slice3A_280[0] : i32 from vector<1xi32>
          %sub3A_282 = arith.constant 1 : i32
          %sub3A_283 = arith.subi %squeeze3A_281, %sub3A_282 : i32
          %swap3A_284 = arith.index_cast %and3A_275 : i32 to index
          %swap3A_285 = tpu.vector_load %arg9[%swap3A_284] {strides = array<i32>} : memref<10016xi32, #tpu.memory_space<vmem>>, vector<16xi32>,
          tpu.vector_store %arg9[%swap3A_284], %sub3A {add = true, strides = array<i32>} : memref<10016xi32, #tpu.memory_space<vmem>>, vector<16xi32>,
          %swap3A_286 = arith.index_cast %shift_right_logical3A_277 : i32 to index
          %swap3A_287 = tpu.vector_load %arg8[%swap3A_286] {strides = array<i32>} : memref<352xf32, #tpu.memory_space<vmem>>, vector<16xf32>,
          tpu.vector_store %arg8[%swap3A_286], %select_n3A {add = true, strides = array<i32>} : memref<352xf32, #tpu.memory_space<vmem>>, vector<16xf32>,
          %eq3A_288 = arith.cmpi eq, %iota3A, %broadcast_in_dim3A_7 : vector<16xi32>
          %broadcast_in_dim3A_289 = vector.broadcast %squeeze3A_273 : i32 to vector<16xi32>
          %select_n3A_290 = arith.select %eq3A_288, %broadcast_in_dim3A_289, %broadcast_in_dim3A_7 : vector<16xi1>, vector<16xi32>
          %swap3A_291 = arith.index_cast %sub3A_283 : i32 to index
          %swap3A_292 = tpu.vector_load %arg11[%swap3A_291] {strides = array<i32>} : memref<12408xi32, #tpu.memory_space<vmem>>, vector<16xi32>,
          tpu.vector_store %arg11[%swap3A_291], %select_n3A_290 {add = true, strides = array<i32>} : memref<12408xi32, #tpu.memory_space<vmem>>, vector<16xi32>,
          %slice3A_293 = vector.extract_strided_slice %get3A_189 {offsets = [5], sizes = [1], strides = [1]} : vector<16xi32> to vector<1xi32>
          %squeeze3A_294 = vector.extract %slice3A_293[0] : i32 from vector<1xi32>
          %and3A_295 = arith.constant 16383 : i32
          %and3A_296 = arith.andi %squeeze3A_294, %and3A_295 : i32
          %shift_right_logical3A_297 = arith.constant 14 : i32
          %shift_right_logical3A_298 = arith.shrui %squeeze3A_294, %shift_right_logical3A_297 : i32
          %get3A_299 = arith.index_cast %and3A_296 : i32 to index
          %get3A_300 = tpu.vector_load %arg9[%get3A_299] {strides = array<i32>} : memref<10016xi32, #tpu.memory_space<vmem>>, vector<16xi32>,
          %slice3A_301 = vector.extract_strided_slice %get3A_300 {offsets = [0], sizes = [1], strides = [1]} : vector<16xi32> to vector<1xi32>
          %squeeze3A_302 = vector.extract %slice3A_301[0] : i32 from vector<1xi32>
          %sub3A_303 = arith.constant 1 : i32
          %sub3A_304 = arith.subi %squeeze3A_302, %sub3A_303 : i32
          %swap3A_305 = arith.index_cast %and3A_296 : i32 to index
          %swap3A_306 = tpu.vector_load %arg9[%swap3A_305] {strides = array<i32>} : memref<10016xi32, #tpu.memory_space<vmem>>, vector<16xi32>,
          tpu.vector_store %arg9[%swap3A_305], %sub3A {add = true, strides = array<i32>} : memref<10016xi32, #tpu.memory_space<vmem>>, vector<16xi32>,
          %swap3A_307 = arith.index_cast %shift_right_logical3A_298 : i32 to index
          %swap3A_308 = tpu.vector_load %arg8[%swap3A_307] {strides = array<i32>} : memref<352xf32, #tpu.memory_space<vmem>>, vector<16xf32>,
          tpu.vector_store %arg8[%swap3A_307], %select_n3A {add = true, strides = array<i32>} : memref<352xf32, #tpu.memory_space<vmem>>, vector<16xf32>,
          %eq3A_309 = arith.cmpi eq, %iota3A, %broadcast_in_dim3A_7 : vector<16xi32>
          %broadcast_in_dim3A_310 = vector.broadcast %squeeze3A_294 : i32 to vector<16xi32>
          %select_n3A_311 = arith.select %eq3A_309, %broadcast_in_dim3A_310, %broadcast_in_dim3A_7 : vector<16xi1>, vector<16xi32>
          %swap3A_312 = arith.index_cast %sub3A_304 : i32 to index
          %swap3A_313 = tpu.vector_load %arg11[%swap3A_312] {strides = array<i32>} : memref<12408xi32, #tpu.memory_space<vmem>>, vector<16xi32>,
          tpu.vector_store %arg11[%swap3A_312], %select_n3A_311 {add = true, strides = array<i32>} : memref<12408xi32, #tpu.memory_space<vmem>>, vector<16xi32>,
          %slice3A_314 = vector.extract_strided_slice %get3A_189 {offsets = [6], sizes = [1], strides = [1]} : vector<16xi32> to vector<1xi32>
          %squeeze3A_315 = vector.extract %slice3A_314[0] : i32 from vector<1xi32>
          %and3A_316 = arith.constant 16383 : i32
          %and3A_317 = arith.andi %squeeze3A_315, %and3A_316 : i32
          %shift_right_logical3A_318 = arith.constant 14 : i32
          %shift_right_logical3A_319 = arith.shrui %squeeze3A_315, %shift_right_logical3A_318 : i32
          %get3A_320 = arith.index_cast %and3A_317 : i32 to index
          %get3A_321 = tpu.vector_load %arg9[%get3A_320] {strides = array<i32>} : memref<10016xi32, #tpu.memory_space<vmem>>, vector<16xi32>,
          %slice3A_322 = vector.extract_strided_slice %get3A_321 {offsets = [0], sizes = [1], strides = [1]} : vector<16xi32> to vector<1xi32>
          %squeeze3A_323 = vector.extract %slice3A_322[0] : i32 from vector<1xi32>
          %sub3A_324 = arith.constant 1 : i32
          %sub3A_325 = arith.subi %squeeze3A_323, %sub3A_324 : i32
          %swap3A_326 = arith.index_cast %and3A_317 : i32 to index
          %swap3A_327 = tpu.vector_load %arg9[%swap3A_326] {strides = array<i32>} : memref<10016xi32, #tpu.memory_space<vmem>>, vector<16xi32>,
          tpu.vector_store %arg9[%swap3A_326], %sub3A {add = true, strides = array<i32>} : memref<10016xi32, #tpu.memory_space<vmem>>, vector<16xi32>,
          %swap3A_328 = arith.index_cast %shift_right_logical3A_319 : i32 to index
          %swap3A_329 = tpu.vector_load %arg8[%swap3A_328] {strides = array<i32>} : memref<352xf32, #tpu.memory_space<vmem>>, vector<16xf32>,
          tpu.vector_store %arg8[%swap3A_328], %select_n3A {add = true, strides = array<i32>} : memref<352xf32, #tpu.memory_space<vmem>>, vector<16xf32>,
          %eq3A_330 = arith.cmpi eq, %iota3A, %broadcast_in_dim3A_7 : vector<16xi32>
          %broadcast_in_dim3A_331 = vector.broadcast %squeeze3A_315 : i32 to vector<16xi32>
          %select_n3A_332 = arith.select %eq3A_330, %broadcast_in_dim3A_331, %broadcast_in_dim3A_7 : vector<16xi1>, vector<16xi32>
          %swap3A_333 = arith.index_cast %sub3A_325 : i32 to index
          %swap3A_334 = tpu.vector_load %arg11[%swap3A_333] {strides = array<i32>} : memref<12408xi32, #tpu.memory_space<vmem>>, vector<16xi32>,
          tpu.vector_store %arg11[%swap3A_333], %select_n3A_332 {add = true, strides = array<i32>} : memref<12408xi32, #tpu.memory_space<vmem>>, vector<16xi32>,
          %slice3A_335 = vector.extract_strided_slice %get3A_189 {offsets = [7], sizes = [1], strides = [1]} : vector<16xi32> to vector<1xi32>
          %squeeze3A_336 = vector.extract %slice3A_335[0] : i32 from vector<1xi32>
          %and3A_337 = arith.constant 16383 : i32
          %and3A_338 = arith.andi %squeeze3A_336, %and3A_337 : i32
          %shift_right_logical3A_339 = arith.constant 14 : i32
          %shift_right_logical3A_340 = arith.shrui %squeeze3A_336, %shift_right_logical3A_339 : i32
          %get3A_341 = arith.index_cast %and3A_338 : i32 to index
          %get3A_342 = tpu.vector_load %arg9[%get3A_341] {strides = array<i32>} : memref<10016xi32, #tpu.memory_space<vmem>>, vector<16xi32>,
          %slice3A_343 = vector.extract_strided_slice %get3A_342 {offsets = [0], sizes = [1], strides = [1]} : vector<16xi32> to vector<1xi32>
          %squeeze3A_344 = vector.extract %slice3A_343[0] : i32 from vector<1xi32>
          %sub3A_345 = arith.constant 1 : i32
          %sub3A_346 = arith.subi %squeeze3A_344, %sub3A_345 : i32
          %swap3A_347 = arith.index_cast %and3A_338 : i32 to index
          %swap3A_348 = tpu.vector_load %arg9[%swap3A_347] {strides = array<i32>} : memref<10016xi32, #tpu.memory_space<vmem>>, vector<16xi32>,
          tpu.vector_store %arg9[%swap3A_347], %sub3A {add = true, strides = array<i32>} : memref<10016xi32, #tpu.memory_space<vmem>>, vector<16xi32>,
          %swap3A_349 = arith.index_cast %shift_right_logical3A_340 : i32 to index
          %swap3A_350 = tpu.vector_load %arg8[%swap3A_349] {strides = array<i32>} : memref<352xf32, #tpu.memory_space<vmem>>, vector<16xf32>,
          tpu.vector_store %arg8[%swap3A_349], %select_n3A {add = true, strides = array<i32>} : memref<352xf32, #tpu.memory_space<vmem>>, vector<16xf32>,
          %eq3A_351 = arith.cmpi eq, %iota3A, %broadcast_in_dim3A_7 : vector<16xi32>
          %broadcast_in_dim3A_352 = vector.broadcast %squeeze3A_336 : i32 to vector<16xi32>
          %select_n3A_353 = arith.select %eq3A_351, %broadcast_in_dim3A_352, %broadcast_in_dim3A_7 : vector<16xi1>, vector<16xi32>
          %swap3A_354 = arith.index_cast %sub3A_346 : i32 to index
          %swap3A_355 = tpu.vector_load %arg11[%swap3A_354] {strides = array<i32>} : memref<12408xi32, #tpu.memory_space<vmem>>, vector<16xi32>,
          tpu.vector_store %arg11[%swap3A_354], %select_n3A_353 {add = true, strides = array<i32>} : memref<12408xi32, #tpu.memory_space<vmem>>, vector<16xi32>,
          %slice3A_356 = vector.extract_strided_slice %get3A_189 {offsets = [8], sizes = [1], strides = [1]} : vector<16xi32> to vector<1xi32>
          %squeeze3A_357 = vector.extract %slice3A_356[0] : i32 from vector<1xi32>
          %and3A_358 = arith.constant 16383 : i32
          %and3A_359 = arith.andi %squeeze3A_357, %and3A_358 : i32
          %shift_right_logical3A_360 = arith.constant 14 : i32
          %shift_right_logical3A_361 = arith.shrui %squeeze3A_357, %shift_right_logical3A_360 : i32
          %get3A_362 = arith.index_cast %and3A_359 : i32 to index
          %get3A_363 = tpu.vector_load %arg9[%get3A_362] {strides = array<i32>} : memref<10016xi32, #tpu.memory_space<vmem>>, vector<16xi32>,
          %slice3A_364 = vector.extract_strided_slice %get3A_363 {offsets = [0], sizes = [1], strides = [1]} : vector<16xi32> to vector<1xi32>
          %squeeze3A_365 = vector.extract %slice3A_364[0] : i32 from vector<1xi32>
          %sub3A_366 = arith.constant 1 : i32
          %sub3A_367 = arith.subi %squeeze3A_365, %sub3A_366 : i32
          %swap3A_368 = arith.index_cast %and3A_359 : i32 to index
          %swap3A_369 = tpu.vector_load %arg9[%swap3A_368] {strides = array<i32>} : memref<10016xi32, #tpu.memory_space<vmem>>, vector<16xi32>,
          tpu.vector_store %arg9[%swap3A_368], %sub3A {add = true, strides = array<i32>} : memref<10016xi32, #tpu.memory_space<vmem>>, vector<16xi32>,
          %swap3A_370 = arith.index_cast %shift_right_logical3A_361 : i32 to index
          %swap3A_371 = tpu.vector_load %arg8[%swap3A_370] {strides = array<i32>} : memref<352xf32, #tpu.memory_space<vmem>>, vector<16xf32>,
          tpu.vector_store %arg8[%swap3A_370], %select_n3A {add = true, strides = array<i32>} : memref<352xf32, #tpu.memory_space<vmem>>, vector<16xf32>,
          %eq3A_372 = arith.cmpi eq, %iota3A, %broadcast_in_dim3A_7 : vector<16xi32>
          %broadcast_in_dim3A_373 = vector.broadcast %squeeze3A_357 : i32 to vector<16xi32>
          %select_n3A_374 = arith.select %eq3A_372, %broadcast_in_dim3A_373, %broadcast_in_dim3A_7 : vector<16xi1>, vector<16xi32>
          %swap3A_375 = arith.index_cast %sub3A_367 : i32 to index
          %swap3A_376 = tpu.vector_load %arg11[%swap3A_375] {strides = array<i32>} : memref<12408xi32, #tpu.memory_space<vmem>>, vector<16xi32>,
          tpu.vector_store %arg11[%swap3A_375], %select_n3A_374 {add = true, strides = array<i32>} : memref<12408xi32, #tpu.memory_space<vmem>>, vector<16xi32>,
          %slice3A_377 = vector.extract_strided_slice %get3A_189 {offsets = [9], sizes = [1], strides = [1]} : vector<16xi32> to vector<1xi32>
          %squeeze3A_378 = vector.extract %slice3A_377[0] : i32 from vector<1xi32>
          %and3A_379 = arith.constant 16383 : i32
          %and3A_380 = arith.andi %squeeze3A_378, %and3A_379 : i32
          %shift_right_logical3A_381 = arith.constant 14 : i32
          %shift_right_logical3A_382 = arith.shrui %squeeze3A_378, %shift_right_logical3A_381 : i32
          %get3A_383 = arith.index_cast %and3A_380 : i32 to index
          %get3A_384 = tpu.vector_load %arg9[%get3A_383] {strides = array<i32>} : memref<10016xi32, #tpu.memory_space<vmem>>, vector<16xi32>,
          %slice3A_385 = vector.extract_strided_slice %get3A_384 {offsets = [0], sizes = [1], strides = [1]} : vector<16xi32> to vector<1xi32>
          %squeeze3A_386 = vector.extract %slice3A_385[0] : i32 from vector<1xi32>
          %sub3A_387 = arith.constant 1 : i32
          %sub3A_388 = arith.subi %squeeze3A_386, %sub3A_387 : i32
          %swap3A_389 = arith.index_cast %and3A_380 : i32 to index
          %swap3A_390 = tpu.vector_load %arg9[%swap3A_389] {strides = array<i32>} : memref<10016xi32, #tpu.memory_space<vmem>>, vector<16xi32>,
          tpu.vector_store %arg9[%swap3A_389], %sub3A {add = true, strides = array<i32>} : memref<10016xi32, #tpu.memory_space<vmem>>, vector<16xi32>,
          %swap3A_391 = arith.index_cast %shift_right_logical3A_382 : i32 to index
          %swap3A_392 = tpu.vector_load %arg8[%swap3A_391] {strides = array<i32>} : memref<352xf32, #tpu.memory_space<vmem>>, vector<16xf32>,
          tpu.vector_store %arg8[%swap3A_391], %select_n3A {add = true, strides = array<i32>} : memref<352xf32, #tpu.memory_space<vmem>>, vector<16xf32>,
          %eq3A_393 = arith.cmpi eq, %iota3A, %broadcast_in_dim3A_7 : vector<16xi32>
          %broadcast_in_dim3A_394 = vector.broadcast %squeeze3A_378 : i32 to vector<16xi32>
          %select_n3A_395 = arith.select %eq3A_393, %broadcast_in_dim3A_394, %broadcast_in_dim3A_7 : vector<16xi1>, vector<16xi32>
          %swap3A_396 = arith.index_cast %sub3A_388 : i32 to index
          %swap3A_397 = tpu.vector_load %arg11[%swap3A_396] {strides = array<i32>} : memref<12408xi32, #tpu.memory_space<vmem>>, vector<16xi32>,
          tpu.vector_store %arg11[%swap3A_396], %select_n3A_395 {add = true, strides = array<i32>} : memref<12408xi32, #tpu.memory_space<vmem>>, vector<16xi32>,
          %slice3A_398 = vector.extract_strided_slice %get3A_189 {offsets = [10], sizes = [1], strides = [1]} : vector<16xi32> to vector<1xi32>
          %squeeze3A_399 = vector.extract %slice3A_398[0] : i32 from vector<1xi32>
          %and3A_400 = arith.constant 16383 : i32
          %and3A_401 = arith.andi %squeeze3A_399, %and3A_400 : i32
          %shift_right_logical3A_402 = arith.constant 14 : i32
          %shift_right_logical3A_403 = arith.shrui %squeeze3A_399, %shift_right_logical3A_402 : i32
          %get3A_404 = arith.index_cast %and3A_401 : i32 to index
          %get3A_405 = tpu.vector_load %arg9[%get3A_404] {strides = array<i32>} : memref<10016xi32, #tpu.memory_space<vmem>>, vector<16xi32>,
          %slice3A_406 = vector.extract_strided_slice %get3A_405 {offsets = [0], sizes = [1], strides = [1]} : vector<16xi32> to vector<1xi32>
          %squeeze3A_407 = vector.extract %slice3A_406[0] : i32 from vector<1xi32>
          %sub3A_408 = arith.constant 1 : i32
          %sub3A_409 = arith.subi %squeeze3A_407, %sub3A_408 : i32
          %swap3A_410 = arith.index_cast %and3A_401 : i32 to index
          %swap3A_411 = tpu.vector_load %arg9[%swap3A_410] {strides = array<i32>} : memref<10016xi32, #tpu.memory_space<vmem>>, vector<16xi32>,
          tpu.vector_store %arg9[%swap3A_410], %sub3A {add = true, strides = array<i32>} : memref<10016xi32, #tpu.memory_space<vmem>>, vector<16xi32>,
          %swap3A_412 = arith.index_cast %shift_right_logical3A_403 : i32 to index
          %swap3A_413 = tpu.vector_load %arg8[%swap3A_412] {strides = array<i32>} : memref<352xf32, #tpu.memory_space<vmem>>, vector<16xf32>,
          tpu.vector_store %arg8[%swap3A_412], %select_n3A {add = true, strides = array<i32>} : memref<352xf32, #tpu.memory_space<vmem>>, vector<16xf32>,
          %eq3A_414 = arith.cmpi eq, %iota3A, %broadcast_in_dim3A_7 : vector<16xi32>
          %broadcast_in_dim3A_415 = vector.broadcast %squeeze3A_399 : i32 to vector<16xi32>
          %select_n3A_416 = arith.select %eq3A_414, %broadcast_in_dim3A_415, %broadcast_in_dim3A_7 : vector<16xi1>, vector<16xi32>
          %swap3A_417 = arith.index_cast %sub3A_409 : i32 to index
          %swap3A_418 = tpu.vector_load %arg11[%swap3A_417] {strides = array<i32>} : memref<12408xi32, #tpu.memory_space<vmem>>, vector<16xi32>,
          tpu.vector_store %arg11[%swap3A_417], %select_n3A_416 {add = true, strides = array<i32>} : memref<12408xi32, #tpu.memory_space<vmem>>, vector<16xi32>,
          %slice3A_419 = vector.extract_strided_slice %get3A_189 {offsets = [11], sizes = [1], strides = [1]} : vector<16xi32> to vector<1xi32>
          %squeeze3A_420 = vector.extract %slice3A_419[0] : i32 from vector<1xi32>
          %and3A_421 = arith.constant 16383 : i32
          %and3A_422 = arith.andi %squeeze3A_420, %and3A_421 : i32
          %shift_right_logical3A_423 = arith.constant 14 : i32
          %shift_right_logical3A_424 = arith.shrui %squeeze3A_420, %shift_right_logical3A_423 : i32
          %get3A_425 = arith.index_cast %and3A_422 : i32 to index
          %get3A_426 = tpu.vector_load %arg9[%get3A_425] {strides = array<i32>} : memref<10016xi32, #tpu.memory_space<vmem>>, vector<16xi32>,
          %slice3A_427 = vector.extract_strided_slice %get3A_426 {offsets = [0], sizes = [1], strides = [1]} : vector<16xi32> to vector<1xi32>
          %squeeze3A_428 = vector.extract %slice3A_427[0] : i32 from vector<1xi32>
          %sub3A_429 = arith.constant 1 : i32
          %sub3A_430 = arith.subi %squeeze3A_428, %sub3A_429 : i32
          %swap3A_431 = arith.index_cast %and3A_422 : i32 to index
          %swap3A_432 = tpu.vector_load %arg9[%swap3A_431] {strides = array<i32>} : memref<10016xi32, #tpu.memory_space<vmem>>, vector<16xi32>,
          tpu.vector_store %arg9[%swap3A_431], %sub3A {add = true, strides = array<i32>} : memref<10016xi32, #tpu.memory_space<vmem>>, vector<16xi32>,
          %swap3A_433 = arith.index_cast %shift_right_logical3A_424 : i32 to index
          %swap3A_434 = tpu.vector_load %arg8[%swap3A_433] {strides = array<i32>} : memref<352xf32, #tpu.memory_space<vmem>>, vector<16xf32>,
          tpu.vector_store %arg8[%swap3A_433], %select_n3A {add = true, strides = array<i32>} : memref<352xf32, #tpu.memory_space<vmem>>, vector<16xf32>,
          %eq3A_435 = arith.cmpi eq, %iota3A, %broadcast_in_dim3A_7 : vector<16xi32>
          %broadcast_in_dim3A_436 = vector.broadcast %squeeze3A_420 : i32 to vector<16xi32>
          %select_n3A_437 = arith.select %eq3A_435, %broadcast_in_dim3A_436, %broadcast_in_dim3A_7 : vector<16xi1>, vector<16xi32>
          %swap3A_438 = arith.index_cast %sub3A_430 : i32 to index
          %swap3A_439 = tpu.vector_load %arg11[%swap3A_438] {strides = array<i32>} : memref<12408xi32, #tpu.memory_space<vmem>>, vector<16xi32>,
          tpu.vector_store %arg11[%swap3A_438], %select_n3A_437 {add = true, strides = array<i32>} : memref<12408xi32, #tpu.memory_space<vmem>>, vector<16xi32>,
          %slice3A_440 = vector.extract_strided_slice %get3A_189 {offsets = [12], sizes = [1], strides = [1]} : vector<16xi32> to vector<1xi32>
          %squeeze3A_441 = vector.extract %slice3A_440[0] : i32 from vector<1xi32>
          %and3A_442 = arith.constant 16383 : i32
          %and3A_443 = arith.andi %squeeze3A_441, %and3A_442 : i32
          %shift_right_logical3A_444 = arith.constant 14 : i32
          %shift_right_logical3A_445 = arith.shrui %squeeze3A_441, %shift_right_logical3A_444 : i32
          %get3A_446 = arith.index_cast %and3A_443 : i32 to index
          %get3A_447 = tpu.vector_load %arg9[%get3A_446] {strides = array<i32>} : memref<10016xi32, #tpu.memory_space<vmem>>, vector<16xi32>,
          %slice3A_448 = vector.extract_strided_slice %get3A_447 {offsets = [0], sizes = [1], strides = [1]} : vector<16xi32> to vector<1xi32>
          %squeeze3A_449 = vector.extract %slice3A_448[0] : i32 from vector<1xi32>
          %sub3A_450 = arith.constant 1 : i32
          %sub3A_451 = arith.subi %squeeze3A_449, %sub3A_450 : i32
          %swap3A_452 = arith.index_cast %and3A_443 : i32 to index
          %swap3A_453 = tpu.vector_load %arg9[%swap3A_452] {strides = array<i32>} : memref<10016xi32, #tpu.memory_space<vmem>>, vector<16xi32>,
          tpu.vector_store %arg9[%swap3A_452], %sub3A {add = true, strides = array<i32>} : memref<10016xi32, #tpu.memory_space<vmem>>, vector<16xi32>,
          %swap3A_454 = arith.index_cast %shift_right_logical3A_445 : i32 to index
          %swap3A_455 = tpu.vector_load %arg8[%swap3A_454] {strides = array<i32>} : memref<352xf32, #tpu.memory_space<vmem>>, vector<16xf32>,
          tpu.vector_store %arg8[%swap3A_454], %select_n3A {add = true, strides = array<i32>} : memref<352xf32, #tpu.memory_space<vmem>>, vector<16xf32>,
          %eq3A_456 = arith.cmpi eq, %iota3A, %broadcast_in_dim3A_7 : vector<16xi32>
          %broadcast_in_dim3A_457 = vector.broadcast %squeeze3A_441 : i32 to vector<16xi32>
          %select_n3A_458 = arith.select %eq3A_456, %broadcast_in_dim3A_457, %broadcast_in_dim3A_7 : vector<16xi1>, vector<16xi32>
          %swap3A_459 = arith.index_cast %sub3A_451 : i32 to index
          %swap3A_460 = tpu.vector_load %arg11[%swap3A_459] {strides = array<i32>} : memref<12408xi32, #tpu.memory_space<vmem>>, vector<16xi32>,
          tpu.vector_store %arg11[%swap3A_459], %select_n3A_458 {add = true, strides = array<i32>} : memref<12408xi32, #tpu.memory_space<vmem>>, vector<16xi32>,
          %slice3A_461 = vector.extract_strided_slice %get3A_189 {offsets = [13], sizes = [1], strides = [1]} : vector<16xi32> to vector<1xi32>
          %squeeze3A_462 = vector.extract %slice3A_461[0] : i32 from vector<1xi32>
          %and3A_463 = arith.constant 16383 : i32
          %and3A_464 = arith.andi %squeeze3A_462, %and3A_463 : i32
          %shift_right_logical3A_465 = arith.constant 14 : i32
          %shift_right_logical3A_466 = arith.shrui %squeeze3A_462, %shift_right_logical3A_465 : i32
          %get3A_467 = arith.index_cast %and3A_464 : i32 to index
          %get3A_468 = tpu.vector_load %arg9[%get3A_467] {strides = array<i32>} : memref<10016xi32, #tpu.memory_space<vmem>>, vector<16xi32>,
          %slice3A_469 = vector.extract_strided_slice %get3A_468 {offsets = [0], sizes = [1], strides = [1]} : vector<16xi32> to vector<1xi32>
          %squeeze3A_470 = vector.extract %slice3A_469[0] : i32 from vector<1xi32>
          %sub3A_471 = arith.constant 1 : i32
          %sub3A_472 = arith.subi %squeeze3A_470, %sub3A_471 : i32
          %swap3A_473 = arith.index_cast %and3A_464 : i32 to index
          %swap3A_474 = tpu.vector_load %arg9[%swap3A_473] {strides = array<i32>} : memref<10016xi32, #tpu.memory_space<vmem>>, vector<16xi32>,
          tpu.vector_store %arg9[%swap3A_473], %sub3A {add = true, strides = array<i32>} : memref<10016xi32, #tpu.memory_space<vmem>>, vector<16xi32>,
          %swap3A_475 = arith.index_cast %shift_right_logical3A_466 : i32 to index
          %swap3A_476 = tpu.vector_load %arg8[%swap3A_475] {strides = array<i32>} : memref<352xf32, #tpu.memory_space<vmem>>, vector<16xf32>,
          tpu.vector_store %arg8[%swap3A_475], %select_n3A {add = true, strides = array<i32>} : memref<352xf32, #tpu.memory_space<vmem>>, vector<16xf32>,
          %eq3A_477 = arith.cmpi eq, %iota3A, %broadcast_in_dim3A_7 : vector<16xi32>
          %broadcast_in_dim3A_478 = vector.broadcast %squeeze3A_462 : i32 to vector<16xi32>
          %select_n3A_479 = arith.select %eq3A_477, %broadcast_in_dim3A_478, %broadcast_in_dim3A_7 : vector<16xi1>, vector<16xi32>
          %swap3A_480 = arith.index_cast %sub3A_472 : i32 to index
          %swap3A_481 = tpu.vector_load %arg11[%swap3A_480] {strides = array<i32>} : memref<12408xi32, #tpu.memory_space<vmem>>, vector<16xi32>,
          tpu.vector_store %arg11[%swap3A_480], %select_n3A_479 {add = true, strides = array<i32>} : memref<12408xi32, #tpu.memory_space<vmem>>, vector<16xi32>,
          %slice3A_482 = vector.extract_strided_slice %get3A_189 {offsets = [14], sizes = [1], strides = [1]} : vector<16xi32> to vector<1xi32>
          %squeeze3A_483 = vector.extract %slice3A_482[0] : i32 from vector<1xi32>
          %and3A_484 = arith.constant 16383 : i32
          %and3A_485 = arith.andi %squeeze3A_483, %and3A_484 : i32
          %shift_right_logical3A_486 = arith.constant 14 : i32
          %shift_right_logical3A_487 = arith.shrui %squeeze3A_483, %shift_right_logical3A_486 : i32
          %get3A_488 = arith.index_cast %and3A_485 : i32 to index
          %get3A_489 = tpu.vector_load %arg9[%get3A_488] {strides = array<i32>} : memref<10016xi32, #tpu.memory_space<vmem>>, vector<16xi32>,
          %slice3A_490 = vector.extract_strided_slice %get3A_489 {offsets = [0], sizes = [1], strides = [1]} : vector<16xi32> to vector<1xi32>
          %squeeze3A_491 = vector.extract %slice3A_490[0] : i32 from vector<1xi32>
          %sub3A_492 = arith.constant 1 : i32
          %sub3A_493 = arith.subi %squeeze3A_491, %sub3A_492 : i32
          %swap3A_494 = arith.index_cast %and3A_485 : i32 to index
          %swap3A_495 = tpu.vector_load %arg9[%swap3A_494] {strides = array<i32>} : memref<10016xi32, #tpu.memory_space<vmem>>, vector<16xi32>,
          tpu.vector_store %arg9[%swap3A_494], %sub3A {add = true, strides = array<i32>} : memref<10016xi32, #tpu.memory_space<vmem>>, vector<16xi32>,
          %swap3A_496 = arith.index_cast %shift_right_logical3A_487 : i32 to index
          %swap3A_497 = tpu.vector_load %arg8[%swap3A_496] {strides = array<i32>} : memref<352xf32, #tpu.memory_space<vmem>>, vector<16xf32>,
          tpu.vector_store %arg8[%swap3A_496], %select_n3A {add = true, strides = array<i32>} : memref<352xf32, #tpu.memory_space<vmem>>, vector<16xf32>,
          %eq3A_498 = arith.cmpi eq, %iota3A, %broadcast_in_dim3A_7 : vector<16xi32>
          %broadcast_in_dim3A_499 = vector.broadcast %squeeze3A_483 : i32 to vector<16xi32>
          %select_n3A_500 = arith.select %eq3A_498, %broadcast_in_dim3A_499, %broadcast_in_dim3A_7 : vector<16xi1>, vector<16xi32>
          %swap3A_501 = arith.index_cast %sub3A_493 : i32 to index
          %swap3A_502 = tpu.vector_load %arg11[%swap3A_501] {strides = array<i32>} : memref<12408xi32, #tpu.memory_space<vmem>>, vector<16xi32>,
          tpu.vector_store %arg11[%swap3A_501], %select_n3A_500 {add = true, strides = array<i32>} : memref<12408xi32, #tpu.memory_space<vmem>>, vector<16xi32>,
          %slice3A_503 = vector.extract_strided_slice %get3A_189 {offsets = [15], sizes = [1], strides = [1]} : vector<16xi32> to vector<1xi32>
          %squeeze3A_504 = vector.extract %slice3A_503[0] : i32 from vector<1xi32>
          %and3A_505 = arith.constant 16383 : i32
          %and3A_506 = arith.andi %squeeze3A_504, %and3A_505 : i32
          %shift_right_logical3A_507 = arith.constant 14 : i32
          %shift_right_logical3A_508 = arith.shrui %squeeze3A_504, %shift_right_logical3A_507 : i32
          %get3A_509 = arith.index_cast %and3A_506 : i32 to index
          %get3A_510 = tpu.vector_load %arg9[%get3A_509] {strides = array<i32>} : memref<10016xi32, #tpu.memory_space<vmem>>, vector<16xi32>,
          %slice3A_511 = vector.extract_strided_slice %get3A_510 {offsets = [0], sizes = [1], strides = [1]} : vector<16xi32> to vector<1xi32>
          %squeeze3A_512 = vector.extract %slice3A_511[0] : i32 from vector<1xi32>
          %sub3A_513 = arith.constant 1 : i32
          %sub3A_514 = arith.subi %squeeze3A_512, %sub3A_513 : i32
          %swap3A_515 = arith.index_cast %and3A_506 : i32 to index
          %swap3A_516 = tpu.vector_load %arg9[%swap3A_515] {strides = array<i32>} : memref<10016xi32, #tpu.memory_space<vmem>>, vector<16xi32>,
          tpu.vector_store %arg9[%swap3A_515], %sub3A {add = true, strides = array<i32>} : memref<10016xi32, #tpu.memory_space<vmem>>, vector<16xi32>,
          %swap3A_517 = arith.index_cast %shift_right_logical3A_508 : i32 to index
          %swap3A_518 = tpu.vector_load %arg8[%swap3A_517] {strides = array<i32>} : memref<352xf32, #tpu.memory_space<vmem>>, vector<16xf32>,
          tpu.vector_store %arg8[%swap3A_517], %select_n3A {add = true, strides = array<i32>} : memref<352xf32, #tpu.memory_space<vmem>>, vector<16xf32>,
          %eq3A_519 = arith.cmpi eq, %iota3A, %broadcast_in_dim3A_7 : vector<16xi32>
          %broadcast_in_dim3A_520 = vector.broadcast %squeeze3A_504 : i32 to vector<16xi32>
          %select_n3A_521 = arith.select %eq3A_519, %broadcast_in_dim3A_520, %broadcast_in_dim3A_7 : vector<16xi1>, vector<16xi32>
          %swap3A_522 = arith.index_cast %sub3A_514 : i32 to index
          %swap3A_523 = tpu.vector_load %arg11[%swap3A_522] {strides = array<i32>} : memref<12408xi32, #tpu.memory_space<vmem>>, vector<16xi32>,
          tpu.vector_store %arg11[%swap3A_522], %select_n3A_521 {add = true, strides = array<i32>} : memref<12408xi32, #tpu.memory_space<vmem>>, vector<16xi32>,
        }
        %scan3A_163 = arith.constant 0 : i32
        %scan3A_164 = arith.constant 0 : i32
        %scan3A_165 = arith.constant 313 : i32
        %scan3A_166 = arith.addi %scan3A_164, %scan3A_165 : i32
        %scan3A_167 = arith.constant 1 : i32
        scf.for %scan3A_185 = %scan3A_164 to %scan3A_166 step %scan3A_167  : i32 {
          %mul3A_186 = arith.constant 2 : i32
          %mul3A_187 = arith.muli %mul3A_186, %scan3A_185 : i32
          %dma_wait3A = arith.constant 0 : i32
          %dma_wait3A_188 = arith.constant 0 : i32
          %dma_wait3A_189 = tpu.memref_slice %arg4[%dma_wait3A, %dma_wait3A_188] : memref<5000x128xi32, #tpu.memory_space<hbm>> -> memref<8x128xi32, #tpu.memory_space<hbm>>
          %dma_wait3A_190 = arith.constant 0 : i32
          %dma_wait3A_191 = arith.constant 0 : i32
          %dma_wait3A_192 = tpu.memref_slice %arg4[%dma_wait3A_190, %dma_wait3A_191] : memref<5000x128xi32, #tpu.memory_space<hbm>> -> memref<8x128xi32, #tpu.memory_space<hbm>>
          tpu.wait_dma2 semaphore(%arg19 : memref<!tpu.dma_semaphore, #tpu.memory_space<semaphore_mem>>) src(%dma_wait3A_192 : memref<8x128xi32, #tpu.memory_space<hbm>>) dst(%arg14 : memref<8x128xi32, #tpu.memory_space<vmem>>)
          %mul3A_193 = arith.constant 16 : i32
          %mul3A_194 = arith.muli %mul3A_187, %mul3A_193 : i32
          %get3A_195 = arith.index_cast %mul3A_194 : i32 to index
          %get3A_196 = tpu.vector_load %arg9[%get3A_195] {strides = array<i32>} : memref<10016xi32, #tpu.memory_space<vmem>>, vector<16xi32>,
          %slice3A_197 = vector.extract_strided_slice %get3A_196 {offsets = [0], sizes = [1], strides = [1]} : vector<16xi32> to vector<1xi32>
          %squeeze3A_198 = vector.extract %slice3A_197[0] : i32 from vector<1xi32>
          %add3A_199 = arith.constant 16 : i32
          %add3A_200 = arith.addi %mul3A_194, %add3A_199 : i32
          %get3A_201 = arith.index_cast %add3A_200 : i32 to index
          %get3A_202 = tpu.vector_load %arg9[%get3A_201] {strides = array<i32>} : memref<10016xi32, #tpu.memory_space<vmem>>, vector<16xi32>,
          %slice3A_203 = vector.extract_strided_slice %get3A_202 {offsets = [0], sizes = [1], strides = [1]} : vector<16xi32> to vector<1xi32>
          %squeeze3A_204 = vector.extract %slice3A_203[0] : i32 from vector<1xi32>
          %shift_right_arithmetic3A_205 = arith.constant 1 : i32
          %shift_right_arithmetic3A_206 = arith.shrsi %mul3A_194, %shift_right_arithmetic3A_205 : i32
          %sub3A_207 = arith.subi %squeeze3A_204, %squeeze3A_198 : i32
          %while3A_208 = arith.constant 0 : i32
          %while3A_209 = arith.constant 0 : i32
          %while3A_210 = arith.subi %sub3A_207, %while3A_209 : i32
          %while3A_211 = arith.addi %while3A_209, %while3A_210 : i32
          %while3A_212 = arith.constant 1 : i32
          %while3A_213 = arith.divsi %while3A_210, %while3A_212 : i32
          %while3A_214 = arith.muli %while3A_213, %while3A_212 : i32
          %while3A_215 = arith.addi %while3A_209, %while3A_214 : i32
          %while3A_216 = arith.constant 1 : i32
          scf.for %while3A_232 = %while3A_209 to %while3A_215 step %while3A_216  : i32 {
            %add3A_233 = arith.addi %squeeze3A_198, %while3A_232 : i32
            %get3A_234 = arith.index_cast %add3A_233 : i32 to index
            %get3A_235 = tpu.vector_load %arg11[%get3A_234] {strides = array<i32>} : memref<12408xi32, #tpu.memory_space<vmem>>, vector<16xi32>,
            %slice3A_236 = vector.extract_strided_slice %get3A_235 {offsets = [0], sizes = [1], strides = [1]} : vector<16xi32> to vector<1xi32>
            %squeeze3A_237 = vector.extract %slice3A_236[0] : i32 from vector<1xi32>
            %shift_right_logical3A = arith.constant 14 : i32
            %shift_right_logical3A_238 = arith.shrui %squeeze3A_237, %shift_right_logical3A : i32
            %and3A_239 = arith.constant 16383 : i32
            %and3A_240 = arith.andi %squeeze3A_237, %and3A_239 : i32
            %mul3A_241 = arith.constant 128 : i32
            %mul3A_242 = arith.muli %shift_right_logical3A_238, %mul3A_241 : i32
            %shift_right_logical3A_243 = arith.constant 1 : i32
            %shift_right_logical3A_244 = arith.shrui %and3A_240, %shift_right_logical3A_243 : i32
            %sub3A_245 = arith.subi %shift_right_logical3A_244, %shift_right_arithmetic3A_206 : i32
            %and3A_246 = arith.constant 1 : i32
            %and3A_247 = arith.andi %and3A_240, %and3A_246 : i32
            %mul3A_248 = arith.constant 64 : i32
            %mul3A_249 = arith.muli %and3A_247, %mul3A_248 : i32
            %add3A_250 = arith.constant 0 : i32
            %add3A_251 = arith.addi %mul3A_249, %add3A_250 : i32
            %get3A_252 = arith.index_cast %sub3A_245 : i32 to index
            %get3A_253 = arith.index_cast %add3A_251 : i32 to index
            %get3A_254 = tpu.vector_load %arg14[%get3A_252, %get3A_253] {strides = array<i32>} : memref<8x128xi32, #tpu.memory_space<vmem>>, vector<16xi32>,
            %shift_left3A_255 = arith.shli %get3A_254, %broadcast_in_dim3A_19 : vector<16xi32>
            %bitcast3A = vector.bitcast %shift_left3A_255 : vector<16xi32> to vector<16xf32>
            %and3A_256 = arith.andi %get3A_254, %broadcast_in_dim3A_17 : vector<16xi32>
            %bitcast3A_257 = vector.bitcast %and3A_256 : vector<16xi32> to vector<16xf32>
            %add3A_258 = arith.constant 0 : i32
            %add3A_259 = arith.addi %mul3A_242, %add3A_258 : i32
            %swap3A = arith.index_cast %add3A_259 : i32 to index
            %swap3A_260 = tpu.vector_load %arg6[%swap3A] {strides = array<i32>} : memref<41088xf32, #tpu.memory_space<vmem>>, vector<16xf32>,
            tpu.vector_store %arg6[%swap3A], %bitcast3A {add = true, strides = array<i32>} : memref<41088xf32, #tpu.memory_space<vmem>>, vector<16xf32>,
            %add3A_261 = arith.constant 0 : i32
            %add3A_262 = arith.addi %mul3A_242, %add3A_261 : i32
            %add3A_263 = arith.constant 16 : i32
            %add3A_264 = arith.addi %add3A_262, %add3A_263 : i32
            %swap3A_265 = arith.index_cast %add3A_264 : i32 to index
            %swap3A_266 = tpu.vector_load %arg6[%swap3A_265] {strides = array<i32>} : memref<41088xf32, #tpu.memory_space<vmem>>, vector<16xf32>,
            tpu.vector_store %arg6[%swap3A_265], %bitcast3A_257 {add = true, strides = array<i32>} : memref<41088xf32, #tpu.memory_space<vmem>>, vector<16xf32>,
            %add3A_267 = arith.constant 0 : i32
            %add3A_268 = arith.addi %mul3A_242, %add3A_267 : i32
            %get3A_269 = arith.index_cast %add3A_268 : i32 to index
            %get3A_270 = tpu.vector_load %arg7[%get3A_269] {strides = array<i32>} : memref<41088xf32, #tpu.memory_space<vmem>>, vector<16xf32>,
            %max3A = arith.maximumf %get3A_270, %bitcast3A : vector<16xf32>
            %add3A_271 = arith.constant 0 : i32
            %add3A_272 = arith.addi %mul3A_242, %add3A_271 : i32
            %swap3A_273 = arith.index_cast %add3A_272 : i32 to index
            %swap3A_274 = tpu.vector_load %arg7[%swap3A_273] {strides = array<i32>} : memref<41088xf32, #tpu.memory_space<vmem>>, vector<16xf32>,
            tpu.vector_store %arg7[%swap3A_273], %max3A {strides = array<i32>} : memref<41088xf32, #tpu.memory_space<vmem>>, vector<16xf32>,
            %add3A_275 = arith.constant 0 : i32
            %add3A_276 = arith.addi %mul3A_242, %add3A_275 : i32
            %add3A_277 = arith.constant 16 : i32
            %add3A_278 = arith.addi %add3A_276, %add3A_277 : i32
            %get3A_279 = arith.index_cast %add3A_278 : i32 to index
            %get3A_280 = tpu.vector_load %arg7[%get3A_279] {strides = array<i32>} : memref<41088xf32, #tpu.memory_space<vmem>>, vector<16xf32>,
            %max3A_281 = arith.maximumf %get3A_280, %bitcast3A_257 : vector<16xf32>
            %add3A_282 = arith.constant 0 : i32
            %add3A_283 = arith.addi %mul3A_242, %add3A_282 : i32
            %add3A_284 = arith.constant 16 : i32
            %add3A_285 = arith.addi %add3A_283, %add3A_284 : i32
            %swap3A_286 = arith.index_cast %add3A_285 : i32 to index
            %swap3A_287 = tpu.vector_load %arg7[%swap3A_286] {strides = array<i32>} : memref<41088xf32, #tpu.memory_space<vmem>>, vector<16xf32>,
            tpu.vector_store %arg7[%swap3A_286], %max3A_281 {strides = array<i32>} : memref<41088xf32, #tpu.memory_space<vmem>>, vector<16xf32>,
            %add3A_288 = arith.constant 16 : i32
            %add3A_289 = arith.addi %mul3A_249, %add3A_288 : i32
            %get3A_290 = arith.index_cast %sub3A_245 : i32 to index
            %get3A_291 = arith.index_cast %add3A_289 : i32 to index
            %get3A_292 = tpu.vector_load %arg14[%get3A_290, %get3A_291] {strides = array<i32>} : memref<8x128xi32, #tpu.memory_space<vmem>>, vector<16xi32>,
            %shift_left3A_293 = arith.shli %get3A_292, %broadcast_in_dim3A_19 : vector<16xi32>
            %bitcast3A_294 = vector.bitcast %shift_left3A_293 : vector<16xi32> to vector<16xf32>
            %and3A_295 = arith.andi %get3A_292, %broadcast_in_dim3A_17 : vector<16xi32>
            %bitcast3A_296 = vector.bitcast %and3A_295 : vector<16xi32> to vector<16xf32>
            %add3A_297 = arith.constant 32 : i32
            %add3A_298 = arith.addi %mul3A_242, %add3A_297 : i32
            %swap3A_299 = arith.index_cast %add3A_298 : i32 to index
            %swap3A_300 = tpu.vector_load %arg6[%swap3A_299] {strides = array<i32>} : memref<41088xf32, #tpu.memory_space<vmem>>, vector<16xf32>,
            tpu.vector_store %arg6[%swap3A_299], %bitcast3A_294 {add = true, strides = array<i32>} : memref<41088xf32, #tpu.memory_space<vmem>>, vector<16xf32>,
            %add3A_301 = arith.constant 32 : i32
            %add3A_302 = arith.addi %mul3A_242, %add3A_301 : i32
            %add3A_303 = arith.constant 16 : i32
            %add3A_304 = arith.addi %add3A_302, %add3A_303 : i32
            %swap3A_305 = arith.index_cast %add3A_304 : i32 to index
            %swap3A_306 = tpu.vector_load %arg6[%swap3A_305] {strides = array<i32>} : memref<41088xf32, #tpu.memory_space<vmem>>, vector<16xf32>,
            tpu.vector_store %arg6[%swap3A_305], %bitcast3A_296 {add = true, strides = array<i32>} : memref<41088xf32, #tpu.memory_space<vmem>>, vector<16xf32>,
            %add3A_307 = arith.constant 32 : i32
            %add3A_308 = arith.addi %mul3A_242, %add3A_307 : i32
            %get3A_309 = arith.index_cast %add3A_308 : i32 to index
            %get3A_310 = tpu.vector_load %arg7[%get3A_309] {strides = array<i32>} : memref<41088xf32, #tpu.memory_space<vmem>>, vector<16xf32>,
            %max3A_311 = arith.maximumf %get3A_310, %bitcast3A_294 : vector<16xf32>
            %add3A_312 = arith.constant 32 : i32
            %add3A_313 = arith.addi %mul3A_242, %add3A_312 : i32
            %swap3A_314 = arith.index_cast %add3A_313 : i32 to index
            %swap3A_315 = tpu.vector_load %arg7[%swap3A_314] {strides = array<i32>} : memref<41088xf32, #tpu.memory_space<vmem>>, vector<16xf32>,
            tpu.vector_store %arg7[%swap3A_314], %max3A_311 {strides = array<i32>} : memref<41088xf32, #tpu.memory_space<vmem>>, vector<16xf32>,
            %add3A_316 = arith.constant 32 : i32
            %add3A_317 = arith.addi %mul3A_242, %add3A_316 : i32
            %add3A_318 = arith.constant 16 : i32
            %add3A_319 = arith.addi %add3A_317, %add3A_318 : i32
            %get3A_320 = arith.index_cast %add3A_319 : i32 to index
            %get3A_321 = tpu.vector_load %arg7[%get3A_320] {strides = array<i32>} : memref<41088xf32, #tpu.memory_space<vmem>>, vector<16xf32>,
            %max3A_322 = arith.maximumf %get3A_321, %bitcast3A_296 : vector<16xf32>
            %add3A_323 = arith.constant 32 : i32
            %add3A_324 = arith.addi %mul3A_242, %add3A_323 : i32
            %add3A_325 = arith.constant 16 : i32
            %add3A_326 = arith.addi %add3A_324, %add3A_325 : i32
            %swap3A_327 = arith.index_cast %add3A_326 : i32 to index
            %swap3A_328 = tpu.vector_load %arg7[%swap3A_327] {strides = array<i32>} : memref<41088xf32, #tpu.memory_space<vmem>>, vector<16xf32>,
            tpu.vector_store %arg7[%swap3A_327], %max3A_322 {strides = array<i32>} : memref<41088xf32, #tpu.memory_space<vmem>>, vector<16xf32>,
            %add3A_329 = arith.constant 32 : i32
            %add3A_330 = arith.addi %mul3A_249, %add3A_329 : i32
            %get3A_331 = arith.index_cast %sub3A_245 : i32 to index
            %get3A_332 = arith.index_cast %add3A_330 : i32 to index
            %get3A_333 = tpu.vector_load %arg14[%get3A_331, %get3A_332] {strides = array<i32>} : memref<8x128xi32, #tpu.memory_space<vmem>>, vector<16xi32>,
            %shift_left3A_334 = arith.shli %get3A_333, %broadcast_in_dim3A_19 : vector<16xi32>
            %bitcast3A_335 = vector.bitcast %shift_left3A_334 : vector<16xi32> to vector<16xf32>
            %and3A_336 = arith.andi %get3A_333, %broadcast_in_dim3A_17 : vector<16xi32>
            %bitcast3A_337 = vector.bitcast %and3A_336 : vector<16xi32> to vector<16xf32>
            %add3A_338 = arith.constant 64 : i32
            %add3A_339 = arith.addi %mul3A_242, %add3A_338 : i32
            %swap3A_340 = arith.index_cast %add3A_339 : i32 to index
            %swap3A_341 = tpu.vector_load %arg6[%swap3A_340] {strides = array<i32>} : memref<41088xf32, #tpu.memory_space<vmem>>, vector<16xf32>,
            tpu.vector_store %arg6[%swap3A_340], %bitcast3A_335 {add = true, strides = array<i32>} : memref<41088xf32, #tpu.memory_space<vmem>>, vector<16xf32>,
            %add3A_342 = arith.constant 64 : i32
            %add3A_343 = arith.addi %mul3A_242, %add3A_342 : i32
            %add3A_344 = arith.constant 16 : i32
            %add3A_345 = arith.addi %add3A_343, %add3A_344 : i32
            %swap3A_346 = arith.index_cast %add3A_345 : i32 to index
            %swap3A_347 = tpu.vector_load %arg6[%swap3A_346] {strides = array<i32>} : memref<41088xf32, #tpu.memory_space<vmem>>, vector<16xf32>,
            tpu.vector_store %arg6[%swap3A_346], %bitcast3A_337 {add = true, strides = array<i32>} : memref<41088xf32, #tpu.memory_space<vmem>>, vector<16xf32>,
            %add3A_348 = arith.constant 64 : i32
            %add3A_349 = arith.addi %mul3A_242, %add3A_348 : i32
            %get3A_350 = arith.index_cast %add3A_349 : i32 to index
            %get3A_351 = tpu.vector_load %arg7[%get3A_350] {strides = array<i32>} : memref<41088xf32, #tpu.memory_space<vmem>>, vector<16xf32>,
            %max3A_352 = arith.maximumf %get3A_351, %bitcast3A_335 : vector<16xf32>
            %add3A_353 = arith.constant 64 : i32
            %add3A_354 = arith.addi %mul3A_242, %add3A_353 : i32
            %swap3A_355 = arith.index_cast %add3A_354 : i32 to index
            %swap3A_356 = tpu.vector_load %arg7[%swap3A_355] {strides = array<i32>} : memref<41088xf32, #tpu.memory_space<vmem>>, vector<16xf32>,
            tpu.vector_store %arg7[%swap3A_355], %max3A_352 {strides = array<i32>} : memref<41088xf32, #tpu.memory_space<vmem>>, vector<16xf32>,
            %add3A_357 = arith.constant 64 : i32
            %add3A_358 = arith.addi %mul3A_242, %add3A_357 : i32
            %add3A_359 = arith.constant 16 : i32
            %add3A_360 = arith.addi %add3A_358, %add3A_359 : i32
            %get3A_361 = arith.index_cast %add3A_360 : i32 to index
            %get3A_362 = tpu.vector_load %arg7[%get3A_361] {strides = array<i32>} : memref<41088xf32, #tpu.memory_space<vmem>>, vector<16xf32>,
            %max3A_363 = arith.maximumf %get3A_362, %bitcast3A_337 : vector<16xf32>
            %add3A_364 = arith.constant 64 : i32
            %add3A_365 = arith.addi %mul3A_242, %add3A_364 : i32
            %add3A_366 = arith.constant 16 : i32
            %add3A_367 = arith.addi %add3A_365, %add3A_366 : i32
            %swap3A_368 = arith.index_cast %add3A_367 : i32 to index
            %swap3A_369 = tpu.vector_load %arg7[%swap3A_368] {strides = array<i32>} : memref<41088xf32, #tpu.memory_space<vmem>>, vector<16xf32>,
            tpu.vector_store %arg7[%swap3A_368], %max3A_363 {strides = array<i32>} : memref<41088xf32, #tpu.memory_space<vmem>>, vector<16xf32>,
            %add3A_370 = arith.constant 48 : i32
            %add3A_371 = arith.addi %mul3A_249, %add3A_370 : i32
            %get3A_372 = arith.index_cast %sub3A_245 : i32 to index
            %get3A_373 = arith.index_cast %add3A_371 : i32 to index
            %get3A_374 = tpu.vector_load %arg14[%get3A_372, %get3A_373] {strides = array<i32>} : memref<8x128xi32, #tpu.memory_space<vmem>>, vector<16xi32>,
            %shift_left3A_375 = arith.shli %get3A_374, %broadcast_in_dim3A_19 : vector<16xi32>
            %bitcast3A_376 = vector.bitcast %shift_left3A_375 : vector<16xi32> to vector<16xf32>
            %and3A_377 = arith.andi %get3A_374, %broadcast_in_dim3A_17 : vector<16xi32>
            %bitcast3A_378 = vector.bitcast %and3A_377 : vector<16xi32> to vector<16xf32>
            %add3A_379 = arith.constant 96 : i32
            %add3A_380 = arith.addi %mul3A_242, %add3A_379 : i32
            %swap3A_381 = arith.index_cast %add3A_380 : i32 to index
            %swap3A_382 = tpu.vector_load %arg6[%swap3A_381] {strides = array<i32>} : memref<41088xf32, #tpu.memory_space<vmem>>, vector<16xf32>,
            tpu.vector_store %arg6[%swap3A_381], %bitcast3A_376 {add = true, strides = array<i32>} : memref<41088xf32, #tpu.memory_space<vmem>>, vector<16xf32>,
            %add3A_383 = arith.constant 96 : i32
            %add3A_384 = arith.addi %mul3A_242, %add3A_383 : i32
            %add3A_385 = arith.constant 16 : i32
            %add3A_386 = arith.addi %add3A_384, %add3A_385 : i32
            %swap3A_387 = arith.index_cast %add3A_386 : i32 to index
            %swap3A_388 = tpu.vector_load %arg6[%swap3A_387] {strides = array<i32>} : memref<41088xf32, #tpu.memory_space<vmem>>, vector<16xf32>,
            tpu.vector_store %arg6[%swap3A_387], %bitcast3A_378 {add = true, strides = array<i32>} : memref<41088xf32, #tpu.memory_space<vmem>>, vector<16xf32>,
            %add3A_389 = arith.constant 96 : i32
            %add3A_390 = arith.addi %mul3A_242, %add3A_389 : i32
            %get3A_391 = arith.index_cast %add3A_390 : i32 to index
            %get3A_392 = tpu.vector_load %arg7[%get3A_391] {strides = array<i32>} : memref<41088xf32, #tpu.memory_space<vmem>>, vector<16xf32>,
            %max3A_393 = arith.maximumf %get3A_392, %bitcast3A_376 : vector<16xf32>
            %add3A_394 = arith.constant 96 : i32
            %add3A_395 = arith.addi %mul3A_242, %add3A_394 : i32
            %swap3A_396 = arith.index_cast %add3A_395 : i32 to index
            %swap3A_397 = tpu.vector_load %arg7[%swap3A_396] {strides = array<i32>} : memref<41088xf32, #tpu.memory_space<vmem>>, vector<16xf32>,
            tpu.vector_store %arg7[%swap3A_396], %max3A_393 {strides = array<i32>} : memref<41088xf32, #tpu.memory_space<vmem>>, vector<16xf32>,
            %add3A_398 = arith.constant 96 : i32
            %add3A_399 = arith.addi %mul3A_242, %add3A_398 : i32
            %add3A_400 = arith.constant 16 : i32
            %add3A_401 = arith.addi %add3A_399, %add3A_400 : i32
            %get3A_402 = arith.index_cast %add3A_401 : i32 to index
            %get3A_403 = tpu.vector_load %arg7[%get3A_402] {strides = array<i32>} : memref<41088xf32, #tpu.memory_space<vmem>>, vector<16xf32>,
            %max3A_404 = arith.maximumf %get3A_403, %bitcast3A_378 : vector<16xf32>
            %add3A_405 = arith.constant 96 : i32
            %add3A_406 = arith.addi %mul3A_242, %add3A_405 : i32
            %add3A_407 = arith.constant 16 : i32
            %add3A_408 = arith.addi %add3A_406, %add3A_407 : i32
            %swap3A_409 = arith.index_cast %add3A_408 : i32 to index
            %swap3A_410 = tpu.vector_load %arg7[%swap3A_409] {strides = array<i32>} : memref<41088xf32, #tpu.memory_space<vmem>>, vector<16xf32>,
            tpu.vector_store %arg7[%swap3A_409], %max3A_404 {strides = array<i32>} : memref<41088xf32, #tpu.memory_space<vmem>>, vector<16xf32>,
          }
          %while3A_217 = arith.constant 1 : i32
          scf.for %while3A_232 = %while3A_215 to %while3A_211 step %while3A_217  : i32 {
            %add3A_233 = arith.addi %squeeze3A_198, %while3A_232 : i32
            %get3A_234 = arith.index_cast %add3A_233 : i32 to index
            %get3A_235 = tpu.vector_load %arg11[%get3A_234] {strides = array<i32>} : memref<12408xi32, #tpu.memory_space<vmem>>, vector<16xi32>,
            %slice3A_236 = vector.extract_strided_slice %get3A_235 {offsets = [0], sizes = [1], strides = [1]} : vector<16xi32> to vector<1xi32>
            %squeeze3A_237 = vector.extract %slice3A_236[0] : i32 from vector<1xi32>
            %shift_right_logical3A = arith.constant 14 : i32
            %shift_right_logical3A_238 = arith.shrui %squeeze3A_237, %shift_right_logical3A : i32
            %and3A_239 = arith.constant 16383 : i32
            %and3A_240 = arith.andi %squeeze3A_237, %and3A_239 : i32
            %mul3A_241 = arith.constant 128 : i32
            %mul3A_242 = arith.muli %shift_right_logical3A_238, %mul3A_241 : i32
            %shift_right_logical3A_243 = arith.constant 1 : i32
            %shift_right_logical3A_244 = arith.shrui %and3A_240, %shift_right_logical3A_243 : i32
            %sub3A_245 = arith.subi %shift_right_logical3A_244, %shift_right_arithmetic3A_206 : i32
            %and3A_246 = arith.constant 1 : i32
            %and3A_247 = arith.andi %and3A_240, %and3A_246 : i32
            %mul3A_248 = arith.constant 64 : i32
            %mul3A_249 = arith.muli %and3A_247, %mul3A_248 : i32
            %add3A_250 = arith.constant 0 : i32
            %add3A_251 = arith.addi %mul3A_249, %add3A_250 : i32
            %get3A_252 = arith.index_cast %sub3A_245 : i32 to index
            %get3A_253 = arith.index_cast %add3A_251 : i32 to index
            %get3A_254 = tpu.vector_load %arg14[%get3A_252, %get3A_253] {strides = array<i32>} : memref<8x128xi32, #tpu.memory_space<vmem>>, vector<16xi32>,
            %shift_left3A_255 = arith.shli %get3A_254, %broadcast_in_dim3A_19 : vector<16xi32>
            %bitcast3A = vector.bitcast %shift_left3A_255 : vector<16xi32> to vector<16xf32>
            %and3A_256 = arith.andi %get3A_254, %broadcast_in_dim3A_17 : vector<16xi32>
            %bitcast3A_257 = vector.bitcast %and3A_256 : vector<16xi32> to vector<16xf32>
            %add3A_258 = arith.constant 0 : i32
            %add3A_259 = arith.addi %mul3A_242, %add3A_258 : i32
            %swap3A = arith.index_cast %add3A_259 : i32 to index
            %swap3A_260 = tpu.vector_load %arg6[%swap3A] {strides = array<i32>} : memref<41088xf32, #tpu.memory_space<vmem>>, vector<16xf32>,
            tpu.vector_store %arg6[%swap3A], %bitcast3A {add = true, strides = array<i32>} : memref<41088xf32, #tpu.memory_space<vmem>>, vector<16xf32>,
            %add3A_261 = arith.constant 0 : i32
            %add3A_262 = arith.addi %mul3A_242, %add3A_261 : i32
            %add3A_263 = arith.constant 16 : i32
            %add3A_264 = arith.addi %add3A_262, %add3A_263 : i32
            %swap3A_265 = arith.index_cast %add3A_264 : i32 to index
            %swap3A_266 = tpu.vector_load %arg6[%swap3A_265] {strides = array<i32>} : memref<41088xf32, #tpu.memory_space<vmem>>, vector<16xf32>,
            tpu.vector_store %arg6[%swap3A_265], %bitcast3A_257 {add = true, strides = array<i32>} : memref<41088xf32, #tpu.memory_space<vmem>>, vector<16xf32>,
            %add3A_267 = arith.constant 0 : i32
            %add3A_268 = arith.addi %mul3A_242, %add3A_267 : i32
            %get3A_269 = arith.index_cast %add3A_268 : i32 to index
            %get3A_270 = tpu.vector_load %arg7[%get3A_269] {strides = array<i32>} : memref<41088xf32, #tpu.memory_space<vmem>>, vector<16xf32>,
            %max3A = arith.maximumf %get3A_270, %bitcast3A : vector<16xf32>
            %add3A_271 = arith.constant 0 : i32
            %add3A_272 = arith.addi %mul3A_242, %add3A_271 : i32
            %swap3A_273 = arith.index_cast %add3A_272 : i32 to index
            %swap3A_274 = tpu.vector_load %arg7[%swap3A_273] {strides = array<i32>} : memref<41088xf32, #tpu.memory_space<vmem>>, vector<16xf32>,
            tpu.vector_store %arg7[%swap3A_273], %max3A {strides = array<i32>} : memref<41088xf32, #tpu.memory_space<vmem>>, vector<16xf32>,
            %add3A_275 = arith.constant 0 : i32
            %add3A_276 = arith.addi %mul3A_242, %add3A_275 : i32
            %add3A_277 = arith.constant 16 : i32
            %add3A_278 = arith.addi %add3A_276, %add3A_277 : i32
            %get3A_279 = arith.index_cast %add3A_278 : i32 to index
            %get3A_280 = tpu.vector_load %arg7[%get3A_279] {strides = array<i32>} : memref<41088xf32, #tpu.memory_space<vmem>>, vector<16xf32>,
            %max3A_281 = arith.maximumf %get3A_280, %bitcast3A_257 : vector<16xf32>
            %add3A_282 = arith.constant 0 : i32
            %add3A_283 = arith.addi %mul3A_242, %add3A_282 : i32
            %add3A_284 = arith.constant 16 : i32
            %add3A_285 = arith.addi %add3A_283, %add3A_284 : i32
            %swap3A_286 = arith.index_cast %add3A_285 : i32 to index
            %swap3A_287 = tpu.vector_load %arg7[%swap3A_286] {strides = array<i32>} : memref<41088xf32, #tpu.memory_space<vmem>>, vector<16xf32>,
            tpu.vector_store %arg7[%swap3A_286], %max3A_281 {strides = array<i32>} : memref<41088xf32, #tpu.memory_space<vmem>>, vector<16xf32>,
            %add3A_288 = arith.constant 16 : i32
            %add3A_289 = arith.addi %mul3A_249, %add3A_288 : i32
            %get3A_290 = arith.index_cast %sub3A_245 : i32 to index
            %get3A_291 = arith.index_cast %add3A_289 : i32 to index
            %get3A_292 = tpu.vector_load %arg14[%get3A_290, %get3A_291] {strides = array<i32>} : memref<8x128xi32, #tpu.memory_space<vmem>>, vector<16xi32>,
            %shift_left3A_293 = arith.shli %get3A_292, %broadcast_in_dim3A_19 : vector<16xi32>
            %bitcast3A_294 = vector.bitcast %shift_left3A_293 : vector<16xi32> to vector<16xf32>
            %and3A_295 = arith.andi %get3A_292, %broadcast_in_dim3A_17 : vector<16xi32>
            %bitcast3A_296 = vector.bitcast %and3A_295 : vector<16xi32> to vector<16xf32>
            %add3A_297 = arith.constant 32 : i32
            %add3A_298 = arith.addi %mul3A_242, %add3A_297 : i32
            %swap3A_299 = arith.index_cast %add3A_298 : i32 to index
            %swap3A_300 = tpu.vector_load %arg6[%swap3A_299] {strides = array<i32>} : memref<41088xf32, #tpu.memory_space<vmem>>, vector<16xf32>,
            tpu.vector_store %arg6[%swap3A_299], %bitcast3A_294 {add = true, strides = array<i32>} : memref<41088xf32, #tpu.memory_space<vmem>>, vector<16xf32>,
            %add3A_301 = arith.constant 32 : i32
            %add3A_302 = arith.addi %mul3A_242, %add3A_301 : i32
            %add3A_303 = arith.constant 16 : i32
            %add3A_304 = arith.addi %add3A_302, %add3A_303 : i32
            %swap3A_305 = arith.index_cast %add3A_304 : i32 to index
            %swap3A_306 = tpu.vector_load %arg6[%swap3A_305] {strides = array<i32>} : memref<41088xf32, #tpu.memory_space<vmem>>, vector<16xf32>,
            tpu.vector_store %arg6[%swap3A_305], %bitcast3A_296 {add = true, strides = array<i32>} : memref<41088xf32, #tpu.memory_space<vmem>>, vector<16xf32>,
            %add3A_307 = arith.constant 32 : i32
            %add3A_308 = arith.addi %mul3A_242, %add3A_307 : i32
            %get3A_309 = arith.index_cast %add3A_308 : i32 to index
            %get3A_310 = tpu.vector_load %arg7[%get3A_309] {strides = array<i32>} : memref<41088xf32, #tpu.memory_space<vmem>>, vector<16xf32>,
            %max3A_311 = arith.maximumf %get3A_310, %bitcast3A_294 : vector<16xf32>
            %add3A_312 = arith.constant 32 : i32
            %add3A_313 = arith.addi %mul3A_242, %add3A_312 : i32
            %swap3A_314 = arith.index_cast %add3A_313 : i32 to index
            %swap3A_315 = tpu.vector_load %arg7[%swap3A_314] {strides = array<i32>} : memref<41088xf32, #tpu.memory_space<vmem>>, vector<16xf32>,
            tpu.vector_store %arg7[%swap3A_314], %max3A_311 {strides = array<i32>} : memref<41088xf32, #tpu.memory_space<vmem>>, vector<16xf32>,
            %add3A_316 = arith.constant 32 : i32
            %add3A_317 = arith.addi %mul3A_242, %add3A_316 : i32
            %add3A_318 = arith.constant 16 : i32
            %add3A_319 = arith.addi %add3A_317, %add3A_318 : i32
            %get3A_320 = arith.index_cast %add3A_319 : i32 to index
            %get3A_321 = tpu.vector_load %arg7[%get3A_320] {strides = array<i32>} : memref<41088xf32, #tpu.memory_space<vmem>>, vector<16xf32>,
            %max3A_322 = arith.maximumf %get3A_321, %bitcast3A_296 : vector<16xf32>
            %add3A_323 = arith.constant 32 : i32
            %add3A_324 = arith.addi %mul3A_242, %add3A_323 : i32
            %add3A_325 = arith.constant 16 : i32
            %add3A_326 = arith.addi %add3A_324, %add3A_325 : i32
            %swap3A_327 = arith.index_cast %add3A_326 : i32 to index
            %swap3A_328 = tpu.vector_load %arg7[%swap3A_327] {strides = array<i32>} : memref<41088xf32, #tpu.memory_space<vmem>>, vector<16xf32>,
            tpu.vector_store %arg7[%swap3A_327], %max3A_322 {strides = array<i32>} : memref<41088xf32, #tpu.memory_space<vmem>>, vector<16xf32>,
            %add3A_329 = arith.constant 32 : i32
            %add3A_330 = arith.addi %mul3A_249, %add3A_329 : i32
            %get3A_331 = arith.index_cast %sub3A_245 : i32 to index
            %get3A_332 = arith.index_cast %add3A_330 : i32 to index
            %get3A_333 = tpu.vector_load %arg14[%get3A_331, %get3A_332] {strides = array<i32>} : memref<8x128xi32, #tpu.memory_space<vmem>>, vector<16xi32>,
            %shift_left3A_334 = arith.shli %get3A_333, %broadcast_in_dim3A_19 : vector<16xi32>
            %bitcast3A_335 = vector.bitcast %shift_left3A_334 : vector<16xi32> to vector<16xf32>
            %and3A_336 = arith.andi %get3A_333, %broadcast_in_dim3A_17 : vector<16xi32>
            %bitcast3A_337 = vector.bitcast %and3A_336 : vector<16xi32> to vector<16xf32>
            %add3A_338 = arith.constant 64 : i32
            %add3A_339 = arith.addi %mul3A_242, %add3A_338 : i32
            %swap3A_340 = arith.index_cast %add3A_339 : i32 to index
            %swap3A_341 = tpu.vector_load %arg6[%swap3A_340] {strides = array<i32>} : memref<41088xf32, #tpu.memory_space<vmem>>, vector<16xf32>,
            tpu.vector_store %arg6[%swap3A_340], %bitcast3A_335 {add = true, strides = array<i32>} : memref<41088xf32, #tpu.memory_space<vmem>>, vector<16xf32>,
            %add3A_342 = arith.constant 64 : i32
            %add3A_343 = arith.addi %mul3A_242, %add3A_342 : i32
            %add3A_344 = arith.constant 16 : i32
            %add3A_345 = arith.addi %add3A_343, %add3A_344 : i32
            %swap3A_346 = arith.index_cast %add3A_345 : i32 to index
            %swap3A_347 = tpu.vector_load %arg6[%swap3A_346] {strides = array<i32>} : memref<41088xf32, #tpu.memory_space<vmem>>, vector<16xf32>,
            tpu.vector_store %arg6[%swap3A_346], %bitcast3A_337 {add = true, strides = array<i32>} : memref<41088xf32, #tpu.memory_space<vmem>>, vector<16xf32>,
            %add3A_348 = arith.constant 64 : i32
            %add3A_349 = arith.addi %mul3A_242, %add3A_348 : i32
            %get3A_350 = arith.index_cast %add3A_349 : i32 to index
            %get3A_351 = tpu.vector_load %arg7[%get3A_350] {strides = array<i32>} : memref<41088xf32, #tpu.memory_space<vmem>>, vector<16xf32>,
            %max3A_352 = arith.maximumf %get3A_351, %bitcast3A_335 : vector<16xf32>
            %add3A_353 = arith.constant 64 : i32
            %add3A_354 = arith.addi %mul3A_242, %add3A_353 : i32
            %swap3A_355 = arith.index_cast %add3A_354 : i32 to index
            %swap3A_356 = tpu.vector_load %arg7[%swap3A_355] {strides = array<i32>} : memref<41088xf32, #tpu.memory_space<vmem>>, vector<16xf32>,
            tpu.vector_store %arg7[%swap3A_355], %max3A_352 {strides = array<i32>} : memref<41088xf32, #tpu.memory_space<vmem>>, vector<16xf32>,
            %add3A_357 = arith.constant 64 : i32
            %add3A_358 = arith.addi %mul3A_242, %add3A_357 : i32
            %add3A_359 = arith.constant 16 : i32
            %add3A_360 = arith.addi %add3A_358, %add3A_359 : i32
            %get3A_361 = arith.index_cast %add3A_360 : i32 to index
            %get3A_362 = tpu.vector_load %arg7[%get3A_361] {strides = array<i32>} : memref<41088xf32, #tpu.memory_space<vmem>>, vector<16xf32>,
            %max3A_363 = arith.maximumf %get3A_362, %bitcast3A_337 : vector<16xf32>
            %add3A_364 = arith.constant 64 : i32
            %add3A_365 = arith.addi %mul3A_242, %add3A_364 : i32
            %add3A_366 = arith.constant 16 : i32
            %add3A_367 = arith.addi %add3A_365, %add3A_366 : i32
            %swap3A_368 = arith.index_cast %add3A_367 : i32 to index
            %swap3A_369 = tpu.vector_load %arg7[%swap3A_368] {strides = array<i32>} : memref<41088xf32, #tpu.memory_space<vmem>>, vector<16xf32>,
            tpu.vector_store %arg7[%swap3A_368], %max3A_363 {strides = array<i32>} : memref<41088xf32, #tpu.memory_space<vmem>>, vector<16xf32>,
            %add3A_370 = arith.constant 48 : i32
            %add3A_371 = arith.addi %mul3A_249, %add3A_370 : i32
            %get3A_372 = arith.index_cast %sub3A_245 : i32 to index
            %get3A_373 = arith.index_cast %add3A_371 : i32 to index
            %get3A_374 = tpu.vector_load %arg14[%get3A_372, %get3A_373] {strides = array<i32>} : memref<8x128xi32, #tpu.memory_space<vmem>>, vector<16xi32>,
            %shift_left3A_375 = arith.shli %get3A_374, %broadcast_in_dim3A_19 : vector<16xi32>
            %bitcast3A_376 = vector.bitcast %shift_left3A_375 : vector<16xi32> to vector<16xf32>
            %and3A_377 = arith.andi %get3A_374, %broadcast_in_dim3A_17 : vector<16xi32>
            %bitcast3A_378 = vector.bitcast %and3A_377 : vector<16xi32> to vector<16xf32>
            %add3A_379 = arith.constant 96 : i32
            %add3A_380 = arith.addi %mul3A_242, %add3A_379 : i32
            %swap3A_381 = arith.index_cast %add3A_380 : i32 to index
            %swap3A_382 = tpu.vector_load %arg6[%swap3A_381] {strides = array<i32>} : memref<41088xf32, #tpu.memory_space<vmem>>, vector<16xf32>,
            tpu.vector_store %arg6[%swap3A_381], %bitcast3A_376 {add = true, strides = array<i32>} : memref<41088xf32, #tpu.memory_space<vmem>>, vector<16xf32>,
            %add3A_383 = arith.constant 96 : i32
            %add3A_384 = arith.addi %mul3A_242, %add3A_383 : i32
            %add3A_385 = arith.constant 16 : i32
            %add3A_386 = arith.addi %add3A_384, %add3A_385 : i32
            %swap3A_387 = arith.index_cast %add3A_386 : i32 to index
            %swap3A_388 = tpu.vector_load %arg6[%swap3A_387] {strides = array<i32>} : memref<41088xf32, #tpu.memory_space<vmem>>, vector<16xf32>,
            tpu.vector_store %arg6[%swap3A_387], %bitcast3A_378 {add = true, strides = array<i32>} : memref<41088xf32, #tpu.memory_space<vmem>>, vector<16xf32>,
            %add3A_389 = arith.constant 96 : i32
            %add3A_390 = arith.addi %mul3A_242, %add3A_389 : i32
            %get3A_391 = arith.index_cast %add3A_390 : i32 to index
            %get3A_392 = tpu.vector_load %arg7[%get3A_391] {strides = array<i32>} : memref<41088xf32, #tpu.memory_space<vmem>>, vector<16xf32>,
            %max3A_393 = arith.maximumf %get3A_392, %bitcast3A_376 : vector<16xf32>
            %add3A_394 = arith.constant 96 : i32
            %add3A_395 = arith.addi %mul3A_242, %add3A_394 : i32
            %swap3A_396 = arith.index_cast %add3A_395 : i32 to index
            %swap3A_397 = tpu.vector_load %arg7[%swap3A_396] {strides = array<i32>} : memref<41088xf32, #tpu.memory_space<vmem>>, vector<16xf32>,
            tpu.vector_store %arg7[%swap3A_396], %max3A_393 {strides = array<i32>} : memref<41088xf32, #tpu.memory_space<vmem>>, vector<16xf32>,
            %add3A_398 = arith.constant 96 : i32
            %add3A_399 = arith.addi %mul3A_242, %add3A_398 : i32
            %add3A_400 = arith.constant 16 : i32
            %add3A_401 = arith.addi %add3A_399, %add3A_400 : i32
            %get3A_402 = arith.index_cast %add3A_401 : i32 to index
            %get3A_403 = tpu.vector_load %arg7[%get3A_402] {strides = array<i32>} : memref<41088xf32, #tpu.memory_space<vmem>>, vector<16xf32>,
            %max3A_404 = arith.maximumf %get3A_403, %bitcast3A_378 : vector<16xf32>
            %add3A_405 = arith.constant 96 : i32
            %add3A_406 = arith.addi %mul3A_242, %add3A_405 : i32
            %add3A_407 = arith.constant 16 : i32
            %add3A_408 = arith.addi %add3A_406, %add3A_407 : i32
            %swap3A_409 = arith.index_cast %add3A_408 : i32 to index
            %swap3A_410 = tpu.vector_load %arg7[%swap3A_409] {strides = array<i32>} : memref<41088xf32, #tpu.memory_space<vmem>>, vector<16xf32>,
            tpu.vector_store %arg7[%swap3A_409], %max3A_404 {strides = array<i32>} : memref<41088xf32, #tpu.memory_space<vmem>>, vector<16xf32>,
          }
          %add3A_218 = arith.constant 2 : i32
          %add3A_219 = arith.addi %mul3A_187, %add3A_218 : i32
          %lt3A_220 = arith.constant 625 : i32
          %lt3A_221 = arith.cmpi slt, %add3A_219, %lt3A_220 : i32
          %convert_element_type3A_222 = arith.extui %lt3A_221 : i1 to i32
          %cond3A_223 = arith.constant 0 : i32
          %cond3A_224 = arith.cmpi ne, %convert_element_type3A_222, %cond3A_223 : i32
          scf.if %cond3A_224 {
            %add3A_232 = arith.constant 2 : i32
            %add3A_233 = arith.addi %mul3A_187, %add3A_232 : i32
            %mul3A_234 = arith.constant 8 : i32
            %mul3A_235 = arith.muli %add3A_233, %mul3A_234 : i32
            %dma_start3A_236 = arith.constant 0 : i32
            %dma_start3A_237 = tpu.memref_slice %arg4[%mul3A_235, %dma_start3A_236] : memref<5000x128xi32, #tpu.memory_space<hbm>> -> memref<8x128xi32, #tpu.memory_space<hbm>>
            %dma_start3A_238 = arith.constant 0 : i32
            %dma_start3A_239 = tpu.memref_slice %arg4[%mul3A_235, %dma_start3A_238] : memref<5000x128xi32, #tpu.memory_space<hbm>> -> memref<8x128xi32, #tpu.memory_space<hbm>>
            tpu.enqueue_dma source(%dma_start3A_239 : memref<8x128xi32, #tpu.memory_space<hbm>>) target(%arg14 : memref<8x128xi32, #tpu.memory_space<vmem>>) target_semaphore(%arg19 : memref<!tpu.dma_semaphore, #tpu.memory_space<semaphore_mem>>)
          } else {
          }
          %add3A_225 = arith.constant 1 : i32
          %add3A_226 = arith.addi %mul3A_187, %add3A_225 : i32
          %lt3A_227 = arith.constant 625 : i32
          %lt3A_228 = arith.cmpi slt, %add3A_226, %lt3A_227 : i32
          %convert_element_type3A_229 = arith.extui %lt3A_228 : i1 to i32
          %cond3A_230 = arith.constant 0 : i32
          %cond3A_231 = arith.cmpi ne, %convert_element_type3A_229, %cond3A_230 : i32
          scf.if %cond3A_231 {
            %dma_wait3A_232 = arith.constant 0 : i32
            %dma_wait3A_233 = arith.constant 0 : i32
            %dma_wait3A_234 = tpu.memref_slice %arg4[%dma_wait3A_232, %dma_wait3A_233] : memref<5000x128xi32, #tpu.memory_space<hbm>> -> memref<8x128xi32, #tpu.memory_space<hbm>>
            %dma_wait3A_235 = arith.constant 0 : i32
            %dma_wait3A_236 = arith.constant 0 : i32
            %dma_wait3A_237 = tpu.memref_slice %arg4[%dma_wait3A_235, %dma_wait3A_236] : memref<5000x128xi32, #tpu.memory_space<hbm>> -> memref<8x128xi32, #tpu.memory_space<hbm>>
            tpu.wait_dma2 semaphore(%arg20 : memref<!tpu.dma_semaphore, #tpu.memory_space<semaphore_mem>>) src(%dma_wait3A_237 : memref<8x128xi32, #tpu.memory_space<hbm>>) dst(%arg15 : memref<8x128xi32, #tpu.memory_space<vmem>>)
            %add3A_238 = arith.constant 1 : i32
            %add3A_239 = arith.addi %mul3A_187, %add3A_238 : i32
            %mul3A_240 = arith.constant 16 : i32
            %mul3A_241 = arith.muli %add3A_239, %mul3A_240 : i32
            %get3A_242 = arith.index_cast %mul3A_241 : i32 to index
            %get3A_243 = tpu.vector_load %arg9[%get3A_242] {strides = array<i32>} : memref<10016xi32, #tpu.memory_space<vmem>>, vector<16xi32>,
            %slice3A_244 = vector.extract_strided_slice %get3A_243 {offsets = [0], sizes = [1], strides = [1]} : vector<16xi32> to vector<1xi32>
            %squeeze3A_245 = vector.extract %slice3A_244[0] : i32 from vector<1xi32>
            %add3A_246 = arith.constant 16 : i32
            %add3A_247 = arith.addi %mul3A_241, %add3A_246 : i32
            %get3A_248 = arith.index_cast %add3A_247 : i32 to index
            %get3A_249 = tpu.vector_load %arg9[%get3A_248] {strides = array<i32>} : memref<10016xi32, #tpu.memory_space<vmem>>, vector<16xi32>,
            %slice3A_250 = vector.extract_strided_slice %get3A_249 {offsets = [0], sizes = [1], strides = [1]} : vector<16xi32> to vector<1xi32>
            %squeeze3A_251 = vector.extract %slice3A_250[0] : i32 from vector<1xi32>
            %shift_right_arithmetic3A_252 = arith.constant 1 : i32
            %shift_right_arithmetic3A_253 = arith.shrsi %mul3A_241, %shift_right_arithmetic3A_252 : i32
            %sub3A_254 = arith.subi %squeeze3A_251, %squeeze3A_245 : i32
            %while3A_255 = arith.constant 0 : i32
            %while3A_256 = arith.constant 0 : i32
            %while3A_257 = arith.subi %sub3A_254, %while3A_256 : i32
            %while3A_258 = arith.addi %while3A_256, %while3A_257 : i32
            %while3A_259 = arith.constant 1 : i32
            %while3A_260 = arith.divsi %while3A_257, %while3A_259 : i32
            %while3A_261 = arith.muli %while3A_260, %while3A_259 : i32
            %while3A_262 = arith.addi %while3A_256, %while3A_261 : i32
            %while3A_263 = arith.constant 1 : i32
            scf.for %while3A_272 = %while3A_256 to %while3A_262 step %while3A_263  : i32 {
              %add3A_273 = arith.addi %squeeze3A_245, %while3A_272 : i32
              %get3A_274 = arith.index_cast %add3A_273 : i32 to index
              %get3A_275 = tpu.vector_load %arg11[%get3A_274] {strides = array<i32>} : memref<12408xi32, #tpu.memory_space<vmem>>, vector<16xi32>,
              %slice3A_276 = vector.extract_strided_slice %get3A_275 {offsets = [0], sizes = [1], strides = [1]} : vector<16xi32> to vector<1xi32>
              %squeeze3A_277 = vector.extract %slice3A_276[0] : i32 from vector<1xi32>
              %shift_right_logical3A = arith.constant 14 : i32
              %shift_right_logical3A_278 = arith.shrui %squeeze3A_277, %shift_right_logical3A : i32
              %and3A_279 = arith.constant 16383 : i32
              %and3A_280 = arith.andi %squeeze3A_277, %and3A_279 : i32
              %mul3A_281 = arith.constant 128 : i32
              %mul3A_282 = arith.muli %shift_right_logical3A_278, %mul3A_281 : i32
              %shift_right_logical3A_283 = arith.constant 1 : i32
              %shift_right_logical3A_284 = arith.shrui %and3A_280, %shift_right_logical3A_283 : i32
              %sub3A_285 = arith.subi %shift_right_logical3A_284, %shift_right_arithmetic3A_253 : i32
              %and3A_286 = arith.constant 1 : i32
              %and3A_287 = arith.andi %and3A_280, %and3A_286 : i32
              %mul3A_288 = arith.constant 64 : i32
              %mul3A_289 = arith.muli %and3A_287, %mul3A_288 : i32
              %add3A_290 = arith.constant 0 : i32
              %add3A_291 = arith.addi %mul3A_289, %add3A_290 : i32
              %get3A_292 = arith.index_cast %sub3A_285 : i32 to index
              %get3A_293 = arith.index_cast %add3A_291 : i32 to index
              %get3A_294 = tpu.vector_load %arg15[%get3A_292, %get3A_293] {strides = array<i32>} : memref<8x128xi32, #tpu.memory_space<vmem>>, vector<16xi32>,
              %shift_left3A_295 = arith.shli %get3A_294, %broadcast_in_dim3A_19 : vector<16xi32>
              %bitcast3A = vector.bitcast %shift_left3A_295 : vector<16xi32> to vector<16xf32>
              %and3A_296 = arith.andi %get3A_294, %broadcast_in_dim3A_17 : vector<16xi32>
              %bitcast3A_297 = vector.bitcast %and3A_296 : vector<16xi32> to vector<16xf32>
              %add3A_298 = arith.constant 0 : i32
              %add3A_299 = arith.addi %mul3A_282, %add3A_298 : i32
              %swap3A = arith.index_cast %add3A_299 : i32 to index
              %swap3A_300 = tpu.vector_load %arg6[%swap3A] {strides = array<i32>} : memref<41088xf32, #tpu.memory_space<vmem>>, vector<16xf32>,
              tpu.vector_store %arg6[%swap3A], %bitcast3A {add = true, strides = array<i32>} : memref<41088xf32, #tpu.memory_space<vmem>>, vector<16xf32>,
              %add3A_301 = arith.constant 0 : i32
              %add3A_302 = arith.addi %mul3A_282, %add3A_301 : i32
              %add3A_303 = arith.constant 16 : i32
              %add3A_304 = arith.addi %add3A_302, %add3A_303 : i32
              %swap3A_305 = arith.index_cast %add3A_304 : i32 to index
              %swap3A_306 = tpu.vector_load %arg6[%swap3A_305] {strides = array<i32>} : memref<41088xf32, #tpu.memory_space<vmem>>, vector<16xf32>,
              tpu.vector_store %arg6[%swap3A_305], %bitcast3A_297 {add = true, strides = array<i32>} : memref<41088xf32, #tpu.memory_space<vmem>>, vector<16xf32>,
              %add3A_307 = arith.constant 0 : i32
              %add3A_308 = arith.addi %mul3A_282, %add3A_307 : i32
              %get3A_309 = arith.index_cast %add3A_308 : i32 to index
              %get3A_310 = tpu.vector_load %arg7[%get3A_309] {strides = array<i32>} : memref<41088xf32, #tpu.memory_space<vmem>>, vector<16xf32>,
              %max3A = arith.maximumf %get3A_310, %bitcast3A : vector<16xf32>
              %add3A_311 = arith.constant 0 : i32
              %add3A_312 = arith.addi %mul3A_282, %add3A_311 : i32
              %swap3A_313 = arith.index_cast %add3A_312 : i32 to index
              %swap3A_314 = tpu.vector_load %arg7[%swap3A_313] {strides = array<i32>} : memref<41088xf32, #tpu.memory_space<vmem>>, vector<16xf32>,
              tpu.vector_store %arg7[%swap3A_313], %max3A {strides = array<i32>} : memref<41088xf32, #tpu.memory_space<vmem>>, vector<16xf32>,
              %add3A_315 = arith.constant 0 : i32
              %add3A_316 = arith.addi %mul3A_282, %add3A_315 : i32
              %add3A_317 = arith.constant 16 : i32
              %add3A_318 = arith.addi %add3A_316, %add3A_317 : i32
              %get3A_319 = arith.index_cast %add3A_318 : i32 to index
              %get3A_320 = tpu.vector_load %arg7[%get3A_319] {strides = array<i32>} : memref<41088xf32, #tpu.memory_space<vmem>>, vector<16xf32>,
              %max3A_321 = arith.maximumf %get3A_320, %bitcast3A_297 : vector<16xf32>
              %add3A_322 = arith.constant 0 : i32
              %add3A_323 = arith.addi %mul3A_282, %add3A_322 : i32
              %add3A_324 = arith.constant 16 : i32
              %add3A_325 = arith.addi %add3A_323, %add3A_324 : i32
              %swap3A_326 = arith.index_cast %add3A_325 : i32 to index
              %swap3A_327 = tpu.vector_load %arg7[%swap3A_326] {strides = array<i32>} : memref<41088xf32, #tpu.memory_space<vmem>>, vector<16xf32>,
              tpu.vector_store %arg7[%swap3A_326], %max3A_321 {strides = array<i32>} : memref<41088xf32, #tpu.memory_space<vmem>>, vector<16xf32>,
              %add3A_328 = arith.constant 16 : i32
              %add3A_329 = arith.addi %mul3A_289, %add3A_328 : i32
              %get3A_330 = arith.index_cast %sub3A_285 : i32 to index
              %get3A_331 = arith.index_cast %add3A_329 : i32 to index
              %get3A_332 = tpu.vector_load %arg15[%get3A_330, %get3A_331] {strides = array<i32>} : memref<8x128xi32, #tpu.memory_space<vmem>>, vector<16xi32>,
              %shift_left3A_333 = arith.shli %get3A_332, %broadcast_in_dim3A_19 : vector<16xi32>
              %bitcast3A_334 = vector.bitcast %shift_left3A_333 : vector<16xi32> to vector<16xf32>
              %and3A_335 = arith.andi %get3A_332, %broadcast_in_dim3A_17 : vector<16xi32>
              %bitcast3A_336 = vector.bitcast %and3A_335 : vector<16xi32> to vector<16xf32>
              %add3A_337 = arith.constant 32 : i32
              %add3A_338 = arith.addi %mul3A_282, %add3A_337 : i32
              %swap3A_339 = arith.index_cast %add3A_338 : i32 to index
              %swap3A_340 = tpu.vector_load %arg6[%swap3A_339] {strides = array<i32>} : memref<41088xf32, #tpu.memory_space<vmem>>, vector<16xf32>,
              tpu.vector_store %arg6[%swap3A_339], %bitcast3A_334 {add = true, strides = array<i32>} : memref<41088xf32, #tpu.memory_space<vmem>>, vector<16xf32>,
              %add3A_341 = arith.constant 32 : i32
              %add3A_342 = arith.addi %mul3A_282, %add3A_341 : i32
              %add3A_343 = arith.constant 16 : i32
              %add3A_344 = arith.addi %add3A_342, %add3A_343 : i32
              %swap3A_345 = arith.index_cast %add3A_344 : i32 to index
              %swap3A_346 = tpu.vector_load %arg6[%swap3A_345] {strides = array<i32>} : memref<41088xf32, #tpu.memory_space<vmem>>, vector<16xf32>,
              tpu.vector_store %arg6[%swap3A_345], %bitcast3A_336 {add = true, strides = array<i32>} : memref<41088xf32, #tpu.memory_space<vmem>>, vector<16xf32>,
              %add3A_347 = arith.constant 32 : i32
              %add3A_348 = arith.addi %mul3A_282, %add3A_347 : i32
              %get3A_349 = arith.index_cast %add3A_348 : i32 to index
              %get3A_350 = tpu.vector_load %arg7[%get3A_349] {strides = array<i32>} : memref<41088xf32, #tpu.memory_space<vmem>>, vector<16xf32>,
              %max3A_351 = arith.maximumf %get3A_350, %bitcast3A_334 : vector<16xf32>
              %add3A_352 = arith.constant 32 : i32
              %add3A_353 = arith.addi %mul3A_282, %add3A_352 : i32
              %swap3A_354 = arith.index_cast %add3A_353 : i32 to index
              %swap3A_355 = tpu.vector_load %arg7[%swap3A_354] {strides = array<i32>} : memref<41088xf32, #tpu.memory_space<vmem>>, vector<16xf32>,
              tpu.vector_store %arg7[%swap3A_354], %max3A_351 {strides = array<i32>} : memref<41088xf32, #tpu.memory_space<vmem>>, vector<16xf32>,
              %add3A_356 = arith.constant 32 : i32
              %add3A_357 = arith.addi %mul3A_282, %add3A_356 : i32
              %add3A_358 = arith.constant 16 : i32
              %add3A_359 = arith.addi %add3A_357, %add3A_358 : i32
              %get3A_360 = arith.index_cast %add3A_359 : i32 to index
              %get3A_361 = tpu.vector_load %arg7[%get3A_360] {strides = array<i32>} : memref<41088xf32, #tpu.memory_space<vmem>>, vector<16xf32>,
              %max3A_362 = arith.maximumf %get3A_361, %bitcast3A_336 : vector<16xf32>
              %add3A_363 = arith.constant 32 : i32
              %add3A_364 = arith.addi %mul3A_282, %add3A_363 : i32
              %add3A_365 = arith.constant 16 : i32
              %add3A_366 = arith.addi %add3A_364, %add3A_365 : i32
              %swap3A_367 = arith.index_cast %add3A_366 : i32 to index
              %swap3A_368 = tpu.vector_load %arg7[%swap3A_367] {strides = array<i32>} : memref<41088xf32, #tpu.memory_space<vmem>>, vector<16xf32>,
              tpu.vector_store %arg7[%swap3A_367], %max3A_362 {strides = array<i32>} : memref<41088xf32, #tpu.memory_space<vmem>>, vector<16xf32>,
              %add3A_369 = arith.constant 32 : i32
              %add3A_370 = arith.addi %mul3A_289, %add3A_369 : i32
              %get3A_371 = arith.index_cast %sub3A_285 : i32 to index
              %get3A_372 = arith.index_cast %add3A_370 : i32 to index
              %get3A_373 = tpu.vector_load %arg15[%get3A_371, %get3A_372] {strides = array<i32>} : memref<8x128xi32, #tpu.memory_space<vmem>>, vector<16xi32>,
              %shift_left3A_374 = arith.shli %get3A_373, %broadcast_in_dim3A_19 : vector<16xi32>
              %bitcast3A_375 = vector.bitcast %shift_left3A_374 : vector<16xi32> to vector<16xf32>
              %and3A_376 = arith.andi %get3A_373, %broadcast_in_dim3A_17 : vector<16xi32>
              %bitcast3A_377 = vector.bitcast %and3A_376 : vector<16xi32> to vector<16xf32>
              %add3A_378 = arith.constant 64 : i32
              %add3A_379 = arith.addi %mul3A_282, %add3A_378 : i32
              %swap3A_380 = arith.index_cast %add3A_379 : i32 to index
              %swap3A_381 = tpu.vector_load %arg6[%swap3A_380] {strides = array<i32>} : memref<41088xf32, #tpu.memory_space<vmem>>, vector<16xf32>,
              tpu.vector_store %arg6[%swap3A_380], %bitcast3A_375 {add = true, strides = array<i32>} : memref<41088xf32, #tpu.memory_space<vmem>>, vector<16xf32>,
              %add3A_382 = arith.constant 64 : i32
              %add3A_383 = arith.addi %mul3A_282, %add3A_382 : i32
              %add3A_384 = arith.constant 16 : i32
              %add3A_385 = arith.addi %add3A_383, %add3A_384 : i32
              %swap3A_386 = arith.index_cast %add3A_385 : i32 to index
              %swap3A_387 = tpu.vector_load %arg6[%swap3A_386] {strides = array<i32>} : memref<41088xf32, #tpu.memory_space<vmem>>, vector<16xf32>,
              tpu.vector_store %arg6[%swap3A_386], %bitcast3A_377 {add = true, strides = array<i32>} : memref<41088xf32, #tpu.memory_space<vmem>>, vector<16xf32>,
              %add3A_388 = arith.constant 64 : i32
              %add3A_389 = arith.addi %mul3A_282, %add3A_388 : i32
              %get3A_390 = arith.index_cast %add3A_389 : i32 to index
              %get3A_391 = tpu.vector_load %arg7[%get3A_390] {strides = array<i32>} : memref<41088xf32, #tpu.memory_space<vmem>>, vector<16xf32>,
              %max3A_392 = arith.maximumf %get3A_391, %bitcast3A_375 : vector<16xf32>
              %add3A_393 = arith.constant 64 : i32
              %add3A_394 = arith.addi %mul3A_282, %add3A_393 : i32
              %swap3A_395 = arith.index_cast %add3A_394 : i32 to index
              %swap3A_396 = tpu.vector_load %arg7[%swap3A_395] {strides = array<i32>} : memref<41088xf32, #tpu.memory_space<vmem>>, vector<16xf32>,
              tpu.vector_store %arg7[%swap3A_395], %max3A_392 {strides = array<i32>} : memref<41088xf32, #tpu.memory_space<vmem>>, vector<16xf32>,
              %add3A_397 = arith.constant 64 : i32
              %add3A_398 = arith.addi %mul3A_282, %add3A_397 : i32
              %add3A_399 = arith.constant 16 : i32
              %add3A_400 = arith.addi %add3A_398, %add3A_399 : i32
              %get3A_401 = arith.index_cast %add3A_400 : i32 to index
              %get3A_402 = tpu.vector_load %arg7[%get3A_401] {strides = array<i32>} : memref<41088xf32, #tpu.memory_space<vmem>>, vector<16xf32>,
              %max3A_403 = arith.maximumf %get3A_402, %bitcast3A_377 : vector<16xf32>
              %add3A_404 = arith.constant 64 : i32
              %add3A_405 = arith.addi %mul3A_282, %add3A_404 : i32
              %add3A_406 = arith.constant 16 : i32
              %add3A_407 = arith.addi %add3A_405, %add3A_406 : i32
              %swap3A_408 = arith.index_cast %add3A_407 : i32 to index
              %swap3A_409 = tpu.vector_load %arg7[%swap3A_408] {strides = array<i32>} : memref<41088xf32, #tpu.memory_space<vmem>>, vector<16xf32>,
              tpu.vector_store %arg7[%swap3A_408], %max3A_403 {strides = array<i32>} : memref<41088xf32, #tpu.memory_space<vmem>>, vector<16xf32>,
              %add3A_410 = arith.constant 48 : i32
              %add3A_411 = arith.addi %mul3A_289, %add3A_410 : i32
              %get3A_412 = arith.index_cast %sub3A_285 : i32 to index
              %get3A_413 = arith.index_cast %add3A_411 : i32 to index
              %get3A_414 = tpu.vector_load %arg15[%get3A_412, %get3A_413] {strides = array<i32>} : memref<8x128xi32, #tpu.memory_space<vmem>>, vector<16xi32>,
              %shift_left3A_415 = arith.shli %get3A_414, %broadcast_in_dim3A_19 : vector<16xi32>
              %bitcast3A_416 = vector.bitcast %shift_left3A_415 : vector<16xi32> to vector<16xf32>
              %and3A_417 = arith.andi %get3A_414, %broadcast_in_dim3A_17 : vector<16xi32>
              %bitcast3A_418 = vector.bitcast %and3A_417 : vector<16xi32> to vector<16xf32>
              %add3A_419 = arith.constant 96 : i32
              %add3A_420 = arith.addi %mul3A_282, %add3A_419 : i32
              %swap3A_421 = arith.index_cast %add3A_420 : i32 to index
              %swap3A_422 = tpu.vector_load %arg6[%swap3A_421] {strides = array<i32>} : memref<41088xf32, #tpu.memory_space<vmem>>, vector<16xf32>,
              tpu.vector_store %arg6[%swap3A_421], %bitcast3A_416 {add = true, strides = array<i32>} : memref<41088xf32, #tpu.memory_space<vmem>>, vector<16xf32>,
              %add3A_423 = arith.constant 96 : i32
              %add3A_424 = arith.addi %mul3A_282, %add3A_423 : i32
              %add3A_425 = arith.constant 16 : i32
              %add3A_426 = arith.addi %add3A_424, %add3A_425 : i32
              %swap3A_427 = arith.index_cast %add3A_426 : i32 to index
              %swap3A_428 = tpu.vector_load %arg6[%swap3A_427] {strides = array<i32>} : memref<41088xf32, #tpu.memory_space<vmem>>, vector<16xf32>,
              tpu.vector_store %arg6[%swap3A_427], %bitcast3A_418 {add = true, strides = array<i32>} : memref<41088xf32, #tpu.memory_space<vmem>>, vector<16xf32>,
              %add3A_429 = arith.constant 96 : i32
              %add3A_430 = arith.addi %mul3A_282, %add3A_429 : i32
              %get3A_431 = arith.index_cast %add3A_430 : i32 to index
              %get3A_432 = tpu.vector_load %arg7[%get3A_431] {strides = array<i32>} : memref<41088xf32, #tpu.memory_space<vmem>>, vector<16xf32>,
              %max3A_433 = arith.maximumf %get3A_432, %bitcast3A_416 : vector<16xf32>
              %add3A_434 = arith.constant 96 : i32
              %add3A_435 = arith.addi %mul3A_282, %add3A_434 : i32
              %swap3A_436 = arith.index_cast %add3A_435 : i32 to index
              %swap3A_437 = tpu.vector_load %arg7[%swap3A_436] {strides = array<i32>} : memref<41088xf32, #tpu.memory_space<vmem>>, vector<16xf32>,
              tpu.vector_store %arg7[%swap3A_436], %max3A_433 {strides = array<i32>} : memref<41088xf32, #tpu.memory_space<vmem>>, vector<16xf32>,
              %add3A_438 = arith.constant 96 : i32
              %add3A_439 = arith.addi %mul3A_282, %add3A_438 : i32
              %add3A_440 = arith.constant 16 : i32
              %add3A_441 = arith.addi %add3A_439, %add3A_440 : i32
              %get3A_442 = arith.index_cast %add3A_441 : i32 to index
              %get3A_443 = tpu.vector_load %arg7[%get3A_442] {strides = array<i32>} : memref<41088xf32, #tpu.memory_space<vmem>>, vector<16xf32>,
              %max3A_444 = arith.maximumf %get3A_443, %bitcast3A_418 : vector<16xf32>
              %add3A_445 = arith.constant 96 : i32
              %add3A_446 = arith.addi %mul3A_282, %add3A_445 : i32
              %add3A_447 = arith.constant 16 : i32
              %add3A_448 = arith.addi %add3A_446, %add3A_447 : i32
              %swap3A_449 = arith.index_cast %add3A_448 : i32 to index
              %swap3A_450 = tpu.vector_load %arg7[%swap3A_449] {strides = array<i32>} : memref<41088xf32, #tpu.memory_space<vmem>>, vector<16xf32>,
              tpu.vector_store %arg7[%swap3A_449], %max3A_444 {strides = array<i32>} : memref<41088xf32, #tpu.memory_space<vmem>>, vector<16xf32>,
            }
            %while3A_264 = arith.constant 1 : i32
            scf.for %while3A_272 = %while3A_262 to %while3A_258 step %while3A_264  : i32 {
              %add3A_273 = arith.addi %squeeze3A_245, %while3A_272 : i32
              %get3A_274 = arith.index_cast %add3A_273 : i32 to index
              %get3A_275 = tpu.vector_load %arg11[%get3A_274] {strides = array<i32>} : memref<12408xi32, #tpu.memory_space<vmem>>, vector<16xi32>,
              %slice3A_276 = vector.extract_strided_slice %get3A_275 {offsets = [0], sizes = [1], strides = [1]} : vector<16xi32> to vector<1xi32>
              %squeeze3A_277 = vector.extract %slice3A_276[0] : i32 from vector<1xi32>
              %shift_right_logical3A = arith.constant 14 : i32
              %shift_right_logical3A_278 = arith.shrui %squeeze3A_277, %shift_right_logical3A : i32
              %and3A_279 = arith.constant 16383 : i32
              %and3A_280 = arith.andi %squeeze3A_277, %and3A_279 : i32
              %mul3A_281 = arith.constant 128 : i32
              %mul3A_282 = arith.muli %shift_right_logical3A_278, %mul3A_281 : i32
              %shift_right_logical3A_283 = arith.constant 1 : i32
              %shift_right_logical3A_284 = arith.shrui %and3A_280, %shift_right_logical3A_283 : i32
              %sub3A_285 = arith.subi %shift_right_logical3A_284, %shift_right_arithmetic3A_253 : i32
              %and3A_286 = arith.constant 1 : i32
              %and3A_287 = arith.andi %and3A_280, %and3A_286 : i32
              %mul3A_288 = arith.constant 64 : i32
              %mul3A_289 = arith.muli %and3A_287, %mul3A_288 : i32
              %add3A_290 = arith.constant 0 : i32
              %add3A_291 = arith.addi %mul3A_289, %add3A_290 : i32
              %get3A_292 = arith.index_cast %sub3A_285 : i32 to index
              %get3A_293 = arith.index_cast %add3A_291 : i32 to index
              %get3A_294 = tpu.vector_load %arg15[%get3A_292, %get3A_293] {strides = array<i32>} : memref<8x128xi32, #tpu.memory_space<vmem>>, vector<16xi32>,
              %shift_left3A_295 = arith.shli %get3A_294, %broadcast_in_dim3A_19 : vector<16xi32>
              %bitcast3A = vector.bitcast %shift_left3A_295 : vector<16xi32> to vector<16xf32>
              %and3A_296 = arith.andi %get3A_294, %broadcast_in_dim3A_17 : vector<16xi32>
              %bitcast3A_297 = vector.bitcast %and3A_296 : vector<16xi32> to vector<16xf32>
              %add3A_298 = arith.constant 0 : i32
              %add3A_299 = arith.addi %mul3A_282, %add3A_298 : i32
              %swap3A = arith.index_cast %add3A_299 : i32 to index
              %swap3A_300 = tpu.vector_load %arg6[%swap3A] {strides = array<i32>} : memref<41088xf32, #tpu.memory_space<vmem>>, vector<16xf32>,
              tpu.vector_store %arg6[%swap3A], %bitcast3A {add = true, strides = array<i32>} : memref<41088xf32, #tpu.memory_space<vmem>>, vector<16xf32>,
              %add3A_301 = arith.constant 0 : i32
              %add3A_302 = arith.addi %mul3A_282, %add3A_301 : i32
              %add3A_303 = arith.constant 16 : i32
              %add3A_304 = arith.addi %add3A_302, %add3A_303 : i32
              %swap3A_305 = arith.index_cast %add3A_304 : i32 to index
              %swap3A_306 = tpu.vector_load %arg6[%swap3A_305] {strides = array<i32>} : memref<41088xf32, #tpu.memory_space<vmem>>, vector<16xf32>,
              tpu.vector_store %arg6[%swap3A_305], %bitcast3A_297 {add = true, strides = array<i32>} : memref<41088xf32, #tpu.memory_space<vmem>>, vector<16xf32>,
              %add3A_307 = arith.constant 0 : i32
              %add3A_308 = arith.addi %mul3A_282, %add3A_307 : i32
              %get3A_309 = arith.index_cast %add3A_308 : i32 to index
              %get3A_310 = tpu.vector_load %arg7[%get3A_309] {strides = array<i32>} : memref<41088xf32, #tpu.memory_space<vmem>>, vector<16xf32>,
              %max3A = arith.maximumf %get3A_310, %bitcast3A : vector<16xf32>
              %add3A_311 = arith.constant 0 : i32
              %add3A_312 = arith.addi %mul3A_282, %add3A_311 : i32
              %swap3A_313 = arith.index_cast %add3A_312 : i32 to index
              %swap3A_314 = tpu.vector_load %arg7[%swap3A_313] {strides = array<i32>} : memref<41088xf32, #tpu.memory_space<vmem>>, vector<16xf32>,
              tpu.vector_store %arg7[%swap3A_313], %max3A {strides = array<i32>} : memref<41088xf32, #tpu.memory_space<vmem>>, vector<16xf32>,
              %add3A_315 = arith.constant 0 : i32
              %add3A_316 = arith.addi %mul3A_282, %add3A_315 : i32
              %add3A_317 = arith.constant 16 : i32
              %add3A_318 = arith.addi %add3A_316, %add3A_317 : i32
              %get3A_319 = arith.index_cast %add3A_318 : i32 to index
              %get3A_320 = tpu.vector_load %arg7[%get3A_319] {strides = array<i32>} : memref<41088xf32, #tpu.memory_space<vmem>>, vector<16xf32>,
              %max3A_321 = arith.maximumf %get3A_320, %bitcast3A_297 : vector<16xf32>
              %add3A_322 = arith.constant 0 : i32
              %add3A_323 = arith.addi %mul3A_282, %add3A_322 : i32
              %add3A_324 = arith.constant 16 : i32
              %add3A_325 = arith.addi %add3A_323, %add3A_324 : i32
              %swap3A_326 = arith.index_cast %add3A_325 : i32 to index
              %swap3A_327 = tpu.vector_load %arg7[%swap3A_326] {strides = array<i32>} : memref<41088xf32, #tpu.memory_space<vmem>>, vector<16xf32>,
              tpu.vector_store %arg7[%swap3A_326], %max3A_321 {strides = array<i32>} : memref<41088xf32, #tpu.memory_space<vmem>>, vector<16xf32>,
              %add3A_328 = arith.constant 16 : i32
              %add3A_329 = arith.addi %mul3A_289, %add3A_328 : i32
              %get3A_330 = arith.index_cast %sub3A_285 : i32 to index
              %get3A_331 = arith.index_cast %add3A_329 : i32 to index
              %get3A_332 = tpu.vector_load %arg15[%get3A_330, %get3A_331] {strides = array<i32>} : memref<8x128xi32, #tpu.memory_space<vmem>>, vector<16xi32>,
              %shift_left3A_333 = arith.shli %get3A_332, %broadcast_in_dim3A_19 : vector<16xi32>
              %bitcast3A_334 = vector.bitcast %shift_left3A_333 : vector<16xi32> to vector<16xf32>
              %and3A_335 = arith.andi %get3A_332, %broadcast_in_dim3A_17 : vector<16xi32>
              %bitcast3A_336 = vector.bitcast %and3A_335 : vector<16xi32> to vector<16xf32>
              %add3A_337 = arith.constant 32 : i32
              %add3A_338 = arith.addi %mul3A_282, %add3A_337 : i32
              %swap3A_339 = arith.index_cast %add3A_338 : i32 to index
              %swap3A_340 = tpu.vector_load %arg6[%swap3A_339] {strides = array<i32>} : memref<41088xf32, #tpu.memory_space<vmem>>, vector<16xf32>,
              tpu.vector_store %arg6[%swap3A_339], %bitcast3A_334 {add = true, strides = array<i32>} : memref<41088xf32, #tpu.memory_space<vmem>>, vector<16xf32>,
              %add3A_341 = arith.constant 32 : i32
              %add3A_342 = arith.addi %mul3A_282, %add3A_341 : i32
              %add3A_343 = arith.constant 16 : i32
              %add3A_344 = arith.addi %add3A_342, %add3A_343 : i32
              %swap3A_345 = arith.index_cast %add3A_344 : i32 to index
              %swap3A_346 = tpu.vector_load %arg6[%swap3A_345] {strides = array<i32>} : memref<41088xf32, #tpu.memory_space<vmem>>, vector<16xf32>,
              tpu.vector_store %arg6[%swap3A_345], %bitcast3A_336 {add = true, strides = array<i32>} : memref<41088xf32, #tpu.memory_space<vmem>>, vector<16xf32>,
              %add3A_347 = arith.constant 32 : i32
              %add3A_348 = arith.addi %mul3A_282, %add3A_347 : i32
              %get3A_349 = arith.index_cast %add3A_348 : i32 to index
              %get3A_350 = tpu.vector_load %arg7[%get3A_349] {strides = array<i32>} : memref<41088xf32, #tpu.memory_space<vmem>>, vector<16xf32>,
              %max3A_351 = arith.maximumf %get3A_350, %bitcast3A_334 : vector<16xf32>
              %add3A_352 = arith.constant 32 : i32
              %add3A_353 = arith.addi %mul3A_282, %add3A_352 : i32
              %swap3A_354 = arith.index_cast %add3A_353 : i32 to index
              %swap3A_355 = tpu.vector_load %arg7[%swap3A_354] {strides = array<i32>} : memref<41088xf32, #tpu.memory_space<vmem>>, vector<16xf32>,
              tpu.vector_store %arg7[%swap3A_354], %max3A_351 {strides = array<i32>} : memref<41088xf32, #tpu.memory_space<vmem>>, vector<16xf32>,
              %add3A_356 = arith.constant 32 : i32
              %add3A_357 = arith.addi %mul3A_282, %add3A_356 : i32
              %add3A_358 = arith.constant 16 : i32
              %add3A_359 = arith.addi %add3A_357, %add3A_358 : i32
              %get3A_360 = arith.index_cast %add3A_359 : i32 to index
              %get3A_361 = tpu.vector_load %arg7[%get3A_360] {strides = array<i32>} : memref<41088xf32, #tpu.memory_space<vmem>>, vector<16xf32>,
              %max3A_362 = arith.maximumf %get3A_361, %bitcast3A_336 : vector<16xf32>
              %add3A_363 = arith.constant 32 : i32
              %add3A_364 = arith.addi %mul3A_282, %add3A_363 : i32
              %add3A_365 = arith.constant 16 : i32
              %add3A_366 = arith.addi %add3A_364, %add3A_365 : i32
              %swap3A_367 = arith.index_cast %add3A_366 : i32 to index
              %swap3A_368 = tpu.vector_load %arg7[%swap3A_367] {strides = array<i32>} : memref<41088xf32, #tpu.memory_space<vmem>>, vector<16xf32>,
              tpu.vector_store %arg7[%swap3A_367], %max3A_362 {strides = array<i32>} : memref<41088xf32, #tpu.memory_space<vmem>>, vector<16xf32>,
              %add3A_369 = arith.constant 32 : i32
              %add3A_370 = arith.addi %mul3A_289, %add3A_369 : i32
              %get3A_371 = arith.index_cast %sub3A_285 : i32 to index
              %get3A_372 = arith.index_cast %add3A_370 : i32 to index
              %get3A_373 = tpu.vector_load %arg15[%get3A_371, %get3A_372] {strides = array<i32>} : memref<8x128xi32, #tpu.memory_space<vmem>>, vector<16xi32>,
              %shift_left3A_374 = arith.shli %get3A_373, %broadcast_in_dim3A_19 : vector<16xi32>
              %bitcast3A_375 = vector.bitcast %shift_left3A_374 : vector<16xi32> to vector<16xf32>
              %and3A_376 = arith.andi %get3A_373, %broadcast_in_dim3A_17 : vector<16xi32>
              %bitcast3A_377 = vector.bitcast %and3A_376 : vector<16xi32> to vector<16xf32>
              %add3A_378 = arith.constant 64 : i32
              %add3A_379 = arith.addi %mul3A_282, %add3A_378 : i32
              %swap3A_380 = arith.index_cast %add3A_379 : i32 to index
              %swap3A_381 = tpu.vector_load %arg6[%swap3A_380] {strides = array<i32>} : memref<41088xf32, #tpu.memory_space<vmem>>, vector<16xf32>,
              tpu.vector_store %arg6[%swap3A_380], %bitcast3A_375 {add = true, strides = array<i32>} : memref<41088xf32, #tpu.memory_space<vmem>>, vector<16xf32>,
              %add3A_382 = arith.constant 64 : i32
              %add3A_383 = arith.addi %mul3A_282, %add3A_382 : i32
              %add3A_384 = arith.constant 16 : i32
              %add3A_385 = arith.addi %add3A_383, %add3A_384 : i32
              %swap3A_386 = arith.index_cast %add3A_385 : i32 to index
              %swap3A_387 = tpu.vector_load %arg6[%swap3A_386] {strides = array<i32>} : memref<41088xf32, #tpu.memory_space<vmem>>, vector<16xf32>,
              tpu.vector_store %arg6[%swap3A_386], %bitcast3A_377 {add = true, strides = array<i32>} : memref<41088xf32, #tpu.memory_space<vmem>>, vector<16xf32>,
              %add3A_388 = arith.constant 64 : i32
              %add3A_389 = arith.addi %mul3A_282, %add3A_388 : i32
              %get3A_390 = arith.index_cast %add3A_389 : i32 to index
              %get3A_391 = tpu.vector_load %arg7[%get3A_390] {strides = array<i32>} : memref<41088xf32, #tpu.memory_space<vmem>>, vector<16xf32>,
              %max3A_392 = arith.maximumf %get3A_391, %bitcast3A_375 : vector<16xf32>
              %add3A_393 = arith.constant 64 : i32
              %add3A_394 = arith.addi %mul3A_282, %add3A_393 : i32
              %swap3A_395 = arith.index_cast %add3A_394 : i32 to index
              %swap3A_396 = tpu.vector_load %arg7[%swap3A_395] {strides = array<i32>} : memref<41088xf32, #tpu.memory_space<vmem>>, vector<16xf32>,
              tpu.vector_store %arg7[%swap3A_395], %max3A_392 {strides = array<i32>} : memref<41088xf32, #tpu.memory_space<vmem>>, vector<16xf32>,
              %add3A_397 = arith.constant 64 : i32
              %add3A_398 = arith.addi %mul3A_282, %add3A_397 : i32
              %add3A_399 = arith.constant 16 : i32
              %add3A_400 = arith.addi %add3A_398, %add3A_399 : i32
              %get3A_401 = arith.index_cast %add3A_400 : i32 to index
              %get3A_402 = tpu.vector_load %arg7[%get3A_401] {strides = array<i32>} : memref<41088xf32, #tpu.memory_space<vmem>>, vector<16xf32>,
              %max3A_403 = arith.maximumf %get3A_402, %bitcast3A_377 : vector<16xf32>
              %add3A_404 = arith.constant 64 : i32
              %add3A_405 = arith.addi %mul3A_282, %add3A_404 : i32
              %add3A_406 = arith.constant 16 : i32
              %add3A_407 = arith.addi %add3A_405, %add3A_406 : i32
              %swap3A_408 = arith.index_cast %add3A_407 : i32 to index
              %swap3A_409 = tpu.vector_load %arg7[%swap3A_408] {strides = array<i32>} : memref<41088xf32, #tpu.memory_space<vmem>>, vector<16xf32>,
              tpu.vector_store %arg7[%swap3A_408], %max3A_403 {strides = array<i32>} : memref<41088xf32, #tpu.memory_space<vmem>>, vector<16xf32>,
              %add3A_410 = arith.constant 48 : i32
              %add3A_411 = arith.addi %mul3A_289, %add3A_410 : i32
              %get3A_412 = arith.index_cast %sub3A_285 : i32 to index
              %get3A_413 = arith.index_cast %add3A_411 : i32 to index
              %get3A_414 = tpu.vector_load %arg15[%get3A_412, %get3A_413] {strides = array<i32>} : memref<8x128xi32, #tpu.memory_space<vmem>>, vector<16xi32>,
              %shift_left3A_415 = arith.shli %get3A_414, %broadcast_in_dim3A_19 : vector<16xi32>
              %bitcast3A_416 = vector.bitcast %shift_left3A_415 : vector<16xi32> to vector<16xf32>
              %and3A_417 = arith.andi %get3A_414, %broadcast_in_dim3A_17 : vector<16xi32>
              %bitcast3A_418 = vector.bitcast %and3A_417 : vector<16xi32> to vector<16xf32>
              %add3A_419 = arith.constant 96 : i32
              %add3A_420 = arith.addi %mul3A_282, %add3A_419 : i32
              %swap3A_421 = arith.index_cast %add3A_420 : i32 to index
              %swap3A_422 = tpu.vector_load %arg6[%swap3A_421] {strides = array<i32>} : memref<41088xf32, #tpu.memory_space<vmem>>, vector<16xf32>,
              tpu.vector_store %arg6[%swap3A_421], %bitcast3A_416 {add = true, strides = array<i32>} : memref<41088xf32, #tpu.memory_space<vmem>>, vector<16xf32>,
              %add3A_423 = arith.constant 96 : i32
              %add3A_424 = arith.addi %mul3A_282, %add3A_423 : i32
              %add3A_425 = arith.constant 16 : i32
              %add3A_426 = arith.addi %add3A_424, %add3A_425 : i32
              %swap3A_427 = arith.index_cast %add3A_426 : i32 to index
              %swap3A_428 = tpu.vector_load %arg6[%swap3A_427] {strides = array<i32>} : memref<41088xf32, #tpu.memory_space<vmem>>, vector<16xf32>,
              tpu.vector_store %arg6[%swap3A_427], %bitcast3A_418 {add = true, strides = array<i32>} : memref<41088xf32, #tpu.memory_space<vmem>>, vector<16xf32>,
              %add3A_429 = arith.constant 96 : i32
              %add3A_430 = arith.addi %mul3A_282, %add3A_429 : i32
              %get3A_431 = arith.index_cast %add3A_430 : i32 to index
              %get3A_432 = tpu.vector_load %arg7[%get3A_431] {strides = array<i32>} : memref<41088xf32, #tpu.memory_space<vmem>>, vector<16xf32>,
              %max3A_433 = arith.maximumf %get3A_432, %bitcast3A_416 : vector<16xf32>
              %add3A_434 = arith.constant 96 : i32
              %add3A_435 = arith.addi %mul3A_282, %add3A_434 : i32
              %swap3A_436 = arith.index_cast %add3A_435 : i32 to index
              %swap3A_437 = tpu.vector_load %arg7[%swap3A_436] {strides = array<i32>} : memref<41088xf32, #tpu.memory_space<vmem>>, vector<16xf32>,
              tpu.vector_store %arg7[%swap3A_436], %max3A_433 {strides = array<i32>} : memref<41088xf32, #tpu.memory_space<vmem>>, vector<16xf32>,
              %add3A_438 = arith.constant 96 : i32
              %add3A_439 = arith.addi %mul3A_282, %add3A_438 : i32
              %add3A_440 = arith.constant 16 : i32
              %add3A_441 = arith.addi %add3A_439, %add3A_440 : i32
              %get3A_442 = arith.index_cast %add3A_441 : i32 to index
              %get3A_443 = tpu.vector_load %arg7[%get3A_442] {strides = array<i32>} : memref<41088xf32, #tpu.memory_space<vmem>>, vector<16xf32>,
              %max3A_444 = arith.maximumf %get3A_443, %bitcast3A_418 : vector<16xf32>
              %add3A_445 = arith.constant 96 : i32
              %add3A_446 = arith.addi %mul3A_282, %add3A_445 : i32
              %add3A_447 = arith.constant 16 : i32
              %add3A_448 = arith.addi %add3A_446, %add3A_447 : i32
              %swap3A_449 = arith.index_cast %add3A_448 : i32 to index
              %swap3A_450 = tpu.vector_load %arg7[%swap3A_449] {strides = array<i32>} : memref<41088xf32, #tpu.memory_space<vmem>>, vector<16xf32>,
              tpu.vector_store %arg7[%swap3A_449], %max3A_444 {strides = array<i32>} : memref<41088xf32, #tpu.memory_space<vmem>>, vector<16xf32>,
            }
            %add3A_265 = arith.constant 3 : i32
            %add3A_266 = arith.addi %mul3A_187, %add3A_265 : i32
            %lt3A_267 = arith.constant 625 : i32
            %lt3A_268 = arith.cmpi slt, %add3A_266, %lt3A_267 : i32
            %convert_element_type3A_269 = arith.extui %lt3A_268 : i1 to i32
            %cond3A_270 = arith.constant 0 : i32
            %cond3A_271 = arith.cmpi ne, %convert_element_type3A_269, %cond3A_270 : i32
            scf.if %cond3A_271 {
              %add3A_272 = arith.constant 3 : i32
              %add3A_273 = arith.addi %mul3A_187, %add3A_272 : i32
              %mul3A_274 = arith.constant 8 : i32
              %mul3A_275 = arith.muli %add3A_273, %mul3A_274 : i32
              %dma_start3A_276 = arith.constant 0 : i32
              %dma_start3A_277 = tpu.memref_slice %arg4[%mul3A_275, %dma_start3A_276] : memref<5000x128xi32, #tpu.memory_space<hbm>> -> memref<8x128xi32, #tpu.memory_space<hbm>>
              %dma_start3A_278 = arith.constant 0 : i32
              %dma_start3A_279 = tpu.memref_slice %arg4[%mul3A_275, %dma_start3A_278] : memref<5000x128xi32, #tpu.memory_space<hbm>> -> memref<8x128xi32, #tpu.memory_space<hbm>>
              tpu.enqueue_dma source(%dma_start3A_279 : memref<8x128xi32, #tpu.memory_space<hbm>>) target(%arg15 : memref<8x128xi32, #tpu.memory_space<vmem>>) target_semaphore(%arg20 : memref<!tpu.dma_semaphore, #tpu.memory_space<semaphore_mem>>)
            } else {
            }
          } else {
          }
        }
        %scan3A_168 = arith.constant 313 : i32
        %scan3A_169 = arith.constant 0 : i32
        %scan3A_170 = arith.constant 0 : i32
        %scan3A_171 = arith.constant 626 : i32
        %scan3A_172 = arith.addi %scan3A_170, %scan3A_171 : i32
        %scan3A_173 = arith.constant 1 : i32
        scf.for %scan3A_185 = %scan3A_170 to %scan3A_172 step %scan3A_173  : i32 {
          %mul3A_186 = arith.constant 16 : i32
          %mul3A_187 = arith.muli %scan3A_185, %mul3A_186 : i32
          %swap3A = arith.index_cast %mul3A_187 : i32 to index
          %swap3A_188 = tpu.vector_load %arg9[%swap3A] {strides = array<i32>} : memref<10016xi32, #tpu.memory_space<vmem>>, vector<16xi32>,
          tpu.vector_store %arg9[%swap3A], %broadcast_in_dim3A_7 {strides = array<i32>} : memref<10016xi32, #tpu.memory_space<vmem>>, vector<16xi32>,
        }
        %scan3A_174 = arith.constant 626 : i32
        %while3A_175 = arith.constant 0 : i32
        %while3A_176 = arith.constant 0 : i32
        %while3A_177 = arith.subi %shift_right_arithmetic3A_124, %while3A_176 : i32
        %while3A_178 = arith.addi %while3A_176, %while3A_177 : i32
        %while3A_179 = arith.constant 1 : i32
        %while3A_180 = arith.divsi %while3A_177, %while3A_179 : i32
        %while3A_181 = arith.muli %while3A_180, %while3A_179 : i32
        %while3A_182 = arith.addi %while3A_176, %while3A_181 : i32
        %while3A_183 = arith.constant 1 : i32
        scf.for %while3A_185 = %while3A_176 to %while3A_182 step %while3A_183  : i32 {
          %mul3A_186 = arith.constant 16 : i32
          %mul3A_187 = arith.muli %while3A_185, %mul3A_186 : i32
          %swap3A = arith.index_cast %mul3A_187 : i32 to index
          %swap3A_188 = tpu.vector_load %arg11[%swap3A] {strides = array<i32>} : memref<12408xi32, #tpu.memory_space<vmem>>, vector<16xi32>,
          tpu.vector_store %arg11[%swap3A], %broadcast_in_dim3A_7 {strides = array<i32>} : memref<12408xi32, #tpu.memory_space<vmem>>, vector<16xi32>,
        }
        %while3A_184 = arith.constant 1 : i32
        scf.for %while3A_185 = %while3A_182 to %while3A_178 step %while3A_184  : i32 {
          %mul3A_186 = arith.constant 16 : i32
          %mul3A_187 = arith.muli %while3A_185, %mul3A_186 : i32
          %swap3A = arith.index_cast %mul3A_187 : i32 to index
          %swap3A_188 = tpu.vector_load %arg11[%swap3A] {strides = array<i32>} : memref<12408xi32, #tpu.memory_space<vmem>>, vector<16xi32>,
          tpu.vector_store %arg11[%swap3A], %broadcast_in_dim3A_7 {strides = array<i32>} : memref<12408xi32, #tpu.memory_space<vmem>>, vector<16xi32>,
        }
      } else {
      }
      %jit3A = arith.constant 0 : i32
      %select_n3A_111 = arith.select %or3A, %jit3A, %select_n3A_105 : i32
      scf.yield %select_n3A_111 : i32
    }
    %scan3A_62 = arith.constant 201 : i32
    %get3A = arith.constant 0 : index
    %get3A_63 = tpu.vector_load %arg16[%get3A] {strides = array<i32>} : memref<16xf32, #tpu.memory_space<vmem>>, vector<16xf32>,
    %slice3A = vector.extract_strided_slice %get3A_63 {offsets = [0], sizes = [1], strides = [1]} : vector<16xf32> to vector<1xf32>
    %squeeze3A = vector.extract %slice3A[0] : f32 from vector<1xf32>
    %broadcast_in_dim3A_64 = vector.broadcast %squeeze3A : f32 to vector<16xf32>
    %slice3A_65 = vector.extract_strided_slice %get3A_63 {offsets = [1], sizes = [1], strides = [1]} : vector<16xf32> to vector<1xf32>
    %squeeze3A_66 = vector.extract %slice3A_65[0] : f32 from vector<1xf32>
    %broadcast_in_dim3A_67 = vector.broadcast %squeeze3A_66 : f32 to vector<16xf32>
    %slice3A_68 = vector.extract_strided_slice %get3A_63 {offsets = [2], sizes = [1], strides = [1]} : vector<16xf32> to vector<1xf32>
    %squeeze3A_69 = vector.extract %slice3A_68[0] : f32 from vector<1xf32>
    %broadcast_in_dim3A_70 = vector.broadcast %squeeze3A_69 : f32 to vector<16xf32>
    %scan3A_71 = arith.constant 0 : i32
    %scan3A_72 = arith.constant 0 : i32
    %scan3A_73 = arith.constant 20 : i32
    %scan3A_74 = arith.addi %scan3A_72, %scan3A_73 : i32
    %scan3A_75 = arith.constant 1 : i32
    scf.for %scan3A_79 = %scan3A_72 to %scan3A_74 step %scan3A_75  : i32 {
      %mul3A_80 = arith.constant 16 : i32
      %mul3A_81 = arith.muli %scan3A_79, %mul3A_80 : i32
      %get3A_82 = arith.index_cast %mul3A_81 : i32 to index
      %get3A_83 = tpu.vector_load %arg8[%get3A_82] {strides = array<i32>} : memref<352xf32, #tpu.memory_space<vmem>>, vector<16xf32>,
      %max3A = arith.maximumf %get3A_83, %broadcast_in_dim3A_5 : vector<16xf32>
      %div3A = arith.divf %broadcast_in_dim3A_67, %max3A : vector<16xf32>
      %add3A_84 = arith.addf %broadcast_in_dim3A_64, %div3A : vector<16xf32>
      %gt3A = arith.cmpf ogt, %get3A_83, %broadcast_in_dim3A_3 : vector<16xf32>
      %select_n3A_85 = arith.select %gt3A, %broadcast_in_dim3A_70, %broadcast_in_dim3A_3 : vector<16xi1>, vector<16xf32>
      %slice3A_86 = vector.extract_strided_slice %add3A_84 {offsets = [0], sizes = [1], strides = [1]} : vector<16xf32> to vector<1xf32>
      %squeeze3A_87 = vector.extract %slice3A_86[0] : f32 from vector<1xf32>
      %broadcast_in_dim3A_88 = vector.broadcast %squeeze3A_87 : f32 to vector<16xf32>
      %slice3A_89 = vector.extract_strided_slice %select_n3A_85 {offsets = [0], sizes = [1], strides = [1]} : vector<16xf32> to vector<1xf32>
      %squeeze3A_90 = vector.extract %slice3A_89[0] : f32 from vector<1xf32>
      %broadcast_in_dim3A_91 = vector.broadcast %squeeze3A_90 : f32 to vector<16xf32>
      %add3A_92 = arith.constant 0 : i32
      %add3A_93 = arith.addi %mul3A_81, %add3A_92 : i32
      %mul3A_94 = arith.constant 128 : i32
      %mul3A_95 = arith.muli %add3A_93, %mul3A_94 : i32
      %add3A_96 = arith.constant 0 : i32
      %add3A_97 = arith.addi %mul3A_95, %add3A_96 : i32
      %get3A_98 = arith.index_cast %add3A_97 : i32 to index
      %get3A_99 = tpu.vector_load %arg6[%get3A_98] {strides = array<i32>} : memref<41088xf32, #tpu.memory_space<vmem>>, vector<16xf32>,
      %add3A_100 = arith.constant 0 : i32
      %add3A_101 = arith.addi %mul3A_95, %add3A_100 : i32
      %get3A_102 = arith.index_cast %add3A_101 : i32 to index
      %get3A_103 = tpu.vector_load %arg7[%get3A_102] {strides = array<i32>} : memref<41088xf32, #tpu.memory_space<vmem>>, vector<16xf32>,
      %mul3A_104 = arith.mulf %get3A_99, %broadcast_in_dim3A_88 : vector<16xf32>
      %mul3A_105 = arith.mulf %broadcast_in_dim3A_91, %get3A_103 : vector<16xf32>
      %add3A_106 = arith.addf %mul3A_104, %mul3A_105 : vector<16xf32>
      %add3A_107 = arith.constant 0 : i32
      %add3A_108 = arith.addi %mul3A_95, %add3A_107 : i32
      %swap3A = arith.index_cast %add3A_108 : i32 to index
      %swap3A_109 = tpu.vector_load %arg6[%swap3A] {strides = array<i32>} : memref<41088xf32, #tpu.memory_space<vmem>>, vector<16xf32>,
      tpu.vector_store %arg6[%swap3A], %add3A_106 {strides = array<i32>} : memref<41088xf32, #tpu.memory_space<vmem>>, vector<16xf32>,
      %add3A_110 = arith.constant 16 : i32
      %add3A_111 = arith.addi %mul3A_95, %add3A_110 : i32
      %get3A_112 = arith.index_cast %add3A_111 : i32 to index
      %get3A_113 = tpu.vector_load %arg6[%get3A_112] {strides = array<i32>} : memref<41088xf32, #tpu.memory_space<vmem>>, vector<16xf32>,
      %add3A_114 = arith.constant 16 : i32
      %add3A_115 = arith.addi %mul3A_95, %add3A_114 : i32
      %get3A_116 = arith.index_cast %add3A_115 : i32 to index
      %get3A_117 = tpu.vector_load %arg7[%get3A_116] {strides = array<i32>} : memref<41088xf32, #tpu.memory_space<vmem>>, vector<16xf32>,
      %mul3A_118 = arith.mulf %get3A_113, %broadcast_in_dim3A_88 : vector<16xf32>
      %mul3A_119 = arith.mulf %broadcast_in_dim3A_91, %get3A_117 : vector<16xf32>
      %add3A_120 = arith.addf %mul3A_118, %mul3A_119 : vector<16xf32>
      %add3A_121 = arith.constant 16 : i32
      %add3A_122 = arith.addi %mul3A_95, %add3A_121 : i32
      %swap3A_123 = arith.index_cast %add3A_122 : i32 to index
      %swap3A_124 = tpu.vector_load %arg6[%swap3A_123] {strides = array<i32>} : memref<41088xf32, #tpu.memory_space<vmem>>, vector<16xf32>,
      tpu.vector_store %arg6[%swap3A_123], %add3A_120 {strides = array<i32>} : memref<41088xf32, #tpu.memory_space<vmem>>, vector<16xf32>,
      %add3A_125 = arith.constant 32 : i32
      %add3A_126 = arith.addi %mul3A_95, %add3A_125 : i32
      %get3A_127 = arith.index_cast %add3A_126 : i32 to index
      %get3A_128 = tpu.vector_load %arg6[%get3A_127] {strides = array<i32>} : memref<41088xf32, #tpu.memory_space<vmem>>, vector<16xf32>,
      %add3A_129 = arith.constant 32 : i32
      %add3A_130 = arith.addi %mul3A_95, %add3A_129 : i32
      %get3A_131 = arith.index_cast %add3A_130 : i32 to index
      %get3A_132 = tpu.vector_load %arg7[%get3A_131] {strides = array<i32>} : memref<41088xf32, #tpu.memory_space<vmem>>, vector<16xf32>,
      %mul3A_133 = arith.mulf %get3A_128, %broadcast_in_dim3A_88 : vector<16xf32>
      %mul3A_134 = arith.mulf %broadcast_in_dim3A_91, %get3A_132 : vector<16xf32>
      %add3A_135 = arith.addf %mul3A_133, %mul3A_134 : vector<16xf32>
      %add3A_136 = arith.constant 32 : i32
      %add3A_137 = arith.addi %mul3A_95, %add3A_136 : i32
      %swap3A_138 = arith.index_cast %add3A_137 : i32 to index
      %swap3A_139 = tpu.vector_load %arg6[%swap3A_138] {strides = array<i32>} : memref<41088xf32, #tpu.memory_space<vmem>>, vector<16xf32>,
      tpu.vector_store %arg6[%swap3A_138], %add3A_135 {strides = array<i32>} : memref<41088xf32, #tpu.memory_space<vmem>>, vector<16xf32>,
      %add3A_140 = arith.constant 48 : i32
      %add3A_141 = arith.addi %mul3A_95, %add3A_140 : i32
      %get3A_142 = arith.index_cast %add3A_141 : i32 to index
      %get3A_143 = tpu.vector_load %arg6[%get3A_142] {strides = array<i32>} : memref<41088xf32, #tpu.memory_space<vmem>>, vector<16xf32>,
      %add3A_144 = arith.constant 48 : i32
      %add3A_145 = arith.addi %mul3A_95, %add3A_144 : i32
      %get3A_146 = arith.index_cast %add3A_145 : i32 to index
      %get3A_147 = tpu.vector_load %arg7[%get3A_146] {strides = array<i32>} : memref<41088xf32, #tpu.memory_space<vmem>>, vector<16xf32>,
      %mul3A_148 = arith.mulf %get3A_143, %broadcast_in_dim3A_88 : vector<16xf32>
      %mul3A_149 = arith.mulf %broadcast_in_dim3A_91, %get3A_147 : vector<16xf32>
      %add3A_150 = arith.addf %mul3A_148, %mul3A_149 : vector<16xf32>
      %add3A_151 = arith.constant 48 : i32
      %add3A_152 = arith.addi %mul3A_95, %add3A_151 : i32
      %swap3A_153 = arith.index_cast %add3A_152 : i32 to index
      %swap3A_154 = tpu.vector_load %arg6[%swap3A_153] {strides = array<i32>} : memref<41088xf32, #tpu.memory_space<vmem>>, vector<16xf32>,
      tpu.vector_store %arg6[%swap3A_153], %add3A_150 {strides = array<i32>} : memref<41088xf32, #tpu.memory_space<vmem>>, vector<16xf32>,
      %add3A_155 = arith.constant 64 : i32
      %add3A_156 = arith.addi %mul3A_95, %add3A_155 : i32
      %get3A_157 = arith.index_cast %add3A_156 : i32 to index
      %get3A_158 = tpu.vector_load %arg6[%get3A_157] {strides = array<i32>} : memref<41088xf32, #tpu.memory_space<vmem>>, vector<16xf32>,
      %add3A_159 = arith.constant 64 : i32
      %add3A_160 = arith.addi %mul3A_95, %add3A_159 : i32
      %get3A_161 = arith.index_cast %add3A_160 : i32 to index
      %get3A_162 = tpu.vector_load %arg7[%get3A_161] {strides = array<i32>} : memref<41088xf32, #tpu.memory_space<vmem>>, vector<16xf32>,
      %mul3A_163 = arith.mulf %get3A_158, %broadcast_in_dim3A_88 : vector<16xf32>
      %mul3A_164 = arith.mulf %broadcast_in_dim3A_91, %get3A_162 : vector<16xf32>
      %add3A_165 = arith.addf %mul3A_163, %mul3A_164 : vector<16xf32>
      %add3A_166 = arith.constant 64 : i32
      %add3A_167 = arith.addi %mul3A_95, %add3A_166 : i32
      %swap3A_168 = arith.index_cast %add3A_167 : i32 to index
      %swap3A_169 = tpu.vector_load %arg6[%swap3A_168] {strides = array<i32>} : memref<41088xf32, #tpu.memory_space<vmem>>, vector<16xf32>,
      tpu.vector_store %arg6[%swap3A_168], %add3A_165 {strides = array<i32>} : memref<41088xf32, #tpu.memory_space<vmem>>, vector<16xf32>,
      %add3A_170 = arith.constant 80 : i32
      %add3A_171 = arith.addi %mul3A_95, %add3A_170 : i32
      %get3A_172 = arith.index_cast %add3A_171 : i32 to index
      %get3A_173 = tpu.vector_load %arg6[%get3A_172] {strides = array<i32>} : memref<41088xf32, #tpu.memory_space<vmem>>, vector<16xf32>,
      %add3A_174 = arith.constant 80 : i32
      %add3A_175 = arith.addi %mul3A_95, %add3A_174 : i32
      %get3A_176 = arith.index_cast %add3A_175 : i32 to index
      %get3A_177 = tpu.vector_load %arg7[%get3A_176] {strides = array<i32>} : memref<41088xf32, #tpu.memory_space<vmem>>, vector<16xf32>,
      %mul3A_178 = arith.mulf %get3A_173, %broadcast_in_dim3A_88 : vector<16xf32>
      %mul3A_179 = arith.mulf %broadcast_in_dim3A_91, %get3A_177 : vector<16xf32>
      %add3A_180 = arith.addf %mul3A_178, %mul3A_179 : vector<16xf32>
      %add3A_181 = arith.constant 80 : i32
      %add3A_182 = arith.addi %mul3A_95, %add3A_181 : i32
      %swap3A_183 = arith.index_cast %add3A_182 : i32 to index
      %swap3A_184 = tpu.vector_load %arg6[%swap3A_183] {strides = array<i32>} : memref<41088xf32, #tpu.memory_space<vmem>>, vector<16xf32>,
      tpu.vector_store %arg6[%swap3A_183], %add3A_180 {strides = array<i32>} : memref<41088xf32, #tpu.memory_space<vmem>>, vector<16xf32>,
      %add3A_185 = arith.constant 96 : i32
      %add3A_186 = arith.addi %mul3A_95, %add3A_185 : i32
      %get3A_187 = arith.index_cast %add3A_186 : i32 to index
      %get3A_188 = tpu.vector_load %arg6[%get3A_187] {strides = array<i32>} : memref<41088xf32, #tpu.memory_space<vmem>>, vector<16xf32>,
      %add3A_189 = arith.constant 96 : i32
      %add3A_190 = arith.addi %mul3A_95, %add3A_189 : i32
      %get3A_191 = arith.index_cast %add3A_190 : i32 to index
      %get3A_192 = tpu.vector_load %arg7[%get3A_191] {strides = array<i32>} : memref<41088xf32, #tpu.memory_space<vmem>>, vector<16xf32>,
      %mul3A_193 = arith.mulf %get3A_188, %broadcast_in_dim3A_88 : vector<16xf32>
      %mul3A_194 = arith.mulf %broadcast_in_dim3A_91, %get3A_192 : vector<16xf32>
      %add3A_195 = arith.addf %mul3A_193, %mul3A_194 : vector<16xf32>
      %add3A_196 = arith.constant 96 : i32
      %add3A_197 = arith.addi %mul3A_95, %add3A_196 : i32
      %swap3A_198 = arith.index_cast %add3A_197 : i32 to index
      %swap3A_199 = tpu.vector_load %arg6[%swap3A_198] {strides = array<i32>} : memref<41088xf32, #tpu.memory_space<vmem>>, vector<16xf32>,
      tpu.vector_store %arg6[%swap3A_198], %add3A_195 {strides = array<i32>} : memref<41088xf32, #tpu.memory_space<vmem>>, vector<16xf32>,
      %add3A_200 = arith.constant 112 : i32
      %add3A_201 = arith.addi %mul3A_95, %add3A_200 : i32
      %get3A_202 = arith.index_cast %add3A_201 : i32 to index
      %get3A_203 = tpu.vector_load %arg6[%get3A_202] {strides = array<i32>} : memref<41088xf32, #tpu.memory_space<vmem>>, vector<16xf32>,
      %add3A_204 = arith.constant 112 : i32
      %add3A_205 = arith.addi %mul3A_95, %add3A_204 : i32
      %get3A_206 = arith.index_cast %add3A_205 : i32 to index
      %get3A_207 = tpu.vector_load %arg7[%get3A_206] {strides = array<i32>} : memref<41088xf32, #tpu.memory_space<vmem>>, vector<16xf32>,
      %mul3A_208 = arith.mulf %get3A_203, %broadcast_in_dim3A_88 : vector<16xf32>
      %mul3A_209 = arith.mulf %broadcast_in_dim3A_91, %get3A_207 : vector<16xf32>
      %add3A_210 = arith.addf %mul3A_208, %mul3A_209 : vector<16xf32>
      %add3A_211 = arith.constant 112 : i32
      %add3A_212 = arith.addi %mul3A_95, %add3A_211 : i32
      %swap3A_213 = arith.index_cast %add3A_212 : i32 to index
      %swap3A_214 = tpu.vector_load %arg6[%swap3A_213] {strides = array<i32>} : memref<41088xf32, #tpu.memory_space<vmem>>, vector<16xf32>,
      tpu.vector_store %arg6[%swap3A_213], %add3A_210 {strides = array<i32>} : memref<41088xf32, #tpu.memory_space<vmem>>, vector<16xf32>,
      %slice3A_215 = vector.extract_strided_slice %add3A_84 {offsets = [1], sizes = [1], strides = [1]} : vector<16xf32> to vector<1xf32>
      %squeeze3A_216 = vector.extract %slice3A_215[0] : f32 from vector<1xf32>
      %broadcast_in_dim3A_217 = vector.broadcast %squeeze3A_216 : f32 to vector<16xf32>
      %slice3A_218 = vector.extract_strided_slice %select_n3A_85 {offsets = [1], sizes = [1], strides = [1]} : vector<16xf32> to vector<1xf32>
      %squeeze3A_219 = vector.extract %slice3A_218[0] : f32 from vector<1xf32>
      %broadcast_in_dim3A_220 = vector.broadcast %squeeze3A_219 : f32 to vector<16xf32>
      %add3A_221 = arith.constant 1 : i32
      %add3A_222 = arith.addi %mul3A_81, %add3A_221 : i32
      %mul3A_223 = arith.constant 128 : i32
      %mul3A_224 = arith.muli %add3A_222, %mul3A_223 : i32
      %add3A_225 = arith.constant 0 : i32
      %add3A_226 = arith.addi %mul3A_224, %add3A_225 : i32
      %get3A_227 = arith.index_cast %add3A_226 : i32 to index
      %get3A_228 = tpu.vector_load %arg6[%get3A_227] {strides = array<i32>} : memref<41088xf32, #tpu.memory_space<vmem>>, vector<16xf32>,
      %add3A_229 = arith.constant 0 : i32
      %add3A_230 = arith.addi %mul3A_224, %add3A_229 : i32
      %get3A_231 = arith.index_cast %add3A_230 : i32 to index
      %get3A_232 = tpu.vector_load %arg7[%get3A_231] {strides = array<i32>} : memref<41088xf32, #tpu.memory_space<vmem>>, vector<16xf32>,
      %mul3A_233 = arith.mulf %get3A_228, %broadcast_in_dim3A_217 : vector<16xf32>
      %mul3A_234 = arith.mulf %broadcast_in_dim3A_220, %get3A_232 : vector<16xf32>
      %add3A_235 = arith.addf %mul3A_233, %mul3A_234 : vector<16xf32>
      %add3A_236 = arith.constant 0 : i32
      %add3A_237 = arith.addi %mul3A_224, %add3A_236 : i32
      %swap3A_238 = arith.index_cast %add3A_237 : i32 to index
      %swap3A_239 = tpu.vector_load %arg6[%swap3A_238] {strides = array<i32>} : memref<41088xf32, #tpu.memory_space<vmem>>, vector<16xf32>,
      tpu.vector_store %arg6[%swap3A_238], %add3A_235 {strides = array<i32>} : memref<41088xf32, #tpu.memory_space<vmem>>, vector<16xf32>,
      %add3A_240 = arith.constant 16 : i32
      %add3A_241 = arith.addi %mul3A_224, %add3A_240 : i32
      %get3A_242 = arith.index_cast %add3A_241 : i32 to index
      %get3A_243 = tpu.vector_load %arg6[%get3A_242] {strides = array<i32>} : memref<41088xf32, #tpu.memory_space<vmem>>, vector<16xf32>,
      %add3A_244 = arith.constant 16 : i32
      %add3A_245 = arith.addi %mul3A_224, %add3A_244 : i32
      %get3A_246 = arith.index_cast %add3A_245 : i32 to index
      %get3A_247 = tpu.vector_load %arg7[%get3A_246] {strides = array<i32>} : memref<41088xf32, #tpu.memory_space<vmem>>, vector<16xf32>,
      %mul3A_248 = arith.mulf %get3A_243, %broadcast_in_dim3A_217 : vector<16xf32>
      %mul3A_249 = arith.mulf %broadcast_in_dim3A_220, %get3A_247 : vector<16xf32>
      %add3A_250 = arith.addf %mul3A_248, %mul3A_249 : vector<16xf32>
      %add3A_251 = arith.constant 16 : i32
      %add3A_252 = arith.addi %mul3A_224, %add3A_251 : i32
      %swap3A_253 = arith.index_cast %add3A_252 : i32 to index
      %swap3A_254 = tpu.vector_load %arg6[%swap3A_253] {strides = array<i32>} : memref<41088xf32, #tpu.memory_space<vmem>>, vector<16xf32>,
      tpu.vector_store %arg6[%swap3A_253], %add3A_250 {strides = array<i32>} : memref<41088xf32, #tpu.memory_space<vmem>>, vector<16xf32>,
      %add3A_255 = arith.constant 32 : i32
      %add3A_256 = arith.addi %mul3A_224, %add3A_255 : i32
      %get3A_257 = arith.index_cast %add3A_256 : i32 to index
      %get3A_258 = tpu.vector_load %arg6[%get3A_257] {strides = array<i32>} : memref<41088xf32, #tpu.memory_space<vmem>>, vector<16xf32>,
      %add3A_259 = arith.constant 32 : i32
      %add3A_260 = arith.addi %mul3A_224, %add3A_259 : i32
      %get3A_261 = arith.index_cast %add3A_260 : i32 to index
      %get3A_262 = tpu.vector_load %arg7[%get3A_261] {strides = array<i32>} : memref<41088xf32, #tpu.memory_space<vmem>>, vector<16xf32>,
      %mul3A_263 = arith.mulf %get3A_258, %broadcast_in_dim3A_217 : vector<16xf32>
      %mul3A_264 = arith.mulf %broadcast_in_dim3A_220, %get3A_262 : vector<16xf32>
      %add3A_265 = arith.addf %mul3A_263, %mul3A_264 : vector<16xf32>
      %add3A_266 = arith.constant 32 : i32
      %add3A_267 = arith.addi %mul3A_224, %add3A_266 : i32
      %swap3A_268 = arith.index_cast %add3A_267 : i32 to index
      %swap3A_269 = tpu.vector_load %arg6[%swap3A_268] {strides = array<i32>} : memref<41088xf32, #tpu.memory_space<vmem>>, vector<16xf32>,
      tpu.vector_store %arg6[%swap3A_268], %add3A_265 {strides = array<i32>} : memref<41088xf32, #tpu.memory_space<vmem>>, vector<16xf32>,
      %add3A_270 = arith.constant 48 : i32
      %add3A_271 = arith.addi %mul3A_224, %add3A_270 : i32
      %get3A_272 = arith.index_cast %add3A_271 : i32 to index
      %get3A_273 = tpu.vector_load %arg6[%get3A_272] {strides = array<i32>} : memref<41088xf32, #tpu.memory_space<vmem>>, vector<16xf32>,
      %add3A_274 = arith.constant 48 : i32
      %add3A_275 = arith.addi %mul3A_224, %add3A_274 : i32
      %get3A_276 = arith.index_cast %add3A_275 : i32 to index
      %get3A_277 = tpu.vector_load %arg7[%get3A_276] {strides = array<i32>} : memref<41088xf32, #tpu.memory_space<vmem>>, vector<16xf32>,
      %mul3A_278 = arith.mulf %get3A_273, %broadcast_in_dim3A_217 : vector<16xf32>
      %mul3A_279 = arith.mulf %broadcast_in_dim3A_220, %get3A_277 : vector<16xf32>
      %add3A_280 = arith.addf %mul3A_278, %mul3A_279 : vector<16xf32>
      %add3A_281 = arith.constant 48 : i32
      %add3A_282 = arith.addi %mul3A_224, %add3A_281 : i32
      %swap3A_283 = arith.index_cast %add3A_282 : i32 to index
      %swap3A_284 = tpu.vector_load %arg6[%swap3A_283] {strides = array<i32>} : memref<41088xf32, #tpu.memory_space<vmem>>, vector<16xf32>,
      tpu.vector_store %arg6[%swap3A_283], %add3A_280 {strides = array<i32>} : memref<41088xf32, #tpu.memory_space<vmem>>, vector<16xf32>,
      %add3A_285 = arith.constant 64 : i32
      %add3A_286 = arith.addi %mul3A_224, %add3A_285 : i32
      %get3A_287 = arith.index_cast %add3A_286 : i32 to index
      %get3A_288 = tpu.vector_load %arg6[%get3A_287] {strides = array<i32>} : memref<41088xf32, #tpu.memory_space<vmem>>, vector<16xf32>,
      %add3A_289 = arith.constant 64 : i32
      %add3A_290 = arith.addi %mul3A_224, %add3A_289 : i32
      %get3A_291 = arith.index_cast %add3A_290 : i32 to index
      %get3A_292 = tpu.vector_load %arg7[%get3A_291] {strides = array<i32>} : memref<41088xf32, #tpu.memory_space<vmem>>, vector<16xf32>,
      %mul3A_293 = arith.mulf %get3A_288, %broadcast_in_dim3A_217 : vector<16xf32>
      %mul3A_294 = arith.mulf %broadcast_in_dim3A_220, %get3A_292 : vector<16xf32>
      %add3A_295 = arith.addf %mul3A_293, %mul3A_294 : vector<16xf32>
      %add3A_296 = arith.constant 64 : i32
      %add3A_297 = arith.addi %mul3A_224, %add3A_296 : i32
      %swap3A_298 = arith.index_cast %add3A_297 : i32 to index
      %swap3A_299 = tpu.vector_load %arg6[%swap3A_298] {strides = array<i32>} : memref<41088xf32, #tpu.memory_space<vmem>>, vector<16xf32>,
      tpu.vector_store %arg6[%swap3A_298], %add3A_295 {strides = array<i32>} : memref<41088xf32, #tpu.memory_space<vmem>>, vector<16xf32>,
      %add3A_300 = arith.constant 80 : i32
      %add3A_301 = arith.addi %mul3A_224, %add3A_300 : i32
      %get3A_302 = arith.index_cast %add3A_301 : i32 to index
      %get3A_303 = tpu.vector_load %arg6[%get3A_302] {strides = array<i32>} : memref<41088xf32, #tpu.memory_space<vmem>>, vector<16xf32>,
      %add3A_304 = arith.constant 80 : i32
      %add3A_305 = arith.addi %mul3A_224, %add3A_304 : i32
      %get3A_306 = arith.index_cast %add3A_305 : i32 to index
      %get3A_307 = tpu.vector_load %arg7[%get3A_306] {strides = array<i32>} : memref<41088xf32, #tpu.memory_space<vmem>>, vector<16xf32>,
      %mul3A_308 = arith.mulf %get3A_303, %broadcast_in_dim3A_217 : vector<16xf32>
      %mul3A_309 = arith.mulf %broadcast_in_dim3A_220, %get3A_307 : vector<16xf32>
      %add3A_310 = arith.addf %mul3A_308, %mul3A_309 : vector<16xf32>
      %add3A_311 = arith.constant 80 : i32
      %add3A_312 = arith.addi %mul3A_224, %add3A_311 : i32
      %swap3A_313 = arith.index_cast %add3A_312 : i32 to index
      %swap3A_314 = tpu.vector_load %arg6[%swap3A_313] {strides = array<i32>} : memref<41088xf32, #tpu.memory_space<vmem>>, vector<16xf32>,
      tpu.vector_store %arg6[%swap3A_313], %add3A_310 {strides = array<i32>} : memref<41088xf32, #tpu.memory_space<vmem>>, vector<16xf32>,
      %add3A_315 = arith.constant 96 : i32
      %add3A_316 = arith.addi %mul3A_224, %add3A_315 : i32
      %get3A_317 = arith.index_cast %add3A_316 : i32 to index
      %get3A_318 = tpu.vector_load %arg6[%get3A_317] {strides = array<i32>} : memref<41088xf32, #tpu.memory_space<vmem>>, vector<16xf32>,
      %add3A_319 = arith.constant 96 : i32
      %add3A_320 = arith.addi %mul3A_224, %add3A_319 : i32
      %get3A_321 = arith.index_cast %add3A_320 : i32 to index
      %get3A_322 = tpu.vector_load %arg7[%get3A_321] {strides = array<i32>} : memref<41088xf32, #tpu.memory_space<vmem>>, vector<16xf32>,
      %mul3A_323 = arith.mulf %get3A_318, %broadcast_in_dim3A_217 : vector<16xf32>
      %mul3A_324 = arith.mulf %broadcast_in_dim3A_220, %get3A_322 : vector<16xf32>
      %add3A_325 = arith.addf %mul3A_323, %mul3A_324 : vector<16xf32>
      %add3A_326 = arith.constant 96 : i32
      %add3A_327 = arith.addi %mul3A_224, %add3A_326 : i32
      %swap3A_328 = arith.index_cast %add3A_327 : i32 to index
      %swap3A_329 = tpu.vector_load %arg6[%swap3A_328] {strides = array<i32>} : memref<41088xf32, #tpu.memory_space<vmem>>, vector<16xf32>,
      tpu.vector_store %arg6[%swap3A_328], %add3A_325 {strides = array<i32>} : memref<41088xf32, #tpu.memory_space<vmem>>, vector<16xf32>,
      %add3A_330 = arith.constant 112 : i32
      %add3A_331 = arith.addi %mul3A_224, %add3A_330 : i32
      %get3A_332 = arith.index_cast %add3A_331 : i32 to index
      %get3A_333 = tpu.vector_load %arg6[%get3A_332] {strides = array<i32>} : memref<41088xf32, #tpu.memory_space<vmem>>, vector<16xf32>,
      %add3A_334 = arith.constant 112 : i32
      %add3A_335 = arith.addi %mul3A_224, %add3A_334 : i32
      %get3A_336 = arith.index_cast %add3A_335 : i32 to index
      %get3A_337 = tpu.vector_load %arg7[%get3A_336] {strides = array<i32>} : memref<41088xf32, #tpu.memory_space<vmem>>, vector<16xf32>,
      %mul3A_338 = arith.mulf %get3A_333, %broadcast_in_dim3A_217 : vector<16xf32>
      %mul3A_339 = arith.mulf %broadcast_in_dim3A_220, %get3A_337 : vector<16xf32>
      %add3A_340 = arith.addf %mul3A_338, %mul3A_339 : vector<16xf32>
      %add3A_341 = arith.constant 112 : i32
      %add3A_342 = arith.addi %mul3A_224, %add3A_341 : i32
      %swap3A_343 = arith.index_cast %add3A_342 : i32 to index
      %swap3A_344 = tpu.vector_load %arg6[%swap3A_343] {strides = array<i32>} : memref<41088xf32, #tpu.memory_space<vmem>>, vector<16xf32>,
      tpu.vector_store %arg6[%swap3A_343], %add3A_340 {strides = array<i32>} : memref<41088xf32, #tpu.memory_space<vmem>>, vector<16xf32>,
      %slice3A_345 = vector.extract_strided_slice %add3A_84 {offsets = [2], sizes = [1], strides = [1]} : vector<16xf32> to vector<1xf32>
      %squeeze3A_346 = vector.extract %slice3A_345[0] : f32 from vector<1xf32>
      %broadcast_in_dim3A_347 = vector.broadcast %squeeze3A_346 : f32 to vector<16xf32>
      %slice3A_348 = vector.extract_strided_slice %select_n3A_85 {offsets = [2], sizes = [1], strides = [1]} : vector<16xf32> to vector<1xf32>
      %squeeze3A_349 = vector.extract %slice3A_348[0] : f32 from vector<1xf32>
      %broadcast_in_dim3A_350 = vector.broadcast %squeeze3A_349 : f32 to vector<16xf32>
      %add3A_351 = arith.constant 2 : i32
      %add3A_352 = arith.addi %mul3A_81, %add3A_351 : i32
      %mul3A_353 = arith.constant 128 : i32
      %mul3A_354 = arith.muli %add3A_352, %mul3A_353 : i32
      %add3A_355 = arith.constant 0 : i32
      %add3A_356 = arith.addi %mul3A_354, %add3A_355 : i32
      %get3A_357 = arith.index_cast %add3A_356 : i32 to index
      %get3A_358 = tpu.vector_load %arg6[%get3A_357] {strides = array<i32>} : memref<41088xf32, #tpu.memory_space<vmem>>, vector<16xf32>,
      %add3A_359 = arith.constant 0 : i32
      %add3A_360 = arith.addi %mul3A_354, %add3A_359 : i32
      %get3A_361 = arith.index_cast %add3A_360 : i32 to index
      %get3A_362 = tpu.vector_load %arg7[%get3A_361] {strides = array<i32>} : memref<41088xf32, #tpu.memory_space<vmem>>, vector<16xf32>,
      %mul3A_363 = arith.mulf %get3A_358, %broadcast_in_dim3A_347 : vector<16xf32>
      %mul3A_364 = arith.mulf %broadcast_in_dim3A_350, %get3A_362 : vector<16xf32>
      %add3A_365 = arith.addf %mul3A_363, %mul3A_364 : vector<16xf32>
      %add3A_366 = arith.constant 0 : i32
      %add3A_367 = arith.addi %mul3A_354, %add3A_366 : i32
      %swap3A_368 = arith.index_cast %add3A_367 : i32 to index
      %swap3A_369 = tpu.vector_load %arg6[%swap3A_368] {strides = array<i32>} : memref<41088xf32, #tpu.memory_space<vmem>>, vector<16xf32>,
      tpu.vector_store %arg6[%swap3A_368], %add3A_365 {strides = array<i32>} : memref<41088xf32, #tpu.memory_space<vmem>>, vector<16xf32>,
      %add3A_370 = arith.constant 16 : i32
      %add3A_371 = arith.addi %mul3A_354, %add3A_370 : i32
      %get3A_372 = arith.index_cast %add3A_371 : i32 to index
      %get3A_373 = tpu.vector_load %arg6[%get3A_372] {strides = array<i32>} : memref<41088xf32, #tpu.memory_space<vmem>>, vector<16xf32>,
      %add3A_374 = arith.constant 16 : i32
      %add3A_375 = arith.addi %mul3A_354, %add3A_374 : i32
      %get3A_376 = arith.index_cast %add3A_375 : i32 to index
      %get3A_377 = tpu.vector_load %arg7[%get3A_376] {strides = array<i32>} : memref<41088xf32, #tpu.memory_space<vmem>>, vector<16xf32>,
      %mul3A_378 = arith.mulf %get3A_373, %broadcast_in_dim3A_347 : vector<16xf32>
      %mul3A_379 = arith.mulf %broadcast_in_dim3A_350, %get3A_377 : vector<16xf32>
      %add3A_380 = arith.addf %mul3A_378, %mul3A_379 : vector<16xf32>
      %add3A_381 = arith.constant 16 : i32
      %add3A_382 = arith.addi %mul3A_354, %add3A_381 : i32
      %swap3A_383 = arith.index_cast %add3A_382 : i32 to index
      %swap3A_384 = tpu.vector_load %arg6[%swap3A_383] {strides = array<i32>} : memref<41088xf32, #tpu.memory_space<vmem>>, vector<16xf32>,
      tpu.vector_store %arg6[%swap3A_383], %add3A_380 {strides = array<i32>} : memref<41088xf32, #tpu.memory_space<vmem>>, vector<16xf32>,
      %add3A_385 = arith.constant 32 : i32
      %add3A_386 = arith.addi %mul3A_354, %add3A_385 : i32
      %get3A_387 = arith.index_cast %add3A_386 : i32 to index
      %get3A_388 = tpu.vector_load %arg6[%get3A_387] {strides = array<i32>} : memref<41088xf32, #tpu.memory_space<vmem>>, vector<16xf32>,
      %add3A_389 = arith.constant 32 : i32
      %add3A_390 = arith.addi %mul3A_354, %add3A_389 : i32
      %get3A_391 = arith.index_cast %add3A_390 : i32 to index
      %get3A_392 = tpu.vector_load %arg7[%get3A_391] {strides = array<i32>} : memref<41088xf32, #tpu.memory_space<vmem>>, vector<16xf32>,
      %mul3A_393 = arith.mulf %get3A_388, %broadcast_in_dim3A_347 : vector<16xf32>
      %mul3A_394 = arith.mulf %broadcast_in_dim3A_350, %get3A_392 : vector<16xf32>
      %add3A_395 = arith.addf %mul3A_393, %mul3A_394 : vector<16xf32>
      %add3A_396 = arith.constant 32 : i32
      %add3A_397 = arith.addi %mul3A_354, %add3A_396 : i32
      %swap3A_398 = arith.index_cast %add3A_397 : i32 to index
      %swap3A_399 = tpu.vector_load %arg6[%swap3A_398] {strides = array<i32>} : memref<41088xf32, #tpu.memory_space<vmem>>, vector<16xf32>,
      tpu.vector_store %arg6[%swap3A_398], %add3A_395 {strides = array<i32>} : memref<41088xf32, #tpu.memory_space<vmem>>, vector<16xf32>,
      %add3A_400 = arith.constant 48 : i32
      %add3A_401 = arith.addi %mul3A_354, %add3A_400 : i32
      %get3A_402 = arith.index_cast %add3A_401 : i32 to index
      %get3A_403 = tpu.vector_load %arg6[%get3A_402] {strides = array<i32>} : memref<41088xf32, #tpu.memory_space<vmem>>, vector<16xf32>,
      %add3A_404 = arith.constant 48 : i32
      %add3A_405 = arith.addi %mul3A_354, %add3A_404 : i32
      %get3A_406 = arith.index_cast %add3A_405 : i32 to index
      %get3A_407 = tpu.vector_load %arg7[%get3A_406] {strides = array<i32>} : memref<41088xf32, #tpu.memory_space<vmem>>, vector<16xf32>,
      %mul3A_408 = arith.mulf %get3A_403, %broadcast_in_dim3A_347 : vector<16xf32>
      %mul3A_409 = arith.mulf %broadcast_in_dim3A_350, %get3A_407 : vector<16xf32>
      %add3A_410 = arith.addf %mul3A_408, %mul3A_409 : vector<16xf32>
      %add3A_411 = arith.constant 48 : i32
      %add3A_412 = arith.addi %mul3A_354, %add3A_411 : i32
      %swap3A_413 = arith.index_cast %add3A_412 : i32 to index
      %swap3A_414 = tpu.vector_load %arg6[%swap3A_413] {strides = array<i32>} : memref<41088xf32, #tpu.memory_space<vmem>>, vector<16xf32>,
      tpu.vector_store %arg6[%swap3A_413], %add3A_410 {strides = array<i32>} : memref<41088xf32, #tpu.memory_space<vmem>>, vector<16xf32>,
      %add3A_415 = arith.constant 64 : i32
      %add3A_416 = arith.addi %mul3A_354, %add3A_415 : i32
      %get3A_417 = arith.index_cast %add3A_416 : i32 to index
      %get3A_418 = tpu.vector_load %arg6[%get3A_417] {strides = array<i32>} : memref<41088xf32, #tpu.memory_space<vmem>>, vector<16xf32>,
      %add3A_419 = arith.constant 64 : i32
      %add3A_420 = arith.addi %mul3A_354, %add3A_419 : i32
      %get3A_421 = arith.index_cast %add3A_420 : i32 to index
      %get3A_422 = tpu.vector_load %arg7[%get3A_421] {strides = array<i32>} : memref<41088xf32, #tpu.memory_space<vmem>>, vector<16xf32>,
      %mul3A_423 = arith.mulf %get3A_418, %broadcast_in_dim3A_347 : vector<16xf32>
      %mul3A_424 = arith.mulf %broadcast_in_dim3A_350, %get3A_422 : vector<16xf32>
      %add3A_425 = arith.addf %mul3A_423, %mul3A_424 : vector<16xf32>
      %add3A_426 = arith.constant 64 : i32
      %add3A_427 = arith.addi %mul3A_354, %add3A_426 : i32
      %swap3A_428 = arith.index_cast %add3A_427 : i32 to index
      %swap3A_429 = tpu.vector_load %arg6[%swap3A_428] {strides = array<i32>} : memref<41088xf32, #tpu.memory_space<vmem>>, vector<16xf32>,
      tpu.vector_store %arg6[%swap3A_428], %add3A_425 {strides = array<i32>} : memref<41088xf32, #tpu.memory_space<vmem>>, vector<16xf32>,
      %add3A_430 = arith.constant 80 : i32
      %add3A_431 = arith.addi %mul3A_354, %add3A_430 : i32
      %get3A_432 = arith.index_cast %add3A_431 : i32 to index
      %get3A_433 = tpu.vector_load %arg6[%get3A_432] {strides = array<i32>} : memref<41088xf32, #tpu.memory_space<vmem>>, vector<16xf32>,
      %add3A_434 = arith.constant 80 : i32
      %add3A_435 = arith.addi %mul3A_354, %add3A_434 : i32
      %get3A_436 = arith.index_cast %add3A_435 : i32 to index
      %get3A_437 = tpu.vector_load %arg7[%get3A_436] {strides = array<i32>} : memref<41088xf32, #tpu.memory_space<vmem>>, vector<16xf32>,
      %mul3A_438 = arith.mulf %get3A_433, %broadcast_in_dim3A_347 : vector<16xf32>
      %mul3A_439 = arith.mulf %broadcast_in_dim3A_350, %get3A_437 : vector<16xf32>
      %add3A_440 = arith.addf %mul3A_438, %mul3A_439 : vector<16xf32>
      %add3A_441 = arith.constant 80 : i32
      %add3A_442 = arith.addi %mul3A_354, %add3A_441 : i32
      %swap3A_443 = arith.index_cast %add3A_442 : i32 to index
      %swap3A_444 = tpu.vector_load %arg6[%swap3A_443] {strides = array<i32>} : memref<41088xf32, #tpu.memory_space<vmem>>, vector<16xf32>,
      tpu.vector_store %arg6[%swap3A_443], %add3A_440 {strides = array<i32>} : memref<41088xf32, #tpu.memory_space<vmem>>, vector<16xf32>,
      %add3A_445 = arith.constant 96 : i32
      %add3A_446 = arith.addi %mul3A_354, %add3A_445 : i32
      %get3A_447 = arith.index_cast %add3A_446 : i32 to index
      %get3A_448 = tpu.vector_load %arg6[%get3A_447] {strides = array<i32>} : memref<41088xf32, #tpu.memory_space<vmem>>, vector<16xf32>,
      %add3A_449 = arith.constant 96 : i32
      %add3A_450 = arith.addi %mul3A_354, %add3A_449 : i32
      %get3A_451 = arith.index_cast %add3A_450 : i32 to index
      %get3A_452 = tpu.vector_load %arg7[%get3A_451] {strides = array<i32>} : memref<41088xf32, #tpu.memory_space<vmem>>, vector<16xf32>,
      %mul3A_453 = arith.mulf %get3A_448, %broadcast_in_dim3A_347 : vector<16xf32>
      %mul3A_454 = arith.mulf %broadcast_in_dim3A_350, %get3A_452 : vector<16xf32>
      %add3A_455 = arith.addf %mul3A_453, %mul3A_454 : vector<16xf32>
      %add3A_456 = arith.constant 96 : i32
      %add3A_457 = arith.addi %mul3A_354, %add3A_456 : i32
      %swap3A_458 = arith.index_cast %add3A_457 : i32 to index
      %swap3A_459 = tpu.vector_load %arg6[%swap3A_458] {strides = array<i32>} : memref<41088xf32, #tpu.memory_space<vmem>>, vector<16xf32>,
      tpu.vector_store %arg6[%swap3A_458], %add3A_455 {strides = array<i32>} : memref<41088xf32, #tpu.memory_space<vmem>>, vector<16xf32>,
      %add3A_460 = arith.constant 112 : i32
      %add3A_461 = arith.addi %mul3A_354, %add3A_460 : i32
      %get3A_462 = arith.index_cast %add3A_461 : i32 to index
      %get3A_463 = tpu.vector_load %arg6[%get3A_462] {strides = array<i32>} : memref<41088xf32, #tpu.memory_space<vmem>>, vector<16xf32>,
      %add3A_464 = arith.constant 112 : i32
      %add3A_465 = arith.addi %mul3A_354, %add3A_464 : i32
      %get3A_466 = arith.index_cast %add3A_465 : i32 to index
      %get3A_467 = tpu.vector_load %arg7[%get3A_466] {strides = array<i32>} : memref<41088xf32, #tpu.memory_space<vmem>>, vector<16xf32>,
      %mul3A_468 = arith.mulf %get3A_463, %broadcast_in_dim3A_347 : vector<16xf32>
      %mul3A_469 = arith.mulf %broadcast_in_dim3A_350, %get3A_467 : vector<16xf32>
      %add3A_470 = arith.addf %mul3A_468, %mul3A_469 : vector<16xf32>
      %add3A_471 = arith.constant 112 : i32
      %add3A_472 = arith.addi %mul3A_354, %add3A_471 : i32
      %swap3A_473 = arith.index_cast %add3A_472 : i32 to index
      %swap3A_474 = tpu.vector_load %arg6[%swap3A_473] {strides = array<i32>} : memref<41088xf32, #tpu.memory_space<vmem>>, vector<16xf32>,
      tpu.vector_store %arg6[%swap3A_473], %add3A_470 {strides = array<i32>} : memref<41088xf32, #tpu.memory_space<vmem>>, vector<16xf32>,
      %slice3A_475 = vector.extract_strided_slice %add3A_84 {offsets = [3], sizes = [1], strides = [1]} : vector<16xf32> to vector<1xf32>
      %squeeze3A_476 = vector.extract %slice3A_475[0] : f32 from vector<1xf32>
      %broadcast_in_dim3A_477 = vector.broadcast %squeeze3A_476 : f32 to vector<16xf32>
      %slice3A_478 = vector.extract_strided_slice %select_n3A_85 {offsets = [3], sizes = [1], strides = [1]} : vector<16xf32> to vector<1xf32>
      %squeeze3A_479 = vector.extract %slice3A_478[0] : f32 from vector<1xf32>
      %broadcast_in_dim3A_480 = vector.broadcast %squeeze3A_479 : f32 to vector<16xf32>
      %add3A_481 = arith.constant 3 : i32
      %add3A_482 = arith.addi %mul3A_81, %add3A_481 : i32
      %mul3A_483 = arith.constant 128 : i32
      %mul3A_484 = arith.muli %add3A_482, %mul3A_483 : i32
      %add3A_485 = arith.constant 0 : i32
      %add3A_486 = arith.addi %mul3A_484, %add3A_485 : i32
      %get3A_487 = arith.index_cast %add3A_486 : i32 to index
      %get3A_488 = tpu.vector_load %arg6[%get3A_487] {strides = array<i32>} : memref<41088xf32, #tpu.memory_space<vmem>>, vector<16xf32>,
      %add3A_489 = arith.constant 0 : i32
      %add3A_490 = arith.addi %mul3A_484, %add3A_489 : i32
      %get3A_491 = arith.index_cast %add3A_490 : i32 to index
      %get3A_492 = tpu.vector_load %arg7[%get3A_491] {strides = array<i32>} : memref<41088xf32, #tpu.memory_space<vmem>>, vector<16xf32>,
      %mul3A_493 = arith.mulf %get3A_488, %broadcast_in_dim3A_477 : vector<16xf32>
      %mul3A_494 = arith.mulf %broadcast_in_dim3A_480, %get3A_492 : vector<16xf32>
      %add3A_495 = arith.addf %mul3A_493, %mul3A_494 : vector<16xf32>
      %add3A_496 = arith.constant 0 : i32
      %add3A_497 = arith.addi %mul3A_484, %add3A_496 : i32
      %swap3A_498 = arith.index_cast %add3A_497 : i32 to index
      %swap3A_499 = tpu.vector_load %arg6[%swap3A_498] {strides = array<i32>} : memref<41088xf32, #tpu.memory_space<vmem>>, vector<16xf32>,
      tpu.vector_store %arg6[%swap3A_498], %add3A_495 {strides = array<i32>} : memref<41088xf32, #tpu.memory_space<vmem>>, vector<16xf32>,
      %add3A_500 = arith.constant 16 : i32
      %add3A_501 = arith.addi %mul3A_484, %add3A_500 : i32
      %get3A_502 = arith.index_cast %add3A_501 : i32 to index
      %get3A_503 = tpu.vector_load %arg6[%get3A_502] {strides = array<i32>} : memref<41088xf32, #tpu.memory_space<vmem>>, vector<16xf32>,
      %add3A_504 = arith.constant 16 : i32
      %add3A_505 = arith.addi %mul3A_484, %add3A_504 : i32
      %get3A_506 = arith.index_cast %add3A_505 : i32 to index
      %get3A_507 = tpu.vector_load %arg7[%get3A_506] {strides = array<i32>} : memref<41088xf32, #tpu.memory_space<vmem>>, vector<16xf32>,
      %mul3A_508 = arith.mulf %get3A_503, %broadcast_in_dim3A_477 : vector<16xf32>
      %mul3A_509 = arith.mulf %broadcast_in_dim3A_480, %get3A_507 : vector<16xf32>
      %add3A_510 = arith.addf %mul3A_508, %mul3A_509 : vector<16xf32>
      %add3A_511 = arith.constant 16 : i32
      %add3A_512 = arith.addi %mul3A_484, %add3A_511 : i32
      %swap3A_513 = arith.index_cast %add3A_512 : i32 to index
      %swap3A_514 = tpu.vector_load %arg6[%swap3A_513] {strides = array<i32>} : memref<41088xf32, #tpu.memory_space<vmem>>, vector<16xf32>,
      tpu.vector_store %arg6[%swap3A_513], %add3A_510 {strides = array<i32>} : memref<41088xf32, #tpu.memory_space<vmem>>, vector<16xf32>,
      %add3A_515 = arith.constant 32 : i32
      %add3A_516 = arith.addi %mul3A_484, %add3A_515 : i32
      %get3A_517 = arith.index_cast %add3A_516 : i32 to index
      %get3A_518 = tpu.vector_load %arg6[%get3A_517] {strides = array<i32>} : memref<41088xf32, #tpu.memory_space<vmem>>, vector<16xf32>,
      %add3A_519 = arith.constant 32 : i32
      %add3A_520 = arith.addi %mul3A_484, %add3A_519 : i32
      %get3A_521 = arith.index_cast %add3A_520 : i32 to index
      %get3A_522 = tpu.vector_load %arg7[%get3A_521] {strides = array<i32>} : memref<41088xf32, #tpu.memory_space<vmem>>, vector<16xf32>,
      %mul3A_523 = arith.mulf %get3A_518, %broadcast_in_dim3A_477 : vector<16xf32>
      %mul3A_524 = arith.mulf %broadcast_in_dim3A_480, %get3A_522 : vector<16xf32>
      %add3A_525 = arith.addf %mul3A_523, %mul3A_524 : vector<16xf32>
      %add3A_526 = arith.constant 32 : i32
      %add3A_527 = arith.addi %mul3A_484, %add3A_526 : i32
      %swap3A_528 = arith.index_cast %add3A_527 : i32 to index
      %swap3A_529 = tpu.vector_load %arg6[%swap3A_528] {strides = array<i32>} : memref<41088xf32, #tpu.memory_space<vmem>>, vector<16xf32>,
      tpu.vector_store %arg6[%swap3A_528], %add3A_525 {strides = array<i32>} : memref<41088xf32, #tpu.memory_space<vmem>>, vector<16xf32>,
      %add3A_530 = arith.constant 48 : i32
      %add3A_531 = arith.addi %mul3A_484, %add3A_530 : i32
      %get3A_532 = arith.index_cast %add3A_531 : i32 to index
      %get3A_533 = tpu.vector_load %arg6[%get3A_532] {strides = array<i32>} : memref<41088xf32, #tpu.memory_space<vmem>>, vector<16xf32>,
      %add3A_534 = arith.constant 48 : i32
      %add3A_535 = arith.addi %mul3A_484, %add3A_534 : i32
      %get3A_536 = arith.index_cast %add3A_535 : i32 to index
      %get3A_537 = tpu.vector_load %arg7[%get3A_536] {strides = array<i32>} : memref<41088xf32, #tpu.memory_space<vmem>>, vector<16xf32>,
      %mul3A_538 = arith.mulf %get3A_533, %broadcast_in_dim3A_477 : vector<16xf32>
      %mul3A_539 = arith.mulf %broadcast_in_dim3A_480, %get3A_537 : vector<16xf32>
      %add3A_540 = arith.addf %mul3A_538, %mul3A_539 : vector<16xf32>
      %add3A_541 = arith.constant 48 : i32
      %add3A_542 = arith.addi %mul3A_484, %add3A_541 : i32
      %swap3A_543 = arith.index_cast %add3A_542 : i32 to index
      %swap3A_544 = tpu.vector_load %arg6[%swap3A_543] {strides = array<i32>} : memref<41088xf32, #tpu.memory_space<vmem>>, vector<16xf32>,
      tpu.vector_store %arg6[%swap3A_543], %add3A_540 {strides = array<i32>} : memref<41088xf32, #tpu.memory_space<vmem>>, vector<16xf32>,
      %add3A_545 = arith.constant 64 : i32
      %add3A_546 = arith.addi %mul3A_484, %add3A_545 : i32
      %get3A_547 = arith.index_cast %add3A_546 : i32 to index
      %get3A_548 = tpu.vector_load %arg6[%get3A_547] {strides = array<i32>} : memref<41088xf32, #tpu.memory_space<vmem>>, vector<16xf32>,
      %add3A_549 = arith.constant 64 : i32
      %add3A_550 = arith.addi %mul3A_484, %add3A_549 : i32
      %get3A_551 = arith.index_cast %add3A_550 : i32 to index
      %get3A_552 = tpu.vector_load %arg7[%get3A_551] {strides = array<i32>} : memref<41088xf32, #tpu.memory_space<vmem>>, vector<16xf32>,
      %mul3A_553 = arith.mulf %get3A_548, %broadcast_in_dim3A_477 : vector<16xf32>
      %mul3A_554 = arith.mulf %broadcast_in_dim3A_480, %get3A_552 : vector<16xf32>
      %add3A_555 = arith.addf %mul3A_553, %mul3A_554 : vector<16xf32>
      %add3A_556 = arith.constant 64 : i32
      %add3A_557 = arith.addi %mul3A_484, %add3A_556 : i32
      %swap3A_558 = arith.index_cast %add3A_557 : i32 to index
      %swap3A_559 = tpu.vector_load %arg6[%swap3A_558] {strides = array<i32>} : memref<41088xf32, #tpu.memory_space<vmem>>, vector<16xf32>,
      tpu.vector_store %arg6[%swap3A_558], %add3A_555 {strides = array<i32>} : memref<41088xf32, #tpu.memory_space<vmem>>, vector<16xf32>,
      %add3A_560 = arith.constant 80 : i32
      %add3A_561 = arith.addi %mul3A_484, %add3A_560 : i32
      %get3A_562 = arith.index_cast %add3A_561 : i32 to index
      %get3A_563 = tpu.vector_load %arg6[%get3A_562] {strides = array<i32>} : memref<41088xf32, #tpu.memory_space<vmem>>, vector<16xf32>,
      %add3A_564 = arith.constant 80 : i32
      %add3A_565 = arith.addi %mul3A_484, %add3A_564 : i32
      %get3A_566 = arith.index_cast %add3A_565 : i32 to index
      %get3A_567 = tpu.vector_load %arg7[%get3A_566] {strides = array<i32>} : memref<41088xf32, #tpu.memory_space<vmem>>, vector<16xf32>,
      %mul3A_568 = arith.mulf %get3A_563, %broadcast_in_dim3A_477 : vector<16xf32>
      %mul3A_569 = arith.mulf %broadcast_in_dim3A_480, %get3A_567 : vector<16xf32>
      %add3A_570 = arith.addf %mul3A_568, %mul3A_569 : vector<16xf32>
      %add3A_571 = arith.constant 80 : i32
      %add3A_572 = arith.addi %mul3A_484, %add3A_571 : i32
      %swap3A_573 = arith.index_cast %add3A_572 : i32 to index
      %swap3A_574 = tpu.vector_load %arg6[%swap3A_573] {strides = array<i32>} : memref<41088xf32, #tpu.memory_space<vmem>>, vector<16xf32>,
      tpu.vector_store %arg6[%swap3A_573], %add3A_570 {strides = array<i32>} : memref<41088xf32, #tpu.memory_space<vmem>>, vector<16xf32>,
      %add3A_575 = arith.constant 96 : i32
      %add3A_576 = arith.addi %mul3A_484, %add3A_575 : i32
      %get3A_577 = arith.index_cast %add3A_576 : i32 to index
      %get3A_578 = tpu.vector_load %arg6[%get3A_577] {strides = array<i32>} : memref<41088xf32, #tpu.memory_space<vmem>>, vector<16xf32>,
      %add3A_579 = arith.constant 96 : i32
      %add3A_580 = arith.addi %mul3A_484, %add3A_579 : i32
      %get3A_581 = arith.index_cast %add3A_580 : i32 to index
      %get3A_582 = tpu.vector_load %arg7[%get3A_581] {strides = array<i32>} : memref<41088xf32, #tpu.memory_space<vmem>>, vector<16xf32>,
      %mul3A_583 = arith.mulf %get3A_578, %broadcast_in_dim3A_477 : vector<16xf32>
      %mul3A_584 = arith.mulf %broadcast_in_dim3A_480, %get3A_582 : vector<16xf32>
      %add3A_585 = arith.addf %mul3A_583, %mul3A_584 : vector<16xf32>
      %add3A_586 = arith.constant 96 : i32
      %add3A_587 = arith.addi %mul3A_484, %add3A_586 : i32
      %swap3A_588 = arith.index_cast %add3A_587 : i32 to index
      %swap3A_589 = tpu.vector_load %arg6[%swap3A_588] {strides = array<i32>} : memref<41088xf32, #tpu.memory_space<vmem>>, vector<16xf32>,
      tpu.vector_store %arg6[%swap3A_588], %add3A_585 {strides = array<i32>} : memref<41088xf32, #tpu.memory_space<vmem>>, vector<16xf32>,
      %add3A_590 = arith.constant 112 : i32
      %add3A_591 = arith.addi %mul3A_484, %add3A_590 : i32
      %get3A_592 = arith.index_cast %add3A_591 : i32 to index
      %get3A_593 = tpu.vector_load %arg6[%get3A_592] {strides = array<i32>} : memref<41088xf32, #tpu.memory_space<vmem>>, vector<16xf32>,
      %add3A_594 = arith.constant 112 : i32
      %add3A_595 = arith.addi %mul3A_484, %add3A_594 : i32
      %get3A_596 = arith.index_cast %add3A_595 : i32 to index
      %get3A_597 = tpu.vector_load %arg7[%get3A_596] {strides = array<i32>} : memref<41088xf32, #tpu.memory_space<vmem>>, vector<16xf32>,
      %mul3A_598 = arith.mulf %get3A_593, %broadcast_in_dim3A_477 : vector<16xf32>
      %mul3A_599 = arith.mulf %broadcast_in_dim3A_480, %get3A_597 : vector<16xf32>
      %add3A_600 = arith.addf %mul3A_598, %mul3A_599 : vector<16xf32>
      %add3A_601 = arith.constant 112 : i32
      %add3A_602 = arith.addi %mul3A_484, %add3A_601 : i32
      %swap3A_603 = arith.index_cast %add3A_602 : i32 to index
      %swap3A_604 = tpu.vector_load %arg6[%swap3A_603] {strides = array<i32>} : memref<41088xf32, #tpu.memory_space<vmem>>, vector<16xf32>,
      tpu.vector_store %arg6[%swap3A_603], %add3A_600 {strides = array<i32>} : memref<41088xf32, #tpu.memory_space<vmem>>, vector<16xf32>,
      %slice3A_605 = vector.extract_strided_slice %add3A_84 {offsets = [4], sizes = [1], strides = [1]} : vector<16xf32> to vector<1xf32>
      %squeeze3A_606 = vector.extract %slice3A_605[0] : f32 from vector<1xf32>
      %broadcast_in_dim3A_607 = vector.broadcast %squeeze3A_606 : f32 to vector<16xf32>
      %slice3A_608 = vector.extract_strided_slice %select_n3A_85 {offsets = [4], sizes = [1], strides = [1]} : vector<16xf32> to vector<1xf32>
      %squeeze3A_609 = vector.extract %slice3A_608[0] : f32 from vector<1xf32>
      %broadcast_in_dim3A_610 = vector.broadcast %squeeze3A_609 : f32 to vector<16xf32>
      %add3A_611 = arith.constant 4 : i32
      %add3A_612 = arith.addi %mul3A_81, %add3A_611 : i32
      %mul3A_613 = arith.constant 128 : i32
      %mul3A_614 = arith.muli %add3A_612, %mul3A_613 : i32
      %add3A_615 = arith.constant 0 : i32
      %add3A_616 = arith.addi %mul3A_614, %add3A_615 : i32
      %get3A_617 = arith.index_cast %add3A_616 : i32 to index
      %get3A_618 = tpu.vector_load %arg6[%get3A_617] {strides = array<i32>} : memref<41088xf32, #tpu.memory_space<vmem>>, vector<16xf32>,
      %add3A_619 = arith.constant 0 : i32
      %add3A_620 = arith.addi %mul3A_614, %add3A_619 : i32
      %get3A_621 = arith.index_cast %add3A_620 : i32 to index
      %get3A_622 = tpu.vector_load %arg7[%get3A_621] {strides = array<i32>} : memref<41088xf32, #tpu.memory_space<vmem>>, vector<16xf32>,
      %mul3A_623 = arith.mulf %get3A_618, %broadcast_in_dim3A_607 : vector<16xf32>
      %mul3A_624 = arith.mulf %broadcast_in_dim3A_610, %get3A_622 : vector<16xf32>
      %add3A_625 = arith.addf %mul3A_623, %mul3A_624 : vector<16xf32>
      %add3A_626 = arith.constant 0 : i32
      %add3A_627 = arith.addi %mul3A_614, %add3A_626 : i32
      %swap3A_628 = arith.index_cast %add3A_627 : i32 to index
      %swap3A_629 = tpu.vector_load %arg6[%swap3A_628] {strides = array<i32>} : memref<41088xf32, #tpu.memory_space<vmem>>, vector<16xf32>,
      tpu.vector_store %arg6[%swap3A_628], %add3A_625 {strides = array<i32>} : memref<41088xf32, #tpu.memory_space<vmem>>, vector<16xf32>,
      %add3A_630 = arith.constant 16 : i32
      %add3A_631 = arith.addi %mul3A_614, %add3A_630 : i32
      %get3A_632 = arith.index_cast %add3A_631 : i32 to index
      %get3A_633 = tpu.vector_load %arg6[%get3A_632] {strides = array<i32>} : memref<41088xf32, #tpu.memory_space<vmem>>, vector<16xf32>,
      %add3A_634 = arith.constant 16 : i32
      %add3A_635 = arith.addi %mul3A_614, %add3A_634 : i32
      %get3A_636 = arith.index_cast %add3A_635 : i32 to index
      %get3A_637 = tpu.vector_load %arg7[%get3A_636] {strides = array<i32>} : memref<41088xf32, #tpu.memory_space<vmem>>, vector<16xf32>,
      %mul3A_638 = arith.mulf %get3A_633, %broadcast_in_dim3A_607 : vector<16xf32>
      %mul3A_639 = arith.mulf %broadcast_in_dim3A_610, %get3A_637 : vector<16xf32>
      %add3A_640 = arith.addf %mul3A_638, %mul3A_639 : vector<16xf32>
      %add3A_641 = arith.constant 16 : i32
      %add3A_642 = arith.addi %mul3A_614, %add3A_641 : i32
      %swap3A_643 = arith.index_cast %add3A_642 : i32 to index
      %swap3A_644 = tpu.vector_load %arg6[%swap3A_643] {strides = array<i32>} : memref<41088xf32, #tpu.memory_space<vmem>>, vector<16xf32>,
      tpu.vector_store %arg6[%swap3A_643], %add3A_640 {strides = array<i32>} : memref<41088xf32, #tpu.memory_space<vmem>>, vector<16xf32>,
      %add3A_645 = arith.constant 32 : i32
      %add3A_646 = arith.addi %mul3A_614, %add3A_645 : i32
      %get3A_647 = arith.index_cast %add3A_646 : i32 to index
      %get3A_648 = tpu.vector_load %arg6[%get3A_647] {strides = array<i32>} : memref<41088xf32, #tpu.memory_space<vmem>>, vector<16xf32>,
      %add3A_649 = arith.constant 32 : i32
      %add3A_650 = arith.addi %mul3A_614, %add3A_649 : i32
      %get3A_651 = arith.index_cast %add3A_650 : i32 to index
      %get3A_652 = tpu.vector_load %arg7[%get3A_651] {strides = array<i32>} : memref<41088xf32, #tpu.memory_space<vmem>>, vector<16xf32>,
      %mul3A_653 = arith.mulf %get3A_648, %broadcast_in_dim3A_607 : vector<16xf32>
      %mul3A_654 = arith.mulf %broadcast_in_dim3A_610, %get3A_652 : vector<16xf32>
      %add3A_655 = arith.addf %mul3A_653, %mul3A_654 : vector<16xf32>
      %add3A_656 = arith.constant 32 : i32
      %add3A_657 = arith.addi %mul3A_614, %add3A_656 : i32
      %swap3A_658 = arith.index_cast %add3A_657 : i32 to index
      %swap3A_659 = tpu.vector_load %arg6[%swap3A_658] {strides = array<i32>} : memref<41088xf32, #tpu.memory_space<vmem>>, vector<16xf32>,
      tpu.vector_store %arg6[%swap3A_658], %add3A_655 {strides = array<i32>} : memref<41088xf32, #tpu.memory_space<vmem>>, vector<16xf32>,
      %add3A_660 = arith.constant 48 : i32
      %add3A_661 = arith.addi %mul3A_614, %add3A_660 : i32
      %get3A_662 = arith.index_cast %add3A_661 : i32 to index
      %get3A_663 = tpu.vector_load %arg6[%get3A_662] {strides = array<i32>} : memref<41088xf32, #tpu.memory_space<vmem>>, vector<16xf32>,
      %add3A_664 = arith.constant 48 : i32
      %add3A_665 = arith.addi %mul3A_614, %add3A_664 : i32
      %get3A_666 = arith.index_cast %add3A_665 : i32 to index
      %get3A_667 = tpu.vector_load %arg7[%get3A_666] {strides = array<i32>} : memref<41088xf32, #tpu.memory_space<vmem>>, vector<16xf32>,
      %mul3A_668 = arith.mulf %get3A_663, %broadcast_in_dim3A_607 : vector<16xf32>
      %mul3A_669 = arith.mulf %broadcast_in_dim3A_610, %get3A_667 : vector<16xf32>
      %add3A_670 = arith.addf %mul3A_668, %mul3A_669 : vector<16xf32>
      %add3A_671 = arith.constant 48 : i32
      %add3A_672 = arith.addi %mul3A_614, %add3A_671 : i32
      %swap3A_673 = arith.index_cast %add3A_672 : i32 to index
      %swap3A_674 = tpu.vector_load %arg6[%swap3A_673] {strides = array<i32>} : memref<41088xf32, #tpu.memory_space<vmem>>, vector<16xf32>,
      tpu.vector_store %arg6[%swap3A_673], %add3A_670 {strides = array<i32>} : memref<41088xf32, #tpu.memory_space<vmem>>, vector<16xf32>,
      %add3A_675 = arith.constant 64 : i32
      %add3A_676 = arith.addi %mul3A_614, %add3A_675 : i32
      %get3A_677 = arith.index_cast %add3A_676 : i32 to index
      %get3A_678 = tpu.vector_load %arg6[%get3A_677] {strides = array<i32>} : memref<41088xf32, #tpu.memory_space<vmem>>, vector<16xf32>,
      %add3A_679 = arith.constant 64 : i32
      %add3A_680 = arith.addi %mul3A_614, %add3A_679 : i32
      %get3A_681 = arith.index_cast %add3A_680 : i32 to index
      %get3A_682 = tpu.vector_load %arg7[%get3A_681] {strides = array<i32>} : memref<41088xf32, #tpu.memory_space<vmem>>, vector<16xf32>,
      %mul3A_683 = arith.mulf %get3A_678, %broadcast_in_dim3A_607 : vector<16xf32>
      %mul3A_684 = arith.mulf %broadcast_in_dim3A_610, %get3A_682 : vector<16xf32>
      %add3A_685 = arith.addf %mul3A_683, %mul3A_684 : vector<16xf32>
      %add3A_686 = arith.constant 64 : i32
      %add3A_687 = arith.addi %mul3A_614, %add3A_686 : i32
      %swap3A_688 = arith.index_cast %add3A_687 : i32 to index
      %swap3A_689 = tpu.vector_load %arg6[%swap3A_688] {strides = array<i32>} : memref<41088xf32, #tpu.memory_space<vmem>>, vector<16xf32>,
      tpu.vector_store %arg6[%swap3A_688], %add3A_685 {strides = array<i32>} : memref<41088xf32, #tpu.memory_space<vmem>>, vector<16xf32>,
      %add3A_690 = arith.constant 80 : i32
      %add3A_691 = arith.addi %mul3A_614, %add3A_690 : i32
      %get3A_692 = arith.index_cast %add3A_691 : i32 to index
      %get3A_693 = tpu.vector_load %arg6[%get3A_692] {strides = array<i32>} : memref<41088xf32, #tpu.memory_space<vmem>>, vector<16xf32>,
      %add3A_694 = arith.constant 80 : i32
      %add3A_695 = arith.addi %mul3A_614, %add3A_694 : i32
      %get3A_696 = arith.index_cast %add3A_695 : i32 to index
      %get3A_697 = tpu.vector_load %arg7[%get3A_696] {strides = array<i32>} : memref<41088xf32, #tpu.memory_space<vmem>>, vector<16xf32>,
      %mul3A_698 = arith.mulf %get3A_693, %broadcast_in_dim3A_607 : vector<16xf32>
      %mul3A_699 = arith.mulf %broadcast_in_dim3A_610, %get3A_697 : vector<16xf32>
      %add3A_700 = arith.addf %mul3A_698, %mul3A_699 : vector<16xf32>
      %add3A_701 = arith.constant 80 : i32
      %add3A_702 = arith.addi %mul3A_614, %add3A_701 : i32
      %swap3A_703 = arith.index_cast %add3A_702 : i32 to index
      %swap3A_704 = tpu.vector_load %arg6[%swap3A_703] {strides = array<i32>} : memref<41088xf32, #tpu.memory_space<vmem>>, vector<16xf32>,
      tpu.vector_store %arg6[%swap3A_703], %add3A_700 {strides = array<i32>} : memref<41088xf32, #tpu.memory_space<vmem>>, vector<16xf32>,
      %add3A_705 = arith.constant 96 : i32
      %add3A_706 = arith.addi %mul3A_614, %add3A_705 : i32
      %get3A_707 = arith.index_cast %add3A_706 : i32 to index
      %get3A_708 = tpu.vector_load %arg6[%get3A_707] {strides = array<i32>} : memref<41088xf32, #tpu.memory_space<vmem>>, vector<16xf32>,
      %add3A_709 = arith.constant 96 : i32
      %add3A_710 = arith.addi %mul3A_614, %add3A_709 : i32
      %get3A_711 = arith.index_cast %add3A_710 : i32 to index
      %get3A_712 = tpu.vector_load %arg7[%get3A_711] {strides = array<i32>} : memref<41088xf32, #tpu.memory_space<vmem>>, vector<16xf32>,
      %mul3A_713 = arith.mulf %get3A_708, %broadcast_in_dim3A_607 : vector<16xf32>
      %mul3A_714 = arith.mulf %broadcast_in_dim3A_610, %get3A_712 : vector<16xf32>
      %add3A_715 = arith.addf %mul3A_713, %mul3A_714 : vector<16xf32>
      %add3A_716 = arith.constant 96 : i32
      %add3A_717 = arith.addi %mul3A_614, %add3A_716 : i32
      %swap3A_718 = arith.index_cast %add3A_717 : i32 to index
      %swap3A_719 = tpu.vector_load %arg6[%swap3A_718] {strides = array<i32>} : memref<41088xf32, #tpu.memory_space<vmem>>, vector<16xf32>,
      tpu.vector_store %arg6[%swap3A_718], %add3A_715 {strides = array<i32>} : memref<41088xf32, #tpu.memory_space<vmem>>, vector<16xf32>,
      %add3A_720 = arith.constant 112 : i32
      %add3A_721 = arith.addi %mul3A_614, %add3A_720 : i32
      %get3A_722 = arith.index_cast %add3A_721 : i32 to index
      %get3A_723 = tpu.vector_load %arg6[%get3A_722] {strides = array<i32>} : memref<41088xf32, #tpu.memory_space<vmem>>, vector<16xf32>,
      %add3A_724 = arith.constant 112 : i32
      %add3A_725 = arith.addi %mul3A_614, %add3A_724 : i32
      %get3A_726 = arith.index_cast %add3A_725 : i32 to index
      %get3A_727 = tpu.vector_load %arg7[%get3A_726] {strides = array<i32>} : memref<41088xf32, #tpu.memory_space<vmem>>, vector<16xf32>,
      %mul3A_728 = arith.mulf %get3A_723, %broadcast_in_dim3A_607 : vector<16xf32>
      %mul3A_729 = arith.mulf %broadcast_in_dim3A_610, %get3A_727 : vector<16xf32>
      %add3A_730 = arith.addf %mul3A_728, %mul3A_729 : vector<16xf32>
      %add3A_731 = arith.constant 112 : i32
      %add3A_732 = arith.addi %mul3A_614, %add3A_731 : i32
      %swap3A_733 = arith.index_cast %add3A_732 : i32 to index
      %swap3A_734 = tpu.vector_load %arg6[%swap3A_733] {strides = array<i32>} : memref<41088xf32, #tpu.memory_space<vmem>>, vector<16xf32>,
      tpu.vector_store %arg6[%swap3A_733], %add3A_730 {strides = array<i32>} : memref<41088xf32, #tpu.memory_space<vmem>>, vector<16xf32>,
      %slice3A_735 = vector.extract_strided_slice %add3A_84 {offsets = [5], sizes = [1], strides = [1]} : vector<16xf32> to vector<1xf32>
      %squeeze3A_736 = vector.extract %slice3A_735[0] : f32 from vector<1xf32>
      %broadcast_in_dim3A_737 = vector.broadcast %squeeze3A_736 : f32 to vector<16xf32>
      %slice3A_738 = vector.extract_strided_slice %select_n3A_85 {offsets = [5], sizes = [1], strides = [1]} : vector<16xf32> to vector<1xf32>
      %squeeze3A_739 = vector.extract %slice3A_738[0] : f32 from vector<1xf32>
      %broadcast_in_dim3A_740 = vector.broadcast %squeeze3A_739 : f32 to vector<16xf32>
      %add3A_741 = arith.constant 5 : i32
      %add3A_742 = arith.addi %mul3A_81, %add3A_741 : i32
      %mul3A_743 = arith.constant 128 : i32
      %mul3A_744 = arith.muli %add3A_742, %mul3A_743 : i32
      %add3A_745 = arith.constant 0 : i32
      %add3A_746 = arith.addi %mul3A_744, %add3A_745 : i32
      %get3A_747 = arith.index_cast %add3A_746 : i32 to index
      %get3A_748 = tpu.vector_load %arg6[%get3A_747] {strides = array<i32>} : memref<41088xf32, #tpu.memory_space<vmem>>, vector<16xf32>,
      %add3A_749 = arith.constant 0 : i32
      %add3A_750 = arith.addi %mul3A_744, %add3A_749 : i32
      %get3A_751 = arith.index_cast %add3A_750 : i32 to index
      %get3A_752 = tpu.vector_load %arg7[%get3A_751] {strides = array<i32>} : memref<41088xf32, #tpu.memory_space<vmem>>, vector<16xf32>,
      %mul3A_753 = arith.mulf %get3A_748, %broadcast_in_dim3A_737 : vector<16xf32>
      %mul3A_754 = arith.mulf %broadcast_in_dim3A_740, %get3A_752 : vector<16xf32>
      %add3A_755 = arith.addf %mul3A_753, %mul3A_754 : vector<16xf32>
      %add3A_756 = arith.constant 0 : i32
      %add3A_757 = arith.addi %mul3A_744, %add3A_756 : i32
      %swap3A_758 = arith.index_cast %add3A_757 : i32 to index
      %swap3A_759 = tpu.vector_load %arg6[%swap3A_758] {strides = array<i32>} : memref<41088xf32, #tpu.memory_space<vmem>>, vector<16xf32>,
      tpu.vector_store %arg6[%swap3A_758], %add3A_755 {strides = array<i32>} : memref<41088xf32, #tpu.memory_space<vmem>>, vector<16xf32>,
      %add3A_760 = arith.constant 16 : i32
      %add3A_761 = arith.addi %mul3A_744, %add3A_760 : i32
      %get3A_762 = arith.index_cast %add3A_761 : i32 to index
      %get3A_763 = tpu.vector_load %arg6[%get3A_762] {strides = array<i32>} : memref<41088xf32, #tpu.memory_space<vmem>>, vector<16xf32>,
      %add3A_764 = arith.constant 16 : i32
      %add3A_765 = arith.addi %mul3A_744, %add3A_764 : i32
      %get3A_766 = arith.index_cast %add3A_765 : i32 to index
      %get3A_767 = tpu.vector_load %arg7[%get3A_766] {strides = array<i32>} : memref<41088xf32, #tpu.memory_space<vmem>>, vector<16xf32>,
      %mul3A_768 = arith.mulf %get3A_763, %broadcast_in_dim3A_737 : vector<16xf32>
      %mul3A_769 = arith.mulf %broadcast_in_dim3A_740, %get3A_767 : vector<16xf32>
      %add3A_770 = arith.addf %mul3A_768, %mul3A_769 : vector<16xf32>
      %add3A_771 = arith.constant 16 : i32
      %add3A_772 = arith.addi %mul3A_744, %add3A_771 : i32
      %swap3A_773 = arith.index_cast %add3A_772 : i32 to index
      %swap3A_774 = tpu.vector_load %arg6[%swap3A_773] {strides = array<i32>} : memref<41088xf32, #tpu.memory_space<vmem>>, vector<16xf32>,
      tpu.vector_store %arg6[%swap3A_773], %add3A_770 {strides = array<i32>} : memref<41088xf32, #tpu.memory_space<vmem>>, vector<16xf32>,
      %add3A_775 = arith.constant 32 : i32
      %add3A_776 = arith.addi %mul3A_744, %add3A_775 : i32
      %get3A_777 = arith.index_cast %add3A_776 : i32 to index
      %get3A_778 = tpu.vector_load %arg6[%get3A_777] {strides = array<i32>} : memref<41088xf32, #tpu.memory_space<vmem>>, vector<16xf32>,
      %add3A_779 = arith.constant 32 : i32
      %add3A_780 = arith.addi %mul3A_744, %add3A_779 : i32
      %get3A_781 = arith.index_cast %add3A_780 : i32 to index
      %get3A_782 = tpu.vector_load %arg7[%get3A_781] {strides = array<i32>} : memref<41088xf32, #tpu.memory_space<vmem>>, vector<16xf32>,
      %mul3A_783 = arith.mulf %get3A_778, %broadcast_in_dim3A_737 : vector<16xf32>
      %mul3A_784 = arith.mulf %broadcast_in_dim3A_740, %get3A_782 : vector<16xf32>
      %add3A_785 = arith.addf %mul3A_783, %mul3A_784 : vector<16xf32>
      %add3A_786 = arith.constant 32 : i32
      %add3A_787 = arith.addi %mul3A_744, %add3A_786 : i32
      %swap3A_788 = arith.index_cast %add3A_787 : i32 to index
      %swap3A_789 = tpu.vector_load %arg6[%swap3A_788] {strides = array<i32>} : memref<41088xf32, #tpu.memory_space<vmem>>, vector<16xf32>,
      tpu.vector_store %arg6[%swap3A_788], %add3A_785 {strides = array<i32>} : memref<41088xf32, #tpu.memory_space<vmem>>, vector<16xf32>,
      %add3A_790 = arith.constant 48 : i32
      %add3A_791 = arith.addi %mul3A_744, %add3A_790 : i32
      %get3A_792 = arith.index_cast %add3A_791 : i32 to index
      %get3A_793 = tpu.vector_load %arg6[%get3A_792] {strides = array<i32>} : memref<41088xf32, #tpu.memory_space<vmem>>, vector<16xf32>,
      %add3A_794 = arith.constant 48 : i32
      %add3A_795 = arith.addi %mul3A_744, %add3A_794 : i32
      %get3A_796 = arith.index_cast %add3A_795 : i32 to index
      %get3A_797 = tpu.vector_load %arg7[%get3A_796] {strides = array<i32>} : memref<41088xf32, #tpu.memory_space<vmem>>, vector<16xf32>,
      %mul3A_798 = arith.mulf %get3A_793, %broadcast_in_dim3A_737 : vector<16xf32>
      %mul3A_799 = arith.mulf %broadcast_in_dim3A_740, %get3A_797 : vector<16xf32>
      %add3A_800 = arith.addf %mul3A_798, %mul3A_799 : vector<16xf32>
      %add3A_801 = arith.constant 48 : i32
      %add3A_802 = arith.addi %mul3A_744, %add3A_801 : i32
      %swap3A_803 = arith.index_cast %add3A_802 : i32 to index
      %swap3A_804 = tpu.vector_load %arg6[%swap3A_803] {strides = array<i32>} : memref<41088xf32, #tpu.memory_space<vmem>>, vector<16xf32>,
      tpu.vector_store %arg6[%swap3A_803], %add3A_800 {strides = array<i32>} : memref<41088xf32, #tpu.memory_space<vmem>>, vector<16xf32>,
      %add3A_805 = arith.constant 64 : i32
      %add3A_806 = arith.addi %mul3A_744, %add3A_805 : i32
      %get3A_807 = arith.index_cast %add3A_806 : i32 to index
      %get3A_808 = tpu.vector_load %arg6[%get3A_807] {strides = array<i32>} : memref<41088xf32, #tpu.memory_space<vmem>>, vector<16xf32>,
      %add3A_809 = arith.constant 64 : i32
      %add3A_810 = arith.addi %mul3A_744, %add3A_809 : i32
      %get3A_811 = arith.index_cast %add3A_810 : i32 to index
      %get3A_812 = tpu.vector_load %arg7[%get3A_811] {strides = array<i32>} : memref<41088xf32, #tpu.memory_space<vmem>>, vector<16xf32>,
      %mul3A_813 = arith.mulf %get3A_808, %broadcast_in_dim3A_737 : vector<16xf32>
      %mul3A_814 = arith.mulf %broadcast_in_dim3A_740, %get3A_812 : vector<16xf32>
      %add3A_815 = arith.addf %mul3A_813, %mul3A_814 : vector<16xf32>
      %add3A_816 = arith.constant 64 : i32
      %add3A_817 = arith.addi %mul3A_744, %add3A_816 : i32
      %swap3A_818 = arith.index_cast %add3A_817 : i32 to index
      %swap3A_819 = tpu.vector_load %arg6[%swap3A_818] {strides = array<i32>} : memref<41088xf32, #tpu.memory_space<vmem>>, vector<16xf32>,
      tpu.vector_store %arg6[%swap3A_818], %add3A_815 {strides = array<i32>} : memref<41088xf32, #tpu.memory_space<vmem>>, vector<16xf32>,
      %add3A_820 = arith.constant 80 : i32
      %add3A_821 = arith.addi %mul3A_744, %add3A_820 : i32
      %get3A_822 = arith.index_cast %add3A_821 : i32 to index
      %get3A_823 = tpu.vector_load %arg6[%get3A_822] {strides = array<i32>} : memref<41088xf32, #tpu.memory_space<vmem>>, vector<16xf32>,
      %add3A_824 = arith.constant 80 : i32
      %add3A_825 = arith.addi %mul3A_744, %add3A_824 : i32
      %get3A_826 = arith.index_cast %add3A_825 : i32 to index
      %get3A_827 = tpu.vector_load %arg7[%get3A_826] {strides = array<i32>} : memref<41088xf32, #tpu.memory_space<vmem>>, vector<16xf32>,
      %mul3A_828 = arith.mulf %get3A_823, %broadcast_in_dim3A_737 : vector<16xf32>
      %mul3A_829 = arith.mulf %broadcast_in_dim3A_740, %get3A_827 : vector<16xf32>
      %add3A_830 = arith.addf %mul3A_828, %mul3A_829 : vector<16xf32>
      %add3A_831 = arith.constant 80 : i32
      %add3A_832 = arith.addi %mul3A_744, %add3A_831 : i32
      %swap3A_833 = arith.index_cast %add3A_832 : i32 to index
      %swap3A_834 = tpu.vector_load %arg6[%swap3A_833] {strides = array<i32>} : memref<41088xf32, #tpu.memory_space<vmem>>, vector<16xf32>,
      tpu.vector_store %arg6[%swap3A_833], %add3A_830 {strides = array<i32>} : memref<41088xf32, #tpu.memory_space<vmem>>, vector<16xf32>,
      %add3A_835 = arith.constant 96 : i32
      %add3A_836 = arith.addi %mul3A_744, %add3A_835 : i32
      %get3A_837 = arith.index_cast %add3A_836 : i32 to index
      %get3A_838 = tpu.vector_load %arg6[%get3A_837] {strides = array<i32>} : memref<41088xf32, #tpu.memory_space<vmem>>, vector<16xf32>,
      %add3A_839 = arith.constant 96 : i32
      %add3A_840 = arith.addi %mul3A_744, %add3A_839 : i32
      %get3A_841 = arith.index_cast %add3A_840 : i32 to index
      %get3A_842 = tpu.vector_load %arg7[%get3A_841] {strides = array<i32>} : memref<41088xf32, #tpu.memory_space<vmem>>, vector<16xf32>,
      %mul3A_843 = arith.mulf %get3A_838, %broadcast_in_dim3A_737 : vector<16xf32>
      %mul3A_844 = arith.mulf %broadcast_in_dim3A_740, %get3A_842 : vector<16xf32>
      %add3A_845 = arith.addf %mul3A_843, %mul3A_844 : vector<16xf32>
      %add3A_846 = arith.constant 96 : i32
      %add3A_847 = arith.addi %mul3A_744, %add3A_846 : i32
      %swap3A_848 = arith.index_cast %add3A_847 : i32 to index
      %swap3A_849 = tpu.vector_load %arg6[%swap3A_848] {strides = array<i32>} : memref<41088xf32, #tpu.memory_space<vmem>>, vector<16xf32>,
      tpu.vector_store %arg6[%swap3A_848], %add3A_845 {strides = array<i32>} : memref<41088xf32, #tpu.memory_space<vmem>>, vector<16xf32>,
      %add3A_850 = arith.constant 112 : i32
      %add3A_851 = arith.addi %mul3A_744, %add3A_850 : i32
      %get3A_852 = arith.index_cast %add3A_851 : i32 to index
      %get3A_853 = tpu.vector_load %arg6[%get3A_852] {strides = array<i32>} : memref<41088xf32, #tpu.memory_space<vmem>>, vector<16xf32>,
      %add3A_854 = arith.constant 112 : i32
      %add3A_855 = arith.addi %mul3A_744, %add3A_854 : i32
      %get3A_856 = arith.index_cast %add3A_855 : i32 to index
      %get3A_857 = tpu.vector_load %arg7[%get3A_856] {strides = array<i32>} : memref<41088xf32, #tpu.memory_space<vmem>>, vector<16xf32>,
      %mul3A_858 = arith.mulf %get3A_853, %broadcast_in_dim3A_737 : vector<16xf32>
      %mul3A_859 = arith.mulf %broadcast_in_dim3A_740, %get3A_857 : vector<16xf32>
      %add3A_860 = arith.addf %mul3A_858, %mul3A_859 : vector<16xf32>
      %add3A_861 = arith.constant 112 : i32
      %add3A_862 = arith.addi %mul3A_744, %add3A_861 : i32
      %swap3A_863 = arith.index_cast %add3A_862 : i32 to index
      %swap3A_864 = tpu.vector_load %arg6[%swap3A_863] {strides = array<i32>} : memref<41088xf32, #tpu.memory_space<vmem>>, vector<16xf32>,
      tpu.vector_store %arg6[%swap3A_863], %add3A_860 {strides = array<i32>} : memref<41088xf32, #tpu.memory_space<vmem>>, vector<16xf32>,
      %slice3A_865 = vector.extract_strided_slice %add3A_84 {offsets = [6], sizes = [1], strides = [1]} : vector<16xf32> to vector<1xf32>
      %squeeze3A_866 = vector.extract %slice3A_865[0] : f32 from vector<1xf32>
      %broadcast_in_dim3A_867 = vector.broadcast %squeeze3A_866 : f32 to vector<16xf32>
      %slice3A_868 = vector.extract_strided_slice %select_n3A_85 {offsets = [6], sizes = [1], strides = [1]} : vector<16xf32> to vector<1xf32>
      %squeeze3A_869 = vector.extract %slice3A_868[0] : f32 from vector<1xf32>
      %broadcast_in_dim3A_870 = vector.broadcast %squeeze3A_869 : f32 to vector<16xf32>
      %add3A_871 = arith.constant 6 : i32
      %add3A_872 = arith.addi %mul3A_81, %add3A_871 : i32
      %mul3A_873 = arith.constant 128 : i32
      %mul3A_874 = arith.muli %add3A_872, %mul3A_873 : i32
      %add3A_875 = arith.constant 0 : i32
      %add3A_876 = arith.addi %mul3A_874, %add3A_875 : i32
      %get3A_877 = arith.index_cast %add3A_876 : i32 to index
      %get3A_878 = tpu.vector_load %arg6[%get3A_877] {strides = array<i32>} : memref<41088xf32, #tpu.memory_space<vmem>>, vector<16xf32>,
      %add3A_879 = arith.constant 0 : i32
      %add3A_880 = arith.addi %mul3A_874, %add3A_879 : i32
      %get3A_881 = arith.index_cast %add3A_880 : i32 to index
      %get3A_882 = tpu.vector_load %arg7[%get3A_881] {strides = array<i32>} : memref<41088xf32, #tpu.memory_space<vmem>>, vector<16xf32>,
      %mul3A_883 = arith.mulf %get3A_878, %broadcast_in_dim3A_867 : vector<16xf32>
      %mul3A_884 = arith.mulf %broadcast_in_dim3A_870, %get3A_882 : vector<16xf32>
      %add3A_885 = arith.addf %mul3A_883, %mul3A_884 : vector<16xf32>
      %add3A_886 = arith.constant 0 : i32
      %add3A_887 = arith.addi %mul3A_874, %add3A_886 : i32
      %swap3A_888 = arith.index_cast %add3A_887 : i32 to index
      %swap3A_889 = tpu.vector_load %arg6[%swap3A_888] {strides = array<i32>} : memref<41088xf32, #tpu.memory_space<vmem>>, vector<16xf32>,
      tpu.vector_store %arg6[%swap3A_888], %add3A_885 {strides = array<i32>} : memref<41088xf32, #tpu.memory_space<vmem>>, vector<16xf32>,
      %add3A_890 = arith.constant 16 : i32
      %add3A_891 = arith.addi %mul3A_874, %add3A_890 : i32
      %get3A_892 = arith.index_cast %add3A_891 : i32 to index
      %get3A_893 = tpu.vector_load %arg6[%get3A_892] {strides = array<i32>} : memref<41088xf32, #tpu.memory_space<vmem>>, vector<16xf32>,
      %add3A_894 = arith.constant 16 : i32
      %add3A_895 = arith.addi %mul3A_874, %add3A_894 : i32
      %get3A_896 = arith.index_cast %add3A_895 : i32 to index
      %get3A_897 = tpu.vector_load %arg7[%get3A_896] {strides = array<i32>} : memref<41088xf32, #tpu.memory_space<vmem>>, vector<16xf32>,
      %mul3A_898 = arith.mulf %get3A_893, %broadcast_in_dim3A_867 : vector<16xf32>
      %mul3A_899 = arith.mulf %broadcast_in_dim3A_870, %get3A_897 : vector<16xf32>
      %add3A_900 = arith.addf %mul3A_898, %mul3A_899 : vector<16xf32>
      %add3A_901 = arith.constant 16 : i32
      %add3A_902 = arith.addi %mul3A_874, %add3A_901 : i32
      %swap3A_903 = arith.index_cast %add3A_902 : i32 to index
      %swap3A_904 = tpu.vector_load %arg6[%swap3A_903] {strides = array<i32>} : memref<41088xf32, #tpu.memory_space<vmem>>, vector<16xf32>,
      tpu.vector_store %arg6[%swap3A_903], %add3A_900 {strides = array<i32>} : memref<41088xf32, #tpu.memory_space<vmem>>, vector<16xf32>,
      %add3A_905 = arith.constant 32 : i32
      %add3A_906 = arith.addi %mul3A_874, %add3A_905 : i32
      %get3A_907 = arith.index_cast %add3A_906 : i32 to index
      %get3A_908 = tpu.vector_load %arg6[%get3A_907] {strides = array<i32>} : memref<41088xf32, #tpu.memory_space<vmem>>, vector<16xf32>,
      %add3A_909 = arith.constant 32 : i32
      %add3A_910 = arith.addi %mul3A_874, %add3A_909 : i32
      %get3A_911 = arith.index_cast %add3A_910 : i32 to index
      %get3A_912 = tpu.vector_load %arg7[%get3A_911] {strides = array<i32>} : memref<41088xf32, #tpu.memory_space<vmem>>, vector<16xf32>,
      %mul3A_913 = arith.mulf %get3A_908, %broadcast_in_dim3A_867 : vector<16xf32>
      %mul3A_914 = arith.mulf %broadcast_in_dim3A_870, %get3A_912 : vector<16xf32>
      %add3A_915 = arith.addf %mul3A_913, %mul3A_914 : vector<16xf32>
      %add3A_916 = arith.constant 32 : i32
      %add3A_917 = arith.addi %mul3A_874, %add3A_916 : i32
      %swap3A_918 = arith.index_cast %add3A_917 : i32 to index
      %swap3A_919 = tpu.vector_load %arg6[%swap3A_918] {strides = array<i32>} : memref<41088xf32, #tpu.memory_space<vmem>>, vector<16xf32>,
      tpu.vector_store %arg6[%swap3A_918], %add3A_915 {strides = array<i32>} : memref<41088xf32, #tpu.memory_space<vmem>>, vector<16xf32>,
      %add3A_920 = arith.constant 48 : i32
      %add3A_921 = arith.addi %mul3A_874, %add3A_920 : i32
      %get3A_922 = arith.index_cast %add3A_921 : i32 to index
      %get3A_923 = tpu.vector_load %arg6[%get3A_922] {strides = array<i32>} : memref<41088xf32, #tpu.memory_space<vmem>>, vector<16xf32>,
      %add3A_924 = arith.constant 48 : i32
      %add3A_925 = arith.addi %mul3A_874, %add3A_924 : i32
      %get3A_926 = arith.index_cast %add3A_925 : i32 to index
      %get3A_927 = tpu.vector_load %arg7[%get3A_926] {strides = array<i32>} : memref<41088xf32, #tpu.memory_space<vmem>>, vector<16xf32>,
      %mul3A_928 = arith.mulf %get3A_923, %broadcast_in_dim3A_867 : vector<16xf32>
      %mul3A_929 = arith.mulf %broadcast_in_dim3A_870, %get3A_927 : vector<16xf32>
      %add3A_930 = arith.addf %mul3A_928, %mul3A_929 : vector<16xf32>
      %add3A_931 = arith.constant 48 : i32
      %add3A_932 = arith.addi %mul3A_874, %add3A_931 : i32
      %swap3A_933 = arith.index_cast %add3A_932 : i32 to index
      %swap3A_934 = tpu.vector_load %arg6[%swap3A_933] {strides = array<i32>} : memref<41088xf32, #tpu.memory_space<vmem>>, vector<16xf32>,
      tpu.vector_store %arg6[%swap3A_933], %add3A_930 {strides = array<i32>} : memref<41088xf32, #tpu.memory_space<vmem>>, vector<16xf32>,
      %add3A_935 = arith.constant 64 : i32
      %add3A_936 = arith.addi %mul3A_874, %add3A_935 : i32
      %get3A_937 = arith.index_cast %add3A_936 : i32 to index
      %get3A_938 = tpu.vector_load %arg6[%get3A_937] {strides = array<i32>} : memref<41088xf32, #tpu.memory_space<vmem>>, vector<16xf32>,
      %add3A_939 = arith.constant 64 : i32
      %add3A_940 = arith.addi %mul3A_874, %add3A_939 : i32
      %get3A_941 = arith.index_cast %add3A_940 : i32 to index
      %get3A_942 = tpu.vector_load %arg7[%get3A_941] {strides = array<i32>} : memref<41088xf32, #tpu.memory_space<vmem>>, vector<16xf32>,
      %mul3A_943 = arith.mulf %get3A_938, %broadcast_in_dim3A_867 : vector<16xf32>
      %mul3A_944 = arith.mulf %broadcast_in_dim3A_870, %get3A_942 : vector<16xf32>
      %add3A_945 = arith.addf %mul3A_943, %mul3A_944 : vector<16xf32>
      %add3A_946 = arith.constant 64 : i32
      %add3A_947 = arith.addi %mul3A_874, %add3A_946 : i32
      %swap3A_948 = arith.index_cast %add3A_947 : i32 to index
      %swap3A_949 = tpu.vector_load %arg6[%swap3A_948] {strides = array<i32>} : memref<41088xf32, #tpu.memory_space<vmem>>, vector<16xf32>,
      tpu.vector_store %arg6[%swap3A_948], %add3A_945 {strides = array<i32>} : memref<41088xf32, #tpu.memory_space<vmem>>, vector<16xf32>,
      %add3A_950 = arith.constant 80 : i32
      %add3A_951 = arith.addi %mul3A_874, %add3A_950 : i32
      %get3A_952 = arith.index_cast %add3A_951 : i32 to index
      %get3A_953 = tpu.vector_load %arg6[%get3A_952] {strides = array<i32>} : memref<41088xf32, #tpu.memory_space<vmem>>, vector<16xf32>,
      %add3A_954 = arith.constant 80 : i32
      %add3A_955 = arith.addi %mul3A_874, %add3A_954 : i32
      %get3A_956 = arith.index_cast %add3A_955 : i32 to index
      %get3A_957 = tpu.vector_load %arg7[%get3A_956] {strides = array<i32>} : memref<41088xf32, #tpu.memory_space<vmem>>, vector<16xf32>,
      %mul3A_958 = arith.mulf %get3A_953, %broadcast_in_dim3A_867 : vector<16xf32>
      %mul3A_959 = arith.mulf %broadcast_in_dim3A_870, %get3A_957 : vector<16xf32>
      %add3A_960 = arith.addf %mul3A_958, %mul3A_959 : vector<16xf32>
      %add3A_961 = arith.constant 80 : i32
      %add3A_962 = arith.addi %mul3A_874, %add3A_961 : i32
      %swap3A_963 = arith.index_cast %add3A_962 : i32 to index
      %swap3A_964 = tpu.vector_load %arg6[%swap3A_963] {strides = array<i32>} : memref<41088xf32, #tpu.memory_space<vmem>>, vector<16xf32>,
      tpu.vector_store %arg6[%swap3A_963], %add3A_960 {strides = array<i32>} : memref<41088xf32, #tpu.memory_space<vmem>>, vector<16xf32>,
      %add3A_965 = arith.constant 96 : i32
      %add3A_966 = arith.addi %mul3A_874, %add3A_965 : i32
      %get3A_967 = arith.index_cast %add3A_966 : i32 to index
      %get3A_968 = tpu.vector_load %arg6[%get3A_967] {strides = array<i32>} : memref<41088xf32, #tpu.memory_space<vmem>>, vector<16xf32>,
      %add3A_969 = arith.constant 96 : i32
      %add3A_970 = arith.addi %mul3A_874, %add3A_969 : i32
      %get3A_971 = arith.index_cast %add3A_970 : i32 to index
      %get3A_972 = tpu.vector_load %arg7[%get3A_971] {strides = array<i32>} : memref<41088xf32, #tpu.memory_space<vmem>>, vector<16xf32>,
      %mul3A_973 = arith.mulf %get3A_968, %broadcast_in_dim3A_867 : vector<16xf32>
      %mul3A_974 = arith.mulf %broadcast_in_dim3A_870, %get3A_972 : vector<16xf32>
      %add3A_975 = arith.addf %mul3A_973, %mul3A_974 : vector<16xf32>
      %add3A_976 = arith.constant 96 : i32
      %add3A_977 = arith.addi %mul3A_874, %add3A_976 : i32
      %swap3A_978 = arith.index_cast %add3A_977 : i32 to index
      %swap3A_979 = tpu.vector_load %arg6[%swap3A_978] {strides = array<i32>} : memref<41088xf32, #tpu.memory_space<vmem>>, vector<16xf32>,
      tpu.vector_store %arg6[%swap3A_978], %add3A_975 {strides = array<i32>} : memref<41088xf32, #tpu.memory_space<vmem>>, vector<16xf32>,
      %add3A_980 = arith.constant 112 : i32
      %add3A_981 = arith.addi %mul3A_874, %add3A_980 : i32
      %get3A_982 = arith.index_cast %add3A_981 : i32 to index
      %get3A_983 = tpu.vector_load %arg6[%get3A_982] {strides = array<i32>} : memref<41088xf32, #tpu.memory_space<vmem>>, vector<16xf32>,
      %add3A_984 = arith.constant 112 : i32
      %add3A_985 = arith.addi %mul3A_874, %add3A_984 : i32
      %get3A_986 = arith.index_cast %add3A_985 : i32 to index
      %get3A_987 = tpu.vector_load %arg7[%get3A_986] {strides = array<i32>} : memref<41088xf32, #tpu.memory_space<vmem>>, vector<16xf32>,
      %mul3A_988 = arith.mulf %get3A_983, %broadcast_in_dim3A_867 : vector<16xf32>
      %mul3A_989 = arith.mulf %broadcast_in_dim3A_870, %get3A_987 : vector<16xf32>
      %add3A_990 = arith.addf %mul3A_988, %mul3A_989 : vector<16xf32>
      %add3A_991 = arith.constant 112 : i32
      %add3A_992 = arith.addi %mul3A_874, %add3A_991 : i32
      %swap3A_993 = arith.index_cast %add3A_992 : i32 to index
      %swap3A_994 = tpu.vector_load %arg6[%swap3A_993] {strides = array<i32>} : memref<41088xf32, #tpu.memory_space<vmem>>, vector<16xf32>,
      tpu.vector_store %arg6[%swap3A_993], %add3A_990 {strides = array<i32>} : memref<41088xf32, #tpu.memory_space<vmem>>, vector<16xf32>,
      %slice3A_995 = vector.extract_strided_slice %add3A_84 {offsets = [7], sizes = [1], strides = [1]} : vector<16xf32> to vector<1xf32>
      %squeeze3A_996 = vector.extract %slice3A_995[0] : f32 from vector<1xf32>
      %broadcast_in_dim3A_997 = vector.broadcast %squeeze3A_996 : f32 to vector<16xf32>
      %slice3A_998 = vector.extract_strided_slice %select_n3A_85 {offsets = [7], sizes = [1], strides = [1]} : vector<16xf32> to vector<1xf32>
      %squeeze3A_999 = vector.extract %slice3A_998[0] : f32 from vector<1xf32>
      %broadcast_in_dim3A_1000 = vector.broadcast %squeeze3A_999 : f32 to vector<16xf32>
      %add3A_1001 = arith.constant 7 : i32
      %add3A_1002 = arith.addi %mul3A_81, %add3A_1001 : i32
      %mul3A_1003 = arith.constant 128 : i32
      %mul3A_1004 = arith.muli %add3A_1002, %mul3A_1003 : i32
      %add3A_1005 = arith.constant 0 : i32
      %add3A_1006 = arith.addi %mul3A_1004, %add3A_1005 : i32
      %get3A_1007 = arith.index_cast %add3A_1006 : i32 to index
      %get3A_1008 = tpu.vector_load %arg6[%get3A_1007] {strides = array<i32>} : memref<41088xf32, #tpu.memory_space<vmem>>, vector<16xf32>,
      %add3A_1009 = arith.constant 0 : i32
      %add3A_1010 = arith.addi %mul3A_1004, %add3A_1009 : i32
      %get3A_1011 = arith.index_cast %add3A_1010 : i32 to index
      %get3A_1012 = tpu.vector_load %arg7[%get3A_1011] {strides = array<i32>} : memref<41088xf32, #tpu.memory_space<vmem>>, vector<16xf32>,
      %mul3A_1013 = arith.mulf %get3A_1008, %broadcast_in_dim3A_997 : vector<16xf32>
      %mul3A_1014 = arith.mulf %broadcast_in_dim3A_1000, %get3A_1012 : vector<16xf32>
      %add3A_1015 = arith.addf %mul3A_1013, %mul3A_1014 : vector<16xf32>
      %add3A_1016 = arith.constant 0 : i32
      %add3A_1017 = arith.addi %mul3A_1004, %add3A_1016 : i32
      %swap3A_1018 = arith.index_cast %add3A_1017 : i32 to index
      %swap3A_1019 = tpu.vector_load %arg6[%swap3A_1018] {strides = array<i32>} : memref<41088xf32, #tpu.memory_space<vmem>>, vector<16xf32>,
      tpu.vector_store %arg6[%swap3A_1018], %add3A_1015 {strides = array<i32>} : memref<41088xf32, #tpu.memory_space<vmem>>, vector<16xf32>,
      %add3A_1020 = arith.constant 16 : i32
      %add3A_1021 = arith.addi %mul3A_1004, %add3A_1020 : i32
      %get3A_1022 = arith.index_cast %add3A_1021 : i32 to index
      %get3A_1023 = tpu.vector_load %arg6[%get3A_1022] {strides = array<i32>} : memref<41088xf32, #tpu.memory_space<vmem>>, vector<16xf32>,
      %add3A_1024 = arith.constant 16 : i32
      %add3A_1025 = arith.addi %mul3A_1004, %add3A_1024 : i32
      %get3A_1026 = arith.index_cast %add3A_1025 : i32 to index
      %get3A_1027 = tpu.vector_load %arg7[%get3A_1026] {strides = array<i32>} : memref<41088xf32, #tpu.memory_space<vmem>>, vector<16xf32>,
      %mul3A_1028 = arith.mulf %get3A_1023, %broadcast_in_dim3A_997 : vector<16xf32>
      %mul3A_1029 = arith.mulf %broadcast_in_dim3A_1000, %get3A_1027 : vector<16xf32>
      %add3A_1030 = arith.addf %mul3A_1028, %mul3A_1029 : vector<16xf32>
      %add3A_1031 = arith.constant 16 : i32
      %add3A_1032 = arith.addi %mul3A_1004, %add3A_1031 : i32
      %swap3A_1033 = arith.index_cast %add3A_1032 : i32 to index
      %swap3A_1034 = tpu.vector_load %arg6[%swap3A_1033] {strides = array<i32>} : memref<41088xf32, #tpu.memory_space<vmem>>, vector<16xf32>,
      tpu.vector_store %arg6[%swap3A_1033], %add3A_1030 {strides = array<i32>} : memref<41088xf32, #tpu.memory_space<vmem>>, vector<16xf32>,
      %add3A_1035 = arith.constant 32 : i32
      %add3A_1036 = arith.addi %mul3A_1004, %add3A_1035 : i32
      %get3A_1037 = arith.index_cast %add3A_1036 : i32 to index
      %get3A_1038 = tpu.vector_load %arg6[%get3A_1037] {strides = array<i32>} : memref<41088xf32, #tpu.memory_space<vmem>>, vector<16xf32>,
      %add3A_1039 = arith.constant 32 : i32
      %add3A_1040 = arith.addi %mul3A_1004, %add3A_1039 : i32
      %get3A_1041 = arith.index_cast %add3A_1040 : i32 to index
      %get3A_1042 = tpu.vector_load %arg7[%get3A_1041] {strides = array<i32>} : memref<41088xf32, #tpu.memory_space<vmem>>, vector<16xf32>,
      %mul3A_1043 = arith.mulf %get3A_1038, %broadcast_in_dim3A_997 : vector<16xf32>
      %mul3A_1044 = arith.mulf %broadcast_in_dim3A_1000, %get3A_1042 : vector<16xf32>
      %add3A_1045 = arith.addf %mul3A_1043, %mul3A_1044 : vector<16xf32>
      %add3A_1046 = arith.constant 32 : i32
      %add3A_1047 = arith.addi %mul3A_1004, %add3A_1046 : i32
      %swap3A_1048 = arith.index_cast %add3A_1047 : i32 to index
      %swap3A_1049 = tpu.vector_load %arg6[%swap3A_1048] {strides = array<i32>} : memref<41088xf32, #tpu.memory_space<vmem>>, vector<16xf32>,
      tpu.vector_store %arg6[%swap3A_1048], %add3A_1045 {strides = array<i32>} : memref<41088xf32, #tpu.memory_space<vmem>>, vector<16xf32>,
      %add3A_1050 = arith.constant 48 : i32
      %add3A_1051 = arith.addi %mul3A_1004, %add3A_1050 : i32
      %get3A_1052 = arith.index_cast %add3A_1051 : i32 to index
      %get3A_1053 = tpu.vector_load %arg6[%get3A_1052] {strides = array<i32>} : memref<41088xf32, #tpu.memory_space<vmem>>, vector<16xf32>,
      %add3A_1054 = arith.constant 48 : i32
      %add3A_1055 = arith.addi %mul3A_1004, %add3A_1054 : i32
      %get3A_1056 = arith.index_cast %add3A_1055 : i32 to index
      %get3A_1057 = tpu.vector_load %arg7[%get3A_1056] {strides = array<i32>} : memref<41088xf32, #tpu.memory_space<vmem>>, vector<16xf32>,
      %mul3A_1058 = arith.mulf %get3A_1053, %broadcast_in_dim3A_997 : vector<16xf32>
      %mul3A_1059 = arith.mulf %broadcast_in_dim3A_1000, %get3A_1057 : vector<16xf32>
      %add3A_1060 = arith.addf %mul3A_1058, %mul3A_1059 : vector<16xf32>
      %add3A_1061 = arith.constant 48 : i32
      %add3A_1062 = arith.addi %mul3A_1004, %add3A_1061 : i32
      %swap3A_1063 = arith.index_cast %add3A_1062 : i32 to index
      %swap3A_1064 = tpu.vector_load %arg6[%swap3A_1063] {strides = array<i32>} : memref<41088xf32, #tpu.memory_space<vmem>>, vector<16xf32>,
      tpu.vector_store %arg6[%swap3A_1063], %add3A_1060 {strides = array<i32>} : memref<41088xf32, #tpu.memory_space<vmem>>, vector<16xf32>,
      %add3A_1065 = arith.constant 64 : i32
      %add3A_1066 = arith.addi %mul3A_1004, %add3A_1065 : i32
      %get3A_1067 = arith.index_cast %add3A_1066 : i32 to index
      %get3A_1068 = tpu.vector_load %arg6[%get3A_1067] {strides = array<i32>} : memref<41088xf32, #tpu.memory_space<vmem>>, vector<16xf32>,
      %add3A_1069 = arith.constant 64 : i32
      %add3A_1070 = arith.addi %mul3A_1004, %add3A_1069 : i32
      %get3A_1071 = arith.index_cast %add3A_1070 : i32 to index
      %get3A_1072 = tpu.vector_load %arg7[%get3A_1071] {strides = array<i32>} : memref<41088xf32, #tpu.memory_space<vmem>>, vector<16xf32>,
      %mul3A_1073 = arith.mulf %get3A_1068, %broadcast_in_dim3A_997 : vector<16xf32>
      %mul3A_1074 = arith.mulf %broadcast_in_dim3A_1000, %get3A_1072 : vector<16xf32>
      %add3A_1075 = arith.addf %mul3A_1073, %mul3A_1074 : vector<16xf32>
      %add3A_1076 = arith.constant 64 : i32
      %add3A_1077 = arith.addi %mul3A_1004, %add3A_1076 : i32
      %swap3A_1078 = arith.index_cast %add3A_1077 : i32 to index
      %swap3A_1079 = tpu.vector_load %arg6[%swap3A_1078] {strides = array<i32>} : memref<41088xf32, #tpu.memory_space<vmem>>, vector<16xf32>,
      tpu.vector_store %arg6[%swap3A_1078], %add3A_1075 {strides = array<i32>} : memref<41088xf32, #tpu.memory_space<vmem>>, vector<16xf32>,
      %add3A_1080 = arith.constant 80 : i32
      %add3A_1081 = arith.addi %mul3A_1004, %add3A_1080 : i32
      %get3A_1082 = arith.index_cast %add3A_1081 : i32 to index
      %get3A_1083 = tpu.vector_load %arg6[%get3A_1082] {strides = array<i32>} : memref<41088xf32, #tpu.memory_space<vmem>>, vector<16xf32>,
      %add3A_1084 = arith.constant 80 : i32
      %add3A_1085 = arith.addi %mul3A_1004, %add3A_1084 : i32
      %get3A_1086 = arith.index_cast %add3A_1085 : i32 to index
      %get3A_1087 = tpu.vector_load %arg7[%get3A_1086] {strides = array<i32>} : memref<41088xf32, #tpu.memory_space<vmem>>, vector<16xf32>,
      %mul3A_1088 = arith.mulf %get3A_1083, %broadcast_in_dim3A_997 : vector<16xf32>
      %mul3A_1089 = arith.mulf %broadcast_in_dim3A_1000, %get3A_1087 : vector<16xf32>
      %add3A_1090 = arith.addf %mul3A_1088, %mul3A_1089 : vector<16xf32>
      %add3A_1091 = arith.constant 80 : i32
      %add3A_1092 = arith.addi %mul3A_1004, %add3A_1091 : i32
      %swap3A_1093 = arith.index_cast %add3A_1092 : i32 to index
      %swap3A_1094 = tpu.vector_load %arg6[%swap3A_1093] {strides = array<i32>} : memref<41088xf32, #tpu.memory_space<vmem>>, vector<16xf32>,
      tpu.vector_store %arg6[%swap3A_1093], %add3A_1090 {strides = array<i32>} : memref<41088xf32, #tpu.memory_space<vmem>>, vector<16xf32>,
      %add3A_1095 = arith.constant 96 : i32
      %add3A_1096 = arith.addi %mul3A_1004, %add3A_1095 : i32
      %get3A_1097 = arith.index_cast %add3A_1096 : i32 to index
      %get3A_1098 = tpu.vector_load %arg6[%get3A_1097] {strides = array<i32>} : memref<41088xf32, #tpu.memory_space<vmem>>, vector<16xf32>,
      %add3A_1099 = arith.constant 96 : i32
      %add3A_1100 = arith.addi %mul3A_1004, %add3A_1099 : i32
      %get3A_1101 = arith.index_cast %add3A_1100 : i32 to index
      %get3A_1102 = tpu.vector_load %arg7[%get3A_1101] {strides = array<i32>} : memref<41088xf32, #tpu.memory_space<vmem>>, vector<16xf32>,
      %mul3A_1103 = arith.mulf %get3A_1098, %broadcast_in_dim3A_997 : vector<16xf32>
      %mul3A_1104 = arith.mulf %broadcast_in_dim3A_1000, %get3A_1102 : vector<16xf32>
      %add3A_1105 = arith.addf %mul3A_1103, %mul3A_1104 : vector<16xf32>
      %add3A_1106 = arith.constant 96 : i32
      %add3A_1107 = arith.addi %mul3A_1004, %add3A_1106 : i32
      %swap3A_1108 = arith.index_cast %add3A_1107 : i32 to index
      %swap3A_1109 = tpu.vector_load %arg6[%swap3A_1108] {strides = array<i32>} : memref<41088xf32, #tpu.memory_space<vmem>>, vector<16xf32>,
      tpu.vector_store %arg6[%swap3A_1108], %add3A_1105 {strides = array<i32>} : memref<41088xf32, #tpu.memory_space<vmem>>, vector<16xf32>,
      %add3A_1110 = arith.constant 112 : i32
      %add3A_1111 = arith.addi %mul3A_1004, %add3A_1110 : i32
      %get3A_1112 = arith.index_cast %add3A_1111 : i32 to index
      %get3A_1113 = tpu.vector_load %arg6[%get3A_1112] {strides = array<i32>} : memref<41088xf32, #tpu.memory_space<vmem>>, vector<16xf32>,
      %add3A_1114 = arith.constant 112 : i32
      %add3A_1115 = arith.addi %mul3A_1004, %add3A_1114 : i32
      %get3A_1116 = arith.index_cast %add3A_1115 : i32 to index
      %get3A_1117 = tpu.vector_load %arg7[%get3A_1116] {strides = array<i32>} : memref<41088xf32, #tpu.memory_space<vmem>>, vector<16xf32>,
      %mul3A_1118 = arith.mulf %get3A_1113, %broadcast_in_dim3A_997 : vector<16xf32>
      %mul3A_1119 = arith.mulf %broadcast_in_dim3A_1000, %get3A_1117 : vector<16xf32>
      %add3A_1120 = arith.addf %mul3A_1118, %mul3A_1119 : vector<16xf32>
      %add3A_1121 = arith.constant 112 : i32
      %add3A_1122 = arith.addi %mul3A_1004, %add3A_1121 : i32
      %swap3A_1123 = arith.index_cast %add3A_1122 : i32 to index
      %swap3A_1124 = tpu.vector_load %arg6[%swap3A_1123] {strides = array<i32>} : memref<41088xf32, #tpu.memory_space<vmem>>, vector<16xf32>,
      tpu.vector_store %arg6[%swap3A_1123], %add3A_1120 {strides = array<i32>} : memref<41088xf32, #tpu.memory_space<vmem>>, vector<16xf32>,
      %slice3A_1125 = vector.extract_strided_slice %add3A_84 {offsets = [8], sizes = [1], strides = [1]} : vector<16xf32> to vector<1xf32>
      %squeeze3A_1126 = vector.extract %slice3A_1125[0] : f32 from vector<1xf32>
      %broadcast_in_dim3A_1127 = vector.broadcast %squeeze3A_1126 : f32 to vector<16xf32>
      %slice3A_1128 = vector.extract_strided_slice %select_n3A_85 {offsets = [8], sizes = [1], strides = [1]} : vector<16xf32> to vector<1xf32>
      %squeeze3A_1129 = vector.extract %slice3A_1128[0] : f32 from vector<1xf32>
      %broadcast_in_dim3A_1130 = vector.broadcast %squeeze3A_1129 : f32 to vector<16xf32>
      %add3A_1131 = arith.constant 8 : i32
      %add3A_1132 = arith.addi %mul3A_81, %add3A_1131 : i32
      %mul3A_1133 = arith.constant 128 : i32
      %mul3A_1134 = arith.muli %add3A_1132, %mul3A_1133 : i32
      %add3A_1135 = arith.constant 0 : i32
      %add3A_1136 = arith.addi %mul3A_1134, %add3A_1135 : i32
      %get3A_1137 = arith.index_cast %add3A_1136 : i32 to index
      %get3A_1138 = tpu.vector_load %arg6[%get3A_1137] {strides = array<i32>} : memref<41088xf32, #tpu.memory_space<vmem>>, vector<16xf32>,
      %add3A_1139 = arith.constant 0 : i32
      %add3A_1140 = arith.addi %mul3A_1134, %add3A_1139 : i32
      %get3A_1141 = arith.index_cast %add3A_1140 : i32 to index
      %get3A_1142 = tpu.vector_load %arg7[%get3A_1141] {strides = array<i32>} : memref<41088xf32, #tpu.memory_space<vmem>>, vector<16xf32>,
      %mul3A_1143 = arith.mulf %get3A_1138, %broadcast_in_dim3A_1127 : vector<16xf32>
      %mul3A_1144 = arith.mulf %broadcast_in_dim3A_1130, %get3A_1142 : vector<16xf32>
      %add3A_1145 = arith.addf %mul3A_1143, %mul3A_1144 : vector<16xf32>
      %add3A_1146 = arith.constant 0 : i32
      %add3A_1147 = arith.addi %mul3A_1134, %add3A_1146 : i32
      %swap3A_1148 = arith.index_cast %add3A_1147 : i32 to index
      %swap3A_1149 = tpu.vector_load %arg6[%swap3A_1148] {strides = array<i32>} : memref<41088xf32, #tpu.memory_space<vmem>>, vector<16xf32>,
      tpu.vector_store %arg6[%swap3A_1148], %add3A_1145 {strides = array<i32>} : memref<41088xf32, #tpu.memory_space<vmem>>, vector<16xf32>,
      %add3A_1150 = arith.constant 16 : i32
      %add3A_1151 = arith.addi %mul3A_1134, %add3A_1150 : i32
      %get3A_1152 = arith.index_cast %add3A_1151 : i32 to index
      %get3A_1153 = tpu.vector_load %arg6[%get3A_1152] {strides = array<i32>} : memref<41088xf32, #tpu.memory_space<vmem>>, vector<16xf32>,
      %add3A_1154 = arith.constant 16 : i32
      %add3A_1155 = arith.addi %mul3A_1134, %add3A_1154 : i32
      %get3A_1156 = arith.index_cast %add3A_1155 : i32 to index
      %get3A_1157 = tpu.vector_load %arg7[%get3A_1156] {strides = array<i32>} : memref<41088xf32, #tpu.memory_space<vmem>>, vector<16xf32>,
      %mul3A_1158 = arith.mulf %get3A_1153, %broadcast_in_dim3A_1127 : vector<16xf32>
      %mul3A_1159 = arith.mulf %broadcast_in_dim3A_1130, %get3A_1157 : vector<16xf32>
      %add3A_1160 = arith.addf %mul3A_1158, %mul3A_1159 : vector<16xf32>
      %add3A_1161 = arith.constant 16 : i32
      %add3A_1162 = arith.addi %mul3A_1134, %add3A_1161 : i32
      %swap3A_1163 = arith.index_cast %add3A_1162 : i32 to index
      %swap3A_1164 = tpu.vector_load %arg6[%swap3A_1163] {strides = array<i32>} : memref<41088xf32, #tpu.memory_space<vmem>>, vector<16xf32>,
      tpu.vector_store %arg6[%swap3A_1163], %add3A_1160 {strides = array<i32>} : memref<41088xf32, #tpu.memory_space<vmem>>, vector<16xf32>,
      %add3A_1165 = arith.constant 32 : i32
      %add3A_1166 = arith.addi %mul3A_1134, %add3A_1165 : i32
      %get3A_1167 = arith.index_cast %add3A_1166 : i32 to index
      %get3A_1168 = tpu.vector_load %arg6[%get3A_1167] {strides = array<i32>} : memref<41088xf32, #tpu.memory_space<vmem>>, vector<16xf32>,
      %add3A_1169 = arith.constant 32 : i32
      %add3A_1170 = arith.addi %mul3A_1134, %add3A_1169 : i32
      %get3A_1171 = arith.index_cast %add3A_1170 : i32 to index
      %get3A_1172 = tpu.vector_load %arg7[%get3A_1171] {strides = array<i32>} : memref<41088xf32, #tpu.memory_space<vmem>>, vector<16xf32>,
      %mul3A_1173 = arith.mulf %get3A_1168, %broadcast_in_dim3A_1127 : vector<16xf32>
      %mul3A_1174 = arith.mulf %broadcast_in_dim3A_1130, %get3A_1172 : vector<16xf32>
      %add3A_1175 = arith.addf %mul3A_1173, %mul3A_1174 : vector<16xf32>
      %add3A_1176 = arith.constant 32 : i32
      %add3A_1177 = arith.addi %mul3A_1134, %add3A_1176 : i32
      %swap3A_1178 = arith.index_cast %add3A_1177 : i32 to index
      %swap3A_1179 = tpu.vector_load %arg6[%swap3A_1178] {strides = array<i32>} : memref<41088xf32, #tpu.memory_space<vmem>>, vector<16xf32>,
      tpu.vector_store %arg6[%swap3A_1178], %add3A_1175 {strides = array<i32>} : memref<41088xf32, #tpu.memory_space<vmem>>, vector<16xf32>,
      %add3A_1180 = arith.constant 48 : i32
      %add3A_1181 = arith.addi %mul3A_1134, %add3A_1180 : i32
      %get3A_1182 = arith.index_cast %add3A_1181 : i32 to index
      %get3A_1183 = tpu.vector_load %arg6[%get3A_1182] {strides = array<i32>} : memref<41088xf32, #tpu.memory_space<vmem>>, vector<16xf32>,
      %add3A_1184 = arith.constant 48 : i32
      %add3A_1185 = arith.addi %mul3A_1134, %add3A_1184 : i32
      %get3A_1186 = arith.index_cast %add3A_1185 : i32 to index
      %get3A_1187 = tpu.vector_load %arg7[%get3A_1186] {strides = array<i32>} : memref<41088xf32, #tpu.memory_space<vmem>>, vector<16xf32>,
      %mul3A_1188 = arith.mulf %get3A_1183, %broadcast_in_dim3A_1127 : vector<16xf32>
      %mul3A_1189 = arith.mulf %broadcast_in_dim3A_1130, %get3A_1187 : vector<16xf32>
      %add3A_1190 = arith.addf %mul3A_1188, %mul3A_1189 : vector<16xf32>
      %add3A_1191 = arith.constant 48 : i32
      %add3A_1192 = arith.addi %mul3A_1134, %add3A_1191 : i32
      %swap3A_1193 = arith.index_cast %add3A_1192 : i32 to index
      %swap3A_1194 = tpu.vector_load %arg6[%swap3A_1193] {strides = array<i32>} : memref<41088xf32, #tpu.memory_space<vmem>>, vector<16xf32>,
      tpu.vector_store %arg6[%swap3A_1193], %add3A_1190 {strides = array<i32>} : memref<41088xf32, #tpu.memory_space<vmem>>, vector<16xf32>,
      %add3A_1195 = arith.constant 64 : i32
      %add3A_1196 = arith.addi %mul3A_1134, %add3A_1195 : i32
      %get3A_1197 = arith.index_cast %add3A_1196 : i32 to index
      %get3A_1198 = tpu.vector_load %arg6[%get3A_1197] {strides = array<i32>} : memref<41088xf32, #tpu.memory_space<vmem>>, vector<16xf32>,
      %add3A_1199 = arith.constant 64 : i32
      %add3A_1200 = arith.addi %mul3A_1134, %add3A_1199 : i32
      %get3A_1201 = arith.index_cast %add3A_1200 : i32 to index
      %get3A_1202 = tpu.vector_load %arg7[%get3A_1201] {strides = array<i32>} : memref<41088xf32, #tpu.memory_space<vmem>>, vector<16xf32>,
      %mul3A_1203 = arith.mulf %get3A_1198, %broadcast_in_dim3A_1127 : vector<16xf32>
      %mul3A_1204 = arith.mulf %broadcast_in_dim3A_1130, %get3A_1202 : vector<16xf32>
      %add3A_1205 = arith.addf %mul3A_1203, %mul3A_1204 : vector<16xf32>
      %add3A_1206 = arith.constant 64 : i32
      %add3A_1207 = arith.addi %mul3A_1134, %add3A_1206 : i32
      %swap3A_1208 = arith.index_cast %add3A_1207 : i32 to index
      %swap3A_1209 = tpu.vector_load %arg6[%swap3A_1208] {strides = array<i32>} : memref<41088xf32, #tpu.memory_space<vmem>>, vector<16xf32>,
      tpu.vector_store %arg6[%swap3A_1208], %add3A_1205 {strides = array<i32>} : memref<41088xf32, #tpu.memory_space<vmem>>, vector<16xf32>,
      %add3A_1210 = arith.constant 80 : i32
      %add3A_1211 = arith.addi %mul3A_1134, %add3A_1210 : i32
      %get3A_1212 = arith.index_cast %add3A_1211 : i32 to index
      %get3A_1213 = tpu.vector_load %arg6[%get3A_1212] {strides = array<i32>} : memref<41088xf32, #tpu.memory_space<vmem>>, vector<16xf32>,
      %add3A_1214 = arith.constant 80 : i32
      %add3A_1215 = arith.addi %mul3A_1134, %add3A_1214 : i32
      %get3A_1216 = arith.index_cast %add3A_1215 : i32 to index
      %get3A_1217 = tpu.vector_load %arg7[%get3A_1216] {strides = array<i32>} : memref<41088xf32, #tpu.memory_space<vmem>>, vector<16xf32>,
      %mul3A_1218 = arith.mulf %get3A_1213, %broadcast_in_dim3A_1127 : vector<16xf32>
      %mul3A_1219 = arith.mulf %broadcast_in_dim3A_1130, %get3A_1217 : vector<16xf32>
      %add3A_1220 = arith.addf %mul3A_1218, %mul3A_1219 : vector<16xf32>
      %add3A_1221 = arith.constant 80 : i32
      %add3A_1222 = arith.addi %mul3A_1134, %add3A_1221 : i32
      %swap3A_1223 = arith.index_cast %add3A_1222 : i32 to index
      %swap3A_1224 = tpu.vector_load %arg6[%swap3A_1223] {strides = array<i32>} : memref<41088xf32, #tpu.memory_space<vmem>>, vector<16xf32>,
      tpu.vector_store %arg6[%swap3A_1223], %add3A_1220 {strides = array<i32>} : memref<41088xf32, #tpu.memory_space<vmem>>, vector<16xf32>,
      %add3A_1225 = arith.constant 96 : i32
      %add3A_1226 = arith.addi %mul3A_1134, %add3A_1225 : i32
      %get3A_1227 = arith.index_cast %add3A_1226 : i32 to index
      %get3A_1228 = tpu.vector_load %arg6[%get3A_1227] {strides = array<i32>} : memref<41088xf32, #tpu.memory_space<vmem>>, vector<16xf32>,
      %add3A_1229 = arith.constant 96 : i32
      %add3A_1230 = arith.addi %mul3A_1134, %add3A_1229 : i32
      %get3A_1231 = arith.index_cast %add3A_1230 : i32 to index
      %get3A_1232 = tpu.vector_load %arg7[%get3A_1231] {strides = array<i32>} : memref<41088xf32, #tpu.memory_space<vmem>>, vector<16xf32>,
      %mul3A_1233 = arith.mulf %get3A_1228, %broadcast_in_dim3A_1127 : vector<16xf32>
      %mul3A_1234 = arith.mulf %broadcast_in_dim3A_1130, %get3A_1232 : vector<16xf32>
      %add3A_1235 = arith.addf %mul3A_1233, %mul3A_1234 : vector<16xf32>
      %add3A_1236 = arith.constant 96 : i32
      %add3A_1237 = arith.addi %mul3A_1134, %add3A_1236 : i32
      %swap3A_1238 = arith.index_cast %add3A_1237 : i32 to index
      %swap3A_1239 = tpu.vector_load %arg6[%swap3A_1238] {strides = array<i32>} : memref<41088xf32, #tpu.memory_space<vmem>>, vector<16xf32>,
      tpu.vector_store %arg6[%swap3A_1238], %add3A_1235 {strides = array<i32>} : memref<41088xf32, #tpu.memory_space<vmem>>, vector<16xf32>,
      %add3A_1240 = arith.constant 112 : i32
      %add3A_1241 = arith.addi %mul3A_1134, %add3A_1240 : i32
      %get3A_1242 = arith.index_cast %add3A_1241 : i32 to index
      %get3A_1243 = tpu.vector_load %arg6[%get3A_1242] {strides = array<i32>} : memref<41088xf32, #tpu.memory_space<vmem>>, vector<16xf32>,
      %add3A_1244 = arith.constant 112 : i32
      %add3A_1245 = arith.addi %mul3A_1134, %add3A_1244 : i32
      %get3A_1246 = arith.index_cast %add3A_1245 : i32 to index
      %get3A_1247 = tpu.vector_load %arg7[%get3A_1246] {strides = array<i32>} : memref<41088xf32, #tpu.memory_space<vmem>>, vector<16xf32>,
      %mul3A_1248 = arith.mulf %get3A_1243, %broadcast_in_dim3A_1127 : vector<16xf32>
      %mul3A_1249 = arith.mulf %broadcast_in_dim3A_1130, %get3A_1247 : vector<16xf32>
      %add3A_1250 = arith.addf %mul3A_1248, %mul3A_1249 : vector<16xf32>
      %add3A_1251 = arith.constant 112 : i32
      %add3A_1252 = arith.addi %mul3A_1134, %add3A_1251 : i32
      %swap3A_1253 = arith.index_cast %add3A_1252 : i32 to index
      %swap3A_1254 = tpu.vector_load %arg6[%swap3A_1253] {strides = array<i32>} : memref<41088xf32, #tpu.memory_space<vmem>>, vector<16xf32>,
      tpu.vector_store %arg6[%swap3A_1253], %add3A_1250 {strides = array<i32>} : memref<41088xf32, #tpu.memory_space<vmem>>, vector<16xf32>,
      %slice3A_1255 = vector.extract_strided_slice %add3A_84 {offsets = [9], sizes = [1], strides = [1]} : vector<16xf32> to vector<1xf32>
      %squeeze3A_1256 = vector.extract %slice3A_1255[0] : f32 from vector<1xf32>
      %broadcast_in_dim3A_1257 = vector.broadcast %squeeze3A_1256 : f32 to vector<16xf32>
      %slice3A_1258 = vector.extract_strided_slice %select_n3A_85 {offsets = [9], sizes = [1], strides = [1]} : vector<16xf32> to vector<1xf32>
      %squeeze3A_1259 = vector.extract %slice3A_1258[0] : f32 from vector<1xf32>
      %broadcast_in_dim3A_1260 = vector.broadcast %squeeze3A_1259 : f32 to vector<16xf32>
      %add3A_1261 = arith.constant 9 : i32
      %add3A_1262 = arith.addi %mul3A_81, %add3A_1261 : i32
      %mul3A_1263 = arith.constant 128 : i32
      %mul3A_1264 = arith.muli %add3A_1262, %mul3A_1263 : i32
      %add3A_1265 = arith.constant 0 : i32
      %add3A_1266 = arith.addi %mul3A_1264, %add3A_1265 : i32
      %get3A_1267 = arith.index_cast %add3A_1266 : i32 to index
      %get3A_1268 = tpu.vector_load %arg6[%get3A_1267] {strides = array<i32>} : memref<41088xf32, #tpu.memory_space<vmem>>, vector<16xf32>,
      %add3A_1269 = arith.constant 0 : i32
      %add3A_1270 = arith.addi %mul3A_1264, %add3A_1269 : i32
      %get3A_1271 = arith.index_cast %add3A_1270 : i32 to index
      %get3A_1272 = tpu.vector_load %arg7[%get3A_1271] {strides = array<i32>} : memref<41088xf32, #tpu.memory_space<vmem>>, vector<16xf32>,
      %mul3A_1273 = arith.mulf %get3A_1268, %broadcast_in_dim3A_1257 : vector<16xf32>
      %mul3A_1274 = arith.mulf %broadcast_in_dim3A_1260, %get3A_1272 : vector<16xf32>
      %add3A_1275 = arith.addf %mul3A_1273, %mul3A_1274 : vector<16xf32>
      %add3A_1276 = arith.constant 0 : i32
      %add3A_1277 = arith.addi %mul3A_1264, %add3A_1276 : i32
      %swap3A_1278 = arith.index_cast %add3A_1277 : i32 to index
      %swap3A_1279 = tpu.vector_load %arg6[%swap3A_1278] {strides = array<i32>} : memref<41088xf32, #tpu.memory_space<vmem>>, vector<16xf32>,
      tpu.vector_store %arg6[%swap3A_1278], %add3A_1275 {strides = array<i32>} : memref<41088xf32, #tpu.memory_space<vmem>>, vector<16xf32>,
      %add3A_1280 = arith.constant 16 : i32
      %add3A_1281 = arith.addi %mul3A_1264, %add3A_1280 : i32
      %get3A_1282 = arith.index_cast %add3A_1281 : i32 to index
      %get3A_1283 = tpu.vector_load %arg6[%get3A_1282] {strides = array<i32>} : memref<41088xf32, #tpu.memory_space<vmem>>, vector<16xf32>,
      %add3A_1284 = arith.constant 16 : i32
      %add3A_1285 = arith.addi %mul3A_1264, %add3A_1284 : i32
      %get3A_1286 = arith.index_cast %add3A_1285 : i32 to index
      %get3A_1287 = tpu.vector_load %arg7[%get3A_1286] {strides = array<i32>} : memref<41088xf32, #tpu.memory_space<vmem>>, vector<16xf32>,
      %mul3A_1288 = arith.mulf %get3A_1283, %broadcast_in_dim3A_1257 : vector<16xf32>
      %mul3A_1289 = arith.mulf %broadcast_in_dim3A_1260, %get3A_1287 : vector<16xf32>
      %add3A_1290 = arith.addf %mul3A_1288, %mul3A_1289 : vector<16xf32>
      %add3A_1291 = arith.constant 16 : i32
      %add3A_1292 = arith.addi %mul3A_1264, %add3A_1291 : i32
      %swap3A_1293 = arith.index_cast %add3A_1292 : i32 to index
      %swap3A_1294 = tpu.vector_load %arg6[%swap3A_1293] {strides = array<i32>} : memref<41088xf32, #tpu.memory_space<vmem>>, vector<16xf32>,
      tpu.vector_store %arg6[%swap3A_1293], %add3A_1290 {strides = array<i32>} : memref<41088xf32, #tpu.memory_space<vmem>>, vector<16xf32>,
      %add3A_1295 = arith.constant 32 : i32
      %add3A_1296 = arith.addi %mul3A_1264, %add3A_1295 : i32
      %get3A_1297 = arith.index_cast %add3A_1296 : i32 to index
      %get3A_1298 = tpu.vector_load %arg6[%get3A_1297] {strides = array<i32>} : memref<41088xf32, #tpu.memory_space<vmem>>, vector<16xf32>,
      %add3A_1299 = arith.constant 32 : i32
      %add3A_1300 = arith.addi %mul3A_1264, %add3A_1299 : i32
      %get3A_1301 = arith.index_cast %add3A_1300 : i32 to index
      %get3A_1302 = tpu.vector_load %arg7[%get3A_1301] {strides = array<i32>} : memref<41088xf32, #tpu.memory_space<vmem>>, vector<16xf32>,
      %mul3A_1303 = arith.mulf %get3A_1298, %broadcast_in_dim3A_1257 : vector<16xf32>
      %mul3A_1304 = arith.mulf %broadcast_in_dim3A_1260, %get3A_1302 : vector<16xf32>
      %add3A_1305 = arith.addf %mul3A_1303, %mul3A_1304 : vector<16xf32>
      %add3A_1306 = arith.constant 32 : i32
      %add3A_1307 = arith.addi %mul3A_1264, %add3A_1306 : i32
      %swap3A_1308 = arith.index_cast %add3A_1307 : i32 to index
      %swap3A_1309 = tpu.vector_load %arg6[%swap3A_1308] {strides = array<i32>} : memref<41088xf32, #tpu.memory_space<vmem>>, vector<16xf32>,
      tpu.vector_store %arg6[%swap3A_1308], %add3A_1305 {strides = array<i32>} : memref<41088xf32, #tpu.memory_space<vmem>>, vector<16xf32>,
      %add3A_1310 = arith.constant 48 : i32
      %add3A_1311 = arith.addi %mul3A_1264, %add3A_1310 : i32
      %get3A_1312 = arith.index_cast %add3A_1311 : i32 to index
      %get3A_1313 = tpu.vector_load %arg6[%get3A_1312] {strides = array<i32>} : memref<41088xf32, #tpu.memory_space<vmem>>, vector<16xf32>,
      %add3A_1314 = arith.constant 48 : i32
      %add3A_1315 = arith.addi %mul3A_1264, %add3A_1314 : i32
      %get3A_1316 = arith.index_cast %add3A_1315 : i32 to index
      %get3A_1317 = tpu.vector_load %arg7[%get3A_1316] {strides = array<i32>} : memref<41088xf32, #tpu.memory_space<vmem>>, vector<16xf32>,
      %mul3A_1318 = arith.mulf %get3A_1313, %broadcast_in_dim3A_1257 : vector<16xf32>
      %mul3A_1319 = arith.mulf %broadcast_in_dim3A_1260, %get3A_1317 : vector<16xf32>
      %add3A_1320 = arith.addf %mul3A_1318, %mul3A_1319 : vector<16xf32>
      %add3A_1321 = arith.constant 48 : i32
      %add3A_1322 = arith.addi %mul3A_1264, %add3A_1321 : i32
      %swap3A_1323 = arith.index_cast %add3A_1322 : i32 to index
      %swap3A_1324 = tpu.vector_load %arg6[%swap3A_1323] {strides = array<i32>} : memref<41088xf32, #tpu.memory_space<vmem>>, vector<16xf32>,
      tpu.vector_store %arg6[%swap3A_1323], %add3A_1320 {strides = array<i32>} : memref<41088xf32, #tpu.memory_space<vmem>>, vector<16xf32>,
      %add3A_1325 = arith.constant 64 : i32
      %add3A_1326 = arith.addi %mul3A_1264, %add3A_1325 : i32
      %get3A_1327 = arith.index_cast %add3A_1326 : i32 to index
      %get3A_1328 = tpu.vector_load %arg6[%get3A_1327] {strides = array<i32>} : memref<41088xf32, #tpu.memory_space<vmem>>, vector<16xf32>,
      %add3A_1329 = arith.constant 64 : i32
      %add3A_1330 = arith.addi %mul3A_1264, %add3A_1329 : i32
      %get3A_1331 = arith.index_cast %add3A_1330 : i32 to index
      %get3A_1332 = tpu.vector_load %arg7[%get3A_1331] {strides = array<i32>} : memref<41088xf32, #tpu.memory_space<vmem>>, vector<16xf32>,
      %mul3A_1333 = arith.mulf %get3A_1328, %broadcast_in_dim3A_1257 : vector<16xf32>
      %mul3A_1334 = arith.mulf %broadcast_in_dim3A_1260, %get3A_1332 : vector<16xf32>
      %add3A_1335 = arith.addf %mul3A_1333, %mul3A_1334 : vector<16xf32>
      %add3A_1336 = arith.constant 64 : i32
      %add3A_1337 = arith.addi %mul3A_1264, %add3A_1336 : i32
      %swap3A_1338 = arith.index_cast %add3A_1337 : i32 to index
      %swap3A_1339 = tpu.vector_load %arg6[%swap3A_1338] {strides = array<i32>} : memref<41088xf32, #tpu.memory_space<vmem>>, vector<16xf32>,
      tpu.vector_store %arg6[%swap3A_1338], %add3A_1335 {strides = array<i32>} : memref<41088xf32, #tpu.memory_space<vmem>>, vector<16xf32>,
      %add3A_1340 = arith.constant 80 : i32
      %add3A_1341 = arith.addi %mul3A_1264, %add3A_1340 : i32
      %get3A_1342 = arith.index_cast %add3A_1341 : i32 to index
      %get3A_1343 = tpu.vector_load %arg6[%get3A_1342] {strides = array<i32>} : memref<41088xf32, #tpu.memory_space<vmem>>, vector<16xf32>,
      %add3A_1344 = arith.constant 80 : i32
      %add3A_1345 = arith.addi %mul3A_1264, %add3A_1344 : i32
      %get3A_1346 = arith.index_cast %add3A_1345 : i32 to index
      %get3A_1347 = tpu.vector_load %arg7[%get3A_1346] {strides = array<i32>} : memref<41088xf32, #tpu.memory_space<vmem>>, vector<16xf32>,
      %mul3A_1348 = arith.mulf %get3A_1343, %broadcast_in_dim3A_1257 : vector<16xf32>
      %mul3A_1349 = arith.mulf %broadcast_in_dim3A_1260, %get3A_1347 : vector<16xf32>
      %add3A_1350 = arith.addf %mul3A_1348, %mul3A_1349 : vector<16xf32>
      %add3A_1351 = arith.constant 80 : i32
      %add3A_1352 = arith.addi %mul3A_1264, %add3A_1351 : i32
      %swap3A_1353 = arith.index_cast %add3A_1352 : i32 to index
      %swap3A_1354 = tpu.vector_load %arg6[%swap3A_1353] {strides = array<i32>} : memref<41088xf32, #tpu.memory_space<vmem>>, vector<16xf32>,
      tpu.vector_store %arg6[%swap3A_1353], %add3A_1350 {strides = array<i32>} : memref<41088xf32, #tpu.memory_space<vmem>>, vector<16xf32>,
      %add3A_1355 = arith.constant 96 : i32
      %add3A_1356 = arith.addi %mul3A_1264, %add3A_1355 : i32
      %get3A_1357 = arith.index_cast %add3A_1356 : i32 to index
      %get3A_1358 = tpu.vector_load %arg6[%get3A_1357] {strides = array<i32>} : memref<41088xf32, #tpu.memory_space<vmem>>, vector<16xf32>,
      %add3A_1359 = arith.constant 96 : i32
      %add3A_1360 = arith.addi %mul3A_1264, %add3A_1359 : i32
      %get3A_1361 = arith.index_cast %add3A_1360 : i32 to index
      %get3A_1362 = tpu.vector_load %arg7[%get3A_1361] {strides = array<i32>} : memref<41088xf32, #tpu.memory_space<vmem>>, vector<16xf32>,
      %mul3A_1363 = arith.mulf %get3A_1358, %broadcast_in_dim3A_1257 : vector<16xf32>
      %mul3A_1364 = arith.mulf %broadcast_in_dim3A_1260, %get3A_1362 : vector<16xf32>
      %add3A_1365 = arith.addf %mul3A_1363, %mul3A_1364 : vector<16xf32>
      %add3A_1366 = arith.constant 96 : i32
      %add3A_1367 = arith.addi %mul3A_1264, %add3A_1366 : i32
      %swap3A_1368 = arith.index_cast %add3A_1367 : i32 to index
      %swap3A_1369 = tpu.vector_load %arg6[%swap3A_1368] {strides = array<i32>} : memref<41088xf32, #tpu.memory_space<vmem>>, vector<16xf32>,
      tpu.vector_store %arg6[%swap3A_1368], %add3A_1365 {strides = array<i32>} : memref<41088xf32, #tpu.memory_space<vmem>>, vector<16xf32>,
      %add3A_1370 = arith.constant 112 : i32
      %add3A_1371 = arith.addi %mul3A_1264, %add3A_1370 : i32
      %get3A_1372 = arith.index_cast %add3A_1371 : i32 to index
      %get3A_1373 = tpu.vector_load %arg6[%get3A_1372] {strides = array<i32>} : memref<41088xf32, #tpu.memory_space<vmem>>, vector<16xf32>,
      %add3A_1374 = arith.constant 112 : i32
      %add3A_1375 = arith.addi %mul3A_1264, %add3A_1374 : i32
      %get3A_1376 = arith.index_cast %add3A_1375 : i32 to index
      %get3A_1377 = tpu.vector_load %arg7[%get3A_1376] {strides = array<i32>} : memref<41088xf32, #tpu.memory_space<vmem>>, vector<16xf32>,
      %mul3A_1378 = arith.mulf %get3A_1373, %broadcast_in_dim3A_1257 : vector<16xf32>
      %mul3A_1379 = arith.mulf %broadcast_in_dim3A_1260, %get3A_1377 : vector<16xf32>
      %add3A_1380 = arith.addf %mul3A_1378, %mul3A_1379 : vector<16xf32>
      %add3A_1381 = arith.constant 112 : i32
      %add3A_1382 = arith.addi %mul3A_1264, %add3A_1381 : i32
      %swap3A_1383 = arith.index_cast %add3A_1382 : i32 to index
      %swap3A_1384 = tpu.vector_load %arg6[%swap3A_1383] {strides = array<i32>} : memref<41088xf32, #tpu.memory_space<vmem>>, vector<16xf32>,
      tpu.vector_store %arg6[%swap3A_1383], %add3A_1380 {strides = array<i32>} : memref<41088xf32, #tpu.memory_space<vmem>>, vector<16xf32>,
      %slice3A_1385 = vector.extract_strided_slice %add3A_84 {offsets = [10], sizes = [1], strides = [1]} : vector<16xf32> to vector<1xf32>
      %squeeze3A_1386 = vector.extract %slice3A_1385[0] : f32 from vector<1xf32>
      %broadcast_in_dim3A_1387 = vector.broadcast %squeeze3A_1386 : f32 to vector<16xf32>
      %slice3A_1388 = vector.extract_strided_slice %select_n3A_85 {offsets = [10], sizes = [1], strides = [1]} : vector<16xf32> to vector<1xf32>
      %squeeze3A_1389 = vector.extract %slice3A_1388[0] : f32 from vector<1xf32>
      %broadcast_in_dim3A_1390 = vector.broadcast %squeeze3A_1389 : f32 to vector<16xf32>
      %add3A_1391 = arith.constant 10 : i32
      %add3A_1392 = arith.addi %mul3A_81, %add3A_1391 : i32
      %mul3A_1393 = arith.constant 128 : i32
      %mul3A_1394 = arith.muli %add3A_1392, %mul3A_1393 : i32
      %add3A_1395 = arith.constant 0 : i32
      %add3A_1396 = arith.addi %mul3A_1394, %add3A_1395 : i32
      %get3A_1397 = arith.index_cast %add3A_1396 : i32 to index
      %get3A_1398 = tpu.vector_load %arg6[%get3A_1397] {strides = array<i32>} : memref<41088xf32, #tpu.memory_space<vmem>>, vector<16xf32>,
      %add3A_1399 = arith.constant 0 : i32
      %add3A_1400 = arith.addi %mul3A_1394, %add3A_1399 : i32
      %get3A_1401 = arith.index_cast %add3A_1400 : i32 to index
      %get3A_1402 = tpu.vector_load %arg7[%get3A_1401] {strides = array<i32>} : memref<41088xf32, #tpu.memory_space<vmem>>, vector<16xf32>,
      %mul3A_1403 = arith.mulf %get3A_1398, %broadcast_in_dim3A_1387 : vector<16xf32>
      %mul3A_1404 = arith.mulf %broadcast_in_dim3A_1390, %get3A_1402 : vector<16xf32>
      %add3A_1405 = arith.addf %mul3A_1403, %mul3A_1404 : vector<16xf32>
      %add3A_1406 = arith.constant 0 : i32
      %add3A_1407 = arith.addi %mul3A_1394, %add3A_1406 : i32
      %swap3A_1408 = arith.index_cast %add3A_1407 : i32 to index
      %swap3A_1409 = tpu.vector_load %arg6[%swap3A_1408] {strides = array<i32>} : memref<41088xf32, #tpu.memory_space<vmem>>, vector<16xf32>,
      tpu.vector_store %arg6[%swap3A_1408], %add3A_1405 {strides = array<i32>} : memref<41088xf32, #tpu.memory_space<vmem>>, vector<16xf32>,
      %add3A_1410 = arith.constant 16 : i32
      %add3A_1411 = arith.addi %mul3A_1394, %add3A_1410 : i32
      %get3A_1412 = arith.index_cast %add3A_1411 : i32 to index
      %get3A_1413 = tpu.vector_load %arg6[%get3A_1412] {strides = array<i32>} : memref<41088xf32, #tpu.memory_space<vmem>>, vector<16xf32>,
      %add3A_1414 = arith.constant 16 : i32
      %add3A_1415 = arith.addi %mul3A_1394, %add3A_1414 : i32
      %get3A_1416 = arith.index_cast %add3A_1415 : i32 to index
      %get3A_1417 = tpu.vector_load %arg7[%get3A_1416] {strides = array<i32>} : memref<41088xf32, #tpu.memory_space<vmem>>, vector<16xf32>,
      %mul3A_1418 = arith.mulf %get3A_1413, %broadcast_in_dim3A_1387 : vector<16xf32>
      %mul3A_1419 = arith.mulf %broadcast_in_dim3A_1390, %get3A_1417 : vector<16xf32>
      %add3A_1420 = arith.addf %mul3A_1418, %mul3A_1419 : vector<16xf32>
      %add3A_1421 = arith.constant 16 : i32
      %add3A_1422 = arith.addi %mul3A_1394, %add3A_1421 : i32
      %swap3A_1423 = arith.index_cast %add3A_1422 : i32 to index
      %swap3A_1424 = tpu.vector_load %arg6[%swap3A_1423] {strides = array<i32>} : memref<41088xf32, #tpu.memory_space<vmem>>, vector<16xf32>,
      tpu.vector_store %arg6[%swap3A_1423], %add3A_1420 {strides = array<i32>} : memref<41088xf32, #tpu.memory_space<vmem>>, vector<16xf32>,
      %add3A_1425 = arith.constant 32 : i32
      %add3A_1426 = arith.addi %mul3A_1394, %add3A_1425 : i32
      %get3A_1427 = arith.index_cast %add3A_1426 : i32 to index
      %get3A_1428 = tpu.vector_load %arg6[%get3A_1427] {strides = array<i32>} : memref<41088xf32, #tpu.memory_space<vmem>>, vector<16xf32>,
      %add3A_1429 = arith.constant 32 : i32
      %add3A_1430 = arith.addi %mul3A_1394, %add3A_1429 : i32
      %get3A_1431 = arith.index_cast %add3A_1430 : i32 to index
      %get3A_1432 = tpu.vector_load %arg7[%get3A_1431] {strides = array<i32>} : memref<41088xf32, #tpu.memory_space<vmem>>, vector<16xf32>,
      %mul3A_1433 = arith.mulf %get3A_1428, %broadcast_in_dim3A_1387 : vector<16xf32>
      %mul3A_1434 = arith.mulf %broadcast_in_dim3A_1390, %get3A_1432 : vector<16xf32>
      %add3A_1435 = arith.addf %mul3A_1433, %mul3A_1434 : vector<16xf32>
      %add3A_1436 = arith.constant 32 : i32
      %add3A_1437 = arith.addi %mul3A_1394, %add3A_1436 : i32
      %swap3A_1438 = arith.index_cast %add3A_1437 : i32 to index
      %swap3A_1439 = tpu.vector_load %arg6[%swap3A_1438] {strides = array<i32>} : memref<41088xf32, #tpu.memory_space<vmem>>, vector<16xf32>,
      tpu.vector_store %arg6[%swap3A_1438], %add3A_1435 {strides = array<i32>} : memref<41088xf32, #tpu.memory_space<vmem>>, vector<16xf32>,
      %add3A_1440 = arith.constant 48 : i32
      %add3A_1441 = arith.addi %mul3A_1394, %add3A_1440 : i32
      %get3A_1442 = arith.index_cast %add3A_1441 : i32 to index
      %get3A_1443 = tpu.vector_load %arg6[%get3A_1442] {strides = array<i32>} : memref<41088xf32, #tpu.memory_space<vmem>>, vector<16xf32>,
      %add3A_1444 = arith.constant 48 : i32
      %add3A_1445 = arith.addi %mul3A_1394, %add3A_1444 : i32
      %get3A_1446 = arith.index_cast %add3A_1445 : i32 to index
      %get3A_1447 = tpu.vector_load %arg7[%get3A_1446] {strides = array<i32>} : memref<41088xf32, #tpu.memory_space<vmem>>, vector<16xf32>,
      %mul3A_1448 = arith.mulf %get3A_1443, %broadcast_in_dim3A_1387 : vector<16xf32>
      %mul3A_1449 = arith.mulf %broadcast_in_dim3A_1390, %get3A_1447 : vector<16xf32>
      %add3A_1450 = arith.addf %mul3A_1448, %mul3A_1449 : vector<16xf32>
      %add3A_1451 = arith.constant 48 : i32
      %add3A_1452 = arith.addi %mul3A_1394, %add3A_1451 : i32
      %swap3A_1453 = arith.index_cast %add3A_1452 : i32 to index
      %swap3A_1454 = tpu.vector_load %arg6[%swap3A_1453] {strides = array<i32>} : memref<41088xf32, #tpu.memory_space<vmem>>, vector<16xf32>,
      tpu.vector_store %arg6[%swap3A_1453], %add3A_1450 {strides = array<i32>} : memref<41088xf32, #tpu.memory_space<vmem>>, vector<16xf32>,
      %add3A_1455 = arith.constant 64 : i32
      %add3A_1456 = arith.addi %mul3A_1394, %add3A_1455 : i32
      %get3A_1457 = arith.index_cast %add3A_1456 : i32 to index
      %get3A_1458 = tpu.vector_load %arg6[%get3A_1457] {strides = array<i32>} : memref<41088xf32, #tpu.memory_space<vmem>>, vector<16xf32>,
      %add3A_1459 = arith.constant 64 : i32
      %add3A_1460 = arith.addi %mul3A_1394, %add3A_1459 : i32
      %get3A_1461 = arith.index_cast %add3A_1460 : i32 to index
      %get3A_1462 = tpu.vector_load %arg7[%get3A_1461] {strides = array<i32>} : memref<41088xf32, #tpu.memory_space<vmem>>, vector<16xf32>,
      %mul3A_1463 = arith.mulf %get3A_1458, %broadcast_in_dim3A_1387 : vector<16xf32>
      %mul3A_1464 = arith.mulf %broadcast_in_dim3A_1390, %get3A_1462 : vector<16xf32>
      %add3A_1465 = arith.addf %mul3A_1463, %mul3A_1464 : vector<16xf32>
      %add3A_1466 = arith.constant 64 : i32
      %add3A_1467 = arith.addi %mul3A_1394, %add3A_1466 : i32
      %swap3A_1468 = arith.index_cast %add3A_1467 : i32 to index
      %swap3A_1469 = tpu.vector_load %arg6[%swap3A_1468] {strides = array<i32>} : memref<41088xf32, #tpu.memory_space<vmem>>, vector<16xf32>,
      tpu.vector_store %arg6[%swap3A_1468], %add3A_1465 {strides = array<i32>} : memref<41088xf32, #tpu.memory_space<vmem>>, vector<16xf32>,
      %add3A_1470 = arith.constant 80 : i32
      %add3A_1471 = arith.addi %mul3A_1394, %add3A_1470 : i32
      %get3A_1472 = arith.index_cast %add3A_1471 : i32 to index
      %get3A_1473 = tpu.vector_load %arg6[%get3A_1472] {strides = array<i32>} : memref<41088xf32, #tpu.memory_space<vmem>>, vector<16xf32>,
      %add3A_1474 = arith.constant 80 : i32
      %add3A_1475 = arith.addi %mul3A_1394, %add3A_1474 : i32
      %get3A_1476 = arith.index_cast %add3A_1475 : i32 to index
      %get3A_1477 = tpu.vector_load %arg7[%get3A_1476] {strides = array<i32>} : memref<41088xf32, #tpu.memory_space<vmem>>, vector<16xf32>,
      %mul3A_1478 = arith.mulf %get3A_1473, %broadcast_in_dim3A_1387 : vector<16xf32>
      %mul3A_1479 = arith.mulf %broadcast_in_dim3A_1390, %get3A_1477 : vector<16xf32>
      %add3A_1480 = arith.addf %mul3A_1478, %mul3A_1479 : vector<16xf32>
      %add3A_1481 = arith.constant 80 : i32
      %add3A_1482 = arith.addi %mul3A_1394, %add3A_1481 : i32
      %swap3A_1483 = arith.index_cast %add3A_1482 : i32 to index
      %swap3A_1484 = tpu.vector_load %arg6[%swap3A_1483] {strides = array<i32>} : memref<41088xf32, #tpu.memory_space<vmem>>, vector<16xf32>,
      tpu.vector_store %arg6[%swap3A_1483], %add3A_1480 {strides = array<i32>} : memref<41088xf32, #tpu.memory_space<vmem>>, vector<16xf32>,
      %add3A_1485 = arith.constant 96 : i32
      %add3A_1486 = arith.addi %mul3A_1394, %add3A_1485 : i32
      %get3A_1487 = arith.index_cast %add3A_1486 : i32 to index
      %get3A_1488 = tpu.vector_load %arg6[%get3A_1487] {strides = array<i32>} : memref<41088xf32, #tpu.memory_space<vmem>>, vector<16xf32>,
      %add3A_1489 = arith.constant 96 : i32
      %add3A_1490 = arith.addi %mul3A_1394, %add3A_1489 : i32
      %get3A_1491 = arith.index_cast %add3A_1490 : i32 to index
      %get3A_1492 = tpu.vector_load %arg7[%get3A_1491] {strides = array<i32>} : memref<41088xf32, #tpu.memory_space<vmem>>, vector<16xf32>,
      %mul3A_1493 = arith.mulf %get3A_1488, %broadcast_in_dim3A_1387 : vector<16xf32>
      %mul3A_1494 = arith.mulf %broadcast_in_dim3A_1390, %get3A_1492 : vector<16xf32>
      %add3A_1495 = arith.addf %mul3A_1493, %mul3A_1494 : vector<16xf32>
      %add3A_1496 = arith.constant 96 : i32
      %add3A_1497 = arith.addi %mul3A_1394, %add3A_1496 : i32
      %swap3A_1498 = arith.index_cast %add3A_1497 : i32 to index
      %swap3A_1499 = tpu.vector_load %arg6[%swap3A_1498] {strides = array<i32>} : memref<41088xf32, #tpu.memory_space<vmem>>, vector<16xf32>,
      tpu.vector_store %arg6[%swap3A_1498], %add3A_1495 {strides = array<i32>} : memref<41088xf32, #tpu.memory_space<vmem>>, vector<16xf32>,
      %add3A_1500 = arith.constant 112 : i32
      %add3A_1501 = arith.addi %mul3A_1394, %add3A_1500 : i32
      %get3A_1502 = arith.index_cast %add3A_1501 : i32 to index
      %get3A_1503 = tpu.vector_load %arg6[%get3A_1502] {strides = array<i32>} : memref<41088xf32, #tpu.memory_space<vmem>>, vector<16xf32>,
      %add3A_1504 = arith.constant 112 : i32
      %add3A_1505 = arith.addi %mul3A_1394, %add3A_1504 : i32
      %get3A_1506 = arith.index_cast %add3A_1505 : i32 to index
      %get3A_1507 = tpu.vector_load %arg7[%get3A_1506] {strides = array<i32>} : memref<41088xf32, #tpu.memory_space<vmem>>, vector<16xf32>,
      %mul3A_1508 = arith.mulf %get3A_1503, %broadcast_in_dim3A_1387 : vector<16xf32>
      %mul3A_1509 = arith.mulf %broadcast_in_dim3A_1390, %get3A_1507 : vector<16xf32>
      %add3A_1510 = arith.addf %mul3A_1508, %mul3A_1509 : vector<16xf32>
      %add3A_1511 = arith.constant 112 : i32
      %add3A_1512 = arith.addi %mul3A_1394, %add3A_1511 : i32
      %swap3A_1513 = arith.index_cast %add3A_1512 : i32 to index
      %swap3A_1514 = tpu.vector_load %arg6[%swap3A_1513] {strides = array<i32>} : memref<41088xf32, #tpu.memory_space<vmem>>, vector<16xf32>,
      tpu.vector_store %arg6[%swap3A_1513], %add3A_1510 {strides = array<i32>} : memref<41088xf32, #tpu.memory_space<vmem>>, vector<16xf32>,
      %slice3A_1515 = vector.extract_strided_slice %add3A_84 {offsets = [11], sizes = [1], strides = [1]} : vector<16xf32> to vector<1xf32>
      %squeeze3A_1516 = vector.extract %slice3A_1515[0] : f32 from vector<1xf32>
      %broadcast_in_dim3A_1517 = vector.broadcast %squeeze3A_1516 : f32 to vector<16xf32>
      %slice3A_1518 = vector.extract_strided_slice %select_n3A_85 {offsets = [11], sizes = [1], strides = [1]} : vector<16xf32> to vector<1xf32>
      %squeeze3A_1519 = vector.extract %slice3A_1518[0] : f32 from vector<1xf32>
      %broadcast_in_dim3A_1520 = vector.broadcast %squeeze3A_1519 : f32 to vector<16xf32>
      %add3A_1521 = arith.constant 11 : i32
      %add3A_1522 = arith.addi %mul3A_81, %add3A_1521 : i32
      %mul3A_1523 = arith.constant 128 : i32
      %mul3A_1524 = arith.muli %add3A_1522, %mul3A_1523 : i32
      %add3A_1525 = arith.constant 0 : i32
      %add3A_1526 = arith.addi %mul3A_1524, %add3A_1525 : i32
      %get3A_1527 = arith.index_cast %add3A_1526 : i32 to index
      %get3A_1528 = tpu.vector_load %arg6[%get3A_1527] {strides = array<i32>} : memref<41088xf32, #tpu.memory_space<vmem>>, vector<16xf32>,
      %add3A_1529 = arith.constant 0 : i32
      %add3A_1530 = arith.addi %mul3A_1524, %add3A_1529 : i32
      %get3A_1531 = arith.index_cast %add3A_1530 : i32 to index
      %get3A_1532 = tpu.vector_load %arg7[%get3A_1531] {strides = array<i32>} : memref<41088xf32, #tpu.memory_space<vmem>>, vector<16xf32>,
      %mul3A_1533 = arith.mulf %get3A_1528, %broadcast_in_dim3A_1517 : vector<16xf32>
      %mul3A_1534 = arith.mulf %broadcast_in_dim3A_1520, %get3A_1532 : vector<16xf32>
      %add3A_1535 = arith.addf %mul3A_1533, %mul3A_1534 : vector<16xf32>
      %add3A_1536 = arith.constant 0 : i32
      %add3A_1537 = arith.addi %mul3A_1524, %add3A_1536 : i32
      %swap3A_1538 = arith.index_cast %add3A_1537 : i32 to index
      %swap3A_1539 = tpu.vector_load %arg6[%swap3A_1538] {strides = array<i32>} : memref<41088xf32, #tpu.memory_space<vmem>>, vector<16xf32>,
      tpu.vector_store %arg6[%swap3A_1538], %add3A_1535 {strides = array<i32>} : memref<41088xf32, #tpu.memory_space<vmem>>, vector<16xf32>,
      %add3A_1540 = arith.constant 16 : i32
      %add3A_1541 = arith.addi %mul3A_1524, %add3A_1540 : i32
      %get3A_1542 = arith.index_cast %add3A_1541 : i32 to index
      %get3A_1543 = tpu.vector_load %arg6[%get3A_1542] {strides = array<i32>} : memref<41088xf32, #tpu.memory_space<vmem>>, vector<16xf32>,
      %add3A_1544 = arith.constant 16 : i32
      %add3A_1545 = arith.addi %mul3A_1524, %add3A_1544 : i32
      %get3A_1546 = arith.index_cast %add3A_1545 : i32 to index
      %get3A_1547 = tpu.vector_load %arg7[%get3A_1546] {strides = array<i32>} : memref<41088xf32, #tpu.memory_space<vmem>>, vector<16xf32>,
      %mul3A_1548 = arith.mulf %get3A_1543, %broadcast_in_dim3A_1517 : vector<16xf32>
      %mul3A_1549 = arith.mulf %broadcast_in_dim3A_1520, %get3A_1547 : vector<16xf32>
      %add3A_1550 = arith.addf %mul3A_1548, %mul3A_1549 : vector<16xf32>
      %add3A_1551 = arith.constant 16 : i32
      %add3A_1552 = arith.addi %mul3A_1524, %add3A_1551 : i32
      %swap3A_1553 = arith.index_cast %add3A_1552 : i32 to index
      %swap3A_1554 = tpu.vector_load %arg6[%swap3A_1553] {strides = array<i32>} : memref<41088xf32, #tpu.memory_space<vmem>>, vector<16xf32>,
      tpu.vector_store %arg6[%swap3A_1553], %add3A_1550 {strides = array<i32>} : memref<41088xf32, #tpu.memory_space<vmem>>, vector<16xf32>,
      %add3A_1555 = arith.constant 32 : i32
      %add3A_1556 = arith.addi %mul3A_1524, %add3A_1555 : i32
      %get3A_1557 = arith.index_cast %add3A_1556 : i32 to index
      %get3A_1558 = tpu.vector_load %arg6[%get3A_1557] {strides = array<i32>} : memref<41088xf32, #tpu.memory_space<vmem>>, vector<16xf32>,
      %add3A_1559 = arith.constant 32 : i32
      %add3A_1560 = arith.addi %mul3A_1524, %add3A_1559 : i32
      %get3A_1561 = arith.index_cast %add3A_1560 : i32 to index
      %get3A_1562 = tpu.vector_load %arg7[%get3A_1561] {strides = array<i32>} : memref<41088xf32, #tpu.memory_space<vmem>>, vector<16xf32>,
      %mul3A_1563 = arith.mulf %get3A_1558, %broadcast_in_dim3A_1517 : vector<16xf32>
      %mul3A_1564 = arith.mulf %broadcast_in_dim3A_1520, %get3A_1562 : vector<16xf32>
      %add3A_1565 = arith.addf %mul3A_1563, %mul3A_1564 : vector<16xf32>
      %add3A_1566 = arith.constant 32 : i32
      %add3A_1567 = arith.addi %mul3A_1524, %add3A_1566 : i32
      %swap3A_1568 = arith.index_cast %add3A_1567 : i32 to index
      %swap3A_1569 = tpu.vector_load %arg6[%swap3A_1568] {strides = array<i32>} : memref<41088xf32, #tpu.memory_space<vmem>>, vector<16xf32>,
      tpu.vector_store %arg6[%swap3A_1568], %add3A_1565 {strides = array<i32>} : memref<41088xf32, #tpu.memory_space<vmem>>, vector<16xf32>,
      %add3A_1570 = arith.constant 48 : i32
      %add3A_1571 = arith.addi %mul3A_1524, %add3A_1570 : i32
      %get3A_1572 = arith.index_cast %add3A_1571 : i32 to index
      %get3A_1573 = tpu.vector_load %arg6[%get3A_1572] {strides = array<i32>} : memref<41088xf32, #tpu.memory_space<vmem>>, vector<16xf32>,
      %add3A_1574 = arith.constant 48 : i32
      %add3A_1575 = arith.addi %mul3A_1524, %add3A_1574 : i32
      %get3A_1576 = arith.index_cast %add3A_1575 : i32 to index
      %get3A_1577 = tpu.vector_load %arg7[%get3A_1576] {strides = array<i32>} : memref<41088xf32, #tpu.memory_space<vmem>>, vector<16xf32>,
      %mul3A_1578 = arith.mulf %get3A_1573, %broadcast_in_dim3A_1517 : vector<16xf32>
      %mul3A_1579 = arith.mulf %broadcast_in_dim3A_1520, %get3A_1577 : vector<16xf32>
      %add3A_1580 = arith.addf %mul3A_1578, %mul3A_1579 : vector<16xf32>
      %add3A_1581 = arith.constant 48 : i32
      %add3A_1582 = arith.addi %mul3A_1524, %add3A_1581 : i32
      %swap3A_1583 = arith.index_cast %add3A_1582 : i32 to index
      %swap3A_1584 = tpu.vector_load %arg6[%swap3A_1583] {strides = array<i32>} : memref<41088xf32, #tpu.memory_space<vmem>>, vector<16xf32>,
      tpu.vector_store %arg6[%swap3A_1583], %add3A_1580 {strides = array<i32>} : memref<41088xf32, #tpu.memory_space<vmem>>, vector<16xf32>,
      %add3A_1585 = arith.constant 64 : i32
      %add3A_1586 = arith.addi %mul3A_1524, %add3A_1585 : i32
      %get3A_1587 = arith.index_cast %add3A_1586 : i32 to index
      %get3A_1588 = tpu.vector_load %arg6[%get3A_1587] {strides = array<i32>} : memref<41088xf32, #tpu.memory_space<vmem>>, vector<16xf32>,
      %add3A_1589 = arith.constant 64 : i32
      %add3A_1590 = arith.addi %mul3A_1524, %add3A_1589 : i32
      %get3A_1591 = arith.index_cast %add3A_1590 : i32 to index
      %get3A_1592 = tpu.vector_load %arg7[%get3A_1591] {strides = array<i32>} : memref<41088xf32, #tpu.memory_space<vmem>>, vector<16xf32>,
      %mul3A_1593 = arith.mulf %get3A_1588, %broadcast_in_dim3A_1517 : vector<16xf32>
      %mul3A_1594 = arith.mulf %broadcast_in_dim3A_1520, %get3A_1592 : vector<16xf32>
      %add3A_1595 = arith.addf %mul3A_1593, %mul3A_1594 : vector<16xf32>
      %add3A_1596 = arith.constant 64 : i32
      %add3A_1597 = arith.addi %mul3A_1524, %add3A_1596 : i32
      %swap3A_1598 = arith.index_cast %add3A_1597 : i32 to index
      %swap3A_1599 = tpu.vector_load %arg6[%swap3A_1598] {strides = array<i32>} : memref<41088xf32, #tpu.memory_space<vmem>>, vector<16xf32>,
      tpu.vector_store %arg6[%swap3A_1598], %add3A_1595 {strides = array<i32>} : memref<41088xf32, #tpu.memory_space<vmem>>, vector<16xf32>,
      %add3A_1600 = arith.constant 80 : i32
      %add3A_1601 = arith.addi %mul3A_1524, %add3A_1600 : i32
      %get3A_1602 = arith.index_cast %add3A_1601 : i32 to index
      %get3A_1603 = tpu.vector_load %arg6[%get3A_1602] {strides = array<i32>} : memref<41088xf32, #tpu.memory_space<vmem>>, vector<16xf32>,
      %add3A_1604 = arith.constant 80 : i32
      %add3A_1605 = arith.addi %mul3A_1524, %add3A_1604 : i32
      %get3A_1606 = arith.index_cast %add3A_1605 : i32 to index
      %get3A_1607 = tpu.vector_load %arg7[%get3A_1606] {strides = array<i32>} : memref<41088xf32, #tpu.memory_space<vmem>>, vector<16xf32>,
      %mul3A_1608 = arith.mulf %get3A_1603, %broadcast_in_dim3A_1517 : vector<16xf32>
      %mul3A_1609 = arith.mulf %broadcast_in_dim3A_1520, %get3A_1607 : vector<16xf32>
      %add3A_1610 = arith.addf %mul3A_1608, %mul3A_1609 : vector<16xf32>
      %add3A_1611 = arith.constant 80 : i32
      %add3A_1612 = arith.addi %mul3A_1524, %add3A_1611 : i32
      %swap3A_1613 = arith.index_cast %add3A_1612 : i32 to index
      %swap3A_1614 = tpu.vector_load %arg6[%swap3A_1613] {strides = array<i32>} : memref<41088xf32, #tpu.memory_space<vmem>>, vector<16xf32>,
      tpu.vector_store %arg6[%swap3A_1613], %add3A_1610 {strides = array<i32>} : memref<41088xf32, #tpu.memory_space<vmem>>, vector<16xf32>,
      %add3A_1615 = arith.constant 96 : i32
      %add3A_1616 = arith.addi %mul3A_1524, %add3A_1615 : i32
      %get3A_1617 = arith.index_cast %add3A_1616 : i32 to index
      %get3A_1618 = tpu.vector_load %arg6[%get3A_1617] {strides = array<i32>} : memref<41088xf32, #tpu.memory_space<vmem>>, vector<16xf32>,
      %add3A_1619 = arith.constant 96 : i32
      %add3A_1620 = arith.addi %mul3A_1524, %add3A_1619 : i32
      %get3A_1621 = arith.index_cast %add3A_1620 : i32 to index
      %get3A_1622 = tpu.vector_load %arg7[%get3A_1621] {strides = array<i32>} : memref<41088xf32, #tpu.memory_space<vmem>>, vector<16xf32>,
      %mul3A_1623 = arith.mulf %get3A_1618, %broadcast_in_dim3A_1517 : vector<16xf32>
      %mul3A_1624 = arith.mulf %broadcast_in_dim3A_1520, %get3A_1622 : vector<16xf32>
      %add3A_1625 = arith.addf %mul3A_1623, %mul3A_1624 : vector<16xf32>
      %add3A_1626 = arith.constant 96 : i32
      %add3A_1627 = arith.addi %mul3A_1524, %add3A_1626 : i32
      %swap3A_1628 = arith.index_cast %add3A_1627 : i32 to index
      %swap3A_1629 = tpu.vector_load %arg6[%swap3A_1628] {strides = array<i32>} : memref<41088xf32, #tpu.memory_space<vmem>>, vector<16xf32>,
      tpu.vector_store %arg6[%swap3A_1628], %add3A_1625 {strides = array<i32>} : memref<41088xf32, #tpu.memory_space<vmem>>, vector<16xf32>,
      %add3A_1630 = arith.constant 112 : i32
      %add3A_1631 = arith.addi %mul3A_1524, %add3A_1630 : i32
      %get3A_1632 = arith.index_cast %add3A_1631 : i32 to index
      %get3A_1633 = tpu.vector_load %arg6[%get3A_1632] {strides = array<i32>} : memref<41088xf32, #tpu.memory_space<vmem>>, vector<16xf32>,
      %add3A_1634 = arith.constant 112 : i32
      %add3A_1635 = arith.addi %mul3A_1524, %add3A_1634 : i32
      %get3A_1636 = arith.index_cast %add3A_1635 : i32 to index
      %get3A_1637 = tpu.vector_load %arg7[%get3A_1636] {strides = array<i32>} : memref<41088xf32, #tpu.memory_space<vmem>>, vector<16xf32>,
      %mul3A_1638 = arith.mulf %get3A_1633, %broadcast_in_dim3A_1517 : vector<16xf32>
      %mul3A_1639 = arith.mulf %broadcast_in_dim3A_1520, %get3A_1637 : vector<16xf32>
      %add3A_1640 = arith.addf %mul3A_1638, %mul3A_1639 : vector<16xf32>
      %add3A_1641 = arith.constant 112 : i32
      %add3A_1642 = arith.addi %mul3A_1524, %add3A_1641 : i32
      %swap3A_1643 = arith.index_cast %add3A_1642 : i32 to index
      %swap3A_1644 = tpu.vector_load %arg6[%swap3A_1643] {strides = array<i32>} : memref<41088xf32, #tpu.memory_space<vmem>>, vector<16xf32>,
      tpu.vector_store %arg6[%swap3A_1643], %add3A_1640 {strides = array<i32>} : memref<41088xf32, #tpu.memory_space<vmem>>, vector<16xf32>,
      %slice3A_1645 = vector.extract_strided_slice %add3A_84 {offsets = [12], sizes = [1], strides = [1]} : vector<16xf32> to vector<1xf32>
      %squeeze3A_1646 = vector.extract %slice3A_1645[0] : f32 from vector<1xf32>
      %broadcast_in_dim3A_1647 = vector.broadcast %squeeze3A_1646 : f32 to vector<16xf32>
      %slice3A_1648 = vector.extract_strided_slice %select_n3A_85 {offsets = [12], sizes = [1], strides = [1]} : vector<16xf32> to vector<1xf32>
      %squeeze3A_1649 = vector.extract %slice3A_1648[0] : f32 from vector<1xf32>
      %broadcast_in_dim3A_1650 = vector.broadcast %squeeze3A_1649 : f32 to vector<16xf32>
      %add3A_1651 = arith.constant 12 : i32
      %add3A_1652 = arith.addi %mul3A_81, %add3A_1651 : i32
      %mul3A_1653 = arith.constant 128 : i32
      %mul3A_1654 = arith.muli %add3A_1652, %mul3A_1653 : i32
      %add3A_1655 = arith.constant 0 : i32
      %add3A_1656 = arith.addi %mul3A_1654, %add3A_1655 : i32
      %get3A_1657 = arith.index_cast %add3A_1656 : i32 to index
      %get3A_1658 = tpu.vector_load %arg6[%get3A_1657] {strides = array<i32>} : memref<41088xf32, #tpu.memory_space<vmem>>, vector<16xf32>,
      %add3A_1659 = arith.constant 0 : i32
      %add3A_1660 = arith.addi %mul3A_1654, %add3A_1659 : i32
      %get3A_1661 = arith.index_cast %add3A_1660 : i32 to index
      %get3A_1662 = tpu.vector_load %arg7[%get3A_1661] {strides = array<i32>} : memref<41088xf32, #tpu.memory_space<vmem>>, vector<16xf32>,
      %mul3A_1663 = arith.mulf %get3A_1658, %broadcast_in_dim3A_1647 : vector<16xf32>
      %mul3A_1664 = arith.mulf %broadcast_in_dim3A_1650, %get3A_1662 : vector<16xf32>
      %add3A_1665 = arith.addf %mul3A_1663, %mul3A_1664 : vector<16xf32>
      %add3A_1666 = arith.constant 0 : i32
      %add3A_1667 = arith.addi %mul3A_1654, %add3A_1666 : i32
      %swap3A_1668 = arith.index_cast %add3A_1667 : i32 to index
      %swap3A_1669 = tpu.vector_load %arg6[%swap3A_1668] {strides = array<i32>} : memref<41088xf32, #tpu.memory_space<vmem>>, vector<16xf32>,
      tpu.vector_store %arg6[%swap3A_1668], %add3A_1665 {strides = array<i32>} : memref<41088xf32, #tpu.memory_space<vmem>>, vector<16xf32>,
      %add3A_1670 = arith.constant 16 : i32
      %add3A_1671 = arith.addi %mul3A_1654, %add3A_1670 : i32
      %get3A_1672 = arith.index_cast %add3A_1671 : i32 to index
      %get3A_1673 = tpu.vector_load %arg6[%get3A_1672] {strides = array<i32>} : memref<41088xf32, #tpu.memory_space<vmem>>, vector<16xf32>,
      %add3A_1674 = arith.constant 16 : i32
      %add3A_1675 = arith.addi %mul3A_1654, %add3A_1674 : i32
      %get3A_1676 = arith.index_cast %add3A_1675 : i32 to index
      %get3A_1677 = tpu.vector_load %arg7[%get3A_1676] {strides = array<i32>} : memref<41088xf32, #tpu.memory_space<vmem>>, vector<16xf32>,
      %mul3A_1678 = arith.mulf %get3A_1673, %broadcast_in_dim3A_1647 : vector<16xf32>
      %mul3A_1679 = arith.mulf %broadcast_in_dim3A_1650, %get3A_1677 : vector<16xf32>
      %add3A_1680 = arith.addf %mul3A_1678, %mul3A_1679 : vector<16xf32>
      %add3A_1681 = arith.constant 16 : i32
      %add3A_1682 = arith.addi %mul3A_1654, %add3A_1681 : i32
      %swap3A_1683 = arith.index_cast %add3A_1682 : i32 to index
      %swap3A_1684 = tpu.vector_load %arg6[%swap3A_1683] {strides = array<i32>} : memref<41088xf32, #tpu.memory_space<vmem>>, vector<16xf32>,
      tpu.vector_store %arg6[%swap3A_1683], %add3A_1680 {strides = array<i32>} : memref<41088xf32, #tpu.memory_space<vmem>>, vector<16xf32>,
      %add3A_1685 = arith.constant 32 : i32
      %add3A_1686 = arith.addi %mul3A_1654, %add3A_1685 : i32
      %get3A_1687 = arith.index_cast %add3A_1686 : i32 to index
      %get3A_1688 = tpu.vector_load %arg6[%get3A_1687] {strides = array<i32>} : memref<41088xf32, #tpu.memory_space<vmem>>, vector<16xf32>,
      %add3A_1689 = arith.constant 32 : i32
      %add3A_1690 = arith.addi %mul3A_1654, %add3A_1689 : i32
      %get3A_1691 = arith.index_cast %add3A_1690 : i32 to index
      %get3A_1692 = tpu.vector_load %arg7[%get3A_1691] {strides = array<i32>} : memref<41088xf32, #tpu.memory_space<vmem>>, vector<16xf32>,
      %mul3A_1693 = arith.mulf %get3A_1688, %broadcast_in_dim3A_1647 : vector<16xf32>
      %mul3A_1694 = arith.mulf %broadcast_in_dim3A_1650, %get3A_1692 : vector<16xf32>
      %add3A_1695 = arith.addf %mul3A_1693, %mul3A_1694 : vector<16xf32>
      %add3A_1696 = arith.constant 32 : i32
      %add3A_1697 = arith.addi %mul3A_1654, %add3A_1696 : i32
      %swap3A_1698 = arith.index_cast %add3A_1697 : i32 to index
      %swap3A_1699 = tpu.vector_load %arg6[%swap3A_1698] {strides = array<i32>} : memref<41088xf32, #tpu.memory_space<vmem>>, vector<16xf32>,
      tpu.vector_store %arg6[%swap3A_1698], %add3A_1695 {strides = array<i32>} : memref<41088xf32, #tpu.memory_space<vmem>>, vector<16xf32>,
      %add3A_1700 = arith.constant 48 : i32
      %add3A_1701 = arith.addi %mul3A_1654, %add3A_1700 : i32
      %get3A_1702 = arith.index_cast %add3A_1701 : i32 to index
      %get3A_1703 = tpu.vector_load %arg6[%get3A_1702] {strides = array<i32>} : memref<41088xf32, #tpu.memory_space<vmem>>, vector<16xf32>,
      %add3A_1704 = arith.constant 48 : i32
      %add3A_1705 = arith.addi %mul3A_1654, %add3A_1704 : i32
      %get3A_1706 = arith.index_cast %add3A_1705 : i32 to index
      %get3A_1707 = tpu.vector_load %arg7[%get3A_1706] {strides = array<i32>} : memref<41088xf32, #tpu.memory_space<vmem>>, vector<16xf32>,
      %mul3A_1708 = arith.mulf %get3A_1703, %broadcast_in_dim3A_1647 : vector<16xf32>
      %mul3A_1709 = arith.mulf %broadcast_in_dim3A_1650, %get3A_1707 : vector<16xf32>
      %add3A_1710 = arith.addf %mul3A_1708, %mul3A_1709 : vector<16xf32>
      %add3A_1711 = arith.constant 48 : i32
      %add3A_1712 = arith.addi %mul3A_1654, %add3A_1711 : i32
      %swap3A_1713 = arith.index_cast %add3A_1712 : i32 to index
      %swap3A_1714 = tpu.vector_load %arg6[%swap3A_1713] {strides = array<i32>} : memref<41088xf32, #tpu.memory_space<vmem>>, vector<16xf32>,
      tpu.vector_store %arg6[%swap3A_1713], %add3A_1710 {strides = array<i32>} : memref<41088xf32, #tpu.memory_space<vmem>>, vector<16xf32>,
      %add3A_1715 = arith.constant 64 : i32
      %add3A_1716 = arith.addi %mul3A_1654, %add3A_1715 : i32
      %get3A_1717 = arith.index_cast %add3A_1716 : i32 to index
      %get3A_1718 = tpu.vector_load %arg6[%get3A_1717] {strides = array<i32>} : memref<41088xf32, #tpu.memory_space<vmem>>, vector<16xf32>,
      %add3A_1719 = arith.constant 64 : i32
      %add3A_1720 = arith.addi %mul3A_1654, %add3A_1719 : i32
      %get3A_1721 = arith.index_cast %add3A_1720 : i32 to index
      %get3A_1722 = tpu.vector_load %arg7[%get3A_1721] {strides = array<i32>} : memref<41088xf32, #tpu.memory_space<vmem>>, vector<16xf32>,
      %mul3A_1723 = arith.mulf %get3A_1718, %broadcast_in_dim3A_1647 : vector<16xf32>
      %mul3A_1724 = arith.mulf %broadcast_in_dim3A_1650, %get3A_1722 : vector<16xf32>
      %add3A_1725 = arith.addf %mul3A_1723, %mul3A_1724 : vector<16xf32>
      %add3A_1726 = arith.constant 64 : i32
      %add3A_1727 = arith.addi %mul3A_1654, %add3A_1726 : i32
      %swap3A_1728 = arith.index_cast %add3A_1727 : i32 to index
      %swap3A_1729 = tpu.vector_load %arg6[%swap3A_1728] {strides = array<i32>} : memref<41088xf32, #tpu.memory_space<vmem>>, vector<16xf32>,
      tpu.vector_store %arg6[%swap3A_1728], %add3A_1725 {strides = array<i32>} : memref<41088xf32, #tpu.memory_space<vmem>>, vector<16xf32>,
      %add3A_1730 = arith.constant 80 : i32
      %add3A_1731 = arith.addi %mul3A_1654, %add3A_1730 : i32
      %get3A_1732 = arith.index_cast %add3A_1731 : i32 to index
      %get3A_1733 = tpu.vector_load %arg6[%get3A_1732] {strides = array<i32>} : memref<41088xf32, #tpu.memory_space<vmem>>, vector<16xf32>,
      %add3A_1734 = arith.constant 80 : i32
      %add3A_1735 = arith.addi %mul3A_1654, %add3A_1734 : i32
      %get3A_1736 = arith.index_cast %add3A_1735 : i32 to index
      %get3A_1737 = tpu.vector_load %arg7[%get3A_1736] {strides = array<i32>} : memref<41088xf32, #tpu.memory_space<vmem>>, vector<16xf32>,
      %mul3A_1738 = arith.mulf %get3A_1733, %broadcast_in_dim3A_1647 : vector<16xf32>
      %mul3A_1739 = arith.mulf %broadcast_in_dim3A_1650, %get3A_1737 : vector<16xf32>
      %add3A_1740 = arith.addf %mul3A_1738, %mul3A_1739 : vector<16xf32>
      %add3A_1741 = arith.constant 80 : i32
      %add3A_1742 = arith.addi %mul3A_1654, %add3A_1741 : i32
      %swap3A_1743 = arith.index_cast %add3A_1742 : i32 to index
      %swap3A_1744 = tpu.vector_load %arg6[%swap3A_1743] {strides = array<i32>} : memref<41088xf32, #tpu.memory_space<vmem>>, vector<16xf32>,
      tpu.vector_store %arg6[%swap3A_1743], %add3A_1740 {strides = array<i32>} : memref<41088xf32, #tpu.memory_space<vmem>>, vector<16xf32>,
      %add3A_1745 = arith.constant 96 : i32
      %add3A_1746 = arith.addi %mul3A_1654, %add3A_1745 : i32
      %get3A_1747 = arith.index_cast %add3A_1746 : i32 to index
      %get3A_1748 = tpu.vector_load %arg6[%get3A_1747] {strides = array<i32>} : memref<41088xf32, #tpu.memory_space<vmem>>, vector<16xf32>,
      %add3A_1749 = arith.constant 96 : i32
      %add3A_1750 = arith.addi %mul3A_1654, %add3A_1749 : i32
      %get3A_1751 = arith.index_cast %add3A_1750 : i32 to index
      %get3A_1752 = tpu.vector_load %arg7[%get3A_1751] {strides = array<i32>} : memref<41088xf32, #tpu.memory_space<vmem>>, vector<16xf32>,
      %mul3A_1753 = arith.mulf %get3A_1748, %broadcast_in_dim3A_1647 : vector<16xf32>
      %mul3A_1754 = arith.mulf %broadcast_in_dim3A_1650, %get3A_1752 : vector<16xf32>
      %add3A_1755 = arith.addf %mul3A_1753, %mul3A_1754 : vector<16xf32>
      %add3A_1756 = arith.constant 96 : i32
      %add3A_1757 = arith.addi %mul3A_1654, %add3A_1756 : i32
      %swap3A_1758 = arith.index_cast %add3A_1757 : i32 to index
      %swap3A_1759 = tpu.vector_load %arg6[%swap3A_1758] {strides = array<i32>} : memref<41088xf32, #tpu.memory_space<vmem>>, vector<16xf32>,
      tpu.vector_store %arg6[%swap3A_1758], %add3A_1755 {strides = array<i32>} : memref<41088xf32, #tpu.memory_space<vmem>>, vector<16xf32>,
      %add3A_1760 = arith.constant 112 : i32
      %add3A_1761 = arith.addi %mul3A_1654, %add3A_1760 : i32
      %get3A_1762 = arith.index_cast %add3A_1761 : i32 to index
      %get3A_1763 = tpu.vector_load %arg6[%get3A_1762] {strides = array<i32>} : memref<41088xf32, #tpu.memory_space<vmem>>, vector<16xf32>,
      %add3A_1764 = arith.constant 112 : i32
      %add3A_1765 = arith.addi %mul3A_1654, %add3A_1764 : i32
      %get3A_1766 = arith.index_cast %add3A_1765 : i32 to index
      %get3A_1767 = tpu.vector_load %arg7[%get3A_1766] {strides = array<i32>} : memref<41088xf32, #tpu.memory_space<vmem>>, vector<16xf32>,
      %mul3A_1768 = arith.mulf %get3A_1763, %broadcast_in_dim3A_1647 : vector<16xf32>
      %mul3A_1769 = arith.mulf %broadcast_in_dim3A_1650, %get3A_1767 : vector<16xf32>
      %add3A_1770 = arith.addf %mul3A_1768, %mul3A_1769 : vector<16xf32>
      %add3A_1771 = arith.constant 112 : i32
      %add3A_1772 = arith.addi %mul3A_1654, %add3A_1771 : i32
      %swap3A_1773 = arith.index_cast %add3A_1772 : i32 to index
      %swap3A_1774 = tpu.vector_load %arg6[%swap3A_1773] {strides = array<i32>} : memref<41088xf32, #tpu.memory_space<vmem>>, vector<16xf32>,
      tpu.vector_store %arg6[%swap3A_1773], %add3A_1770 {strides = array<i32>} : memref<41088xf32, #tpu.memory_space<vmem>>, vector<16xf32>,
      %slice3A_1775 = vector.extract_strided_slice %add3A_84 {offsets = [13], sizes = [1], strides = [1]} : vector<16xf32> to vector<1xf32>
      %squeeze3A_1776 = vector.extract %slice3A_1775[0] : f32 from vector<1xf32>
      %broadcast_in_dim3A_1777 = vector.broadcast %squeeze3A_1776 : f32 to vector<16xf32>
      %slice3A_1778 = vector.extract_strided_slice %select_n3A_85 {offsets = [13], sizes = [1], strides = [1]} : vector<16xf32> to vector<1xf32>
      %squeeze3A_1779 = vector.extract %slice3A_1778[0] : f32 from vector<1xf32>
      %broadcast_in_dim3A_1780 = vector.broadcast %squeeze3A_1779 : f32 to vector<16xf32>
      %add3A_1781 = arith.constant 13 : i32
      %add3A_1782 = arith.addi %mul3A_81, %add3A_1781 : i32
      %mul3A_1783 = arith.constant 128 : i32
      %mul3A_1784 = arith.muli %add3A_1782, %mul3A_1783 : i32
      %add3A_1785 = arith.constant 0 : i32
      %add3A_1786 = arith.addi %mul3A_1784, %add3A_1785 : i32
      %get3A_1787 = arith.index_cast %add3A_1786 : i32 to index
      %get3A_1788 = tpu.vector_load %arg6[%get3A_1787] {strides = array<i32>} : memref<41088xf32, #tpu.memory_space<vmem>>, vector<16xf32>,
      %add3A_1789 = arith.constant 0 : i32
      %add3A_1790 = arith.addi %mul3A_1784, %add3A_1789 : i32
      %get3A_1791 = arith.index_cast %add3A_1790 : i32 to index
      %get3A_1792 = tpu.vector_load %arg7[%get3A_1791] {strides = array<i32>} : memref<41088xf32, #tpu.memory_space<vmem>>, vector<16xf32>,
      %mul3A_1793 = arith.mulf %get3A_1788, %broadcast_in_dim3A_1777 : vector<16xf32>
      %mul3A_1794 = arith.mulf %broadcast_in_dim3A_1780, %get3A_1792 : vector<16xf32>
      %add3A_1795 = arith.addf %mul3A_1793, %mul3A_1794 : vector<16xf32>
      %add3A_1796 = arith.constant 0 : i32
      %add3A_1797 = arith.addi %mul3A_1784, %add3A_1796 : i32
      %swap3A_1798 = arith.index_cast %add3A_1797 : i32 to index
      %swap3A_1799 = tpu.vector_load %arg6[%swap3A_1798] {strides = array<i32>} : memref<41088xf32, #tpu.memory_space<vmem>>, vector<16xf32>,
      tpu.vector_store %arg6[%swap3A_1798], %add3A_1795 {strides = array<i32>} : memref<41088xf32, #tpu.memory_space<vmem>>, vector<16xf32>,
      %add3A_1800 = arith.constant 16 : i32
      %add3A_1801 = arith.addi %mul3A_1784, %add3A_1800 : i32
      %get3A_1802 = arith.index_cast %add3A_1801 : i32 to index
      %get3A_1803 = tpu.vector_load %arg6[%get3A_1802] {strides = array<i32>} : memref<41088xf32, #tpu.memory_space<vmem>>, vector<16xf32>,
      %add3A_1804 = arith.constant 16 : i32
      %add3A_1805 = arith.addi %mul3A_1784, %add3A_1804 : i32
      %get3A_1806 = arith.index_cast %add3A_1805 : i32 to index
      %get3A_1807 = tpu.vector_load %arg7[%get3A_1806] {strides = array<i32>} : memref<41088xf32, #tpu.memory_space<vmem>>, vector<16xf32>,
      %mul3A_1808 = arith.mulf %get3A_1803, %broadcast_in_dim3A_1777 : vector<16xf32>
      %mul3A_1809 = arith.mulf %broadcast_in_dim3A_1780, %get3A_1807 : vector<16xf32>
      %add3A_1810 = arith.addf %mul3A_1808, %mul3A_1809 : vector<16xf32>
      %add3A_1811 = arith.constant 16 : i32
      %add3A_1812 = arith.addi %mul3A_1784, %add3A_1811 : i32
      %swap3A_1813 = arith.index_cast %add3A_1812 : i32 to index
      %swap3A_1814 = tpu.vector_load %arg6[%swap3A_1813] {strides = array<i32>} : memref<41088xf32, #tpu.memory_space<vmem>>, vector<16xf32>,
      tpu.vector_store %arg6[%swap3A_1813], %add3A_1810 {strides = array<i32>} : memref<41088xf32, #tpu.memory_space<vmem>>, vector<16xf32>,
      %add3A_1815 = arith.constant 32 : i32
      %add3A_1816 = arith.addi %mul3A_1784, %add3A_1815 : i32
      %get3A_1817 = arith.index_cast %add3A_1816 : i32 to index
      %get3A_1818 = tpu.vector_load %arg6[%get3A_1817] {strides = array<i32>} : memref<41088xf32, #tpu.memory_space<vmem>>, vector<16xf32>,
      %add3A_1819 = arith.constant 32 : i32
      %add3A_1820 = arith.addi %mul3A_1784, %add3A_1819 : i32
      %get3A_1821 = arith.index_cast %add3A_1820 : i32 to index
      %get3A_1822 = tpu.vector_load %arg7[%get3A_1821] {strides = array<i32>} : memref<41088xf32, #tpu.memory_space<vmem>>, vector<16xf32>,
      %mul3A_1823 = arith.mulf %get3A_1818, %broadcast_in_dim3A_1777 : vector<16xf32>
      %mul3A_1824 = arith.mulf %broadcast_in_dim3A_1780, %get3A_1822 : vector<16xf32>
      %add3A_1825 = arith.addf %mul3A_1823, %mul3A_1824 : vector<16xf32>
      %add3A_1826 = arith.constant 32 : i32
      %add3A_1827 = arith.addi %mul3A_1784, %add3A_1826 : i32
      %swap3A_1828 = arith.index_cast %add3A_1827 : i32 to index
      %swap3A_1829 = tpu.vector_load %arg6[%swap3A_1828] {strides = array<i32>} : memref<41088xf32, #tpu.memory_space<vmem>>, vector<16xf32>,
      tpu.vector_store %arg6[%swap3A_1828], %add3A_1825 {strides = array<i32>} : memref<41088xf32, #tpu.memory_space<vmem>>, vector<16xf32>,
      %add3A_1830 = arith.constant 48 : i32
      %add3A_1831 = arith.addi %mul3A_1784, %add3A_1830 : i32
      %get3A_1832 = arith.index_cast %add3A_1831 : i32 to index
      %get3A_1833 = tpu.vector_load %arg6[%get3A_1832] {strides = array<i32>} : memref<41088xf32, #tpu.memory_space<vmem>>, vector<16xf32>,
      %add3A_1834 = arith.constant 48 : i32
      %add3A_1835 = arith.addi %mul3A_1784, %add3A_1834 : i32
      %get3A_1836 = arith.index_cast %add3A_1835 : i32 to index
      %get3A_1837 = tpu.vector_load %arg7[%get3A_1836] {strides = array<i32>} : memref<41088xf32, #tpu.memory_space<vmem>>, vector<16xf32>,
      %mul3A_1838 = arith.mulf %get3A_1833, %broadcast_in_dim3A_1777 : vector<16xf32>
      %mul3A_1839 = arith.mulf %broadcast_in_dim3A_1780, %get3A_1837 : vector<16xf32>
      %add3A_1840 = arith.addf %mul3A_1838, %mul3A_1839 : vector<16xf32>
      %add3A_1841 = arith.constant 48 : i32
      %add3A_1842 = arith.addi %mul3A_1784, %add3A_1841 : i32
      %swap3A_1843 = arith.index_cast %add3A_1842 : i32 to index
      %swap3A_1844 = tpu.vector_load %arg6[%swap3A_1843] {strides = array<i32>} : memref<41088xf32, #tpu.memory_space<vmem>>, vector<16xf32>,
      tpu.vector_store %arg6[%swap3A_1843], %add3A_1840 {strides = array<i32>} : memref<41088xf32, #tpu.memory_space<vmem>>, vector<16xf32>,
      %add3A_1845 = arith.constant 64 : i32
      %add3A_1846 = arith.addi %mul3A_1784, %add3A_1845 : i32
      %get3A_1847 = arith.index_cast %add3A_1846 : i32 to index
      %get3A_1848 = tpu.vector_load %arg6[%get3A_1847] {strides = array<i32>} : memref<41088xf32, #tpu.memory_space<vmem>>, vector<16xf32>,
      %add3A_1849 = arith.constant 64 : i32
      %add3A_1850 = arith.addi %mul3A_1784, %add3A_1849 : i32
      %get3A_1851 = arith.index_cast %add3A_1850 : i32 to index
      %get3A_1852 = tpu.vector_load %arg7[%get3A_1851] {strides = array<i32>} : memref<41088xf32, #tpu.memory_space<vmem>>, vector<16xf32>,
      %mul3A_1853 = arith.mulf %get3A_1848, %broadcast_in_dim3A_1777 : vector<16xf32>
      %mul3A_1854 = arith.mulf %broadcast_in_dim3A_1780, %get3A_1852 : vector<16xf32>
      %add3A_1855 = arith.addf %mul3A_1853, %mul3A_1854 : vector<16xf32>
      %add3A_1856 = arith.constant 64 : i32
      %add3A_1857 = arith.addi %mul3A_1784, %add3A_1856 : i32
      %swap3A_1858 = arith.index_cast %add3A_1857 : i32 to index
      %swap3A_1859 = tpu.vector_load %arg6[%swap3A_1858] {strides = array<i32>} : memref<41088xf32, #tpu.memory_space<vmem>>, vector<16xf32>,
      tpu.vector_store %arg6[%swap3A_1858], %add3A_1855 {strides = array<i32>} : memref<41088xf32, #tpu.memory_space<vmem>>, vector<16xf32>,
      %add3A_1860 = arith.constant 80 : i32
      %add3A_1861 = arith.addi %mul3A_1784, %add3A_1860 : i32
      %get3A_1862 = arith.index_cast %add3A_1861 : i32 to index
      %get3A_1863 = tpu.vector_load %arg6[%get3A_1862] {strides = array<i32>} : memref<41088xf32, #tpu.memory_space<vmem>>, vector<16xf32>,
      %add3A_1864 = arith.constant 80 : i32
      %add3A_1865 = arith.addi %mul3A_1784, %add3A_1864 : i32
      %get3A_1866 = arith.index_cast %add3A_1865 : i32 to index
      %get3A_1867 = tpu.vector_load %arg7[%get3A_1866] {strides = array<i32>} : memref<41088xf32, #tpu.memory_space<vmem>>, vector<16xf32>,
      %mul3A_1868 = arith.mulf %get3A_1863, %broadcast_in_dim3A_1777 : vector<16xf32>
      %mul3A_1869 = arith.mulf %broadcast_in_dim3A_1780, %get3A_1867 : vector<16xf32>
      %add3A_1870 = arith.addf %mul3A_1868, %mul3A_1869 : vector<16xf32>
      %add3A_1871 = arith.constant 80 : i32
      %add3A_1872 = arith.addi %mul3A_1784, %add3A_1871 : i32
      %swap3A_1873 = arith.index_cast %add3A_1872 : i32 to index
      %swap3A_1874 = tpu.vector_load %arg6[%swap3A_1873] {strides = array<i32>} : memref<41088xf32, #tpu.memory_space<vmem>>, vector<16xf32>,
      tpu.vector_store %arg6[%swap3A_1873], %add3A_1870 {strides = array<i32>} : memref<41088xf32, #tpu.memory_space<vmem>>, vector<16xf32>,
      %add3A_1875 = arith.constant 96 : i32
      %add3A_1876 = arith.addi %mul3A_1784, %add3A_1875 : i32
      %get3A_1877 = arith.index_cast %add3A_1876 : i32 to index
      %get3A_1878 = tpu.vector_load %arg6[%get3A_1877] {strides = array<i32>} : memref<41088xf32, #tpu.memory_space<vmem>>, vector<16xf32>,
      %add3A_1879 = arith.constant 96 : i32
      %add3A_1880 = arith.addi %mul3A_1784, %add3A_1879 : i32
      %get3A_1881 = arith.index_cast %add3A_1880 : i32 to index
      %get3A_1882 = tpu.vector_load %arg7[%get3A_1881] {strides = array<i32>} : memref<41088xf32, #tpu.memory_space<vmem>>, vector<16xf32>,
      %mul3A_1883 = arith.mulf %get3A_1878, %broadcast_in_dim3A_1777 : vector<16xf32>
      %mul3A_1884 = arith.mulf %broadcast_in_dim3A_1780, %get3A_1882 : vector<16xf32>
      %add3A_1885 = arith.addf %mul3A_1883, %mul3A_1884 : vector<16xf32>
      %add3A_1886 = arith.constant 96 : i32
      %add3A_1887 = arith.addi %mul3A_1784, %add3A_1886 : i32
      %swap3A_1888 = arith.index_cast %add3A_1887 : i32 to index
      %swap3A_1889 = tpu.vector_load %arg6[%swap3A_1888] {strides = array<i32>} : memref<41088xf32, #tpu.memory_space<vmem>>, vector<16xf32>,
      tpu.vector_store %arg6[%swap3A_1888], %add3A_1885 {strides = array<i32>} : memref<41088xf32, #tpu.memory_space<vmem>>, vector<16xf32>,
      %add3A_1890 = arith.constant 112 : i32
      %add3A_1891 = arith.addi %mul3A_1784, %add3A_1890 : i32
      %get3A_1892 = arith.index_cast %add3A_1891 : i32 to index
      %get3A_1893 = tpu.vector_load %arg6[%get3A_1892] {strides = array<i32>} : memref<41088xf32, #tpu.memory_space<vmem>>, vector<16xf32>,
      %add3A_1894 = arith.constant 112 : i32
      %add3A_1895 = arith.addi %mul3A_1784, %add3A_1894 : i32
      %get3A_1896 = arith.index_cast %add3A_1895 : i32 to index
      %get3A_1897 = tpu.vector_load %arg7[%get3A_1896] {strides = array<i32>} : memref<41088xf32, #tpu.memory_space<vmem>>, vector<16xf32>,
      %mul3A_1898 = arith.mulf %get3A_1893, %broadcast_in_dim3A_1777 : vector<16xf32>
      %mul3A_1899 = arith.mulf %broadcast_in_dim3A_1780, %get3A_1897 : vector<16xf32>
      %add3A_1900 = arith.addf %mul3A_1898, %mul3A_1899 : vector<16xf32>
      %add3A_1901 = arith.constant 112 : i32
      %add3A_1902 = arith.addi %mul3A_1784, %add3A_1901 : i32
      %swap3A_1903 = arith.index_cast %add3A_1902 : i32 to index
      %swap3A_1904 = tpu.vector_load %arg6[%swap3A_1903] {strides = array<i32>} : memref<41088xf32, #tpu.memory_space<vmem>>, vector<16xf32>,
      tpu.vector_store %arg6[%swap3A_1903], %add3A_1900 {strides = array<i32>} : memref<41088xf32, #tpu.memory_space<vmem>>, vector<16xf32>,
      %slice3A_1905 = vector.extract_strided_slice %add3A_84 {offsets = [14], sizes = [1], strides = [1]} : vector<16xf32> to vector<1xf32>
      %squeeze3A_1906 = vector.extract %slice3A_1905[0] : f32 from vector<1xf32>
      %broadcast_in_dim3A_1907 = vector.broadcast %squeeze3A_1906 : f32 to vector<16xf32>
      %slice3A_1908 = vector.extract_strided_slice %select_n3A_85 {offsets = [14], sizes = [1], strides = [1]} : vector<16xf32> to vector<1xf32>
      %squeeze3A_1909 = vector.extract %slice3A_1908[0] : f32 from vector<1xf32>
      %broadcast_in_dim3A_1910 = vector.broadcast %squeeze3A_1909 : f32 to vector<16xf32>
      %add3A_1911 = arith.constant 14 : i32
      %add3A_1912 = arith.addi %mul3A_81, %add3A_1911 : i32
      %mul3A_1913 = arith.constant 128 : i32
      %mul3A_1914 = arith.muli %add3A_1912, %mul3A_1913 : i32
      %add3A_1915 = arith.constant 0 : i32
      %add3A_1916 = arith.addi %mul3A_1914, %add3A_1915 : i32
      %get3A_1917 = arith.index_cast %add3A_1916 : i32 to index
      %get3A_1918 = tpu.vector_load %arg6[%get3A_1917] {strides = array<i32>} : memref<41088xf32, #tpu.memory_space<vmem>>, vector<16xf32>,
      %add3A_1919 = arith.constant 0 : i32
      %add3A_1920 = arith.addi %mul3A_1914, %add3A_1919 : i32
      %get3A_1921 = arith.index_cast %add3A_1920 : i32 to index
      %get3A_1922 = tpu.vector_load %arg7[%get3A_1921] {strides = array<i32>} : memref<41088xf32, #tpu.memory_space<vmem>>, vector<16xf32>,
      %mul3A_1923 = arith.mulf %get3A_1918, %broadcast_in_dim3A_1907 : vector<16xf32>
      %mul3A_1924 = arith.mulf %broadcast_in_dim3A_1910, %get3A_1922 : vector<16xf32>
      %add3A_1925 = arith.addf %mul3A_1923, %mul3A_1924 : vector<16xf32>
      %add3A_1926 = arith.constant 0 : i32
      %add3A_1927 = arith.addi %mul3A_1914, %add3A_1926 : i32
      %swap3A_1928 = arith.index_cast %add3A_1927 : i32 to index
      %swap3A_1929 = tpu.vector_load %arg6[%swap3A_1928] {strides = array<i32>} : memref<41088xf32, #tpu.memory_space<vmem>>, vector<16xf32>,
      tpu.vector_store %arg6[%swap3A_1928], %add3A_1925 {strides = array<i32>} : memref<41088xf32, #tpu.memory_space<vmem>>, vector<16xf32>,
      %add3A_1930 = arith.constant 16 : i32
      %add3A_1931 = arith.addi %mul3A_1914, %add3A_1930 : i32
      %get3A_1932 = arith.index_cast %add3A_1931 : i32 to index
      %get3A_1933 = tpu.vector_load %arg6[%get3A_1932] {strides = array<i32>} : memref<41088xf32, #tpu.memory_space<vmem>>, vector<16xf32>,
      %add3A_1934 = arith.constant 16 : i32
      %add3A_1935 = arith.addi %mul3A_1914, %add3A_1934 : i32
      %get3A_1936 = arith.index_cast %add3A_1935 : i32 to index
      %get3A_1937 = tpu.vector_load %arg7[%get3A_1936] {strides = array<i32>} : memref<41088xf32, #tpu.memory_space<vmem>>, vector<16xf32>,
      %mul3A_1938 = arith.mulf %get3A_1933, %broadcast_in_dim3A_1907 : vector<16xf32>
      %mul3A_1939 = arith.mulf %broadcast_in_dim3A_1910, %get3A_1937 : vector<16xf32>
      %add3A_1940 = arith.addf %mul3A_1938, %mul3A_1939 : vector<16xf32>
      %add3A_1941 = arith.constant 16 : i32
      %add3A_1942 = arith.addi %mul3A_1914, %add3A_1941 : i32
      %swap3A_1943 = arith.index_cast %add3A_1942 : i32 to index
      %swap3A_1944 = tpu.vector_load %arg6[%swap3A_1943] {strides = array<i32>} : memref<41088xf32, #tpu.memory_space<vmem>>, vector<16xf32>,
      tpu.vector_store %arg6[%swap3A_1943], %add3A_1940 {strides = array<i32>} : memref<41088xf32, #tpu.memory_space<vmem>>, vector<16xf32>,
      %add3A_1945 = arith.constant 32 : i32
      %add3A_1946 = arith.addi %mul3A_1914, %add3A_1945 : i32
      %get3A_1947 = arith.index_cast %add3A_1946 : i32 to index
      %get3A_1948 = tpu.vector_load %arg6[%get3A_1947] {strides = array<i32>} : memref<41088xf32, #tpu.memory_space<vmem>>, vector<16xf32>,
      %add3A_1949 = arith.constant 32 : i32
      %add3A_1950 = arith.addi %mul3A_1914, %add3A_1949 : i32
      %get3A_1951 = arith.index_cast %add3A_1950 : i32 to index
      %get3A_1952 = tpu.vector_load %arg7[%get3A_1951] {strides = array<i32>} : memref<41088xf32, #tpu.memory_space<vmem>>, vector<16xf32>,
      %mul3A_1953 = arith.mulf %get3A_1948, %broadcast_in_dim3A_1907 : vector<16xf32>
      %mul3A_1954 = arith.mulf %broadcast_in_dim3A_1910, %get3A_1952 : vector<16xf32>
      %add3A_1955 = arith.addf %mul3A_1953, %mul3A_1954 : vector<16xf32>
      %add3A_1956 = arith.constant 32 : i32
      %add3A_1957 = arith.addi %mul3A_1914, %add3A_1956 : i32
      %swap3A_1958 = arith.index_cast %add3A_1957 : i32 to index
      %swap3A_1959 = tpu.vector_load %arg6[%swap3A_1958] {strides = array<i32>} : memref<41088xf32, #tpu.memory_space<vmem>>, vector<16xf32>,
      tpu.vector_store %arg6[%swap3A_1958], %add3A_1955 {strides = array<i32>} : memref<41088xf32, #tpu.memory_space<vmem>>, vector<16xf32>,
      %add3A_1960 = arith.constant 48 : i32
      %add3A_1961 = arith.addi %mul3A_1914, %add3A_1960 : i32
      %get3A_1962 = arith.index_cast %add3A_1961 : i32 to index
      %get3A_1963 = tpu.vector_load %arg6[%get3A_1962] {strides = array<i32>} : memref<41088xf32, #tpu.memory_space<vmem>>, vector<16xf32>,
      %add3A_1964 = arith.constant 48 : i32
      %add3A_1965 = arith.addi %mul3A_1914, %add3A_1964 : i32
      %get3A_1966 = arith.index_cast %add3A_1965 : i32 to index
      %get3A_1967 = tpu.vector_load %arg7[%get3A_1966] {strides = array<i32>} : memref<41088xf32, #tpu.memory_space<vmem>>, vector<16xf32>,
      %mul3A_1968 = arith.mulf %get3A_1963, %broadcast_in_dim3A_1907 : vector<16xf32>
      %mul3A_1969 = arith.mulf %broadcast_in_dim3A_1910, %get3A_1967 : vector<16xf32>
      %add3A_1970 = arith.addf %mul3A_1968, %mul3A_1969 : vector<16xf32>
      %add3A_1971 = arith.constant 48 : i32
      %add3A_1972 = arith.addi %mul3A_1914, %add3A_1971 : i32
      %swap3A_1973 = arith.index_cast %add3A_1972 : i32 to index
      %swap3A_1974 = tpu.vector_load %arg6[%swap3A_1973] {strides = array<i32>} : memref<41088xf32, #tpu.memory_space<vmem>>, vector<16xf32>,
      tpu.vector_store %arg6[%swap3A_1973], %add3A_1970 {strides = array<i32>} : memref<41088xf32, #tpu.memory_space<vmem>>, vector<16xf32>,
      %add3A_1975 = arith.constant 64 : i32
      %add3A_1976 = arith.addi %mul3A_1914, %add3A_1975 : i32
      %get3A_1977 = arith.index_cast %add3A_1976 : i32 to index
      %get3A_1978 = tpu.vector_load %arg6[%get3A_1977] {strides = array<i32>} : memref<41088xf32, #tpu.memory_space<vmem>>, vector<16xf32>,
      %add3A_1979 = arith.constant 64 : i32
      %add3A_1980 = arith.addi %mul3A_1914, %add3A_1979 : i32
      %get3A_1981 = arith.index_cast %add3A_1980 : i32 to index
      %get3A_1982 = tpu.vector_load %arg7[%get3A_1981] {strides = array<i32>} : memref<41088xf32, #tpu.memory_space<vmem>>, vector<16xf32>,
      %mul3A_1983 = arith.mulf %get3A_1978, %broadcast_in_dim3A_1907 : vector<16xf32>
      %mul3A_1984 = arith.mulf %broadcast_in_dim3A_1910, %get3A_1982 : vector<16xf32>
      %add3A_1985 = arith.addf %mul3A_1983, %mul3A_1984 : vector<16xf32>
      %add3A_1986 = arith.constant 64 : i32
      %add3A_1987 = arith.addi %mul3A_1914, %add3A_1986 : i32
      %swap3A_1988 = arith.index_cast %add3A_1987 : i32 to index
      %swap3A_1989 = tpu.vector_load %arg6[%swap3A_1988] {strides = array<i32>} : memref<41088xf32, #tpu.memory_space<vmem>>, vector<16xf32>,
      tpu.vector_store %arg6[%swap3A_1988], %add3A_1985 {strides = array<i32>} : memref<41088xf32, #tpu.memory_space<vmem>>, vector<16xf32>,
      %add3A_1990 = arith.constant 80 : i32
      %add3A_1991 = arith.addi %mul3A_1914, %add3A_1990 : i32
      %get3A_1992 = arith.index_cast %add3A_1991 : i32 to index
      %get3A_1993 = tpu.vector_load %arg6[%get3A_1992] {strides = array<i32>} : memref<41088xf32, #tpu.memory_space<vmem>>, vector<16xf32>,
      %add3A_1994 = arith.constant 80 : i32
      %add3A_1995 = arith.addi %mul3A_1914, %add3A_1994 : i32
      %get3A_1996 = arith.index_cast %add3A_1995 : i32 to index
      %get3A_1997 = tpu.vector_load %arg7[%get3A_1996] {strides = array<i32>} : memref<41088xf32, #tpu.memory_space<vmem>>, vector<16xf32>,
      %mul3A_1998 = arith.mulf %get3A_1993, %broadcast_in_dim3A_1907 : vector<16xf32>
      %mul3A_1999 = arith.mulf %broadcast_in_dim3A_1910, %get3A_1997 : vector<16xf32>
      %add3A_2000 = arith.addf %mul3A_1998, %mul3A_1999 : vector<16xf32>
      %add3A_2001 = arith.constant 80 : i32
      %add3A_2002 = arith.addi %mul3A_1914, %add3A_2001 : i32
      %swap3A_2003 = arith.index_cast %add3A_2002 : i32 to index
      %swap3A_2004 = tpu.vector_load %arg6[%swap3A_2003] {strides = array<i32>} : memref<41088xf32, #tpu.memory_space<vmem>>, vector<16xf32>,
      tpu.vector_store %arg6[%swap3A_2003], %add3A_2000 {strides = array<i32>} : memref<41088xf32, #tpu.memory_space<vmem>>, vector<16xf32>,
      %add3A_2005 = arith.constant 96 : i32
      %add3A_2006 = arith.addi %mul3A_1914, %add3A_2005 : i32
      %get3A_2007 = arith.index_cast %add3A_2006 : i32 to index
      %get3A_2008 = tpu.vector_load %arg6[%get3A_2007] {strides = array<i32>} : memref<41088xf32, #tpu.memory_space<vmem>>, vector<16xf32>,
      %add3A_2009 = arith.constant 96 : i32
      %add3A_2010 = arith.addi %mul3A_1914, %add3A_2009 : i32
      %get3A_2011 = arith.index_cast %add3A_2010 : i32 to index
      %get3A_2012 = tpu.vector_load %arg7[%get3A_2011] {strides = array<i32>} : memref<41088xf32, #tpu.memory_space<vmem>>, vector<16xf32>,
      %mul3A_2013 = arith.mulf %get3A_2008, %broadcast_in_dim3A_1907 : vector<16xf32>
      %mul3A_2014 = arith.mulf %broadcast_in_dim3A_1910, %get3A_2012 : vector<16xf32>
      %add3A_2015 = arith.addf %mul3A_2013, %mul3A_2014 : vector<16xf32>
      %add3A_2016 = arith.constant 96 : i32
      %add3A_2017 = arith.addi %mul3A_1914, %add3A_2016 : i32
      %swap3A_2018 = arith.index_cast %add3A_2017 : i32 to index
      %swap3A_2019 = tpu.vector_load %arg6[%swap3A_2018] {strides = array<i32>} : memref<41088xf32, #tpu.memory_space<vmem>>, vector<16xf32>,
      tpu.vector_store %arg6[%swap3A_2018], %add3A_2015 {strides = array<i32>} : memref<41088xf32, #tpu.memory_space<vmem>>, vector<16xf32>,
      %add3A_2020 = arith.constant 112 : i32
      %add3A_2021 = arith.addi %mul3A_1914, %add3A_2020 : i32
      %get3A_2022 = arith.index_cast %add3A_2021 : i32 to index
      %get3A_2023 = tpu.vector_load %arg6[%get3A_2022] {strides = array<i32>} : memref<41088xf32, #tpu.memory_space<vmem>>, vector<16xf32>,
      %add3A_2024 = arith.constant 112 : i32
      %add3A_2025 = arith.addi %mul3A_1914, %add3A_2024 : i32
      %get3A_2026 = arith.index_cast %add3A_2025 : i32 to index
      %get3A_2027 = tpu.vector_load %arg7[%get3A_2026] {strides = array<i32>} : memref<41088xf32, #tpu.memory_space<vmem>>, vector<16xf32>,
      %mul3A_2028 = arith.mulf %get3A_2023, %broadcast_in_dim3A_1907 : vector<16xf32>
      %mul3A_2029 = arith.mulf %broadcast_in_dim3A_1910, %get3A_2027 : vector<16xf32>
      %add3A_2030 = arith.addf %mul3A_2028, %mul3A_2029 : vector<16xf32>
      %add3A_2031 = arith.constant 112 : i32
      %add3A_2032 = arith.addi %mul3A_1914, %add3A_2031 : i32
      %swap3A_2033 = arith.index_cast %add3A_2032 : i32 to index
      %swap3A_2034 = tpu.vector_load %arg6[%swap3A_2033] {strides = array<i32>} : memref<41088xf32, #tpu.memory_space<vmem>>, vector<16xf32>,
      tpu.vector_store %arg6[%swap3A_2033], %add3A_2030 {strides = array<i32>} : memref<41088xf32, #tpu.memory_space<vmem>>, vector<16xf32>,
      %slice3A_2035 = vector.extract_strided_slice %add3A_84 {offsets = [15], sizes = [1], strides = [1]} : vector<16xf32> to vector<1xf32>
      %squeeze3A_2036 = vector.extract %slice3A_2035[0] : f32 from vector<1xf32>
      %broadcast_in_dim3A_2037 = vector.broadcast %squeeze3A_2036 : f32 to vector<16xf32>
      %slice3A_2038 = vector.extract_strided_slice %select_n3A_85 {offsets = [15], sizes = [1], strides = [1]} : vector<16xf32> to vector<1xf32>
      %squeeze3A_2039 = vector.extract %slice3A_2038[0] : f32 from vector<1xf32>
      %broadcast_in_dim3A_2040 = vector.broadcast %squeeze3A_2039 : f32 to vector<16xf32>
      %add3A_2041 = arith.constant 15 : i32
      %add3A_2042 = arith.addi %mul3A_81, %add3A_2041 : i32
      %mul3A_2043 = arith.constant 128 : i32
      %mul3A_2044 = arith.muli %add3A_2042, %mul3A_2043 : i32
      %add3A_2045 = arith.constant 0 : i32
      %add3A_2046 = arith.addi %mul3A_2044, %add3A_2045 : i32
      %get3A_2047 = arith.index_cast %add3A_2046 : i32 to index
      %get3A_2048 = tpu.vector_load %arg6[%get3A_2047] {strides = array<i32>} : memref<41088xf32, #tpu.memory_space<vmem>>, vector<16xf32>,
      %add3A_2049 = arith.constant 0 : i32
      %add3A_2050 = arith.addi %mul3A_2044, %add3A_2049 : i32
      %get3A_2051 = arith.index_cast %add3A_2050 : i32 to index
      %get3A_2052 = tpu.vector_load %arg7[%get3A_2051] {strides = array<i32>} : memref<41088xf32, #tpu.memory_space<vmem>>, vector<16xf32>,
      %mul3A_2053 = arith.mulf %get3A_2048, %broadcast_in_dim3A_2037 : vector<16xf32>
      %mul3A_2054 = arith.mulf %broadcast_in_dim3A_2040, %get3A_2052 : vector<16xf32>
      %add3A_2055 = arith.addf %mul3A_2053, %mul3A_2054 : vector<16xf32>
      %add3A_2056 = arith.constant 0 : i32
      %add3A_2057 = arith.addi %mul3A_2044, %add3A_2056 : i32
      %swap3A_2058 = arith.index_cast %add3A_2057 : i32 to index
      %swap3A_2059 = tpu.vector_load %arg6[%swap3A_2058] {strides = array<i32>} : memref<41088xf32, #tpu.memory_space<vmem>>, vector<16xf32>,
      tpu.vector_store %arg6[%swap3A_2058], %add3A_2055 {strides = array<i32>} : memref<41088xf32, #tpu.memory_space<vmem>>, vector<16xf32>,
      %add3A_2060 = arith.constant 16 : i32
      %add3A_2061 = arith.addi %mul3A_2044, %add3A_2060 : i32
      %get3A_2062 = arith.index_cast %add3A_2061 : i32 to index
      %get3A_2063 = tpu.vector_load %arg6[%get3A_2062] {strides = array<i32>} : memref<41088xf32, #tpu.memory_space<vmem>>, vector<16xf32>,
      %add3A_2064 = arith.constant 16 : i32
      %add3A_2065 = arith.addi %mul3A_2044, %add3A_2064 : i32
      %get3A_2066 = arith.index_cast %add3A_2065 : i32 to index
      %get3A_2067 = tpu.vector_load %arg7[%get3A_2066] {strides = array<i32>} : memref<41088xf32, #tpu.memory_space<vmem>>, vector<16xf32>,
      %mul3A_2068 = arith.mulf %get3A_2063, %broadcast_in_dim3A_2037 : vector<16xf32>
      %mul3A_2069 = arith.mulf %broadcast_in_dim3A_2040, %get3A_2067 : vector<16xf32>
      %add3A_2070 = arith.addf %mul3A_2068, %mul3A_2069 : vector<16xf32>
      %add3A_2071 = arith.constant 16 : i32
      %add3A_2072 = arith.addi %mul3A_2044, %add3A_2071 : i32
      %swap3A_2073 = arith.index_cast %add3A_2072 : i32 to index
      %swap3A_2074 = tpu.vector_load %arg6[%swap3A_2073] {strides = array<i32>} : memref<41088xf32, #tpu.memory_space<vmem>>, vector<16xf32>,
      tpu.vector_store %arg6[%swap3A_2073], %add3A_2070 {strides = array<i32>} : memref<41088xf32, #tpu.memory_space<vmem>>, vector<16xf32>,
      %add3A_2075 = arith.constant 32 : i32
      %add3A_2076 = arith.addi %mul3A_2044, %add3A_2075 : i32
      %get3A_2077 = arith.index_cast %add3A_2076 : i32 to index
      %get3A_2078 = tpu.vector_load %arg6[%get3A_2077] {strides = array<i32>} : memref<41088xf32, #tpu.memory_space<vmem>>, vector<16xf32>,
      %add3A_2079 = arith.constant 32 : i32
      %add3A_2080 = arith.addi %mul3A_2044, %add3A_2079 : i32
      %get3A_2081 = arith.index_cast %add3A_2080 : i32 to index
      %get3A_2082 = tpu.vector_load %arg7[%get3A_2081] {strides = array<i32>} : memref<41088xf32, #tpu.memory_space<vmem>>, vector<16xf32>,
      %mul3A_2083 = arith.mulf %get3A_2078, %broadcast_in_dim3A_2037 : vector<16xf32>
      %mul3A_2084 = arith.mulf %broadcast_in_dim3A_2040, %get3A_2082 : vector<16xf32>
      %add3A_2085 = arith.addf %mul3A_2083, %mul3A_2084 : vector<16xf32>
      %add3A_2086 = arith.constant 32 : i32
      %add3A_2087 = arith.addi %mul3A_2044, %add3A_2086 : i32
      %swap3A_2088 = arith.index_cast %add3A_2087 : i32 to index
      %swap3A_2089 = tpu.vector_load %arg6[%swap3A_2088] {strides = array<i32>} : memref<41088xf32, #tpu.memory_space<vmem>>, vector<16xf32>,
      tpu.vector_store %arg6[%swap3A_2088], %add3A_2085 {strides = array<i32>} : memref<41088xf32, #tpu.memory_space<vmem>>, vector<16xf32>,
      %add3A_2090 = arith.constant 48 : i32
      %add3A_2091 = arith.addi %mul3A_2044, %add3A_2090 : i32
      %get3A_2092 = arith.index_cast %add3A_2091 : i32 to index
      %get3A_2093 = tpu.vector_load %arg6[%get3A_2092] {strides = array<i32>} : memref<41088xf32, #tpu.memory_space<vmem>>, vector<16xf32>,
      %add3A_2094 = arith.constant 48 : i32
      %add3A_2095 = arith.addi %mul3A_2044, %add3A_2094 : i32
      %get3A_2096 = arith.index_cast %add3A_2095 : i32 to index
      %get3A_2097 = tpu.vector_load %arg7[%get3A_2096] {strides = array<i32>} : memref<41088xf32, #tpu.memory_space<vmem>>, vector<16xf32>,
      %mul3A_2098 = arith.mulf %get3A_2093, %broadcast_in_dim3A_2037 : vector<16xf32>
      %mul3A_2099 = arith.mulf %broadcast_in_dim3A_2040, %get3A_2097 : vector<16xf32>
      %add3A_2100 = arith.addf %mul3A_2098, %mul3A_2099 : vector<16xf32>
      %add3A_2101 = arith.constant 48 : i32
      %add3A_2102 = arith.addi %mul3A_2044, %add3A_2101 : i32
      %swap3A_2103 = arith.index_cast %add3A_2102 : i32 to index
      %swap3A_2104 = tpu.vector_load %arg6[%swap3A_2103] {strides = array<i32>} : memref<41088xf32, #tpu.memory_space<vmem>>, vector<16xf32>,
      tpu.vector_store %arg6[%swap3A_2103], %add3A_2100 {strides = array<i32>} : memref<41088xf32, #tpu.memory_space<vmem>>, vector<16xf32>,
      %add3A_2105 = arith.constant 64 : i32
      %add3A_2106 = arith.addi %mul3A_2044, %add3A_2105 : i32
      %get3A_2107 = arith.index_cast %add3A_2106 : i32 to index
      %get3A_2108 = tpu.vector_load %arg6[%get3A_2107] {strides = array<i32>} : memref<41088xf32, #tpu.memory_space<vmem>>, vector<16xf32>,
      %add3A_2109 = arith.constant 64 : i32
      %add3A_2110 = arith.addi %mul3A_2044, %add3A_2109 : i32
      %get3A_2111 = arith.index_cast %add3A_2110 : i32 to index
      %get3A_2112 = tpu.vector_load %arg7[%get3A_2111] {strides = array<i32>} : memref<41088xf32, #tpu.memory_space<vmem>>, vector<16xf32>,
      %mul3A_2113 = arith.mulf %get3A_2108, %broadcast_in_dim3A_2037 : vector<16xf32>
      %mul3A_2114 = arith.mulf %broadcast_in_dim3A_2040, %get3A_2112 : vector<16xf32>
      %add3A_2115 = arith.addf %mul3A_2113, %mul3A_2114 : vector<16xf32>
      %add3A_2116 = arith.constant 64 : i32
      %add3A_2117 = arith.addi %mul3A_2044, %add3A_2116 : i32
      %swap3A_2118 = arith.index_cast %add3A_2117 : i32 to index
      %swap3A_2119 = tpu.vector_load %arg6[%swap3A_2118] {strides = array<i32>} : memref<41088xf32, #tpu.memory_space<vmem>>, vector<16xf32>,
      tpu.vector_store %arg6[%swap3A_2118], %add3A_2115 {strides = array<i32>} : memref<41088xf32, #tpu.memory_space<vmem>>, vector<16xf32>,
      %add3A_2120 = arith.constant 80 : i32
      %add3A_2121 = arith.addi %mul3A_2044, %add3A_2120 : i32
      %get3A_2122 = arith.index_cast %add3A_2121 : i32 to index
      %get3A_2123 = tpu.vector_load %arg6[%get3A_2122] {strides = array<i32>} : memref<41088xf32, #tpu.memory_space<vmem>>, vector<16xf32>,
      %add3A_2124 = arith.constant 80 : i32
      %add3A_2125 = arith.addi %mul3A_2044, %add3A_2124 : i32
      %get3A_2126 = arith.index_cast %add3A_2125 : i32 to index
      %get3A_2127 = tpu.vector_load %arg7[%get3A_2126] {strides = array<i32>} : memref<41088xf32, #tpu.memory_space<vmem>>, vector<16xf32>,
      %mul3A_2128 = arith.mulf %get3A_2123, %broadcast_in_dim3A_2037 : vector<16xf32>
      %mul3A_2129 = arith.mulf %broadcast_in_dim3A_2040, %get3A_2127 : vector<16xf32>
      %add3A_2130 = arith.addf %mul3A_2128, %mul3A_2129 : vector<16xf32>
      %add3A_2131 = arith.constant 80 : i32
      %add3A_2132 = arith.addi %mul3A_2044, %add3A_2131 : i32
      %swap3A_2133 = arith.index_cast %add3A_2132 : i32 to index
      %swap3A_2134 = tpu.vector_load %arg6[%swap3A_2133] {strides = array<i32>} : memref<41088xf32, #tpu.memory_space<vmem>>, vector<16xf32>,
      tpu.vector_store %arg6[%swap3A_2133], %add3A_2130 {strides = array<i32>} : memref<41088xf32, #tpu.memory_space<vmem>>, vector<16xf32>,
      %add3A_2135 = arith.constant 96 : i32
      %add3A_2136 = arith.addi %mul3A_2044, %add3A_2135 : i32
      %get3A_2137 = arith.index_cast %add3A_2136 : i32 to index
      %get3A_2138 = tpu.vector_load %arg6[%get3A_2137] {strides = array<i32>} : memref<41088xf32, #tpu.memory_space<vmem>>, vector<16xf32>,
      %add3A_2139 = arith.constant 96 : i32
      %add3A_2140 = arith.addi %mul3A_2044, %add3A_2139 : i32
      %get3A_2141 = arith.index_cast %add3A_2140 : i32 to index
      %get3A_2142 = tpu.vector_load %arg7[%get3A_2141] {strides = array<i32>} : memref<41088xf32, #tpu.memory_space<vmem>>, vector<16xf32>,
      %mul3A_2143 = arith.mulf %get3A_2138, %broadcast_in_dim3A_2037 : vector<16xf32>
      %mul3A_2144 = arith.mulf %broadcast_in_dim3A_2040, %get3A_2142 : vector<16xf32>
      %add3A_2145 = arith.addf %mul3A_2143, %mul3A_2144 : vector<16xf32>
      %add3A_2146 = arith.constant 96 : i32
      %add3A_2147 = arith.addi %mul3A_2044, %add3A_2146 : i32
      %swap3A_2148 = arith.index_cast %add3A_2147 : i32 to index
      %swap3A_2149 = tpu.vector_load %arg6[%swap3A_2148] {strides = array<i32>} : memref<41088xf32, #tpu.memory_space<vmem>>, vector<16xf32>,
      tpu.vector_store %arg6[%swap3A_2148], %add3A_2145 {strides = array<i32>} : memref<41088xf32, #tpu.memory_space<vmem>>, vector<16xf32>,
      %add3A_2150 = arith.constant 112 : i32
      %add3A_2151 = arith.addi %mul3A_2044, %add3A_2150 : i32
      %get3A_2152 = arith.index_cast %add3A_2151 : i32 to index
      %get3A_2153 = tpu.vector_load %arg6[%get3A_2152] {strides = array<i32>} : memref<41088xf32, #tpu.memory_space<vmem>>, vector<16xf32>,
      %add3A_2154 = arith.constant 112 : i32
      %add3A_2155 = arith.addi %mul3A_2044, %add3A_2154 : i32
      %get3A_2156 = arith.index_cast %add3A_2155 : i32 to index
      %get3A_2157 = tpu.vector_load %arg7[%get3A_2156] {strides = array<i32>} : memref<41088xf32, #tpu.memory_space<vmem>>, vector<16xf32>,
      %mul3A_2158 = arith.mulf %get3A_2153, %broadcast_in_dim3A_2037 : vector<16xf32>
      %mul3A_2159 = arith.mulf %broadcast_in_dim3A_2040, %get3A_2157 : vector<16xf32>
      %add3A_2160 = arith.addf %mul3A_2158, %mul3A_2159 : vector<16xf32>
      %add3A_2161 = arith.constant 112 : i32
      %add3A_2162 = arith.addi %mul3A_2044, %add3A_2161 : i32
      %swap3A_2163 = arith.index_cast %add3A_2162 : i32 to index
      %swap3A_2164 = tpu.vector_load %arg6[%swap3A_2163] {strides = array<i32>} : memref<41088xf32, #tpu.memory_space<vmem>>, vector<16xf32>,
      tpu.vector_store %arg6[%swap3A_2163], %add3A_2160 {strides = array<i32>} : memref<41088xf32, #tpu.memory_space<vmem>>, vector<16xf32>,
    }
    %scan3A_76 = arith.constant 20 : i32
    %mul3A_77 = arith.constant 40960 : i32
    %mul3A_78 = arith.muli %add3A, %mul3A_77 : i32
    "tpu.region"() ({
      %run_scoped3A = tpu.sem_alloc : memref<!tpu.dma_semaphore, #tpu.memory_space<semaphore_mem>>
      %dma_start3A_79 = arith.constant 0 : i32
      %dma_start3A_80 = tpu.memref_slice %arg6[%dma_start3A_79] : memref<41088xf32, #tpu.memory_space<vmem>> -> memref<40960xf32, #tpu.memory_space<vmem>>
      %dma_start3A_81 = tpu.memref_slice %arg5[%mul3A_78] : memref<1310720xf32, #tpu.memory_space<hbm>> -> memref<40960xf32, #tpu.memory_space<hbm>>
      %dma_start3A_82 = tpu.memref_slice %arg5[%mul3A_78] : memref<1310720xf32, #tpu.memory_space<hbm>> -> memref<40960xf32, #tpu.memory_space<hbm>>
      %dma_start3A_83 = arith.constant 0 : i32
      %dma_start3A_84 = tpu.memref_slice %arg6[%dma_start3A_83] : memref<41088xf32, #tpu.memory_space<vmem>> -> memref<40960xf32, #tpu.memory_space<vmem>>
      tpu.enqueue_dma source(%dma_start3A_84 : memref<40960xf32, #tpu.memory_space<vmem>>) target(%dma_start3A_82 : memref<40960xf32, #tpu.memory_space<hbm>>) target_semaphore(%run_scoped3A : memref<!tpu.dma_semaphore, #tpu.memory_space<semaphore_mem>>)
      %dma_wait3A = arith.constant 0 : i32
      %dma_wait3A_85 = tpu.memref_slice %arg6[%dma_wait3A] : memref<41088xf32, #tpu.memory_space<vmem>> -> memref<40960xf32, #tpu.memory_space<vmem>>
      %dma_wait3A_86 = tpu.memref_slice %arg5[%mul3A_78] : memref<1310720xf32, #tpu.memory_space<hbm>> -> memref<40960xf32, #tpu.memory_space<hbm>>
      %dma_wait3A_87 = tpu.memref_slice %arg5[%mul3A_78] : memref<1310720xf32, #tpu.memory_space<hbm>> -> memref<40960xf32, #tpu.memory_space<hbm>>
      %dma_wait3A_88 = arith.constant 0 : i32
      %dma_wait3A_89 = tpu.memref_slice %arg6[%dma_wait3A_88] : memref<41088xf32, #tpu.memory_space<vmem>> -> memref<40960xf32, #tpu.memory_space<vmem>>
      tpu.wait_dma2 semaphore(%run_scoped3A : memref<!tpu.dma_semaphore, #tpu.memory_space<semaphore_mem>>) src(%dma_wait3A_89 : memref<40960xf32, #tpu.memory_space<vmem>>) dst(%dma_wait3A_87 : memref<40960xf32, #tpu.memory_space<hbm>>)
      tpu.yield
    }) : () -> ()
    return
  }
}

</mosaic_0001>

<sc_bundles>
// kernel: kernel.3.cloned.1.call-start
scs
__scs_entry_jumppad:
0x0: {  	(pc) =	sbr.rel $0x88, $3  }
0x1: {  	(tag) =	ssettag $0x0;
	lr =	simm.s32 $0x1  }
0x2: {  	[smem:$0x3F9E] =	sst lr;
	_ =	strace $0xD0000000  }
0x3: {  	_ = 	snop  }
0x4: {  	_ = 	snop  }
0x5: {  	_ = 	snop  }
0x6: {  	_ = 	snop  }
0x7: {  	_ = 	snop  }
__scs_overlays_trampoline_lowered:
0x8: {  	[smem:$0x3FAD] =	sst s0  }
0x9: {  	[smem:$0x3FAE] =	sst s1  }
0xa: {  	[smem:$0x3FAF] =	sst s2  }
0xb: {  	[smem:$0x3FB0] =	sst s3  }
0xc: {  	[smem:$0x3FB1] =	sst s4  }
0xd: {  	[smem:$0x3FB2] =	sst s5  }
0xe: {  	[smem:$0x3FB3] =	sst s6  }
0xf: {  	[smem:$0x3FB4] =	sst s7  }
0x10: {  	[smem:$0x3FB5] =	sst s8  }
0x11: {  	[smem:$0x3FB6] =	sst s9;
	s0 =	simm.s32 @!p0 $0x0  }
0x12: {  	s1 =	sld [smem:$0x3F9C];
	s0 =	simm.s32 @p0 $0x1  }
0x13: {  	[smem:$0x3FB7] =	sst s0;
	s0 =	simm.s32 @!p1 $0x0  }
0x14: {  	s2 =	sld [smem:$0x3F9B];
	s0 =	simm.s32 @p1 $0x1  }
0x15: {  	[smem:$0x3FB8] =	sst s0;
	s0 =	simm.s32 @!p2 $0x0  }
0x16: {  	s3 =	sld [smem:$0x3FDB];
	s0 =	simm.s32 @p2 $0x1  }
0x17: {  	s4 =	simm.s32 $0x1BF5;
	[smem:$0x3FBA] =	sst s0  }
0x18: {  	s0 =	sld [smem:$0x3F9D];
	_ =	swait.ge [sflag:s4], $0x0  }
0x19: {  	s7 =	sld [smem:$0x3F9E]  }
0x1a: {  	s8 =	sadd.s32 $0xFFFFE003, lr  }
0x1b: {  	s9 =	sadd.s32 $0xFFFFFEF7, lr;
	s5 =	simm.s32 $0xFFFFFFFF;
	p2 =	slt.u32 s8, $0xFFFFF086  }
0x1c: {  	p1 =	slt.u32 s9, $0xF7A;
	s5 =	simm.s32 @!p2 $0x0  }
0x1d: {  	s5 =	simm.s32 @p1 $0x1;
	p0 =	seq.s32 s7, s2  }
0x1e: {  	s7 =	smul.u32 @!p0 $0xF7A, s2;
	p2 =	seq.s32 @!p0 s5, $0x0  }
0x1f: {  	s9 =	smul.u32 $0xF7A, s1;
	s8 =	simm.s32 @!p0 $0x1BF5;
	p2 =	por !p2, p0  }
0x20: {  	[sflag:s8] =	ssyncset.s32 @!p0 $0xFFFFF086;
	s6 =	sadd.s32 @!p0 s3, s7;
	s7 =	simm.s32 @!p0 $0x108  }
0x21: {  	s3 =	sadd.s32 s3, s9;
	s6 =	sadd.s32 @!p0 $0x88, s6;
	s7 =	simm.s32 @p2 $0x1082  }
0x22: {  	[simem:s7], [sflag:s8] =	dma.local @!p0 [hbm:s6], $0xF7A  }
0x23: {  	s9 =	sor.u32 $0xD0000000, s2;
	s6 =	simm.s32 $0x108;
	_ =	swait.ge @!p0 [sflag:s8], $0x0  }
0x24: {  	s3 =	sadd.s32 $0x88, s3;
	s6 =	simm.s32 @!p1 $0x1082;
	[sflag:s4] =	ssyncset.s32 $0xFFFFF086  }
0x25: {  	[simem:s6], [sflag:s4] =	dma.local [hbm:s3], $0xF7A  }
0x26: {  	[smem:$0x3F9E] =	sst s1;
	(tag) =	ssettag s2;
	_ =	strace s9  }
0x27: {  	s1 =	sld [smem:$0x3FAE]  }
0x28: {  	s2 =	sld [smem:$0x3FAF]  }
0x29: {  	s4 =	sld [smem:$0x3FB1]  }
0x2a: {  	p0 =	seq.s32 s5, $0x0;
	s5 =	sld [smem:$0x3FB2]  }
0x2b: {  	s6 =	sld [smem:$0x3FB3]  }
0x2c: {  	s7 =	sld [smem:$0x3FB4]  }
0x2d: {  	s3 =	simm.s32 $0x108;
	s8 =	sld [smem:$0x3FB5]  }
0x2e: {  	s3 =	simm.s32 @!p0 $0x1082;
	s9 =	sld [smem:$0x3FB6]  }
0x2f: {  	lr =	sadd.s32 s0, s3;
	s0 =	sld [smem:$0x3FAD]  }
0x30: {  	s3 =	sld [smem:$0x3FB0]  }
0x31: {  	[smem:$0x3FB9] =	sst s10  }
0x32: {  	s10 =	sld [smem:$0x3FB7];
	_ =	sdelay $0x3  }
0x33: {  	p0 =	seq.s32 s10, $0x1;
	s10 =	sld [smem:$0x3FB9];
	_ =	sdelay $0x3  }
0x34: {  	[smem:$0x3FB9] =	sst s10  }
0x35: {  	s10 =	sld [smem:$0x3FB8];
	_ =	sdelay $0x3  }
0x36: {  	p1 =	seq.s32 s10, $0x1;
	s10 =	sld [smem:$0x3FB9];
	_ =	sdelay $0x3  }
0x37: {  	[smem:$0x3FB9] =	sst s10  }
0x38: {  	s10 =	sld [smem:$0x3FBA]  }
0x39: {  	_ = 	snop;
	(pc) =	sbr.ind lr, $3  }
0x3a: {  	_ = 	snop  }
0x3b: {  	_ = 	snop  }
0x3c: {  	p2 =	seq.s32 s10, $0x1;
	s10 =	sld [smem:$0x3FB9]  }
0x3d: {  	_ =	shalt  }
0x3e: {  	_ =	shalt  }
0x3f: {  	_ =	shalt  }
0x40: {  	_ =	shalt  }
0x41: {  	_ =	shalt  }
0x42: {  	_ =	shalt  }
0x43: {  	_ =	shalt  }
0x44: {  	_ =	shalt  }
0x45: {  	_ =	shalt  }
0x46: {  	_ =	shalt  }
0x47: {  	_ =	shalt  }
0x48: {  	_ =	shalt  }
0x49: {  	_ =	shalt  }
0x4a: {  	_ =	shalt  }
0x4b: {  	_ =	shalt  }
0x4c: {  	_ =	shalt  }
0x4d: {  	_ =	shalt  }
0x4e: {  	_ =	shalt  }
0x4f: {  	_ =	shalt  }
0x50: {  	_ =	shalt  }
0x51: {  	_ =	shalt  }
0x52: {  	_ =	shalt  }
0x53: {  	_ =	shalt  }
0x54: {  	_ =	shalt  }
0x55: {  	_ =	shalt  }
0x56: {  	_ =	shalt  }
0x57: {  	_ =	shalt  }
0x58: {  	_ =	shalt  }
0x59: {  	_ =	shalt  }
0x5a: {  	_ =	shalt  }
0x5b: {  	_ =	shalt  }
0x5c: {  	_ =	shalt  }
0x5d: {  	_ =	shalt  }
0x5e: {  	_ =	shalt  }
0x5f: {  	_ =	shalt  }
0x60: {  	_ =	shalt  }
0x61: {  	_ =	shalt  }
0x62: {  	_ =	shalt  }
0x63: {  	_ =	shalt  }
0x64: {  	_ =	shalt  }
0x65: {  	_ =	shalt  }
0x66: {  	_ =	shalt  }
0x67: {  	_ =	shalt  }
0x68: {  	_ =	shalt  }
0x69: {  	_ =	shalt  }
0x6a: {  	_ =	shalt  }
0x6b: {  	_ =	shalt  }
0x6c: {  	_ =	shalt  }
0x6d: {  	_ =	shalt  }
0x6e: {  	_ =	shalt  }
0x6f: {  	_ =	shalt  }
0x70: {  	_ =	shalt  }
0x71: {  	_ =	shalt  }
0x72: {  	_ =	shalt  }
0x73: {  	_ =	shalt  }
0x74: {  	_ =	shalt  }
0x75: {  	_ =	shalt  }
0x76: {  	_ =	shalt  }
0x77: {  	_ =	shalt  }
0x78: {  	_ =	shalt  }
0x79: {  	_ =	shalt  }
0x7a: {  	_ =	shalt  }
0x7b: {  	_ =	shalt  }
0x7c: {  	_ =	shalt  }
0x7d: {  	_ =	shalt  }
0x7e: {  	_ =	shalt  }
0x7f: {  	_ =	shalt  }
0x80: {  	_ =	shalt  }
0x81: {  	_ =	shalt  }
0x82: {  	_ =	shalt  }
0x83: {  	_ =	shalt  }
0x84: {  	_ =	shalt  }
0x85: {  	_ =	shalt  }
0x86: {  	_ =	shalt  }
0x87: {  	_ =	shalt  }
.Lfunc_end0:
.L_simem_size_0:
called_computation_lowered:
.L_overlay_start_0:
0x88: {  	s2 =	sld [smem:$0x3FD9]  }
0x89: {  	s3 =	sld [smem:$0x3FFE];
	_ =	sdelay $0x1  }
0x8a: {  	s1 =	srdreg.scid  }
0x8b: {  	s0 =	sand.u32 $0x1, s1  }
0x8c: {  	s17 =	sshll.u32 s0, $0xA;
	s2 =	sadd.s32 s3, s2  }
0x8d: {  	s2 =	sadd.s32 s2, s17  }
0x8e: {  	[smem:$0x3FC5] =	sst s2  }
0x8f: {  	_ = 	snop  }
0x90: {  	s2 =	sld [smem:$0x3FD0];
	(tm) =	ssettm $0x1  }
0x91: {  	s18 =	sld [smem:$0x3FFB];
	_ =	sdelay $0x3  }
0x92: {  	_ =	strace s18  }
0x93: {  	s3 =	sld [smem:$0x3FFC];
	_ =	sdelay $0x3  }
0x94: {  	_ =	strace s3  }
0x95: {  	s3 =	sld [smem:$0x3FFD];
	_ =	sdelay $0x3  }
0x96: {  	_ =	strace s3  }
0x97: {  	_ =	strace $0x8FFFFFFF  }
0x98: {  	s19 =	sld [smem:$0x3FDB];
	_ =	sdelay $0x1  }
0x99: {  	s4 =	simm.s32 $_scs_section_size  }
0x9a: {  	s5 =	simm.s32 $_size__tile_overlayer_lowered;
	s6 =	simm.s32 $_tile_overlayer_lowered  }
0x9b: {  	s22 =	simm.s32 $0x1BFF;
	s21 =	sshll.u32 s6, $0x1;
	s3 =	sadd.s32 s4, s19  }
0x9c: {  	s7 =	simm.s32 $0x0;
	s20 =	sshll.u32 s5, $0x1;
	s5 =	sadd.s32 s21, s3  }
0x9d: {  	[timem:s7], [sflag:s22] =	dma.local [hbm:s5], s20  }
0x9e: {  	_ =	swait.ge [sflag:s22], s20  }
0x9f: {  	s4 =	ssub.s32 $0x0, s20;
	[sflag:s22] =	ssyncset.done $0x0  }
0xa0: {  	[sflag:s22] =	ssyncadd.s32 s4;
	_ =	sdelay $0x1  }
0xa1: {  	s23 =	simm.s32 $0x1B8B  }
0xa2: {  	_ =	swait.ge [sflag:s23], $0x1  }
0xa3: {  	[sflag:s23] =	ssyncset.done $0x0  }
0xa4: {  	s25 =	simm.s32 $0x1B8E;
	s24 =	sld [smem:$0x3FFE];
	[sflag:s23] =	ssyncadd.s32 $0xFFFFFFFF  }
0xa5: {  	s26 =	simm.s32 $execute0_lowered;
	[smem:$0x3FD2] =	sst s25  }
0xa6: {  	s5 =	sshll.u32 s26, $0x1;
	_ =	strace $0x80000046;
	[dreg:$0x1] =	wrdreg $0xFFFFFFFF  }
0xa7: {  	s28 =	simm.s32 $_size_execute0_lowered;
	s3 =	sadd.s32 s3, s5;
	[dreg:$0x0] =	wrdreg $0x0  }
0xa8: {  	s5 =	sshll.u32 s28, $0x1;
	[dreg:$0x2] =	wrdreg s3  }
0xa9: {  	[dreg:$0x3] =	wrdreg s5  }
0xaa: {  	[dreg:$0x4] =	wrdreg $0xC0  }
0xab: {  	_ =	task [dreg:s7], $0x5FFFF  }
0xac: {  	[dreg:$0x1] =	wrdreg $0xFFFFFFFF  }
0xad: {  	[dreg:$0x0] =	wrdreg $0x60  }
0xae: {  	[dreg:$0x2] =	wrdreg s24  }
0xaf: {  	[dreg:$0x3] =	wrdreg s2  }
0xb0: {  	[dreg:$0x4] =	wrdreg $0x9  }
0xb1: {  	_ =	task.clear_ibuf [dreg:s7], $0x5FFFF;
	_ =	strace $0x90000046  }
0xb2: {  	s29 =	simm.s32 $0x9;
	_ =	strace $0x80000048  }
0xb3: {  	_ =	swait.ge [sflag:s29], $0x1  }
0xb4: {  	[sflag:s29] =	ssyncadd.s32 $0xFFFFFFFF  }
0xb5: {  	_ =	strace $0x90000048  }
0xb6: {  	_ =	sfence  }
0xb7: {  	s30 =	sld [smem:$0x0];
	_ =	sdelay $0x2  }
0xb8: {  	s31 =	sshll.u32 s1, $0xD;
	s1 =	sshrl.u32 s1, $0x2  }
0xb9: {  	s3 =	sand.u32 $0x4000, s31;
	s1 =	sadd.s32 s1, s30  }
0xba: {  	s0 =	sor.u32 s3, s0;
	s1 =	sshll.u32 s1, $0x11  }
0xbb: {  	s0 =	sor.u32 s1, s0  }
0xbc: {  	s0 =	sadd.s32 $0x8F2B, s0  }
0xbd: {  	[sflag:s0] =	ssyncadd.remote.s32 $0x1  }
0xbe: {  	_ =	sfence.sel $0xFFFF  }
0xbf: {  	[dreg:$0x0] =	wrdreg $0xFFFFFFFF;
	(pc) =	sbr.abs _section_cstart, $3  }
0xc0: {  	[dreg:$0x1] =	wrdreg $0xFFFFFFFF  }
0xc1: {  	_ =	task.clear_ibuf [dreg:s7], $0x2FFFF;
	_ =	strace $0x9FFFFFFF  }
0xc2: {  	(tm) =	ssettm $0x7FFFFFFF  }
0xc3: {  	_ =	shalt  }
tec
execute0_lowered:
.L_overlay_start_1:
0x0: {  	(tag) =	ssettag $0x1  }
0x1: {  	s6 =	rddreg [dreg:$0x0]  }
0x2: {  	s1 =	rddreg [dreg:$0x1]  }
0x3: {  	s2 =	srdreg.scid;
	s0 =	rddreg [dreg:$0x2]  }
0x4: {  	s3 =	simm.s32 $0x0;
	s14 =	simm.s32 $0x16A00;
	s15 =	simm.s32 $0x1D200  }
0x5: {  	s16 =	simm.s32 $0x1D600;
	s17 =	simm.s32 $0x3;
	s4 =	sand.u32 $0x1, s2  }
0x6: {  	s18 =	simm.s32 $0x4;
	s2 =	stileid.u32;
	s5 =	sshll.u32 s4, $0x4  }
0x7: {  	s19 =	simm.s32 $0x0;
	[smem:$0x7FF] =	sst s3;
	s5 =	sor.u32 s2, s5  }
0x8: {  	_ =	strace $0x80000047;
	s8 =	ssub.s32 $0x2, s4;
	s7 =	smul.u32 $0x1400, s5  }
0x9: {  	s4 =	sadd.s32 $0xA000, s6;
	s9 =	sshrl.u32 s8, $0x1;
	s10 =	smul.u32 $0x500000, s5  }
0xa: {  	v2 =	vimm.s32 $0x0;
	vm0 =	vcmask $0x300;
	s5 =	sadd.s32 $0x200, s6;
	s12 =	ssub.s32 s8, s9;
	s8 =	sadd.s32 $0x180, s1  }
0xb: {  	v3 =	vimm.f32 $0.0e+00;
	v8 =	vsel vm0, $0xFFFFFFFF, v2;
	s11 =	sadd.s32 s7, s6;
	s13 =	sadd.s32 $0x500000, s10;
	s6 =	sadd.s32 $0x80, s1  }
0xc: {  	v4 =	vimm.f32 $-3.000000010e+38;
	v9 =	vsel vm0, $0x3F800000, v3;
	[tilespmem:$0x1FFE0] =	vst v8;
	s7 =	sadd.s32 $0x100, s1;
	v0 =	vmov s10;
	s10 =	smax.u32 s12, $0x1;
	s12 =	simm.s32 $0x5  }
0xd: {  	v5 =	vsel vm0, $0x1, v2;
	vm0 =	vmmov $0x1;
	[tilespmem:$0x1FFF0] =	vst v9;
	s9 =	sadd.s32 $0xA200, s11;
	v1 =	vmov s13;
	s11 =	simm.s32 $0x1DA00;
	s13 =	simm.s32 $0x1CB00  }
.LBB2_1:
0xe: {  	s20 =	simm.s32 $0x40;
	s21 =	simm.s32 $0x0  }
.LBB2_2:
0xf: {  	p0 =	sne.s32 s20, $0x281C0;
	[tilespmem:s21+$0x0] =	vst v3;
	s22 =	smov.u32 s20;
	s20 =	sadd.s32 $0x40, s20  }
.Ltmp0:
0x10: {  	[tilespmem:s21+$0xA080] =	vst v4;
	(pc) =	sbr.rel @p0 .LBB2_2-.Ltmp0, $2  }
0x11: {  	_ =	sdelay $0x2  }
0x12: {  	s21 =	sshra.s32 s22, $0x2  }
0x13: {  	[tilespmem:s21+$0x0] =	vst v3  }
0x14: {  	[tilespmem:s21+$0xA080] =	vst v4  }
0x15: {  	[tilespmem:$0x14100] =	vst v3  }
0x16: {  	[tilespmem:$0x14110] =	vst v3  }
0x17: {  	[tilespmem:$0x14120] =	vst v3  }
0x18: {  	[tilespmem:$0x14130] =	vst v3  }
0x19: {  	[tilespmem:$0x14140] =	vst v3  }
0x1a: {  	[tilespmem:$0x14150] =	vst v3  }
0x1b: {  	[tilespmem:$0x14160] =	vst v3  }
0x1c: {  	[tilespmem:$0x14170] =	vst v3  }
0x1d: {  	[tilespmem:$0x14180] =	vst v3  }
0x1e: {  	[tilespmem:$0x14190] =	vst v3  }
0x1f: {  	[tilespmem:$0x141A0] =	vst v3  }
0x20: {  	[tilespmem:$0x141B0] =	vst v3  }
0x21: {  	[tilespmem:$0x141C0] =	vst v3  }
0x22: {  	[tilespmem:$0x141D0] =	vst v3  }
0x23: {  	[tilespmem:$0x141E0] =	vst v3  }
0x24: {  	[tilespmem:$0x141F0] =	vst v3  }
0x25: {  	[tilespmem:$0x14200] =	vst v3  }
0x26: {  	[tilespmem:$0x14210] =	vst v3  }
0x27: {  	[tilespmem:$0x14220] =	vst v3  }
0x28: {  	[tilespmem:$0x14230] =	vst v3  }
0x29: {  	[tilespmem:$0x14240] =	vst v3  }
0x2a: {  	s20 =	simm.s32 $0x40;
	s21 =	simm.s32 $0x0;
	[tilespmem:$0x14250] =	vst v3  }
.LBB2_4:
0x2b: {  	p0 =	sne.s32 s20, $0x9C40;
	[tilespmem:s21+$0x14280] =	vst v2;
	s21 =	smov.u32 s20;
	s20 =	sadd.s32 $0x40, s20  }
.Ltmp1:
0x2c: {  	(pc) =	sbr.rel @p0 .LBB2_4-.Ltmp1, $2  }
0x2d: {  	_ =	sdelay $0x2  }
0x2e: {  	s21 =	sshra.s32 s21, $0x2  }
0x2f: {  	[tilespmem:s21+$0x14280] =	vst v2;
	s20 =	simm.s32 $0x40;
	s21 =	simm.s32 $0x0  }
.LBB2_6:
0x30: {  	p0 =	sne.s32 s20, $0xC180;
	[tilespmem:s21+$0x19A80] =	vst v2;
	s21 =	smov.u32 s20;
	s20 =	sadd.s32 $0x40, s20  }
.Ltmp2:
0x31: {  	(pc) =	sbr.rel @p0 .LBB2_6-.Ltmp2, $2  }
0x32: {  	_ =	sdelay $0x2  }
0x33: {  	s21 =	sshra.s32 s21, $0x2  }
0x34: {  	[tilespmem:s21+$0x19A80] =	vst v2;
	s21 =	simm.s32 $0x0  }
0x35: {  	[tilespmem:s11], [sflag:$0x5] =	stream.linear.gather [hbm4b:s4+s21], $0x80, $0x38;
	[tilespmem:$0x1DA80] =	vst v63  }
.Ltmp3:
0x36: {  	_ = 	snop;
	(pc) =	sbr.rel .LBB2_8-.Ltmp3, $4  }
0x37: {  	_ =	swait.ge [sflag:s12], $0x80  }
0x38: {  	[sflag:s12] =	ssyncset.done $0x0  }
0x39: {  	s20 =	simm.s32 $0x0;
	[sflag:s12] =	ssyncadd.s32 $0xFFFFFF80  }
0x3a: {  	[tilespmem:s13], [sflag:$0x1] =	stream.linear.gather [hbm4b:s5+s21], $0x320, $0x38;
	[tilespmem:$0x1DA80] =	vst v63  }
.LBB2_36:
0x3b: {  	s20 =	sadd.s32 $0x1, s20  }
0x3c: {  	p0 =	sne.s32 s20, $0xC9  }
.Ltmp4:
0x3d: {  	_ = 	snop;
	(pc) =	sbr.rel @!p0 .LBB2_37-.Ltmp4, $2  }
0x3e: {  	_ =	sdelay $0x2  }
0x3f: {  	s21 =	smov.u32 s22  }
.LBB2_8:
0x40: {  	p0 =	seq.s32 s20, $0xC8  }
0x41: {  	s22 =	simm.s32 @!p0 $0x1;
	s23 =	smul.u32 @!p0 $0x640, s20  }
0x42: {  	_ =	swait.ge @!p0 [sflag:s22], $0x320  }
0x43: {  	[sflag:s22] =	ssyncset.done @!p0 $0x0;
	s23 =	sshrl.u32 @!p0 s23, $0x3  }
0x44: {  	s29 =	simm.s32 $0x0;
	[sflag:s22] =	ssyncadd.s32 @!p0 $0xFFFFFCE0;
	s22 =	sadd.s32 @!p0 s5, s23  }
0x45: {  	s24 =	simm.s32 @!p0 $0x1CE80;
	s23 =	simm.s32 @!p0 $0x0;
	s22 =	sadd.s32 @!p0 $0x64, s22  }
0x46: {  	[tilespmem:s24], [sflag:$0x2] =	stream.linear.gather @!p0 [hbm4b:s22+s23], $0x320, $0x38;
	[tilespmem:$0x1DA80] =	vst v63  }
0x47: {  	v3 =	vld [tilespmem:s29+$0x1CB00];
	_ =	sdelay $0x4  }
0x48: {  	vm1 =	vge.s32 v3, v0;
	vm2 =	vlt.s32 v3, v1  }
0x49: {  	vm1 =	vmand vm1, vm2  }
0x4a: {  	v4 =	vmpcnt.ones.xlane vm1;
	_ =	sdelay $0x1  }
0x4b: {  	(v2sf) =	vpush v4, $0x0;
	v4 =	vsel vm1, $0x1, v2  }
0x4c: {  	(xrf0) =	vadd.scan.msk.s32 $0xffff, v4;
	_ =	sdelay $0x5  }
0x4d: {  	s30 =	sadd.s32 $0xFFFFFFFF, s21;
	v4, _, _ =	vpop (xrf0)  }
0x4e: {  	v4 =	vadd.s32 s30, v4;
	_ =	sdelay $0x3  }
0x4f: {  	v3 =	vsub.s32 v3, v0  }
0x50: {  	s31 =	simm.s32 $0x10;
	[tilespmem:v4+s14+$0x0] =	vst.idx.msk vm1, v3  }
0x51: {  	v3 =	vld [tilespmem:s31+$0x1CB00];
	_ =	sdelay $0x1  }
0x52: {  	s23 =	simm.s32 $0x80;
	s22 =	smov.u32 s21;
	s24 =	spop (v2sf)  }
.LBB2_9:
0x53: {  	p1 =	sne.s32 s23, $0xC40  }
0x54: {  	s22 =	sadd.s32 s22, s24;
	s24 =	smov.u32 s23;
	s23 =	sadd.s32 $0x40, s23  }
0x55: {  	vm1 =	vge.s32 v3, v0;
	vm2 =	vlt.s32 v3, v1  }
0x56: {  	vm1 =	vmand vm1, vm2  }
0x57: {  	v4 =	vsel vm1, $0x1, v2;
	v6 =	vmpcnt.ones.xlane vm1  }
0x58: {  	(xrf0) =	vadd.scan.msk.s32 $0xffff, v4  }
0x59: {  	(v2sf) =	vpush v6, $0x0;
	_ =	sdelay $0x4  }
0x5a: {  	s25 =	sadd.s32 $0xFFFFFFFF, s22;
	v4, _, _ =	vpop (xrf0)  }
0x5b: {  	v4 =	vadd.s32 s25, v4;
	_ =	sdelay $0x3  }
0x5c: {  	v3 =	vsub.s32 v3, v0  }
.Ltmp5:
0x5d: {  	s24 =	sshra.s32 s24, $0x2;
	[tilespmem:v4+s14+$0x0] =	vst.idx.msk vm1, v3;
	(pc) =	sbr.rel @p1 .LBB2_9-.Ltmp5, $2  }
0x5e: {  	v3 =	vld [tilespmem:s24+$0x1CB00];
	_ =	sdelay $0x2  }
0x5f: {  	s24 =	spop (v2sf)  }
0x60: {  	_ = 	snop  }
0x61: {  	vm1 =	vge.s32 v3, v0;
	vm2 =	vlt.s32 v3, v1  }
0x62: {  	vm1 =	vmand vm1, vm2  }
0x63: {  	v4 =	vmpcnt.ones.xlane vm1;
	_ =	sdelay $0x1  }
0x64: {  	(v2sf) =	vpush v4, $0x0;
	_ =	sdelay $0x1  }
0x65: {  	v4 =	vsel vm1, $0x1, v2  }
0x66: {  	(xrf0) =	vadd.scan.msk.s32 $0xffff, v4;
	_ =	sdelay $0x4  }
0x67: {  	s22 =	sadd.s32 s22, s24  }
0x68: {  	s23 =	sadd.s32 $0xFFFFFFFF, s22;
	v4, _, _ =	vpop (xrf0)  }
0x69: {  	v4 =	vadd.s32 s23, v4;
	_ =	sdelay $0x2  }
0x6a: {  	p1 =	sgt.u32 @!p0 s20, $0xC6  }
0x6b: {  	v3 =	vsub.s32 v3, v0;
	p1 =	por p1, p0  }
0x6c: {  	s24 =	simm.s32 @!p0 $0x2;
	s25 =	smul.u32 @!p1 $0x640, s20;
	[tilespmem:v4+s14+$0x0] =	vst.idx.msk vm1, v3;
	s28 =	spop (v2sf)  }
0x6d: {  	_ =	swait.ge @!p0 [sflag:s24], $0x320  }
0x6e: {  	s25 =	sshrl.u32 @!p1 s25, $0x3;
	[sflag:s24] =	ssyncset.done @!p0 $0x0  }
0x6f: {  	s29 =	simm.s32 $0x0;
	[sflag:s24] =	ssyncadd.s32 @!p0 $0xFFFFFCE0;
	s24 =	sadd.s32 @!p1 s5, s25  }
0x70: {  	s26 =	simm.s32 @!p1 $0x1CB00;
	s25 =	simm.s32 @!p1 $0x0;
	s24 =	sadd.s32 @!p1 $0xC8, s24  }
0x71: {  	[tilespmem:s26], [sflag:$0x1] =	stream.linear.gather @!p1 [hbm4b:s24+s25], $0x320, $0x38;
	[tilespmem:$0x1DA80] =	vst v63  }
0x72: {  	v3 =	vld [tilespmem:s29+$0x1CE80];
	_ =	sdelay $0x4  }
0x73: {  	vm1 =	vge.s32 v3, v0;
	vm2 =	vlt.s32 v3, v1  }
0x74: {  	vm1 =	vmand vm1, vm2  }
0x75: {  	v4 =	vmpcnt.ones.xlane vm1;
	_ =	sdelay $0x1  }
0x76: {  	(v2sf) =	vpush v4, $0x0;
	v4 =	vsel vm1, $0x1, v2  }
0x77: {  	(xrf0) =	vadd.scan.msk.s32 $0xffff, v4;
	_ =	sdelay $0x3  }
0x78: {  	s22 =	sadd.s32 s22, s28  }
0x79: {  	s22 =	smov.u32 @p0 s21  }
0x7a: {  	s30 =	sadd.s32 $0xFFFFFFFF, s22;
	v4, _, _ =	vpop (xrf0)  }
0x7b: {  	v4 =	vadd.s32 s30, v4;
	_ =	sdelay $0x3  }
0x7c: {  	v3 =	vsub.s32 v3, v0  }
0x7d: {  	s31 =	simm.s32 $0x10;
	[tilespmem:v4+s14+$0x0] =	vst.idx.msk vm1, v3  }
0x7e: {  	v3 =	vld [tilespmem:s31+$0x1CE80];
	_ =	sdelay $0x1  }
0x7f: {  	s23 =	simm.s32 $0x80;
	s24 =	spop (v2sf)  }
.LBB2_11:
0x80: {  	p1 =	sne.s32 s23, $0xC40  }
0x81: {  	s22 =	sadd.s32 s22, s24;
	s24 =	smov.u32 s23;
	s23 =	sadd.s32 $0x40, s23  }
0x82: {  	vm1 =	vge.s32 v3, v0;
	vm2 =	vlt.s32 v3, v1  }
0x83: {  	vm1 =	vmand vm1, vm2  }
0x84: {  	v4 =	vsel vm1, $0x1, v2;
	v6 =	vmpcnt.ones.xlane vm1  }
0x85: {  	(xrf0) =	vadd.scan.msk.s32 $0xffff, v4  }
0x86: {  	(v2sf) =	vpush v6, $0x0;
	_ =	sdelay $0x4  }
0x87: {  	s25 =	sadd.s32 $0xFFFFFFFF, s22;
	v4, _, _ =	vpop (xrf0)  }
0x88: {  	v4 =	vadd.s32 s25, v4;
	_ =	sdelay $0x3  }
0x89: {  	v3 =	vsub.s32 v3, v0  }
.Ltmp6:
0x8a: {  	s24 =	sshra.s32 s24, $0x2;
	[tilespmem:v4+s14+$0x0] =	vst.idx.msk vm1, v3;
	(pc) =	sbr.rel @p1 .LBB2_11-.Ltmp6, $2  }
0x8b: {  	v3 =	vld [tilespmem:s24+$0x1CE80];
	_ =	sdelay $0x2  }
0x8c: {  	s24 =	spop (v2sf)  }
0x8d: {  	_ = 	snop  }
0x8e: {  	vm1 =	vge.s32 v3, v0;
	vm2 =	vlt.s32 v3, v1  }
0x8f: {  	vm1 =	vmand vm1, vm2  }
0x90: {  	v4 =	vmpcnt.ones.xlane vm1;
	_ =	sdelay $0x1  }
0x91: {  	(v2sf) =	vpush v4, $0x0;
	_ =	sdelay $0xc  }
0x92: {  	v4 =	vsel vm1, $0x1, v2  }
0x93: {  	(xrf0) =	vadd.scan.msk.s32 $0xffff, v4  }
0x94: {  	s23 =	sadd.s32 s22, s24;
	s31 =	spop (v2sf)  }
0x95: {  	s22 =	sadd.s32 s23, s31  }
0x96: {  	s22 =	smov.u32 @p0 s21  }
0x97: {  	p1 =	sgt.s32 s22, $0x0  }
0x98: {  	p5 =	por !p0, !p1  }
0x99: {  	v4, _, _ =	vpop (xrf0);
	s23 =	sadd.s32 $0xFFFFFFFF, s23;
	p6 =	sgt.s32 s22, $0x29F7;
	p0 =	por !p5, !p5  }
0x9a: {  	v4 =	vadd.s32 s23, v4;
	p0 =	por p6, p0  }
.Ltmp7:
0x9b: {  	_ = 	snop;
	(pc) =	sbr.rel @!p0 .LBB2_36-.Ltmp7, $3  }
0x9c: {  	_ =	sdelay $0x1  }
0x9d: {  	v3 =	vsub.s32 v3, v0  }
0x9e: {  	[tilespmem:v4+s14+$0x0] =	vst.idx.msk vm1, v3  }
0x9f: {  	s21 =	sadd.s32 $0xF, s22  }
0xa0: {  	s24 =	sand.u32 $0x7FFFFFF0, s22;
	s23 =	sand.u32 $0xFFFFFFF0, s21  }
0xa1: {  	p0 =	sge.s32 s24, s23  }
0xa2: {  	v3 =	vld @!p0 [tilespmem:s24+$0x16A00];
	_ =	sdelay $0x1  }
0xa3: {  	v4 =	vlaneseq.u32 @!p0  }
0xa4: {  	v4 =	vor.u32 @!p0 s24, v4  }
0xa5: {  	vm1 =	vlt.s32 @!p0 v4, s22  }
0xa6: {  	s21 =	sshra.s32 s21, $0x4;
	v3 =	vnsel @!p0 vm1, $0x500000, v3  }
0xa7: {  	[tilespmem:s24+$0x16A00] =	vst @!p0 v3;
	p0 =	sgt.s32 s21, $0x0  }
.Ltmp8:
0xa8: {  	_ = 	snop;
	(pc) =	sbr.rel @!p0 .LBB2_14-.Ltmp8, $4  }
0xa9: {  	_ = 	snop  }
0xaa: {  	[tilespmem:s15], [sflag:$0x3] =	stream.linear.gather [hbm4b:s1+s3], $0x400, $0x38;
	[tilespmem:$0x1DA80] =	vst v63  }
0xab: {  	s22 =	simm.s32 $0x16A00  }
0xac: {  	[tilespmem:s16], [sflag:$0x4] =	stream.linear.gather [hbm4b:s6+s3], $0x400, $0x38;
	[tilespmem:$0x1DA80] =	vst v63  }
0xad: {  	v3 =	vld [tilespmem:s22+$0x0];
	_ =	sdelay $0x4  }
0xae: {  	(v2sf) =	vpush v3, $0x0  }
0xaf: {  	(v2sf) =	vpush v3, $0x1  }
0xb0: {  	(v2sf) =	vpush v3, $0x2  }
0xb1: {  	(v2sf) =	vpush v3, $0x3  }
0xb2: {  	(v2sf) =	vpush v3, $0x4  }
0xb3: {  	(v2sf) =	vpush v3, $0x5  }
0xb4: {  	(v2sf) =	vpush v3, $0x6  }
0xb5: {  	(v2sf) =	vpush v3, $0x7  }
0xb6: {  	(v2sf) =	vpush v3, $0x8  }
0xb7: {  	(v2sf) =	vpush v3, $0x9  }
0xb8: {  	(v2sf) =	vpush v3, $0xA  }
0xb9: {  	(v2sf) =	vpush v3, $0xB  }
0xba: {  	(v2sf) =	vpush v3, $0xC  }
0xbb: {  	(v2sf) =	vpush v3, $0xD  }
0xbc: {  	(v2sf) =	vpush v3, $0xE  }
0xbd: {  	s23 =	spop (v2sf);
	(v2sf) =	vpush v3, $0xF  }
0xbe: {  	s23 =	sand.u32 $0x3FFF, s23;
	s24 =	spop (v2sf)  }
0xbf: {  	[tilespmem:s23+$0x14280] =	vst.add.s32.msk $0xffff, v5;
	s30 =	sand.u32 $0x3FFF, s24;
	s31 =	spop (v2sf)  }
0xc0: {  	[tilespmem:s30+$0x14280] =	vst.add.s32.msk $0xffff, v5;
	s25 =	sand.u32 $0x3FFF, s31;
	s26 =	spop (v2sf)  }
0xc1: {  	[tilespmem:s25+$0x14280] =	vst.add.s32.msk $0xffff, v5;
	s28 =	sand.u32 $0x3FFF, s26;
	s29 =	spop (v2sf)  }
0xc2: {  	[tilespmem:s28+$0x14280] =	vst.add.s32.msk $0xffff, v5;
	s30 =	sand.u32 $0x3FFF, s29;
	s31 =	spop (v2sf)  }
0xc3: {  	[tilespmem:s30+$0x14280] =	vst.add.s32.msk $0xffff, v5;
	s25 =	sand.u32 $0x3FFF, s31;
	s26 =	spop (v2sf)  }
0xc4: {  	[tilespmem:s25+$0x14280] =	vst.add.s32.msk $0xffff, v5;
	s28 =	sand.u32 $0x3FFF, s26;
	s29 =	spop (v2sf)  }
0xc5: {  	[tilespmem:s28+$0x14280] =	vst.add.s32.msk $0xffff, v5;
	s30 =	sand.u32 $0x3FFF, s29;
	s31 =	spop (v2sf)  }
0xc6: {  	[tilespmem:s30+$0x14280] =	vst.add.s32.msk $0xffff, v5;
	s25 =	sand.u32 $0x3FFF, s31;
	s26 =	spop (v2sf)  }
0xc7: {  	[tilespmem:s25+$0x14280] =	vst.add.s32.msk $0xffff, v5;
	s28 =	sand.u32 $0x3FFF, s26;
	s29 =	spop (v2sf)  }
0xc8: {  	p1 =	seq.s32 s21, $0x1;
	[tilespmem:s28+$0x14280] =	vst.add.s32.msk $0xffff, v5;
	s30 =	sand.u32 $0x3FFF, s29;
	s31 =	spop (v2sf)  }
.Ltmp9:
0xc9: {  	[tilespmem:s30+$0x14280] =	vst.add.s32.msk $0xffff, v5;
	s25 =	sand.u32 $0x3FFF, s31;
	s26 =	spop (v2sf);
	(pc) =	sbr.rel @p1 .LBB2_43-.Ltmp9, $4  }
0xca: {  	[tilespmem:s25+$0x14280] =	vst.add.s32.msk $0xffff, v5;
	s28 =	sand.u32 $0x3FFF, s26;
	s29 =	spop (v2sf)  }
0xcb: {  	[tilespmem:s28+$0x14280] =	vst.add.s32.msk $0xffff, v5;
	s30 =	sand.u32 $0x3FFF, s29;
	s31 =	spop (v2sf)  }
0xcc: {  	[tilespmem:s30+$0x14280] =	vst.add.s32.msk $0xffff, v5;
	s24 =	sand.u32 $0x3FFF, s31;
	s25 =	spop (v2sf)  }
0xcd: {  	s23 =	sadd.s32 $0xFFFFFFFF, s21;
	[tilespmem:s24+$0x14280] =	vst.add.s32.msk $0xffff, v5;
	s24 =	sand.u32 $0x3FFF, s25  }
.LBB2_42:
0xce: {  	p1 =	seq.s32 s23, $0x1;
	s23 =	sadd.s32 $0xFFFFFFFF, s23;
	[tilespmem:s24+$0x14280] =	vst.add.s32.msk $0xffff, v5;
	s22 =	sadd.s32 $0x10, s22  }
0xcf: {  	v3 =	vld [tilespmem:s22+$0x0];
	_ =	sdelay $0x4  }
0xd0: {  	(v2sf) =	vpush v3, $0x0  }
0xd1: {  	(v2sf) =	vpush v3, $0x1  }
0xd2: {  	(v2sf) =	vpush v3, $0x2  }
0xd3: {  	(v2sf) =	vpush v3, $0x3  }
0xd4: {  	(v2sf) =	vpush v3, $0x4  }
0xd5: {  	(v2sf) =	vpush v3, $0x5  }
0xd6: {  	(v2sf) =	vpush v3, $0x6  }
0xd7: {  	(v2sf) =	vpush v3, $0x7  }
0xd8: {  	(v2sf) =	vpush v3, $0x8  }
0xd9: {  	(v2sf) =	vpush v3, $0x9  }
0xda: {  	(v2sf) =	vpush v3, $0xA  }
0xdb: {  	(v2sf) =	vpush v3, $0xB  }
0xdc: {  	(v2sf) =	vpush v3, $0xC  }
0xdd: {  	(v2sf) =	vpush v3, $0xD  }
0xde: {  	(v2sf) =	vpush v3, $0xE  }
0xdf: {  	s24 =	spop (v2sf);
	(v2sf) =	vpush v3, $0xF  }
0xe0: {  	s24 =	sand.u32 $0x3FFF, s24;
	s25 =	spop (v2sf)  }
0xe1: {  	[tilespmem:s24+$0x14280] =	vst.add.s32.msk $0xffff, v5;
	s24 =	sand.u32 $0x3FFF, s25;
	s25 =	spop (v2sf)  }
0xe2: {  	[tilespmem:s24+$0x14280] =	vst.add.s32.msk $0xffff, v5;
	s24 =	sand.u32 $0x3FFF, s25;
	s25 =	spop (v2sf)  }
0xe3: {  	[tilespmem:s24+$0x14280] =	vst.add.s32.msk $0xffff, v5;
	s24 =	sand.u32 $0x3FFF, s25;
	s25 =	spop (v2sf)  }
0xe4: {  	[tilespmem:s24+$0x14280] =	vst.add.s32.msk $0xffff, v5;
	s24 =	sand.u32 $0x3FFF, s25;
	s25 =	spop (v2sf)  }
0xe5: {  	[tilespmem:s24+$0x14280] =	vst.add.s32.msk $0xffff, v5;
	s24 =	sand.u32 $0x3FFF, s25;
	s25 =	spop (v2sf)  }
0xe6: {  	[tilespmem:s24+$0x14280] =	vst.add.s32.msk $0xffff, v5;
	s24 =	sand.u32 $0x3FFF, s25;
	s25 =	spop (v2sf)  }
0xe7: {  	[tilespmem:s24+$0x14280] =	vst.add.s32.msk $0xffff, v5;
	s24 =	sand.u32 $0x3FFF, s25;
	s25 =	spop (v2sf)  }
0xe8: {  	[tilespmem:s24+$0x14280] =	vst.add.s32.msk $0xffff, v5;
	s24 =	sand.u32 $0x3FFF, s25;
	s25 =	spop (v2sf)  }
0xe9: {  	[tilespmem:s24+$0x14280] =	vst.add.s32.msk $0xffff, v5;
	s24 =	sand.u32 $0x3FFF, s25;
	s25 =	spop (v2sf)  }
0xea: {  	[tilespmem:s24+$0x14280] =	vst.add.s32.msk $0xffff, v5;
	s24 =	sand.u32 $0x3FFF, s25;
	s25 =	spop (v2sf)  }
.Ltmp10:
0xeb: {  	[tilespmem:s24+$0x14280] =	vst.add.s32.msk $0xffff, v5;
	s24 =	sand.u32 $0x3FFF, s25;
	s25 =	spop (v2sf);
	(pc) =	sbr.rel @!p1 .LBB2_42-.Ltmp10, $4  }
0xec: {  	[tilespmem:s24+$0x14280] =	vst.add.s32.msk $0xffff, v5;
	s24 =	sand.u32 $0x3FFF, s25;
	s25 =	spop (v2sf)  }
0xed: {  	[tilespmem:s24+$0x14280] =	vst.add.s32.msk $0xffff, v5;
	s24 =	sand.u32 $0x3FFF, s25;
	s25 =	spop (v2sf)  }
0xee: {  	[tilespmem:s24+$0x14280] =	vst.add.s32.msk $0xffff, v5;
	s24 =	sand.u32 $0x3FFF, s25;
	s25 =	spop (v2sf)  }
0xef: {  	[tilespmem:s24+$0x14280] =	vst.add.s32.msk $0xffff, v5;
	s24 =	sand.u32 $0x3FFF, s25  }
.LBB2_43:
0xf0: {  	[tilespmem:s24+$0x14280] =	vst.add.s32.msk $0xffff, v5  }
.LBB2_14:
0xf1: {  	s23 =	simm.s32 $0x0  }
0xf2: {  	v3 =	vld [tilespmem:s23+$0x14280];
	_ =	sdelay $0x4  }
0xf3: {  	(xrf0) =	vadd.scan.msk.s32 $0xffff, v3;
	_ =	sdelay $0x5  }
0xf4: {  	v3, _, _ =	vpop (xrf0)  }
0xf5: {  	(v2sf) =	vpush v3, $0xF  }
0xf6: {  	s22 =	simm.s32 $0x0  }
0xf7: {  	v4 =	vadd.s32 s22, v3  }
0xf8: {  	s24 =	simm.s32 $0x80;
	[tilespmem:s23+$0x14280] =	vst v4;
	s23 =	simm.s32 $0x10  }
.LBB2_15:
0xf9: {  	p1 =	seq.s32 s24, $0x9C40;
	v3 =	vld [tilespmem:s23+$0x14280];
	_ =	sdelay $0x4  }
0xfa: {  	(xrf0) =	vadd.scan.msk.s32 $0xffff, v3;
	_ =	sdelay $0x5  }
.Ltmp11:
0xfb: {  	v3, _, _ =	vpop (xrf0);
	s25 =	spop (v2sf);
	(pc) =	sbr.rel @!p1 .LBB2_15-.Ltmp11, $4  }
0xfc: {  	(v2sf) =	vpush v3, $0xF;
	s22 =	sadd.s32 s22, s25  }
0xfd: {  	v3 =	vadd.s32 s22, v3  }
0xfe: {  	[tilespmem:s23+$0x14280] =	vst v3  }
0xff: {  	s23 =	sshra.s32 s24, $0x2;
	s24 =	sadd.s32 $0x40, s24  }
0x100: {  	v3 =	vld [tilespmem:s23+$0x14280];
	_ =	sdelay $0x4  }
0x101: {  	(xrf0) =	vadd.scan.msk.s32 $0xffff, v3;
	_ =	sdelay $0x5  }
0x102: {  	v3, _, _ =	vpop (xrf0)  }
0x103: {  	(v2sf) =	vpush v3, $0xF;
	_ =	sdelay $0xa  }
.Ltmp12:
0x104: {  	_ = 	snop;
	(pc) =	sbr.rel @!p0 .LBB2_18-.Ltmp12, $4  }
0x105: {  	s24 =	spop (v2sf)  }
0x106: {  	s22 =	sadd.s32 s22, s24  }
0x107: {  	v3 =	vadd.s32 s22, v3  }
0x108: {  	s22 =	simm.s32 $0x16A00;
	[tilespmem:s23+$0x14280] =	vst v3;
	s23 =	smov.u32 s21;
	s31 =	spop (v2sf)  }
.LBB2_17:
0x109: {  	v3 =	vld [tilespmem:s22+$0x0];
	_ =	sdelay $0x4  }
0x10a: {  	(v2sf) =	vpush v3, $0x0;
	_ =	sdelay $0xe  }
0x10b: {  	s24 =	spop (v2sf)  }
0x10c: {  	s25 =	sand.u32 $0x3FFF, s24  }
0x10d: {  	v4 =	vld [tilespmem:s25+$0x14280];
	_ =	sdelay $0x4  }
0x10e: {  	(v2sf) =	vpush v4, $0x0  }
0x10f: {  	(v2sf) =	vpush v3, $0x1;
	_ =	sdelay $0xd  }
0x110: {  	s24 =	sshrl.u32 s24, $0xE;
	[tilespmem:s25+$0x14280] =	vst.add.s32.msk $0xffff, v8;
	s26 =	spop (v2sf)  }
0x111: {  	[tilespmem:s24+$0x14100] =	vst.add.f32.msk $0xffff, v9;
	v4 =	vnsel vm0, $0x0, v3;
	s29 =	spop (v2sf)  }
0x112: {  	[tilespmem:s26+$0x19A7F] =	vst.add.s32.msk $0xffff, v4;
	s30 =	sand.u32 $0x3FFF, s29  }
0x113: {  	v4 =	vld [tilespmem:s30+$0x14280];
	_ =	sdelay $0x4  }
0x114: {  	(v2sf) =	vpush v4, $0x0  }
0x115: {  	(v2sf) =	vpush v3, $0x2;
	_ =	sdelay $0xc  }
0x116: {  	v4 =	vbroadcast v3, $0x1  }
0x117: {  	s24 =	sshrl.u32 s29, $0xE;
	[tilespmem:s30+$0x14280] =	vst.add.s32.msk $0xffff, v8;
	s31 =	spop (v2sf)  }
0x118: {  	[tilespmem:s24+$0x14100] =	vst.add.f32.msk $0xffff, v9;
	v4 =	vnsel vm0, $0x0, v4;
	s25 =	spop (v2sf)  }
0x119: {  	[tilespmem:s31+$0x19A7F] =	vst.add.s32.msk $0xffff, v4;
	s26 =	sand.u32 $0x3FFF, s25  }
0x11a: {  	v4 =	vld [tilespmem:s26+$0x14280];
	_ =	sdelay $0x4  }
0x11b: {  	(v2sf) =	vpush v4, $0x0  }
0x11c: {  	(v2sf) =	vpush v3, $0x3;
	_ =	sdelay $0xc  }
0x11d: {  	v4 =	vbroadcast v3, $0x2  }
0x11e: {  	s24 =	sshrl.u32 s25, $0xE;
	[tilespmem:s26+$0x14280] =	vst.add.s32.msk $0xffff, v8;
	s28 =	spop (v2sf)  }
0x11f: {  	[tilespmem:s24+$0x14100] =	vst.add.f32.msk $0xffff, v9;
	v4 =	vnsel vm0, $0x0, v4;
	s29 =	spop (v2sf)  }
0x120: {  	[tilespmem:s28+$0x19A7F] =	vst.add.s32.msk $0xffff, v4;
	s30 =	sand.u32 $0x3FFF, s29  }
0x121: {  	v4 =	vld [tilespmem:s30+$0x14280];
	_ =	sdelay $0x4  }
0x122: {  	(v2sf) =	vpush v4, $0x0  }
0x123: {  	(v2sf) =	vpush v3, $0x4;
	_ =	sdelay $0xc  }
0x124: {  	v4 =	vbroadcast v3, $0x3  }
0x125: {  	s24 =	sshrl.u32 s29, $0xE;
	[tilespmem:s30+$0x14280] =	vst.add.s32.msk $0xffff, v8;
	s31 =	spop (v2sf)  }
0x126: {  	[tilespmem:s24+$0x14100] =	vst.add.f32.msk $0xffff, v9;
	v4 =	vnsel vm0, $0x0, v4;
	s25 =	spop (v2sf)  }
0x127: {  	[tilespmem:s31+$0x19A7F] =	vst.add.s32.msk $0xffff, v4;
	s26 =	sand.u32 $0x3FFF, s25  }
0x128: {  	v4 =	vld [tilespmem:s26+$0x14280];
	_ =	sdelay $0x4  }
0x129: {  	(v2sf) =	vpush v4, $0x0  }
0x12a: {  	(v2sf) =	vpush v3, $0x5;
	_ =	sdelay $0xc  }
0x12b: {  	v4 =	vbroadcast v3, $0x4  }
0x12c: {  	s24 =	sshrl.u32 s25, $0xE;
	[tilespmem:s26+$0x14280] =	vst.add.s32.msk $0xffff, v8;
	s28 =	spop (v2sf)  }
0x12d: {  	[tilespmem:s24+$0x14100] =	vst.add.f32.msk $0xffff, v9;
	v4 =	vnsel vm0, $0x0, v4;
	s29 =	spop (v2sf)  }
0x12e: {  	[tilespmem:s28+$0x19A7F] =	vst.add.s32.msk $0xffff, v4;
	s30 =	sand.u32 $0x3FFF, s29  }
0x12f: {  	v4 =	vld [tilespmem:s30+$0x14280];
	_ =	sdelay $0x4  }
0x130: {  	(v2sf) =	vpush v4, $0x0  }
0x131: {  	(v2sf) =	vpush v3, $0x6;
	_ =	sdelay $0xc  }
0x132: {  	v4 =	vbroadcast v3, $0x5  }
0x133: {  	s24 =	sshrl.u32 s29, $0xE;
	[tilespmem:s30+$0x14280] =	vst.add.s32.msk $0xffff, v8;
	s31 =	spop (v2sf)  }
0x134: {  	[tilespmem:s24+$0x14100] =	vst.add.f32.msk $0xffff, v9;
	v4 =	vnsel vm0, $0x0, v4;
	s25 =	spop (v2sf)  }
0x135: {  	[tilespmem:s31+$0x19A7F] =	vst.add.s32.msk $0xffff, v4;
	s26 =	sand.u32 $0x3FFF, s25  }
0x136: {  	v4 =	vld [tilespmem:s26+$0x14280];
	_ =	sdelay $0x4  }
0x137: {  	(v2sf) =	vpush v4, $0x0  }
0x138: {  	(v2sf) =	vpush v3, $0x7;
	_ =	sdelay $0xc  }
0x139: {  	v4 =	vbroadcast v3, $0x6  }
0x13a: {  	s24 =	sshrl.u32 s25, $0xE;
	[tilespmem:s26+$0x14280] =	vst.add.s32.msk $0xffff, v8;
	s28 =	spop (v2sf)  }
0x13b: {  	[tilespmem:s24+$0x14100] =	vst.add.f32.msk $0xffff, v9;
	v4 =	vnsel vm0, $0x0, v4;
	s29 =	spop (v2sf)  }
0x13c: {  	[tilespmem:s28+$0x19A7F] =	vst.add.s32.msk $0xffff, v4;
	s30 =	sand.u32 $0x3FFF, s29  }
0x13d: {  	v4 =	vld [tilespmem:s30+$0x14280];
	_ =	sdelay $0x4  }
0x13e: {  	(v2sf) =	vpush v4, $0x0  }
0x13f: {  	(v2sf) =	vpush v3, $0x8;
	_ =	sdelay $0xc  }
0x140: {  	v4 =	vbroadcast v3, $0x7  }
0x141: {  	s24 =	sshrl.u32 s29, $0xE;
	[tilespmem:s30+$0x14280] =	vst.add.s32.msk $0xffff, v8;
	s31 =	spop (v2sf)  }
0x142: {  	[tilespmem:s24+$0x14100] =	vst.add.f32.msk $0xffff, v9;
	v4 =	vnsel vm0, $0x0, v4;
	s25 =	spop (v2sf)  }
0x143: {  	[tilespmem:s31+$0x19A7F] =	vst.add.s32.msk $0xffff, v4;
	s26 =	sand.u32 $0x3FFF, s25  }
0x144: {  	v4 =	vld [tilespmem:s26+$0x14280];
	_ =	sdelay $0x4  }
0x145: {  	(v2sf) =	vpush v4, $0x0  }
0x146: {  	(v2sf) =	vpush v3, $0x9;
	_ =	sdelay $0xc  }
0x147: {  	v4 =	vbroadcast v3, $0x8  }
0x148: {  	s24 =	sshrl.u32 s25, $0xE;
	[tilespmem:s26+$0x14280] =	vst.add.s32.msk $0xffff, v8;
	s28 =	spop (v2sf)  }
0x149: {  	[tilespmem:s24+$0x14100] =	vst.add.f32.msk $0xffff, v9;
	v4 =	vnsel vm0, $0x0, v4;
	s29 =	spop (v2sf)  }
0x14a: {  	[tilespmem:s28+$0x19A7F] =	vst.add.s32.msk $0xffff, v4;
	s30 =	sand.u32 $0x3FFF, s29  }
0x14b: {  	v4 =	vld [tilespmem:s30+$0x14280];
	_ =	sdelay $0x4  }
0x14c: {  	(v2sf) =	vpush v4, $0x0  }
0x14d: {  	(v2sf) =	vpush v3, $0xA;
	_ =	sdelay $0xc  }
0x14e: {  	v4 =	vbroadcast v3, $0x9  }
0x14f: {  	s24 =	sshrl.u32 s29, $0xE;
	[tilespmem:s30+$0x14280] =	vst.add.s32.msk $0xffff, v8;
	s31 =	spop (v2sf)  }
0x150: {  	[tilespmem:s24+$0x14100] =	vst.add.f32.msk $0xffff, v9;
	v4 =	vnsel vm0, $0x0, v4;
	s25 =	spop (v2sf)  }
0x151: {  	[tilespmem:s31+$0x19A7F] =	vst.add.s32.msk $0xffff, v4;
	s26 =	sand.u32 $0x3FFF, s25  }
0x152: {  	v4 =	vld [tilespmem:s26+$0x14280];
	_ =	sdelay $0x4  }
0x153: {  	(v2sf) =	vpush v4, $0x0  }
0x154: {  	(v2sf) =	vpush v3, $0xB;
	_ =	sdelay $0xc  }
0x155: {  	v4 =	vbroadcast v3, $0xA  }
0x156: {  	s24 =	sshrl.u32 s25, $0xE;
	[tilespmem:s26+$0x14280] =	vst.add.s32.msk $0xffff, v8;
	s28 =	spop (v2sf)  }
0x157: {  	[tilespmem:s24+$0x14100] =	vst.add.f32.msk $0xffff, v9;
	v4 =	vnsel vm0, $0x0, v4;
	s29 =	spop (v2sf)  }
0x158: {  	[tilespmem:s28+$0x19A7F] =	vst.add.s32.msk $0xffff, v4;
	s30 =	sand.u32 $0x3FFF, s29  }
0x159: {  	v4 =	vld [tilespmem:s30+$0x14280];
	_ =	sdelay $0x4  }
0x15a: {  	(v2sf) =	vpush v4, $0x0  }
0x15b: {  	(v2sf) =	vpush v3, $0xC;
	_ =	sdelay $0xc  }
0x15c: {  	v4 =	vbroadcast v3, $0xB  }
0x15d: {  	s24 =	sshrl.u32 s29, $0xE;
	[tilespmem:s30+$0x14280] =	vst.add.s32.msk $0xffff, v8;
	s31 =	spop (v2sf)  }
0x15e: {  	[tilespmem:s24+$0x14100] =	vst.add.f32.msk $0xffff, v9;
	v4 =	vnsel vm0, $0x0, v4;
	s25 =	spop (v2sf)  }
0x15f: {  	[tilespmem:s31+$0x19A7F] =	vst.add.s32.msk $0xffff, v4;
	s26 =	sand.u32 $0x3FFF, s25  }
0x160: {  	v4 =	vld [tilespmem:s26+$0x14280];
	_ =	sdelay $0x4  }
0x161: {  	(v2sf) =	vpush v4, $0x0  }
0x162: {  	(v2sf) =	vpush v3, $0xD;
	_ =	sdelay $0xc  }
0x163: {  	v4 =	vbroadcast v3, $0xC  }
0x164: {  	s24 =	sshrl.u32 s25, $0xE;
	[tilespmem:s26+$0x14280] =	vst.add.s32.msk $0xffff, v8;
	s28 =	spop (v2sf)  }
0x165: {  	[tilespmem:s24+$0x14100] =	vst.add.f32.msk $0xffff, v9;
	v4 =	vnsel vm0, $0x0, v4;
	s29 =	spop (v2sf)  }
0x166: {  	[tilespmem:s28+$0x19A7F] =	vst.add.s32.msk $0xffff, v4;
	s30 =	sand.u32 $0x3FFF, s29  }
0x167: {  	v4 =	vld [tilespmem:s30+$0x14280];
	_ =	sdelay $0x4  }
0x168: {  	(v2sf) =	vpush v4, $0x0  }
0x169: {  	(v2sf) =	vpush v3, $0xE;
	_ =	sdelay $0xc  }
0x16a: {  	v4 =	vbroadcast v3, $0xD  }
0x16b: {  	s24 =	sshrl.u32 s29, $0xE;
	[tilespmem:s30+$0x14280] =	vst.add.s32.msk $0xffff, v8;
	s31 =	spop (v2sf)  }
0x16c: {  	[tilespmem:s24+$0x14100] =	vst.add.f32.msk $0xffff, v9;
	v4 =	vnsel vm0, $0x0, v4;
	s25 =	spop (v2sf)  }
0x16d: {  	[tilespmem:s31+$0x19A7F] =	vst.add.s32.msk $0xffff, v4;
	s26 =	sand.u32 $0x3FFF, s25  }
0x16e: {  	v4 =	vld [tilespmem:s26+$0x14280];
	_ =	sdelay $0x4  }
0x16f: {  	(v2sf) =	vpush v4, $0x0  }
0x170: {  	(v2sf) =	vpush v3, $0xF;
	_ =	sdelay $0xc  }
0x171: {  	v4 =	vbroadcast v3, $0xE  }
0x172: {  	s24 =	sshrl.u32 s25, $0xE;
	[tilespmem:s26+$0x14280] =	vst.add.s32.msk $0xffff, v8;
	s28 =	spop (v2sf)  }
0x173: {  	[tilespmem:s24+$0x14100] =	vst.add.f32.msk $0xffff, v9;
	v4 =	vnsel vm0, $0x0, v4;
	s29 =	spop (v2sf)  }
0x174: {  	[tilespmem:s28+$0x19A7F] =	vst.add.s32.msk $0xffff, v4;
	s30 =	sand.u32 $0x3FFF, s29  }
0x175: {  	v4 =	vld [tilespmem:s30+$0x14280];
	_ =	sdelay $0x4  }
0x176: {  	(v2sf) =	vpush v4, $0x0;
	_ =	sdelay $0xa  }
0x177: {  	p1 =	sne.s32 s23, $0x1  }
.Ltmp13:
0x178: {  	_ = 	snop;
	(pc) =	sbr.rel @p1 .LBB2_17-.Ltmp13, $4  }
0x179: {  	v3 =	vbroadcast v3, $0xF  }
0x17a: {  	s24 =	sshrl.u32 s29, $0xE;
	[tilespmem:s30+$0x14280] =	vst.add.s32.msk $0xffff, v8  }
0x17b: {  	v3 =	vnsel vm0, $0x0, v3;
	[tilespmem:s24+$0x14100] =	vst.add.f32.msk $0xffff, v9;
	s31 =	spop (v2sf)  }
0x17c: {  	s22 =	sadd.s32 $0x10, s22;
	s23 =	sadd.s32 $0xFFFFFFFF, s23;
	[tilespmem:s31+$0x19A7F] =	vst.add.s32.msk $0xffff, v3  }
.LBB2_18:
.Ltmp14:
0x17d: {  	(pc) =	sbr.rel .LBB2_19-.Ltmp14, $2  }
0x17e: {  	_ =	sdelay $0x2  }
0x17f: {  	s22 =	simm.s32 $0x0  }
.LBB2_28:
0x180: {  	v4 =	vmax.f32 v7, v4  }
0x181: {  	v3 =	vmax.f32 v6, v3;
	[tilespmem:s26+$0xA0E0] =	vst v4  }
0x182: {  	[tilespmem:s26+$0xA0F0] =	vst v3  }
.LBB2_29:
0x183: {  	p1 =	sgt.u32 s22, $0x136  }
0x184: {  	s23 =	sadd.s32 @!p1 s23, s8;
	s24 =	simm.s32 @!p1 $0x0;
	s25 =	simm.s32 @!p1 $0x1D600  }
0x185: {  	[tilespmem:s25], [sflag:$0x4] =	stream.linear.gather @!p1 [hbm4b:s23+s24], $0x400, $0x38;
	[tilespmem:$0x1DA80] =	vst v63  }
.LBB2_30:
0x186: {  	s22 =	sadd.s32 $0x1, s22  }
0x187: {  	p1 =	sne.s32 s22, $0x139  }
.Ltmp15:
0x188: {  	_ = 	snop;
	(pc) =	sbr.rel @!p1 .LBB2_31-.Ltmp15, $1  }
0x189: {  	_ =	sdelay $0x3  }
.LBB2_19:
0x18a: {  	_ =	swait.ge [sflag:s17], $0x400  }
0x18b: {  	s23 =	sshll.u32 s22, $0x5;
	[sflag:s17] =	ssyncset.done $0x0  }
0x18c: {  	s23 =	sand.u32 $0x3FFFFFE0, s23;
	[sflag:s17] =	ssyncadd.s32 $0xFFFFFC00  }
0x18d: {  	v3 =	vld [tilespmem:s23+$0x14280]  }
0x18e: {  	v4 =	vld [tilespmem:s23+$0x14290];
	_ =	sdelay $0x3  }
0x18f: {  	(v2sf) =	vpush v3, $0x0  }
0x190: {  	(v2sf) =	vpush v4, $0x0;
	_ =	sdelay $0xd  }
0x191: {  	s23 =	spop (v2sf)  }
0x192: {  	s24 =	spop (v2sf)  }
0x193: {  	s26 =	ssub.s32 s24, s23  }
0x194: {  	p1 =	slt.s32 s26, $0x1  }
.Ltmp16:
0x195: {  	_ = 	snop;
	(pc) =	sbr.rel @p1 .LBB2_23-.Ltmp16, $1  }
0x196: {  	_ =	sdelay $0x3  }
0x197: {  	s23 =	sadd.s32 $0x19A80, s23  }
0x198: {  	v3 =	vld [tilespmem:s23+$0x0];
	_ =	sdelay $0x4  }
0x199: {  	(v2sf) =	vpush v3, $0x0;
	_ =	sdelay $0xe  }
0x19a: {  	s25 =	spop (v2sf)  }
0x19b: {  	s28 =	sshll.u32 s25, $0x6  }
0x19c: {  	s24 =	sshll.u32 s22, $0xB;
	s29 =	sand.u32 $0xFFF80, s28  }
0x19d: {  	s28 =	sand.u32 $0x40, s28;
	s29 =	ssub.s32 s29, s24  }
0x19e: {  	s28 =	sadd.s32 s28, s29  }
0x19f: {  	v3 =	vld [tilespmem:s28+$0x1D200];
	_ =	sdelay $0x3  }
0x1a0: {  	s25 =	sshrl.u32 s25, $0x7  }
0x1a1: {  	s25 =	sand.u32 $0x1FFFF80, s25;
	v4 =	vshll.u32 v3, $0x10  }
0x1a2: {  	s30 =	sor.u32 $0x10, s25;
	v3 =	vand.u32 $0xFFFF0000, v3;
	[tilespmem:s25+$0x0] =	vst.add.f32.msk $0xffff, v4  }
0x1a3: {  	[tilespmem:s30+$0x0] =	vst.add.f32.msk $0xffff, v3  }
0x1a4: {  	v6 =	vld [tilespmem:s25+$0xA080]  }
0x1a5: {  	v7 =	vld [tilespmem:s25+$0xA090];
	_ =	sdelay $0x3  }
0x1a6: {  	v4 =	vmax.f32 v6, v4  }
0x1a7: {  	v3 =	vmax.f32 v7, v3;
	[tilespmem:s25+$0xA080] =	vst v4  }
0x1a8: {  	s28 =	sadd.s32 $0x1D200, s28;
	[tilespmem:s25+$0xA090] =	vst v3  }
0x1a9: {  	v3 =	vld [tilespmem:s28+$0x10];
	_ =	sdelay $0x4  }
0x1aa: {  	s31 =	sor.u32 $0x20, s25;
	v4 =	vshll.u32 v3, $0x10  }
0x1ab: {  	s30 =	sor.u32 $0x30, s25;
	v3 =	vand.u32 $0xFFFF0000, v3;
	[tilespmem:s31+$0x0] =	vst.add.f32.msk $0xffff, v4  }
0x1ac: {  	[tilespmem:s30+$0x0] =	vst.add.f32.msk $0xffff, v3  }
0x1ad: {  	v6 =	vld [tilespmem:s25+$0xA0A0]  }
0x1ae: {  	v7 =	vld [tilespmem:s25+$0xA0B0];
	_ =	sdelay $0x3  }
0x1af: {  	v4 =	vmax.f32 v6, v4  }
0x1b0: {  	v3 =	vmax.f32 v7, v3;
	[tilespmem:s25+$0xA0A0] =	vst v4  }
0x1b1: {  	[tilespmem:s25+$0xA0B0] =	vst v3  }
0x1b2: {  	v3 =	vld [tilespmem:s28+$0x20];
	_ =	sdelay $0x4  }
0x1b3: {  	s29 =	sor.u32 $0x40, s25;
	v4 =	vshll.u32 v3, $0x10  }
0x1b4: {  	s31 =	sor.u32 $0x50, s25;
	v3 =	vand.u32 $0xFFFF0000, v3;
	[tilespmem:s29+$0x0] =	vst.add.f32.msk $0xffff, v4  }
0x1b5: {  	[tilespmem:s31+$0x0] =	vst.add.f32.msk $0xffff, v3  }
0x1b6: {  	v6 =	vld [tilespmem:s25+$0xA0C0]  }
0x1b7: {  	v7 =	vld [tilespmem:s25+$0xA0D0];
	_ =	sdelay $0x3  }
0x1b8: {  	v4 =	vmax.f32 v6, v4  }
0x1b9: {  	v3 =	vmax.f32 v7, v3;
	[tilespmem:s25+$0xA0C0] =	vst v4  }
0x1ba: {  	[tilespmem:s25+$0xA0D0] =	vst v3  }
0x1bb: {  	v3 =	vld [tilespmem:s28+$0x30];
	_ =	sdelay $0x3  }
0x1bc: {  	p1 =	sne.s32 s26, $0x1  }
.Ltmp17:
0x1bd: {  	s30 =	sor.u32 $0x60, s25;
	v4 =	vshll.u32 v3, $0x10;
	(pc) =	sbr.rel @!p1 .LBB2_22-.Ltmp17, $4  }
0x1be: {  	s31 =	sor.u32 $0x70, s25;
	v3 =	vand.u32 $0xFFFF0000, v3;
	[tilespmem:s30+$0x0] =	vst.add.f32.msk $0xffff, v4  }
0x1bf: {  	[tilespmem:s31+$0x0] =	vst.add.f32.msk $0xffff, v3  }
0x1c0: {  	v7 =	vld [tilespmem:s25+$0xA0E0]  }
0x1c1: {  	s26 =	sadd.s32 $0xFFFFFFFF, s26;
	v6 =	vld [tilespmem:s25+$0xA0F0]  }
.LBB2_21:
0x1c2: {  	_ = 	snop  }
0x1c3: {  	p1 =	sne.s32 s26, $0x1;
	s26 =	sadd.s32 $0xFFFFFFFF, s26;
	s23 =	sadd.s32 $0x1, s23  }
0x1c4: {  	_ = 	snop  }
0x1c5: {  	v4 =	vmax.f32 v7, v4  }
0x1c6: {  	[tilespmem:s25+$0xA0E0] =	vst v4;
	v3 =	vmax.f32 v6, v3  }
0x1c7: {  	[tilespmem:s25+$0xA0F0] =	vst v3  }
0x1c8: {  	v3 =	vld [tilespmem:s23+$0x0];
	_ =	sdelay $0x4  }
0x1c9: {  	(v2sf) =	vpush v3, $0x0;
	_ =	sdelay $0xe  }
0x1ca: {  	s25 =	spop (v2sf)  }
0x1cb: {  	s28 =	sshll.u32 s25, $0x6;
	s25 =	sshrl.u32 s25, $0x7  }
0x1cc: {  	s29 =	sand.u32 $0xFFF80, s28  }
0x1cd: {  	s28 =	sand.u32 $0x40, s28;
	s29 =	ssub.s32 s29, s24  }
0x1ce: {  	s28 =	sadd.s32 s28, s29  }
0x1cf: {  	v3 =	vld [tilespmem:s28+$0x1D200];
	_ =	sdelay $0x4  }
0x1d0: {  	s25 =	sand.u32 $0x1FFFF80, s25;
	v4 =	vshll.u32 v3, $0x10  }
0x1d1: {  	s29 =	sor.u32 $0x10, s25;
	v3 =	vand.u32 $0xFFFF0000, v3;
	[tilespmem:s25+$0x0] =	vst.add.f32.msk $0xffff, v4  }
0x1d2: {  	[tilespmem:s29+$0x0] =	vst.add.f32.msk $0xffff, v3  }
0x1d3: {  	v6 =	vld [tilespmem:s25+$0xA080]  }
0x1d4: {  	v7 =	vld [tilespmem:s25+$0xA090];
	_ =	sdelay $0x3  }
0x1d5: {  	v4 =	vmax.f32 v6, v4  }
0x1d6: {  	s28 =	sadd.s32 $0x1D200, s28;
	[tilespmem:s25+$0xA080] =	vst v4;
	v3 =	vmax.f32 v7, v3  }
0x1d7: {  	[tilespmem:s25+$0xA090] =	vst v3  }
0x1d8: {  	v3 =	vld [tilespmem:s28+$0x10];
	_ =	sdelay $0x3  }
0x1d9: {  	s29 =	sor.u32 $0x20, s25  }
0x1da: {  	s30 =	sor.u32 $0x30, s25;
	v4 =	vshll.u32 v3, $0x10;
	v3 =	vand.u32 $0xFFFF0000, v3  }
0x1db: {  	[tilespmem:s29+$0x0] =	vst.add.f32.msk $0xffff, v4  }
0x1dc: {  	[tilespmem:s30+$0x0] =	vst.add.f32.msk $0xffff, v3  }
0x1dd: {  	v6 =	vld [tilespmem:s25+$0xA0A0]  }
0x1de: {  	v7 =	vld [tilespmem:s25+$0xA0B0];
	_ =	sdelay $0x3  }
0x1df: {  	v4 =	vmax.f32 v6, v4  }
0x1e0: {  	[tilespmem:s25+$0xA0A0] =	vst v4;
	v3 =	vmax.f32 v7, v3  }
0x1e1: {  	[tilespmem:s25+$0xA0B0] =	vst v3  }
0x1e2: {  	v3 =	vld [tilespmem:s28+$0x20];
	_ =	sdelay $0x2  }
0x1e3: {  	s29 =	sor.u32 $0x40, s25  }
0x1e4: {  	s30 =	sor.u32 $0x50, s25  }
0x1e5: {  	v4 =	vshll.u32 v3, $0x10;
	v3 =	vand.u32 $0xFFFF0000, v3  }
0x1e6: {  	[tilespmem:s29+$0x0] =	vst.add.f32.msk $0xffff, v4  }
0x1e7: {  	[tilespmem:s30+$0x0] =	vst.add.f32.msk $0xffff, v3  }
0x1e8: {  	v6 =	vld [tilespmem:s25+$0xA0C0]  }
0x1e9: {  	v7 =	vld [tilespmem:s25+$0xA0D0];
	_ =	sdelay $0x3  }
0x1ea: {  	v4 =	vmax.f32 v6, v4  }
0x1eb: {  	[tilespmem:s25+$0xA0C0] =	vst v4;
	v3 =	vmax.f32 v7, v3  }
0x1ec: {  	[tilespmem:s25+$0xA0D0] =	vst v3  }
0x1ed: {  	v3 =	vld [tilespmem:s28+$0x30];
	_ =	sdelay $0x1  }
0x1ee: {  	s28 =	sor.u32 $0x60, s25  }
0x1ef: {  	s29 =	sor.u32 $0x70, s25;
	_ =	sdelay $0x1  }
.Ltmp18:
0x1f0: {  	v4 =	vshll.u32 v3, $0x10;
	v3 =	vand.u32 $0xFFFF0000, v3;
	(pc) =	sbr.rel @p1 .LBB2_21-.Ltmp18, $4  }
0x1f1: {  	[tilespmem:s28+$0x0] =	vst.add.f32.msk $0xffff, v4  }
0x1f2: {  	[tilespmem:s29+$0x0] =	vst.add.f32.msk $0xffff, v3  }
0x1f3: {  	v7 =	vld [tilespmem:s25+$0xA0E0]  }
0x1f4: {  	v6 =	vld [tilespmem:s25+$0xA0F0]  }
.LBB2_22:
0x1f5: {  	_ =	sdelay $0x2  }
0x1f6: {  	v4 =	vmax.f32 v7, v4  }
0x1f7: {  	[tilespmem:s25+$0xA0E0] =	vst v4;
	v3 =	vmax.f32 v6, v3  }
0x1f8: {  	[tilespmem:s25+$0xA0F0] =	vst v3  }
.LBB2_23:
0x1f9: {  	p1 =	seq.s32 s22, $0x138  }
.Ltmp19:
0x1fa: {  	_ = 	snop;
	(pc) =	sbr.rel @p1 .LBB2_31-.Ltmp19, $1  }
0x1fb: {  	_ =	sdelay $0x3  }
0x1fc: {  	s23 =	sshll.u32 s22, $0x8  }
0x1fd: {  	s24 =	sshll.u32 s22, $0x1;
	s25 =	sadd.s32 s23, s7  }
0x1fe: {  	[tilespmem:s15], [sflag:$0x3] =	stream.linear.gather [hbm4b:s25+s3], $0x400, $0x38;
	[tilespmem:$0x1DA80] =	vst v63  }
0x1ff: {  	s25 =	sor.u32 $0x1, s24  }
0x200: {  	p1 =	sgt.u32 s25, $0x270  }
.Ltmp20:
0x201: {  	_ = 	snop;
	(pc) =	sbr.rel @p1 .LBB2_30-.Ltmp20, $1  }
0x202: {  	_ =	sdelay $0x3  }
0x203: {  	_ =	swait.ge [sflag:s18], $0x400  }
0x204: {  	s24 =	sshll.u32 s25, $0x4;
	[sflag:s18] =	ssyncset.done $0x0  }
0x205: {  	s24 =	sand.u32 $0x3FFFFFF0, s24;
	[sflag:s18] =	ssyncadd.s32 $0xFFFFFC00  }
0x206: {  	v3 =	vld [tilespmem:s24+$0x14280]  }
0x207: {  	v4 =	vld [tilespmem:s24+$0x14290];
	_ =	sdelay $0x3  }
0x208: {  	(v2sf) =	vpush v3, $0x0  }
0x209: {  	(v2sf) =	vpush v4, $0x0;
	_ =	sdelay $0xd  }
0x20a: {  	s24 =	spop (v2sf)  }
0x20b: {  	s26 =	spop (v2sf)  }
0x20c: {  	s28 =	ssub.s32 s26, s24  }
0x20d: {  	p1 =	slt.s32 s28, $0x1  }
.Ltmp21:
0x20e: {  	_ = 	snop;
	(pc) =	sbr.rel @p1 .LBB2_29-.Ltmp21, $1  }
0x20f: {  	_ =	sdelay $0x3  }
0x210: {  	s24 =	sadd.s32 $0x19A80, s24  }
0x211: {  	v3 =	vld [tilespmem:s24+$0x0];
	_ =	sdelay $0x4  }
0x212: {  	(v2sf) =	vpush v3, $0x0;
	_ =	sdelay $0xe  }
0x213: {  	s26 =	spop (v2sf)  }
0x214: {  	s29 =	sshll.u32 s26, $0x6  }
0x215: {  	s25 =	sshll.u32 s25, $0xA;
	s30 =	sand.u32 $0xFFF80, s29  }
0x216: {  	s29 =	sand.u32 $0x40, s29;
	s30 =	ssub.s32 s30, s25  }
0x217: {  	s29 =	sadd.s32 s29, s30  }
0x218: {  	v3 =	vld [tilespmem:s29+$0x1D600];
	_ =	sdelay $0x3  }
0x219: {  	s26 =	sshrl.u32 s26, $0x7  }
0x21a: {  	s26 =	sand.u32 $0x1FFFF80, s26;
	v4 =	vshll.u32 v3, $0x10  }
0x21b: {  	s31 =	sor.u32 $0x10, s26;
	v3 =	vand.u32 $0xFFFF0000, v3;
	[tilespmem:s26+$0x0] =	vst.add.f32.msk $0xffff, v4  }
0x21c: {  	[tilespmem:s31+$0x0] =	vst.add.f32.msk $0xffff, v3  }
0x21d: {  	v6 =	vld [tilespmem:s26+$0xA080]  }
0x21e: {  	v7 =	vld [tilespmem:s26+$0xA090];
	_ =	sdelay $0x3  }
0x21f: {  	v4 =	vmax.f32 v6, v4  }
0x220: {  	v3 =	vmax.f32 v7, v3;
	[tilespmem:s26+$0xA080] =	vst v4  }
0x221: {  	s29 =	sadd.s32 $0x1D600, s29;
	[tilespmem:s26+$0xA090] =	vst v3  }
0x222: {  	v3 =	vld [tilespmem:s29+$0x10];
	_ =	sdelay $0x4  }
0x223: {  	s30 =	sor.u32 $0x20, s26;
	v4 =	vshll.u32 v3, $0x10  }
0x224: {  	s31 =	sor.u32 $0x30, s26;
	v3 =	vand.u32 $0xFFFF0000, v3;
	[tilespmem:s30+$0x0] =	vst.add.f32.msk $0xffff, v4  }
0x225: {  	[tilespmem:s31+$0x0] =	vst.add.f32.msk $0xffff, v3  }
0x226: {  	v6 =	vld [tilespmem:s26+$0xA0A0]  }
0x227: {  	v7 =	vld [tilespmem:s26+$0xA0B0];
	_ =	sdelay $0x3  }
0x228: {  	v4 =	vmax.f32 v6, v4  }
0x229: {  	v3 =	vmax.f32 v7, v3;
	[tilespmem:s26+$0xA0A0] =	vst v4  }
0x22a: {  	[tilespmem:s26+$0xA0B0] =	vst v3  }
0x22b: {  	v3 =	vld [tilespmem:s29+$0x20];
	_ =	sdelay $0x4  }
0x22c: {  	s30 =	sor.u32 $0x40, s26;
	v4 =	vshll.u32 v3, $0x10  }
0x22d: {  	s31 =	sor.u32 $0x50, s26;
	v3 =	vand.u32 $0xFFFF0000, v3;
	[tilespmem:s30+$0x0] =	vst.add.f32.msk $0xffff, v4  }
0x22e: {  	[tilespmem:s31+$0x0] =	vst.add.f32.msk $0xffff, v3  }
0x22f: {  	v6 =	vld [tilespmem:s26+$0xA0C0]  }
0x230: {  	v7 =	vld [tilespmem:s26+$0xA0D0];
	_ =	sdelay $0x3  }
0x231: {  	v4 =	vmax.f32 v6, v4  }
0x232: {  	v3 =	vmax.f32 v7, v3;
	[tilespmem:s26+$0xA0C0] =	vst v4  }
0x233: {  	[tilespmem:s26+$0xA0D0] =	vst v3  }
0x234: {  	v3 =	vld [tilespmem:s29+$0x30];
	_ =	sdelay $0x4  }
0x235: {  	s29 =	sor.u32 $0x60, s26;
	v4 =	vshll.u32 v3, $0x10  }
0x236: {  	s31 =	sor.u32 $0x70, s26;
	v3 =	vand.u32 $0xFFFF0000, v3;
	[tilespmem:s29+$0x0] =	vst.add.f32.msk $0xffff, v4  }
0x237: {  	p1 =	sne.s32 s28, $0x1;
	[tilespmem:s31+$0x0] =	vst.add.f32.msk $0xffff, v3  }
.Ltmp22:
0x238: {  	v7 =	vld [tilespmem:s26+$0xA0E0];
	(pc) =	sbr.rel @!p1 .LBB2_28-.Ltmp22, $2  }
0x239: {  	v6 =	vld [tilespmem:s26+$0xA0F0];
	_ =	sdelay $0x2  }
0x23a: {  	s28 =	sadd.s32 $0xFFFFFFFF, s28  }
.LBB2_27:
0x23b: {  	p1 =	sne.s32 s28, $0x1;
	s28 =	sadd.s32 $0xFFFFFFFF, s28;
	s24 =	sadd.s32 $0x1, s24  }
0x23c: {  	_ = 	snop  }
0x23d: {  	v4 =	vmax.f32 v7, v4  }
0x23e: {  	v3 =	vmax.f32 v6, v3;
	[tilespmem:s26+$0xA0E0] =	vst v4  }
0x23f: {  	[tilespmem:s26+$0xA0F0] =	vst v3  }
0x240: {  	v3 =	vld [tilespmem:s24+$0x0];
	_ =	sdelay $0x4  }
0x241: {  	(v2sf) =	vpush v3, $0x0;
	_ =	sdelay $0xe  }
0x242: {  	s26 =	spop (v2sf)  }
0x243: {  	s29 =	sshll.u32 s26, $0x6;
	s26 =	sshrl.u32 s26, $0x7  }
0x244: {  	s30 =	sand.u32 $0xFFF80, s29  }
0x245: {  	s29 =	sand.u32 $0x40, s29;
	s30 =	ssub.s32 s30, s25  }
0x246: {  	s29 =	sadd.s32 s29, s30  }
0x247: {  	v3 =	vld [tilespmem:s29+$0x1D600];
	_ =	sdelay $0x4  }
0x248: {  	s26 =	sand.u32 $0x1FFFF80, s26;
	v4 =	vshll.u32 v3, $0x10  }
0x249: {  	s30 =	sor.u32 $0x10, s26;
	v3 =	vand.u32 $0xFFFF0000, v3;
	[tilespmem:s26+$0x0] =	vst.add.f32.msk $0xffff, v4  }
0x24a: {  	[tilespmem:s30+$0x0] =	vst.add.f32.msk $0xffff, v3  }
0x24b: {  	v6 =	vld [tilespmem:s26+$0xA080]  }
0x24c: {  	v7 =	vld [tilespmem:s26+$0xA090];
	_ =	sdelay $0x3  }
0x24d: {  	v4 =	vmax.f32 v6, v4  }
0x24e: {  	s29 =	sadd.s32 $0x1D600, s29;
	[tilespmem:s26+$0xA080] =	vst v4;
	v3 =	vmax.f32 v7, v3  }
0x24f: {  	[tilespmem:s26+$0xA090] =	vst v3  }
0x250: {  	v3 =	vld [tilespmem:s29+$0x10];
	_ =	sdelay $0x3  }
0x251: {  	s30 =	sor.u32 $0x20, s26  }
0x252: {  	s31 =	sor.u32 $0x30, s26;
	v4 =	vshll.u32 v3, $0x10;
	v3 =	vand.u32 $0xFFFF0000, v3  }
0x253: {  	[tilespmem:s30+$0x0] =	vst.add.f32.msk $0xffff, v4  }
0x254: {  	[tilespmem:s31+$0x0] =	vst.add.f32.msk $0xffff, v3  }
0x255: {  	v6 =	vld [tilespmem:s26+$0xA0A0]  }
0x256: {  	v7 =	vld [tilespmem:s26+$0xA0B0];
	_ =	sdelay $0x3  }
0x257: {  	v4 =	vmax.f32 v6, v4  }
0x258: {  	[tilespmem:s26+$0xA0A0] =	vst v4;
	v3 =	vmax.f32 v7, v3  }
0x259: {  	[tilespmem:s26+$0xA0B0] =	vst v3  }
0x25a: {  	v3 =	vld [tilespmem:s29+$0x20];
	_ =	sdelay $0x2  }
0x25b: {  	s30 =	sor.u32 $0x40, s26  }
0x25c: {  	s31 =	sor.u32 $0x50, s26  }
0x25d: {  	v4 =	vshll.u32 v3, $0x10;
	v3 =	vand.u32 $0xFFFF0000, v3  }
0x25e: {  	[tilespmem:s30+$0x0] =	vst.add.f32.msk $0xffff, v4  }
0x25f: {  	[tilespmem:s31+$0x0] =	vst.add.f32.msk $0xffff, v3  }
0x260: {  	v6 =	vld [tilespmem:s26+$0xA0C0]  }
0x261: {  	v7 =	vld [tilespmem:s26+$0xA0D0];
	_ =	sdelay $0x3  }
0x262: {  	v4 =	vmax.f32 v6, v4  }
0x263: {  	[tilespmem:s26+$0xA0C0] =	vst v4;
	v3 =	vmax.f32 v7, v3  }
0x264: {  	[tilespmem:s26+$0xA0D0] =	vst v3  }
0x265: {  	v3 =	vld [tilespmem:s29+$0x30];
	_ =	sdelay $0x1  }
0x266: {  	s29 =	sor.u32 $0x60, s26  }
0x267: {  	s30 =	sor.u32 $0x70, s26;
	_ =	sdelay $0x1  }
.Ltmp23:
0x268: {  	v4 =	vshll.u32 v3, $0x10;
	v3 =	vand.u32 $0xFFFF0000, v3;
	(pc) =	sbr.rel @p1 .LBB2_27-.Ltmp23, $4  }
0x269: {  	[tilespmem:s29+$0x0] =	vst.add.f32.msk $0xffff, v4  }
0x26a: {  	[tilespmem:s30+$0x0] =	vst.add.f32.msk $0xffff, v3  }
0x26b: {  	v7 =	vld [tilespmem:s26+$0xA0E0]  }
0x26c: {  	v6 =	vld [tilespmem:s26+$0xA0F0]  }
.Ltmp24:
0x26d: {  	_ = 	snop;
	(pc) =	sbr.rel .LBB2_28-.Ltmp24, $1  }
0x26e: {  	_ =	sdelay $0x3  }
.LBB2_31:
0x26f: {  	s22 =	simm.s32 $0x40;
	s23 =	simm.s32 $0x0  }
.LBB2_32:
0x270: {  	p1 =	seq.s32 s22, $0x9C40;
	[tilespmem:s23+$0x14280] =	vst v2;
	s23 =	smov.u32 s22;
	s22 =	sadd.s32 $0x40, s22  }
.Ltmp25:
0x271: {  	(pc) =	sbr.rel @!p1 .LBB2_32-.Ltmp25, $2  }
0x272: {  	_ =	sdelay $0x2  }
0x273: {  	s23 =	sshra.s32 s23, $0x2  }
.Ltmp26:
0x274: {  	(pc) =	sbr.rel @!p0 .LBB2_36-.Ltmp26, $2  }
0x275: {  	_ =	sdelay $0x2  }
0x276: {  	[tilespmem:s23+$0x14280] =	vst v2;
	s22 =	simm.s32 $0x0;
	s23 =	simm.s32 $0x19A80  }
0x277: {  	p0 =	sne.s32 s21, $0x1  }
.Ltmp27:
0x278: {  	_ = 	snop;
	(pc) =	sbr.rel @!p0 .LBB2_36-.Ltmp27, $2  }
0x279: {  	_ =	sdelay $0x2  }
0x27a: {  	s21 =	sadd.s32 $0xFFFFFFFF, s21;
	[tilespmem:s23+$0x0] =	vst v2  }
.LBB2_35:
0x27b: {  	p0 =	sne.s32 s21, $0x1  }
.Ltmp28:
0x27c: {  	_ = 	snop;
	(pc) =	sbr.rel @p0 .LBB2_35-.Ltmp28, $3  }
0x27d: {  	_ =	sdelay $0x1  }
0x27e: {  	s21 =	sadd.s32 $0xFFFFFFFF, s21;
	s23 =	sadd.s32 $0x10, s23  }
0x27f: {  	[tilespmem:s23+$0x0] =	vst v2  }
.Ltmp29:
0x280: {  	_ = 	snop;
	(pc) =	sbr.rel .LBB2_36-.Ltmp29, $1  }
0x281: {  	_ =	sdelay $0x3  }
.LBB2_37:
0x282: {  	s20 =	simm.s32 $0x0  }
0x283: {  	v8 =	vld [tilespmem:s20+$0xA370];
	_ =	sdelay $0x4  }
0x284: {  	[tilespmem:$0x1FCA0] =	vst v8;
	v8 =	vld [tilespmem:s20+$0xA380];
	_ =	sdelay $0x4  }
0x285: {  	[tilespmem:$0x1FCB0] =	vst v8;
	v8 =	vld [tilespmem:s20+$0xA390];
	_ =	sdelay $0x4  }
0x286: {  	[tilespmem:$0x1FCC0] =	vst v8;
	v8 =	vld [tilespmem:s20+$0xA3A0];
	_ =	sdelay $0x4  }
0x287: {  	[tilespmem:$0x1FCD0] =	vst v8;
	v8 =	vld [tilespmem:s20+$0xA3B0];
	_ =	sdelay $0x4  }
0x288: {  	[tilespmem:$0x1FCE0] =	vst v8;
	v8 =	vld [tilespmem:s20+$0xA3C0];
	_ =	sdelay $0x4  }
0x289: {  	[tilespmem:$0x1FCF0] =	vst v8;
	v8 =	vld [tilespmem:s20+$0xA3D0];
	_ =	sdelay $0x4  }
0x28a: {  	[tilespmem:$0x1FD00] =	vst v8;
	v8 =	vld [tilespmem:s20+$0xA3E0];
	_ =	sdelay $0x4  }
0x28b: {  	[tilespmem:$0x1FD10] =	vst v8;
	v8 =	vld [tilespmem:s20+$0xA3F0];
	_ =	sdelay $0x4  }
0x28c: {  	[tilespmem:$0x1FD20] =	vst v8;
	v8 =	vld [tilespmem:s20+$0xA400];
	_ =	sdelay $0x4  }
0x28d: {  	[tilespmem:$0x1FD30] =	vst v8;
	v8 =	vld [tilespmem:s20+$0xA410];
	_ =	sdelay $0x4  }
0x28e: {  	[tilespmem:$0x1FD40] =	vst v8;
	v8 =	vld [tilespmem:s20+$0xA420];
	_ =	sdelay $0x4  }
0x28f: {  	[tilespmem:$0x1FD50] =	vst v8;
	v8 =	vld [tilespmem:s20+$0xA430];
	_ =	sdelay $0x4  }
0x290: {  	[tilespmem:$0x1FD60] =	vst v8;
	v8 =	vld [tilespmem:s20+$0xA440];
	_ =	sdelay $0x4  }
0x291: {  	[tilespmem:$0x1FD70] =	vst v8;
	v8 =	vld [tilespmem:s20+$0xA450];
	_ =	sdelay $0x4  }
0x292: {  	[tilespmem:$0x1FD80] =	vst v8;
	v8 =	vld [tilespmem:s20+$0xA460];
	_ =	sdelay $0x4  }
0x293: {  	[tilespmem:$0x1FD90] =	vst v8;
	v8 =	vld [tilespmem:s20+$0xA470];
	_ =	sdelay $0x4  }
0x294: {  	[tilespmem:$0x1FDA0] =	vst v8;
	v8 =	vld [tilespmem:s20+$0xA480];
	_ =	sdelay $0x4  }
0x295: {  	[tilespmem:$0x1FDB0] =	vst v8;
	v8 =	vld [tilespmem:s20+$0xA490];
	_ =	sdelay $0x4  }
0x296: {  	[tilespmem:$0x1FDC0] =	vst v8;
	v8 =	vld [tilespmem:s20+$0xA4A0];
	_ =	sdelay $0x4  }
0x297: {  	[tilespmem:$0x1FDD0] =	vst v8;
	v8 =	vld [tilespmem:s20+$0xA4B0];
	_ =	sdelay $0x4  }
0x298: {  	[tilespmem:$0x1FDE0] =	vst v8;
	v8 =	vld [tilespmem:s20+$0xA4C0];
	_ =	sdelay $0x4  }
0x299: {  	[tilespmem:$0x1FDF0] =	vst v8;
	v8 =	vld [tilespmem:s20+$0xA4D0];
	_ =	sdelay $0x4  }
0x29a: {  	[tilespmem:$0x1FE00] =	vst v8;
	v8 =	vld [tilespmem:s20+$0xA4E0];
	_ =	sdelay $0x4  }
0x29b: {  	[tilespmem:$0x1FE10] =	vst v8;
	v8 =	vld [tilespmem:s20+$0xA4F0];
	_ =	sdelay $0x4  }
0x29c: {  	[tilespmem:$0x1FE20] =	vst v8;
	v8 =	vld [tilespmem:s20+$0xA500];
	_ =	sdelay $0x4  }
0x29d: {  	[tilespmem:$0x1FE30] =	vst v8;
	v8 =	vld [tilespmem:s20+$0xA510];
	_ =	sdelay $0x4  }
0x29e: {  	[tilespmem:$0x1FE40] =	vst v8;
	v8 =	vld [tilespmem:s20+$0xA520];
	_ =	sdelay $0x4  }
0x29f: {  	[tilespmem:$0x1FE50] =	vst v8;
	v8 =	vld [tilespmem:s20+$0xA530];
	_ =	sdelay $0x4  }
0x2a0: {  	[tilespmem:$0x1FE60] =	vst v8;
	v8 =	vld [tilespmem:s20+$0xA540];
	_ =	sdelay $0x4  }
0x2a1: {  	[tilespmem:$0x1FE70] =	vst v8;
	v8 =	vld [tilespmem:s20+$0xA550];
	_ =	sdelay $0x4  }
0x2a2: {  	[tilespmem:$0x1FE80] =	vst v8;
	v8 =	vld [tilespmem:s20+$0xA560];
	_ =	sdelay $0x4  }
0x2a3: {  	[tilespmem:$0x1FE90] =	vst v8;
	v8 =	vld [tilespmem:s20+$0xA570];
	_ =	sdelay $0x4  }
0x2a4: {  	[tilespmem:$0x1FEA0] =	vst v8;
	v8 =	vld [tilespmem:s20+$0xA580];
	_ =	sdelay $0x4  }
0x2a5: {  	[tilespmem:$0x1FEB0] =	vst v8;
	v8 =	vld [tilespmem:s20+$0xA590];
	_ =	sdelay $0x4  }
0x2a6: {  	[tilespmem:$0x1FEC0] =	vst v8;
	v8 =	vld [tilespmem:s20+$0xA5A0];
	_ =	sdelay $0x4  }
0x2a7: {  	[tilespmem:$0x1FED0] =	vst v8;
	v8 =	vld [tilespmem:s20+$0xA5B0];
	_ =	sdelay $0x4  }
0x2a8: {  	[tilespmem:$0x1FEE0] =	vst v8;
	v8 =	vld [tilespmem:s20+$0xA5C0];
	_ =	sdelay $0x4  }
0x2a9: {  	[tilespmem:$0x1FEF0] =	vst v8;
	v8 =	vld [tilespmem:s20+$0xA5D0];
	_ =	sdelay $0x1  }
0x2aa: {  	v7 =	vld [tilespmem:$0x1DA00]  }
0x2ab: {  	v48 =	vld [tilespmem:s20+$0xA080]  }
0x2ac: {  	v49 =	vld [tilespmem:s20+$0xA090]  }
0x2ad: {  	[tilespmem:$0x1FF00] =	vst v8;
	v8 =	vld [tilespmem:s20+$0xA5E0]  }
0x2ae: {  	v47 =	vld [tilespmem:s20+$0xA0A0]  }
0x2af: {  	v46 =	vld [tilespmem:s20+$0xA0B0]  }
0x2b0: {  	v45 =	vld [tilespmem:s20+$0xA0C0]  }
0x2b1: {  	v44 =	vld [tilespmem:s20+$0xA0D0]  }
0x2b2: {  	[tilespmem:$0x1FF10] =	vst v8;
	v8 =	vld [tilespmem:s20+$0xA5F0]  }
0x2b3: {  	v43 =	vld [tilespmem:s20+$0xA0E0]  }
0x2b4: {  	v42 =	vld [tilespmem:s20+$0xA0F0]  }
0x2b5: {  	v41 =	vld [tilespmem:s20+$0xA100]  }
0x2b6: {  	v40 =	vld [tilespmem:s20+$0xA110]  }
0x2b7: {  	[tilespmem:$0x1FF20] =	vst v8;
	v8 =	vld [tilespmem:s20+$0xA600]  }
0x2b8: {  	v39 =	vld [tilespmem:s20+$0xA120]  }
0x2b9: {  	v38 =	vld [tilespmem:s20+$0xA130]  }
0x2ba: {  	v37 =	vld [tilespmem:s20+$0xA140]  }
0x2bb: {  	v36 =	vld [tilespmem:s20+$0xA150]  }
0x2bc: {  	[tilespmem:$0x1FF30] =	vst v8;
	v8 =	vld [tilespmem:s20+$0xA610]  }
0x2bd: {  	v35 =	vld [tilespmem:s20+$0xA160]  }
0x2be: {  	v34 =	vld [tilespmem:s20+$0xA170]  }
0x2bf: {  	v33 =	vld [tilespmem:s20+$0xA180]  }
0x2c0: {  	v32 =	vld [tilespmem:s20+$0xA190]  }
0x2c1: {  	[tilespmem:$0x1FF40] =	vst v8;
	v8 =	vld [tilespmem:s20+$0xA620]  }
0x2c2: {  	v31 =	vld [tilespmem:s20+$0xA1A0]  }
0x2c3: {  	v30 =	vld [tilespmem:s20+$0xA1B0]  }
0x2c4: {  	v29 =	vld [tilespmem:s20+$0xA1C0]  }
0x2c5: {  	v28 =	vld [tilespmem:s20+$0xA1D0]  }
0x2c6: {  	[tilespmem:$0x1FF50] =	vst v8;
	v8 =	vld [tilespmem:s20+$0xA630]  }
0x2c7: {  	v26 =	vld [tilespmem:s20+$0xA1E0]  }
0x2c8: {  	v23 =	vld [tilespmem:s20+$0xA1F0]  }
0x2c9: {  	v22 =	vld [tilespmem:s20+$0xA200]  }
0x2ca: {  	v21 =	vld [tilespmem:s20+$0xA210]  }
0x2cb: {  	[tilespmem:$0x1FF60] =	vst v8;
	v8 =	vld [tilespmem:s20+$0xA640]  }
0x2cc: {  	v20 =	vld [tilespmem:s20+$0xA220]  }
0x2cd: {  	v19 =	vld [tilespmem:s20+$0xA230]  }
0x2ce: {  	v18 =	vld [tilespmem:s20+$0xA240]  }
0x2cf: {  	v17 =	vld [tilespmem:s20+$0xA250]  }
0x2d0: {  	[tilespmem:$0x1FF70] =	vst v8;
	v8 =	vld [tilespmem:s20+$0xA650]  }
0x2d1: {  	v16 =	vld [tilespmem:s20+$0xA260]  }
0x2d2: {  	v15 =	vld [tilespmem:s20+$0xA270]  }
0x2d3: {  	v14 =	vld [tilespmem:s20+$0xA280]  }
0x2d4: {  	v13 =	vld [tilespmem:s20+$0xA290]  }
0x2d5: {  	[tilespmem:$0x1FF80] =	vst v8;
	v8 =	vld [tilespmem:s20+$0xA660]  }
0x2d6: {  	v12 =	vld [tilespmem:s20+$0xA2A0]  }
0x2d7: {  	v11 =	vld [tilespmem:s20+$0xA2B0]  }
0x2d8: {  	v10 =	vld [tilespmem:s20+$0xA2C0]  }
0x2d9: {  	v9 =	vld [tilespmem:s20+$0xA2D0]  }
0x2da: {  	v27 =	vld [tilespmem:s20+$0xA2E0];
	[tilespmem:$0x1FF90] =	vst v8;
	v8 =	vbroadcast v7, $0x0  }
0x2db: {  	v25 =	vld [tilespmem:s20+$0xA2F0]  }
0x2dc: {  	[tilespmem:$0x1FFA0] =	vst v8;
	v8 =	vld [tilespmem:s20+$0xA670]  }
0x2dd: {  	v6 =	vld [tilespmem:s20+$0xA300]  }
0x2de: {  	v24 =	vld [tilespmem:s20+$0xA310]  }
0x2df: {  	v3 =	vld [tilespmem:s20+$0xA320]  }
0x2e0: {  	v4 =	vld [tilespmem:s20+$0xA330]  }
0x2e1: {  	v63 =	vld [tilespmem:s20+$0xA340];
	[tilespmem:$0x1FFB0] =	vst v8;
	v8 =	vbroadcast v7, $0x1  }
0x2e2: {  	v62 =	vld [tilespmem:s20+$0xA350];
	v7 =	vbroadcast v7, $0x2  }
0x2e3: {  	v61 =	vld [tilespmem:s20+$0xA360];
	[tilespmem:$0x1FFC0] =	vst v8  }
0x2e4: {  	s22 =	simm.s32 $0x0;
	s21 =	simm.s32 $0x1;
	v60 =	vld [tilespmem:s20+$0xA680];
	[tilespmem:$0x1FFD0] =	vst v7  }
.LBB2_38:
0x2e5: {  	v7 =	vld [tilespmem:s20+$0xA690];
	_ =	sdelay $0x4  }
0x2e6: {  	[tilespmem:$0x1FB90] =	vst v7;
	v7 =	vld [tilespmem:s20+$0xA6A0];
	_ =	sdelay $0x4  }
0x2e7: {  	[tilespmem:$0x1FBA0] =	vst v7;
	v7 =	vld [tilespmem:s20+$0xA6B0];
	_ =	sdelay $0x4  }
0x2e8: {  	[tilespmem:$0x1FBB0] =	vst v7;
	v7 =	vld [tilespmem:s20+$0xA6C0];
	_ =	sdelay $0x2  }
0x2e9: {  	s22 =	sand.u32 $0x3FFFFFF0, s22  }
0x2ea: {  	v8 =	vld [tilespmem:s22+$0x14100]  }
0x2eb: {  	[tilespmem:$0x1FBC0] =	vst v7;
	v7 =	vld [tilespmem:s20+$0xA6D0];
	_ =	sdelay $0x4  }
0x2ec: {  	[tilespmem:$0x1FBD0] =	vst v7;
	v7 =	vmax.f32 v8, $1.000000000e+00  }
0x2ed: {  	(erf) = vrcp.f32 v7;
	v7 =	vld [tilespmem:s20+$0xA700];
	_ =	sdelay $0x4  }
0x2ee: {  	[tilespmem:$0x1FC00] =	vst v7;
	v7 =	vld [tilespmem:s20+$0xA710];
	_ =	sdelay $0x4  }
0x2ef: {  	[tilespmem:$0x1FC10] =	vst v7;
	v7 =	vld [tilespmem:s20+$0xA720];
	_ =	sdelay $0x2  }
0x2f0: {  	v50 =	vld [tilespmem:s20+$0xA6E0]  }
0x2f1: {  	v57 =	vld [tilespmem:s20+$0xA6F0]  }
0x2f2: {  	[tilespmem:$0x1FC20] =	vst v7;
	v7 =	vld [tilespmem:s20+$0xA730];
	_ =	sdelay $0x1  }
0x2f3: {  	[tilespmem:$0x1FB80] =	vst v60  }
0x2f4: {  	[tilespmem:$0x1FBE0] =	vst v50  }
0x2f5: {  	[tilespmem:$0x1FBF0] =	vst v57  }
0x2f6: {  	[tilespmem:$0x1FC30] =	vst v7  }
0x2f7: {  	v7 =	vld [tilespmem:s20+$0xA740];
	_ =	sdelay $0x4  }
0x2f8: {  	[tilespmem:$0x1FC40] =	vst v7;
	v7 =	vld [tilespmem:s20+$0xA750];
	_ =	sdelay $0x4  }
0x2f9: {  	[tilespmem:$0x1FC50] =	vst v7;
	v7 =	vld [tilespmem:s20+$0xA760];
	_ =	sdelay $0x4  }
0x2fa: {  	[tilespmem:$0x1FC60] =	vst v7;
	v7 =	vld [tilespmem:s20+$0xA770];
	_ =	sdelay $0x3  }
0x2fb: {  	v58 =	vld [tilespmem:$0x1FFC0]  }
0x2fc: {  	[tilespmem:$0x1FC70] =	vst v7;
	v7 =	vld [tilespmem:s20+$0xA780]  }
0x2fd: {  	vm1 =	vgt.f32 v8, $0.0e+00;
	v8 =	vld [tilespmem:$0x1FFD0];
	_ =	sdelay $0x1  }
0x2fe: {  	v51 =	vld [tilespmem:$0x1FFA0];
	_ =	sdelay $0x1  }
0x2ff: {  	[tilespmem:$0x1FC80] =	vst v7;
	v7 =	vpop (erf)  }
0x300: {  	v59 =	vld [tilespmem:s20+$0xA790];
	v8 =	vnsel vm1, $0x0, v8;
	v7 =	vmul.f32 v7, v58  }
0x301: {  	v50 =	vld [tilespmem:s20+$0x0];
	v54 =	vbroadcast v8, $0x0  }
0x302: {  	v60 =	vld [tilespmem:s20+$0x10];
	v7 =	vadd.f32 v7, v51  }
0x303: {  	v52 =	vld [tilespmem:s20+$0x20];
	v48 =	vmul.f32 v54, v48;
	v49 =	vmul.f32 v49, v54  }
0x304: {  	v55 =	vld [tilespmem:s20+$0x30];
	v47 =	vmul.f32 v47, v54;
	v53 =	vbroadcast v7, $0x0  }
0x305: {  	v56 =	vld [tilespmem:s20+$0x40];
	v46 =	vmul.f32 v46, v54;
	v45 =	vmul.f32 v45, v54  }
0x306: {  	[tilespmem:$0x1FC90] =	vst v59;
	v59 =	vld [tilespmem:s20+$0x50];
	v44 =	vmul.f32 v44, v54;
	v50 =	vmul.f32 v53, v50  }
0x307: {  	v43 =	vmul.f32 v43, v54;
	v51 =	vmul.f32 v53, v60;
	v60 =	vld [tilespmem:s20+$0x60]  }
0x308: {  	v58 =	vbroadcast v8, $0x1;
	v48 =	vadd.f32 v50, v48;
	v50 =	vmul.f32 v52, v53;
	v52 =	vld [tilespmem:s20+$0x70]  }
0x309: {  	v42 =	vmul.f32 v42, v54;
	v49 =	vadd.f32 v49, v51;
	v51 =	vmul.f32 v55, v53;
	v55 =	vld [tilespmem:s20+$0x80]  }
0x30a: {  	v41 =	vmul.f32 v41, v58;
	[tilespmem:s20+$0x0] =	vst v48;
	v47 =	vadd.f32 v47, v50;
	v48 =	vmul.f32 v56, v53;
	v50 =	vld [tilespmem:s20+$0x90]  }
0x30b: {  	v40 =	vmul.f32 v40, v58;
	[tilespmem:s20+$0x10] =	vst v49;
	v49 =	vmul.f32 v59, v53;
	v56 =	vld [tilespmem:s20+$0xA0]  }
0x30c: {  	v39 =	vmul.f32 v39, v58;
	v38 =	vmul.f32 v38, v58;
	v45 =	vadd.f32 v45, v48;
	v48 =	vld [tilespmem:s20+$0xB0]  }
0x30d: {  	v37 =	vmul.f32 v37, v58;
	v57 =	vbroadcast v7, $0x1;
	v44 =	vadd.f32 v44, v49;
	v49 =	vld [tilespmem:s20+$0xC0]  }
0x30e: {  	v59 =	vmul.f32 v60, v53;
	v60 =	vmul.f32 v52, v53;
	v53 =	vld [tilespmem:s20+$0xD0]  }
0x30f: {  	v36 =	vmul.f32 v36, v58;
	v52 =	vmul.f32 v55, v57;
	v55 =	vld [tilespmem:s20+$0xE0]  }
0x310: {  	v35 =	vmul.f32 v35, v58;
	v34 =	vmul.f32 v34, v58;
	v43 =	vadd.f32 v43, v59;
	v59 =	vld [tilespmem:s20+$0xF0]  }
0x311: {  	v46 =	vadd.f32 v46, v51;
	v54 =	vmul.f32 v50, v57;
	v56 =	vmul.f32 v56, v57  }
0x312: {  	v58 =	vld [tilespmem:s20+$0x120];
	v42 =	vadd.f32 v42, v60;
	v41 =	vadd.f32 v41, v52;
	v60 =	vmul.f32 v48, v57  }
0x313: {  	[tilespmem:s20+$0x30] =	vst v46;
	v40 =	vadd.f32 v40, v54;
	v39 =	vadd.f32 v39, v56;
	v52 =	vmul.f32 v49, v57;
	v54 =	vld [tilespmem:s20+$0x100]  }
0x314: {  	[tilespmem:s20+$0x50] =	vst v44;
	v56 =	vld [tilespmem:s20+$0x110];
	v53 =	vmul.f32 v53, v57;
	v38 =	vadd.f32 v38, v60  }
0x315: {  	v55 =	vmul.f32 v55, v57;
	v57 =	vmul.f32 v59, v57;
	v59 =	vld [tilespmem:s20+$0x130];
	[tilespmem:s20+$0xA0] =	vst v39;
	v37 =	vadd.f32 v37, v52  }
0x316: {  	v44 =	vbroadcast v8, $0x3;
	v39 =	vbroadcast v8, $0x2;
	v60 =	vld [tilespmem:s20+$0x140];
	[tilespmem:s20+$0xB0] =	vst v38  }
0x317: {  	v46 =	vld [tilespmem:s20+$0x150];
	[tilespmem:s20+$0xC0] =	vst v37;
	v37 =	vbroadcast v7, $0x2;
	v38 =	vbroadcast v7, $0x3  }
0x318: {  	v50 =	vld [tilespmem:s20+$0x160];
	v36 =	vadd.f32 v36, v53;
	v31 =	vmul.f32 v31, v39;
	v30 =	vmul.f32 v30, v39  }
0x319: {  	v52 =	vld [tilespmem:s20+$0x170];
	v35 =	vadd.f32 v35, v55;
	v29 =	vmul.f32 v29, v39;
	v51 =	vmul.f32 v58, v37  }
0x31a: {  	[tilespmem:s20+$0x40] =	vst v45;
	v34 =	vadd.f32 v34, v57;
	v45 =	vmul.f32 v54, v37;
	v53 =	vmul.f32 v59, v37;
	v54 =	vld [tilespmem:s20+$0x180]  }
0x31b: {  	[tilespmem:s20+$0x20] =	vst v47;
	v47 =	vmul.f32 v56, v37;
	v56 =	vld [tilespmem:s20+$0x190];
	v55 =	vmul.f32 v60, v37;
	v31 =	vadd.f32 v31, v51  }
0x31c: {  	v28 =	vmul.f32 v28, v39;
	v57 =	vmul.f32 v46, v37;
	v58 =	vld [tilespmem:s20+$0x1A0];
	v30 =	vadd.f32 v30, v53  }
0x31d: {  	v26 =	vmul.f32 v26, v39;
	v59 =	vld [tilespmem:s20+$0x1B0];
	v29 =	vadd.f32 v29, v55;
	[tilespmem:s20+$0x120] =	vst v31;
	v31 =	vmul.f32 v50, v37  }
0x31e: {  	v23 =	vmul.f32 v23, v39;
	v60 =	vld [tilespmem:s20+$0x1C0];
	v28 =	vadd.f32 v28, v57;
	[tilespmem:s20+$0x130] =	vst v30;
	v30 =	vmul.f32 v52, v37  }
0x31f: {  	v22 =	vmul.f32 v22, v44;
	[tilespmem:s20+$0x140] =	vst v29;
	v29 =	vmul.f32 v54, v38;
	v26 =	vadd.f32 v26, v31;
	v31 =	vld [tilespmem:s20+$0x1D0]  }
0x320: {  	v21 =	vmul.f32 v21, v44;
	[tilespmem:s20+$0x150] =	vst v28;
	v28 =	vmul.f32 v56, v38;
	v23 =	vadd.f32 v23, v30;
	v30 =	vld [tilespmem:s20+$0x1E0]  }
0x321: {  	v20 =	vmul.f32 v20, v44;
	v22 =	vadd.f32 v22, v29;
	v29 =	vld [tilespmem:s20+$0x1F0];
	[tilespmem:s20+$0x160] =	vst v26;
	v26 =	vmul.f32 v58, v38  }
0x322: {  	v21 =	vadd.f32 v21, v28;
	v28 =	vmul.f32 v19, v44;
	[tilespmem:s20+$0x170] =	vst v23;
	v23 =	vmul.f32 v59, v38  }
0x323: {  	[tilespmem:s20+$0x180] =	vst v22;
	v22 =	vmul.f32 v60, v38;
	v20 =	vadd.f32 v20, v26;
	v26 =	vmul.f32 v18, v44  }
0x324: {  	v17 =	vmul.f32 v17, v44;
	[tilespmem:s20+$0x190] =	vst v21;
	v21 =	vadd.f32 v28, v23;
	v28 =	vld [tilespmem:s20+$0x200];
	v23 =	vmul.f32 v31, v38  }
0x325: {  	v16 =	vmul.f32 v16, v44;
	[tilespmem:s20+$0x1A0] =	vst v20;
	v20 =	vadd.f32 v26, v22;
	v22 =	vmul.f32 v30, v38;
	v26 =	vld [tilespmem:s20+$0x210]  }
0x326: {  	v15 =	vmul.f32 v15, v44;
	[tilespmem:s20+$0x1B0] =	vst v21;
	v21 =	vmul.f32 v29, v38;
	v17 =	vadd.f32 v17, v23;
	v23 =	vld [tilespmem:s20+$0x220]  }
0x327: {  	v29 =	vld [tilespmem:s20+$0x230];
	[tilespmem:s20+$0x1C0] =	vst v20;
	v16 =	vadd.f32 v16, v22;
	v20 =	vbroadcast v7, $0x4;
	v22 =	vbroadcast v8, $0x4  }
0x328: {  	v30 =	vbroadcast v8, $0x5;
	v15 =	vadd.f32 v15, v21;
	v21 =	vbroadcast v7, $0x5;
	[tilespmem:s20+$0x1D0] =	vst v17;
	v17 =	vld [tilespmem:s20+$0x240]  }
0x329: {  	[tilespmem:s20+$0x1E0] =	vst v16;
	v16 =	vmul.f32 v28, v20;
	v14 =	vmul.f32 v14, v22;
	v28 =	vld [tilespmem:s20+$0x250]  }
0x32a: {  	[tilespmem:s20+$0x1F0] =	vst v15;
	v13 =	vmul.f32 v13, v22;
	v15 =	vmul.f32 v26, v20;
	v26 =	vld [tilespmem:s20+$0x260]  }
0x32b: {  	v12 =	vmul.f32 v12, v22;
	v14 =	vadd.f32 v14, v16;
	v16 =	vmul.f32 v23, v20;
	v23 =	vld [tilespmem:s20+$0x270]  }
0x32c: {  	v11 =	vmul.f32 v11, v22;
	v13 =	vadd.f32 v13, v15;
	v15 =	vmul.f32 v29, v20;
	v29 =	vld [tilespmem:s20+$0x280]  }
0x32d: {  	v10 =	vmul.f32 v10, v22;
	[tilespmem:s20+$0x200] =	vst v14;
	v12 =	vadd.f32 v12, v16;
	v14 =	vmul.f32 v17, v20;
	v16 =	vld [tilespmem:s20+$0x290]  }
0x32e: {  	v9 =	vmul.f32 v9, v22;
	[tilespmem:s20+$0x210] =	vst v13;
	v11 =	vadd.f32 v11, v15;
	v13 =	vmul.f32 v28, v20;
	v15 =	vld [tilespmem:s20+$0x2A0]  }
0x32f: {  	v17 =	vld [tilespmem:s20+$0x2B0];
	[tilespmem:s20+$0x220] =	vst v12;
	v10 =	vadd.f32 v10, v14;
	v12 =	vmul.f32 v26, v20;
	v14 =	vmul.f32 v27, v22  }
0x330: {  	[tilespmem:s20+$0x230] =	vst v11;
	v9 =	vadd.f32 v9, v13;
	v11 =	vmul.f32 v23, v20;
	v13 =	vmul.f32 v25, v22;
	v20 =	vld [tilespmem:s20+$0x2C0]  }
0x331: {  	v6 =	vmul.f32 v6, v30;
	[tilespmem:s20+$0x240] =	vst v10;
	v10 =	vadd.f32 v14, v12;
	v12 =	vmul.f32 v29, v21;
	v14 =	vld [tilespmem:s20+$0x2D0]  }
0x332: {  	[tilespmem:s20+$0x250] =	vst v9;
	v9 =	vadd.f32 v13, v11;
	v11 =	vmul.f32 v16, v21;
	v13 =	vmul.f32 v24, v30  }
0x333: {  	v16 =	vld [tilespmem:s20+$0x2E0];
	[tilespmem:s20+$0x260] =	vst v10;
	v6 =	vadd.f32 v6, v12;
	v10 =	vmul.f32 v15, v21;
	v12 =	vmul.f32 v3, v30  }
0x334: {  	[tilespmem:s20+$0x270] =	vst v9;
	v9 =	vadd.f32 v13, v11;
	v11 =	vmul.f32 v17, v21;
	v13 =	vmul.f32 v4, v30  }
0x335: {  	[tilespmem:s20+$0x280] =	vst v6;
	v6 =	vadd.f32 v12, v10;
	v10 =	vmul.f32 v20, v21;
	v12 =	vmul.f32 v63, v30  }
0x336: {  	v15 =	vld [tilespmem:s20+$0x2F0];
	[tilespmem:s20+$0x290] =	vst v9;
	v9 =	vadd.f32 v13, v11;
	v11 =	vmul.f32 v14, v21;
	v13 =	vmul.f32 v62, v30  }
0x337: {  	v14 =	vld [tilespmem:s20+$0x300];
	[tilespmem:s20+$0x2A0] =	vst v6;
	v6 =	vadd.f32 v12, v10  }
0x338: {  	v10 =	vmul.f32 v16, v21;
	v12 =	vmul.f32 v61, v30;
	[tilespmem:s20+$0x2B0] =	vst v9;
	v9 =	vadd.f32 v13, v11;
	v13 =	vld [tilespmem:$0x1FCA0];
	_ =	sdelay $0x1  }
0x339: {  	[tilespmem:s20+$0x2C0] =	vst v6;
	v6 =	vadd.f32 v12, v10;
	v10 =	vbroadcast v7, $0x6  }
0x33a: {  	v16 =	vld [tilespmem:s20+$0x310]  }
0x33b: {  	[tilespmem:s20+$0x2E0] =	vst v6;
	v6 =	vmul.f32 v14, v10;
	v14 =	vld [tilespmem:$0x1FCB0]  }
0x33c: {  	v11 =	vmul.f32 v15, v21;
	v13 =	vmul.f32 v13, v30  }
0x33d: {  	v15 =	vld [tilespmem:s20+$0x320]  }
0x33e: {  	v12 =	vbroadcast v8, $0x6;
	[tilespmem:s20+$0x2D0] =	vst v9;
	v9 =	vadd.f32 v13, v11;
	_ =	sdelay $0x1  }
0x33f: {  	v14 =	vmul.f32 v14, v12;
	[tilespmem:s20+$0x2F0] =	vst v9;
	v9 =	vmul.f32 v16, v10;
	v16 =	vld [tilespmem:$0x1FCC0]  }
0x340: {  	v17 =	vld [tilespmem:s20+$0x330]  }
0x341: {  	v6 =	vadd.f32 v14, v6;
	v14 =	vmul.f32 v15, v10;
	v15 =	vld [tilespmem:$0x1FCD0];
	_ =	sdelay $0x2  }
0x342: {  	v16 =	vmul.f32 v16, v12;
	_ =	sdelay $0x1  }
0x343: {  	v15 =	vmul.f32 v15, v12;
	v9 =	vadd.f32 v16, v9;
	v16 =	vmul.f32 v17, v10;
	v17 =	vld [tilespmem:$0x1FCE0]  }
0x344: {  	v11 =	vld [tilespmem:s20+$0x340]  }
0x345: {  	[tilespmem:s20+$0x300] =	vst v6;
	v6 =	vadd.f32 v15, v14;
	v14 =	vld [tilespmem:$0x1FCF0];
	_ =	sdelay $0x2  }
0x346: {  	v17 =	vmul.f32 v17, v12  }
0x347: {  	v21 =	vld [tilespmem:s20+$0x350]  }
0x348: {  	v11 =	vmul.f32 v11, v10;
	[tilespmem:s20+$0x310] =	vst v9;
	v14 =	vmul.f32 v14, v12;
	v9 =	vadd.f32 v17, v16;
	v17 =	vld [tilespmem:$0x1FD00]  }
0x349: {  	v22 =	vld [tilespmem:s20+$0x360]  }
0x34a: {  	[tilespmem:s20+$0x320] =	vst v6;
	v6 =	vadd.f32 v14, v11;
	v14 =	vld [tilespmem:$0x1FD10];
	_ =	sdelay $0x2  }
0x34b: {  	v48 =	vld [tilespmem:s20+$0xA7A0];
	v16 =	vmul.f32 v21, v10;
	v17 =	vmul.f32 v17, v12  }
0x34c: {  	v23 =	vld [tilespmem:s20+$0x370]  }
0x34d: {  	v11 =	vmul.f32 v22, v10;
	[tilespmem:s20+$0x330] =	vst v9;
	v14 =	vmul.f32 v14, v12;
	v9 =	vadd.f32 v17, v16;
	v16 =	vld [tilespmem:$0x1FD20]  }
0x34e: {  	v24 =	vld [tilespmem:s20+$0x380]  }
0x34f: {  	[tilespmem:s20+$0x340] =	vst v6;
	v6 =	vadd.f32 v14, v11;
	v14 =	vld [tilespmem:$0x1FD30]  }
0x350: {  	v21 =	vld [tilespmem:s20+$0x3A0]  }
0x351: {  	v20 =	vbroadcast v8, $0x7;
	v13 =	vbroadcast v7, $0x7;
	[tilespmem:s20+$0x360] =	vst v6;
	v6 =	vld [tilespmem:$0x1FD50]  }
0x352: {  	v10 =	vmul.f32 v23, v10;
	v12 =	vmul.f32 v16, v12  }
0x353: {  	v15 =	vld [tilespmem:s20+$0x390]  }
0x354: {  	v11 =	vmul.f32 v24, v13;
	[tilespmem:s20+$0x350] =	vst v9;
	v14 =	vmul.f32 v14, v20;
	v9 =	vadd.f32 v12, v10;
	v12 =	vld [tilespmem:$0x1FD40]  }
0x355: {  	v22 =	vld [tilespmem:s20+$0x3B0]  }
0x356: {  	v11 =	vadd.f32 v14, v11;
	v14 =	vmul.f32 v21, v13;
	v21 =	vmul.f32 v6, v20;
	v6 =	vld [tilespmem:$0x1FD60];
	_ =	sdelay $0x1  }
0x357: {  	v17 =	vld [tilespmem:s20+$0x3D0]  }
0x358: {  	v10 =	vmul.f32 v15, v13;
	v12 =	vmul.f32 v12, v20  }
0x359: {  	v49 =	vld [tilespmem:s20+$0xA7B0]  }
0x35a: {  	v16 =	vld [tilespmem:s20+$0x3C0];
	v10 =	vadd.f32 v12, v10;
	v12 =	vmul.f32 v22, v13;
	v22 =	vmul.f32 v6, v20  }
0x35b: {  	[tilespmem:s20+$0x370] =	vst v9;
	v9 =	vld [tilespmem:$0x1FD70]  }
0x35c: {  	[tilespmem:s20+$0x390] =	vst v10;
	v10 =	vadd.f32 v22, v12;
	v12 =	vmul.f32 v17, v13;
	v17 =	vld [tilespmem:$0x1FD80]  }
0x35d: {  	v15 =	vld [tilespmem:s20+$0x3E0]  }
0x35e: {  	v23 =	vld [tilespmem:s20+$0x3F0];
	_ =	sdelay $0x1  }
0x35f: {  	[tilespmem:s20+$0x380] =	vst v11;
	v11 =	vadd.f32 v21, v14;
	v14 =	vmul.f32 v16, v13;
	v16 =	vmul.f32 v9, v20  }
0x360: {  	v17 =	vmul.f32 v17, v20  }
0x361: {  	[tilespmem:s20+$0x3A0] =	vst v11;
	v11 =	vadd.f32 v16, v14;
	v14 =	vmul.f32 v15, v13;
	v15 =	vld [tilespmem:$0x1FD90]  }
0x362: {  	[tilespmem:s20+$0x3B0] =	vst v10;
	v10 =	vadd.f32 v17, v12;
	v12 =	vmul.f32 v23, v13;
	v13 =	vld [tilespmem:$0x1FDA0];
	_ =	sdelay $0x2  }
0x363: {  	v21 =	vld [tilespmem:s20+$0x400]  }
0x364: {  	v16 =	vld [tilespmem:s20+$0x410];
	v15 =	vmul.f32 v15, v20  }
0x365: {  	v13 =	vmul.f32 v13, v20  }
0x366: {  	[tilespmem:s20+$0x3C0] =	vst v11;
	v11 =	vadd.f32 v15, v14;
	v14 =	vbroadcast v7, $0x8  }
0x367: {  	[tilespmem:s20+$0x3D0] =	vst v10;
	v10 =	vadd.f32 v13, v12  }
0x368: {  	[tilespmem:s20+$0x3E0] =	vst v11;
	v11 =	vmul.f32 v21, v14;
	v21 =	vld [tilespmem:$0x1FDB0]  }
0x369: {  	[tilespmem:s20+$0x3F0] =	vst v10;
	v10 =	vmul.f32 v16, v14;
	v16 =	vld [tilespmem:$0x1FDC0];
	_ =	sdelay $0x1  }
0x36a: {  	v15 =	vbroadcast v8, $0x8;
	v20 =	vld [tilespmem:s20+$0x430];
	_ =	sdelay $0x1  }
0x36b: {  	v21 =	vmul.f32 v21, v15  }
0x36c: {  	v17 =	vld [tilespmem:s20+$0x420];
	v16 =	vmul.f32 v16, v15  }
0x36d: {  	v11 =	vadd.f32 v21, v11;
	v21 =	vld [tilespmem:$0x1FDD0]  }
0x36e: {  	v10 =	vadd.f32 v16, v10;
	v16 =	vmul.f32 v20, v14;
	v20 =	vld [tilespmem:$0x1FDE0];
	_ =	sdelay $0x3  }
0x36f: {  	v23 =	vld [tilespmem:s20+$0x450];
	v17 =	vmul.f32 v17, v14;
	v21 =	vmul.f32 v21, v15  }
0x370: {  	v12 =	vld [tilespmem:s20+$0x440];
	v20 =	vmul.f32 v20, v15  }
0x371: {  	[tilespmem:s20+$0x400] =	vst v11;
	v11 =	vadd.f32 v21, v17;
	v17 =	vld [tilespmem:$0x1FDF0]  }
0x372: {  	[tilespmem:s20+$0x410] =	vst v10;
	v10 =	vadd.f32 v20, v16;
	v20 =	vld [tilespmem:$0x1FE00];
	_ =	sdelay $0x2  }
0x373: {  	v19 =	vld [tilespmem:s20+$0xA7C0]  }
0x374: {  	v25 =	vld [tilespmem:s20+$0x470];
	v12 =	vmul.f32 v12, v14;
	v17 =	vmul.f32 v17, v15  }
0x375: {  	v24 =	vld [tilespmem:s20+$0x460];
	v16 =	vmul.f32 v23, v14;
	v20 =	vmul.f32 v20, v15  }
0x376: {  	[tilespmem:s20+$0x420] =	vst v11;
	v11 =	vadd.f32 v17, v12;
	v17 =	vld [tilespmem:$0x1FE10]  }
0x377: {  	[tilespmem:s20+$0x430] =	vst v10;
	v10 =	vadd.f32 v20, v16;
	v16 =	vld [tilespmem:$0x1FE20];
	_ =	sdelay $0x2  }
0x378: {  	v18 =	vld [tilespmem:s20+$0xA7D0]  }
0x379: {  	v26 =	vld [tilespmem:s20+$0x480];
	v12 =	vmul.f32 v24, v14;
	v14 =	vmul.f32 v25, v14  }
0x37a: {  	v21 =	vld [tilespmem:s20+$0x490];
	v17 =	vmul.f32 v17, v15;
	v15 =	vmul.f32 v16, v15  }
0x37b: {  	v24 =	vld [tilespmem:s20+$0x4B0]  }
0x37c: {  	[tilespmem:s20+$0x450] =	vst v10;
	v10 =	vadd.f32 v15, v14;
	v15 =	vld [tilespmem:$0x1FE40]  }
0x37d: {  	[tilespmem:s20+$0x440] =	vst v11;
	v11 =	vadd.f32 v17, v12;
	v17 =	vld [tilespmem:$0x1FE30]  }
0x37e: {  	[tilespmem:s20+$0x470] =	vst v10;
	v10 =	vld [tilespmem:$0x1FE60]  }
0x37f: {  	v22 =	vbroadcast v8, $0x9;
	v13 =	vbroadcast v7, $0x9;
	v23 =	vld [tilespmem:s20+$0x4A0]  }
0x380: {  	[tilespmem:s20+$0x460] =	vst v11;
	v11 =	vld [tilespmem:$0x1FE50]  }
0x381: {  	v20 =	vld [tilespmem:s20+$0x4D0];
	v14 =	vmul.f32 v21, v13;
	v15 =	vmul.f32 v15, v22  }
0x382: {  	v12 =	vmul.f32 v26, v13;
	v16 =	vld [tilespmem:s20+$0x4C0];
	v17 =	vmul.f32 v17, v22  }
0x383: {  	v14 =	vadd.f32 v15, v14;
	v15 =	vmul.f32 v24, v13;
	v24 =	vmul.f32 v10, v22;
	v10 =	vld [tilespmem:$0x1FE70];
	_ =	sdelay $0x1  }
0x384: {  	v12 =	vadd.f32 v17, v12;
	v17 =	vmul.f32 v23, v13;
	v23 =	vmul.f32 v11, v22;
	_ =	sdelay $0x1  }
0x385: {  	[tilespmem:s20+$0x480] =	vst v12;
	v12 =	vadd.f32 v23, v17;
	v16 =	vmul.f32 v16, v13  }
0x386: {  	[tilespmem:s20+$0x490] =	vst v14;
	v14 =	vadd.f32 v24, v15;
	v15 =	vmul.f32 v20, v13;
	v20 =	vld [tilespmem:$0x1FE80];
	v17 =	vmul.f32 v10, v22  }
0x387: {  	v21 =	vld [tilespmem:s20+$0x4E0]  }
0x388: {  	[tilespmem:s20+$0x4A0] =	vst v12;
	v12 =	vadd.f32 v17, v16;
	v17 =	vld [tilespmem:$0x1FE90];
	_ =	sdelay $0x2  }
0x389: {  	v25 =	vld [tilespmem:s20+$0x4F0];
	v20 =	vmul.f32 v20, v22  }
0x38a: {  	v23 =	vld [tilespmem:s20+$0x500]  }
0x38b: {  	[tilespmem:s20+$0x4B0] =	vst v14;
	v16 =	vmul.f32 v21, v13;
	v14 =	vadd.f32 v20, v15;
	v15 =	vld [tilespmem:$0x1FEA0];
	v17 =	vmul.f32 v17, v22;
	_ =	sdelay $0x1  }
0x38c: {  	[tilespmem:s20+$0x4C0] =	vst v12;
	v12 =	vadd.f32 v17, v16;
	v16 =	vbroadcast v7, $0xA  }
0x38d: {  	v21 =	vld [tilespmem:s20+$0x510]  }
0x38e: {  	[tilespmem:s20+$0x4E0] =	vst v12;
	v12 =	vmul.f32 v23, v16;
	v23 =	vld [tilespmem:$0x1FEB0]  }
0x38f: {  	v13 =	vmul.f32 v25, v13;
	v15 =	vmul.f32 v15, v22;
	_ =	sdelay $0x1  }
0x390: {  	v17 =	vbroadcast v8, $0xA;
	v13 =	vadd.f32 v15, v13  }
0x391: {  	v20 =	vld [tilespmem:s20+$0x520]  }
0x392: {  	[tilespmem:s20+$0x4F0] =	vst v13;
	v13 =	vmul.f32 v21, v16;
	v21 =	vld [tilespmem:$0x1FEC0];
	v23 =	vmul.f32 v23, v17  }
0x393: {  	v22 =	vld [tilespmem:s20+$0x530]  }
0x394: {  	v12 =	vadd.f32 v23, v12;
	v23 =	vld [tilespmem:$0x1FED0];
	_ =	sdelay $0x2  }
0x395: {  	v21 =	vmul.f32 v21, v17  }
0x396: {  	v20 =	vmul.f32 v20, v16  }
0x397: {  	v13 =	vadd.f32 v21, v13;
	v21 =	vmul.f32 v22, v16;
	v22 =	vld [tilespmem:$0x1FEE0];
	v23 =	vmul.f32 v23, v17  }
0x398: {  	[tilespmem:s20+$0x4D0] =	vst v14;
	v14 =	vld [tilespmem:s20+$0x540]  }
0x399: {  	[tilespmem:s20+$0x500] =	vst v12;
	v12 =	vadd.f32 v23, v20;
	v20 =	vld [tilespmem:$0x1FEF0];
	_ =	sdelay $0x1  }
0x39a: {  	v3 =	vld [tilespmem:s20+$0xA7E0]  }
0x39b: {  	v4 =	vld [tilespmem:s20+$0xA7F0];
	v22 =	vmul.f32 v22, v17  }
0x39c: {  	v25 =	vld [tilespmem:s20+$0x550]  }
0x39d: {  	v14 =	vmul.f32 v14, v16;
	[tilespmem:s20+$0x510] =	vst v13;
	v13 =	vadd.f32 v22, v21;
	v22 =	vld [tilespmem:$0x1FF00];
	v20 =	vmul.f32 v20, v17  }
0x39e: {  	v26 =	vld [tilespmem:s20+$0x560]  }
0x39f: {  	[tilespmem:s20+$0x520] =	vst v12;
	v12 =	vadd.f32 v20, v14;
	v20 =	vld [tilespmem:$0x1FF10];
	_ =	sdelay $0x2  }
0x3a0: {  	v21 =	vmul.f32 v25, v16;
	v22 =	vmul.f32 v22, v17  }
0x3a1: {  	v27 =	vld [tilespmem:s20+$0x570]  }
0x3a2: {  	[tilespmem:s20+$0x530] =	vst v13;
	v14 =	vmul.f32 v26, v16;
	v13 =	vadd.f32 v22, v21;
	v21 =	vld [tilespmem:$0x1FF20];
	v20 =	vmul.f32 v20, v17  }
0x3a3: {  	v28 =	vld [tilespmem:s20+$0x580]  }
0x3a4: {  	[tilespmem:s20+$0x540] =	vst v12;
	v12 =	vadd.f32 v20, v14;
	v20 =	vld [tilespmem:$0x1FF30]  }
0x3a5: {  	v25 =	vld [tilespmem:s20+$0x5A0]  }
0x3a6: {  	v24 =	vbroadcast v8, $0xB;
	v15 =	vbroadcast v7, $0xB;
	[tilespmem:s20+$0x560] =	vst v12;
	v12 =	vld [tilespmem:$0x1FF50]  }
0x3a7: {  	v16 =	vmul.f32 v27, v16;
	v17 =	vmul.f32 v21, v17  }
0x3a8: {  	v23 =	vld [tilespmem:s20+$0x590]  }
0x3a9: {  	[tilespmem:s20+$0x550] =	vst v13;
	v14 =	vmul.f32 v28, v15;
	v13 =	vadd.f32 v17, v16;
	v17 =	vld [tilespmem:$0x1FF40];
	v20 =	vmul.f32 v20, v24  }
0x3aa: {  	v26 =	vld [tilespmem:s20+$0x5B0]  }
0x3ab: {  	v14 =	vadd.f32 v20, v14;
	v20 =	vmul.f32 v25, v15;
	v25 =	vmul.f32 v12, v24;
	v12 =	vld [tilespmem:$0x1FF60];
	_ =	sdelay $0x1  }
0x3ac: {  	v22 =	vld [tilespmem:s20+$0x5D0]  }
0x3ad: {  	v16 =	vmul.f32 v23, v15;
	v17 =	vmul.f32 v17, v24;
	_ =	sdelay $0x1  }
0x3ae: {  	v21 =	vld [tilespmem:s20+$0x5C0];
	v16 =	vadd.f32 v17, v16;
	v17 =	vmul.f32 v26, v15;
	v26 =	vmul.f32 v12, v24  }
0x3af: {  	[tilespmem:s20+$0x570] =	vst v13;
	v13 =	vld [tilespmem:$0x1FF70]  }
0x3b0: {  	[tilespmem:s20+$0x590] =	vst v16;
	v16 =	vadd.f32 v26, v17;
	v17 =	vmul.f32 v22, v15;
	v22 =	vld [tilespmem:$0x1FF80];
	_ =	sdelay $0x3  }
0x3b1: {  	v27 =	vld [tilespmem:s20+$0x5F0];
	[tilespmem:s20+$0x580] =	vst v14;
	v14 =	vadd.f32 v25, v20;
	v20 =	vmul.f32 v21, v15;
	v21 =	vmul.f32 v13, v24  }
0x3b2: {  	v23 =	vld [tilespmem:s20+$0x5E0];
	v22 =	vmul.f32 v22, v24  }
0x3b3: {  	[tilespmem:s20+$0x5A0] =	vst v14;
	v14 =	vadd.f32 v21, v20;
	v21 =	vld [tilespmem:$0x1FF90]  }
0x3b4: {  	[tilespmem:s20+$0x5B0] =	vst v16;
	v16 =	vadd.f32 v22, v17;
	v17 =	vld [tilespmem:$0x1FFB0];
	_ =	sdelay $0x2  }
0x3b5: {  	v25 =	vld [tilespmem:s20+$0x600]  }
0x3b6: {  	v20 =	vmul.f32 v23, v15;
	v23 =	vld [tilespmem:s20+$0x610];
	v21 =	vmul.f32 v21, v24  }
0x3b7: {  	v15 =	vmul.f32 v27, v15;
	v17 =	vmul.f32 v17, v24  }
0x3b8: {  	[tilespmem:s20+$0x5C0] =	vst v14;
	v14 =	vadd.f32 v21, v20;
	v20 =	vbroadcast v7, $0xC  }
0x3b9: {  	v15 =	vadd.f32 v17, v15  }
0x3ba: {  	[tilespmem:s20+$0x5E0] =	vst v14;
	v14 =	vmul.f32 v25, v20;
	v25 =	vld [tilespmem:$0x1FB80]  }
0x3bb: {  	[tilespmem:s20+$0x5F0] =	vst v15;
	v15 =	vmul.f32 v23, v20;
	v23 =	vld [tilespmem:$0x1FB90];
	_ =	sdelay $0x1  }
0x3bc: {  	v21 =	vbroadcast v8, $0xC;
	v24 =	vld [tilespmem:s20+$0x630];
	_ =	sdelay $0x1  }
0x3bd: {  	v25 =	vmul.f32 v25, v21  }
0x3be: {  	[tilespmem:s20+$0x60] =	vst v43;
	v22 =	vld [tilespmem:s20+$0x620];
	v23 =	vmul.f32 v23, v21  }
0x3bf: {  	[tilespmem:s20+$0x70] =	vst v42;
	v14 =	vadd.f32 v25, v14;
	v25 =	vld [tilespmem:$0x1FBA0]  }
0x3c0: {  	[tilespmem:s20+$0x80] =	vst v41;
	v15 =	vadd.f32 v23, v15;
	v23 =	vmul.f32 v24, v20;
	v24 =	vld [tilespmem:$0x1FBB0]  }
0x3c1: {  	[tilespmem:s20+$0x90] =	vst v40  }
0x3c2: {  	v6 =	vld [tilespmem:s20+$0xA800]  }
0x3c3: {  	v9 =	vld [tilespmem:s20+$0xA810]  }
0x3c4: {  	v27 =	vld [tilespmem:s20+$0x650];
	v22 =	vmul.f32 v22, v20;
	v25 =	vmul.f32 v25, v21  }
0x3c5: {  	[tilespmem:s20+$0x5D0] =	vst v16;
	v16 =	vld [tilespmem:s20+$0x640];
	v24 =	vmul.f32 v24, v21  }
0x3c6: {  	[tilespmem:s20+$0x600] =	vst v14;
	v14 =	vadd.f32 v25, v22;
	v22 =	vld [tilespmem:$0x1FBC0]  }
0x3c7: {  	[tilespmem:s20+$0x610] =	vst v15;
	v15 =	vadd.f32 v24, v23;
	v24 =	vld [tilespmem:$0x1FBD0];
	_ =	sdelay $0x3  }
0x3c8: {  	v29 =	vld [tilespmem:s20+$0x670];
	v16 =	vmul.f32 v16, v20;
	v22 =	vmul.f32 v22, v21  }
0x3c9: {  	v28 =	vld [tilespmem:s20+$0x660];
	v23 =	vmul.f32 v27, v20;
	v24 =	vmul.f32 v24, v21  }
0x3ca: {  	[tilespmem:s20+$0x620] =	vst v14;
	v14 =	vadd.f32 v22, v16;
	v22 =	vld [tilespmem:$0x1FBE0]  }
0x3cb: {  	[tilespmem:s20+$0x630] =	vst v15;
	v15 =	vadd.f32 v24, v23;
	v23 =	vld [tilespmem:$0x1FBF0];
	_ =	sdelay $0x3  }
0x3cc: {  	v30 =	vld [tilespmem:s20+$0x680];
	v16 =	vmul.f32 v28, v20;
	v22 =	vmul.f32 v22, v21  }
0x3cd: {  	v25 =	vld [tilespmem:s20+$0x690];
	v20 =	vmul.f32 v29, v20;
	v21 =	vmul.f32 v23, v21  }
0x3ce: {  	[tilespmem:s20+$0x640] =	vst v14;
	v14 =	vadd.f32 v22, v16;
	v22 =	vld [tilespmem:$0x1FC00]  }
0x3cf: {  	[tilespmem:s20+$0x650] =	vst v15;
	v15 =	vadd.f32 v21, v20;
	v21 =	vld [tilespmem:$0x1FC10];
	_ =	sdelay $0x1  }
0x3d0: {  	v26 =	vbroadcast v8, $0xD;
	v17 =	vbroadcast v7, $0xD;
	_ =	sdelay $0x1  }
0x3d1: {  	v28 =	vld [tilespmem:s20+$0x6B0];
	v16 =	vmul.f32 v30, v17;
	v22 =	vmul.f32 v22, v26  }
0x3d2: {  	v27 =	vld [tilespmem:s20+$0x6A0];
	v20 =	vmul.f32 v25, v17;
	v21 =	vmul.f32 v21, v26  }
0x3d3: {  	[tilespmem:s20+$0x660] =	vst v14;
	v14 =	vadd.f32 v22, v16;
	v22 =	vld [tilespmem:$0x1FC20]  }
0x3d4: {  	[tilespmem:s20+$0x670] =	vst v15;
	v15 =	vadd.f32 v21, v20;
	v21 =	vld [tilespmem:$0x1FC30];
	_ =	sdelay $0x2  }
0x3d5: {  	v33 =	vmul.f32 v33, v39;
	v32 =	vmul.f32 v32, v39;
	[tilespmem:s20+$0xD0] =	vst v36  }
0x3d6: {  	[tilespmem:s20+$0xE0] =	vst v35;
	v24 =	vld [tilespmem:s20+$0x6D0];
	v16 =	vmul.f32 v27, v17;
	v22 =	vmul.f32 v22, v26  }
0x3d7: {  	[tilespmem:s20+$0xF0] =	vst v34;
	v23 =	vld [tilespmem:s20+$0x6C0];
	v20 =	vmul.f32 v28, v17;
	v21 =	vmul.f32 v21, v26  }
0x3d8: {  	v33 =	vadd.f32 v33, v45;
	[tilespmem:s20+$0x680] =	vst v14;
	v14 =	vadd.f32 v22, v16;
	v22 =	vld [tilespmem:$0x1FC40]  }
0x3d9: {  	v32 =	vadd.f32 v32, v47;
	[tilespmem:s20+$0x690] =	vst v15;
	v15 =	vadd.f32 v21, v20;
	v21 =	vld [tilespmem:$0x1FC50]  }
0x3da: {  	[tilespmem:s20+$0x100] =	vst v33  }
0x3db: {  	[tilespmem:s20+$0x110] =	vst v32  }
0x3dc: {  	v11 =	vld [tilespmem:s20+$0xA820]  }
0x3dd: {  	v27 =	vld [tilespmem:s20+$0x6F0];
	v16 =	vmul.f32 v23, v17;
	v22 =	vmul.f32 v22, v26  }
0x3de: {  	v25 =	vld [tilespmem:s20+$0x6E0];
	v20 =	vmul.f32 v24, v17;
	v21 =	vmul.f32 v21, v26  }
0x3df: {  	[tilespmem:s20+$0x6A0] =	vst v14;
	v14 =	vadd.f32 v22, v16;
	v22 =	vld [tilespmem:$0x1FC60]  }
0x3e0: {  	[tilespmem:s20+$0x6B0] =	vst v15;
	v15 =	vadd.f32 v21, v20;
	v20 =	vld [tilespmem:$0x1FC70]  }
0x3e1: {  	v10 =	vld [tilespmem:s20+$0xA830]  }
0x3e2: {  	v13 =	vld [tilespmem:s20+$0xA850]  }
0x3e3: {  	v12 =	vld [tilespmem:s20+$0xA840]  }
0x3e4: {  	v16 =	vmul.f32 v25, v17;
	v25 =	vld [tilespmem:s20+$0x710];
	v17 =	vmul.f32 v27, v17  }
0x3e5: {  	v29 =	vld [tilespmem:s20+$0x770];
	v22 =	vmul.f32 v22, v26;
	v20 =	vmul.f32 v20, v26  }
0x3e6: {  	v30 =	vld [tilespmem:s20+$0x780];
	[tilespmem:s20+$0x6C0] =	vst v14  }
0x3e7: {  	v24 =	vld [tilespmem:s20+$0x700];
	v14 =	vadd.f32 v22, v16;
	v16 =	vbroadcast v7, $0xE;
	[tilespmem:s20+$0x6D0] =	vst v15;
	v15 =	vadd.f32 v20, v17  }
0x3e8: {  	v20 =	vld [tilespmem:$0x1FC80]  }
0x3e9: {  	[tilespmem:s20+$0x6F0] =	vst v15;
	v15 =	vmul.f32 v25, v16;
	v25 =	vld [tilespmem:$0x1FC90]  }
0x3ea: {  	v21 =	vld [tilespmem:s20+$0x720]  }
0x3eb: {  	v22 =	vbroadcast v8, $0xE;
	v26 =	vld [tilespmem:s20+$0x730]  }
0x3ec: {  	v7 =	vbroadcast v7, $0xF;
	v17 =	vld [tilespmem:s20+$0x740]  }
0x3ed: {  	[tilespmem:s20+$0x6E0] =	vst v14;
	v14 =	vmul.f32 v24, v16;
	v24 =	vld [tilespmem:s20+$0x750];
	v20 =	vmul.f32 v20, v22  }
0x3ee: {  	v27 =	vld [tilespmem:s20+$0x760];
	v8 =	vbroadcast v8, $0xF;
	v25 =	vmul.f32 v25, v22  }
0x3ef: {  	v23 =	vld [tilespmem:s20+$0xA870];
	v14 =	vadd.f32 v20, v14;
	v20 =	vmul.f32 v21, v16;
	v21 =	vmul.f32 v48, v22  }
0x3f0: {  	v28 =	vld [tilespmem:s20+$0xA860];
	v15 =	vadd.f32 v25, v15;
	v25 =	vmul.f32 v26, v16;
	v26 =	vmul.f32 v49, v22  }
0x3f1: {  	v19 =	vmul.f32 v19, v22;
	v17 =	vmul.f32 v17, v16;
	[tilespmem:s20+$0x700] =	vst v14;
	v14 =	vadd.f32 v21, v20;
	v20 =	vld [tilespmem:s20+$0x790]  }
0x3f2: {  	v18 =	vmul.f32 v18, v22;
	v21 =	vmul.f32 v24, v16;
	v24 =	vld [tilespmem:s20+$0x7A0];
	[tilespmem:s20+$0x710] =	vst v15;
	v15 =	vadd.f32 v26, v25  }
0x3f3: {  	v3 =	vmul.f32 v3, v22;
	[tilespmem:s20+$0x720] =	vst v14;
	v14 =	vadd.f32 v19, v17;
	v17 =	vmul.f32 v27, v16;
	v19 =	vld [tilespmem:s20+$0x7B0]  }
0x3f4: {  	v4 =	vmul.f32 v4, v22;
	v16 =	vmul.f32 v29, v16;
	[tilespmem:s20+$0x730] =	vst v15;
	v15 =	vadd.f32 v18, v21;
	v18 =	vld [tilespmem:s20+$0x7C0]  }
0x3f5: {  	v6 =	vmul.f32 v6, v8;
	[tilespmem:s20+$0x740] =	vst v14;
	v3 =	vadd.f32 v3, v17;
	v14 =	vmul.f32 v30, v7;
	v17 =	vld [tilespmem:s20+$0x7D0]  }
0x3f6: {  	v9 =	vmul.f32 v9, v8;
	v4 =	vadd.f32 v4, v16;
	v16 =	vld [tilespmem:s20+$0x7E0];
	[tilespmem:s20+$0x750] =	vst v15;
	v15 =	vmul.f32 v20, v7  }
0x3f7: {  	s31 =	sshll.u32 s21, $0xB;
	v11 =	vmul.f32 v11, v8;
	[tilespmem:s20+$0x760] =	vst v3;
	v3 =	vadd.f32 v6, v14;
	v6 =	vmul.f32 v24, v7;
	v14 =	vld [tilespmem:s20+$0x7F0]  }
0x3f8: {  	v10 =	vmul.f32 v10, v8;
	v48 =	vld [tilespmem:s31+$0xA080];
	[tilespmem:s20+$0x770] =	vst v4;
	v4 =	vadd.f32 v9, v15;
	v9 =	vmul.f32 v19, v7  }
0x3f9: {  	v49 =	vld [tilespmem:s31+$0xA090];
	[tilespmem:s20+$0x780] =	vst v3;
	v3 =	vadd.f32 v11, v6;
	v11 =	vmul.f32 v12, v8;
	v6 =	vmul.f32 v18, v7  }
0x3fa: {  	v47 =	vld [tilespmem:s31+$0xA0A0];
	[tilespmem:s20+$0x790] =	vst v4;
	v4 =	vadd.f32 v10, v9;
	v9 =	vmul.f32 v17, v7;
	v10 =	vmul.f32 v13, v8  }
0x3fb: {  	v46 =	vld [tilespmem:s31+$0xA0B0];
	[tilespmem:s20+$0x7A0] =	vst v3;
	v3 =	vadd.f32 v11, v6;
	v6 =	vmul.f32 v16, v7;
	v11 =	vmul.f32 v28, v8  }
0x3fc: {  	v7 =	vmul.f32 v14, v7;
	v8 =	vmul.f32 v23, v8;
	v45 =	vld [tilespmem:s31+$0xA0C0];
	[tilespmem:s20+$0x7B0] =	vst v4;
	v4 =	vadd.f32 v10, v9  }
0x3fd: {  	v44 =	vld [tilespmem:s31+$0xA0D0];
	[tilespmem:s20+$0x7C0] =	vst v3;
	v3 =	vadd.f32 v11, v6  }
0x3fe: {  	v43 =	vld [tilespmem:s31+$0xA0E0];
	[tilespmem:s20+$0x7D0] =	vst v4;
	v4 =	vadd.f32 v8, v7  }
0x3ff: {  	v42 =	vld [tilespmem:s31+$0xA0F0];
	[tilespmem:s20+$0x7E0] =	vst v3  }
0x400: {  	v41 =	vld [tilespmem:s31+$0xA100];
	[tilespmem:s20+$0x7F0] =	vst v4;
	s20 =	smov.u32 s31  }
0x401: {  	v7 =	vld [tilespmem:s20+$0xA370];
	_ =	sdelay $0x4  }
0x402: {  	[tilespmem:$0x1FCA0] =	vst v7;
	v7 =	vld [tilespmem:s20+$0xA380];
	_ =	sdelay $0x4  }
0x403: {  	[tilespmem:$0x1FCB0] =	vst v7;
	v7 =	vld [tilespmem:s20+$0xA390];
	_ =	sdelay $0x4  }
0x404: {  	[tilespmem:$0x1FCC0] =	vst v7;
	v7 =	vld [tilespmem:s20+$0xA3A0];
	_ =	sdelay $0x4  }
0x405: {  	[tilespmem:$0x1FCD0] =	vst v7;
	v7 =	vld [tilespmem:s20+$0xA3B0];
	_ =	sdelay $0x4  }
0x406: {  	[tilespmem:$0x1FCE0] =	vst v7;
	v7 =	vld [tilespmem:s20+$0xA3C0];
	_ =	sdelay $0x4  }
0x407: {  	[tilespmem:$0x1FCF0] =	vst v7;
	v7 =	vld [tilespmem:s20+$0xA3D0];
	_ =	sdelay $0x4  }
0x408: {  	[tilespmem:$0x1FD00] =	vst v7;
	v7 =	vld [tilespmem:s20+$0xA3E0];
	_ =	sdelay $0x4  }
0x409: {  	[tilespmem:$0x1FD10] =	vst v7;
	v7 =	vld [tilespmem:s20+$0xA3F0];
	_ =	sdelay $0x4  }
0x40a: {  	[tilespmem:$0x1FD20] =	vst v7;
	v7 =	vld [tilespmem:s20+$0xA400];
	_ =	sdelay $0x4  }
0x40b: {  	[tilespmem:$0x1FD30] =	vst v7;
	v7 =	vld [tilespmem:s20+$0xA410];
	_ =	sdelay $0x4  }
0x40c: {  	[tilespmem:$0x1FD40] =	vst v7;
	v7 =	vld [tilespmem:s20+$0xA420];
	_ =	sdelay $0x4  }
0x40d: {  	[tilespmem:$0x1FD50] =	vst v7;
	v7 =	vld [tilespmem:s20+$0xA430];
	_ =	sdelay $0x4  }
0x40e: {  	[tilespmem:$0x1FD60] =	vst v7;
	v7 =	vld [tilespmem:s20+$0xA440];
	_ =	sdelay $0x4  }
0x40f: {  	[tilespmem:$0x1FD70] =	vst v7;
	v7 =	vld [tilespmem:s20+$0xA450];
	_ =	sdelay $0x4  }
0x410: {  	[tilespmem:$0x1FD80] =	vst v7;
	v7 =	vld [tilespmem:s20+$0xA460];
	_ =	sdelay $0x4  }
0x411: {  	[tilespmem:$0x1FD90] =	vst v7;
	v7 =	vld [tilespmem:s20+$0xA470];
	_ =	sdelay $0x4  }
0x412: {  	[tilespmem:$0x1FDA0] =	vst v7;
	v7 =	vld [tilespmem:s20+$0xA480];
	_ =	sdelay $0x4  }
0x413: {  	[tilespmem:$0x1FDB0] =	vst v7;
	v7 =	vld [tilespmem:s20+$0xA490];
	_ =	sdelay $0x4  }
0x414: {  	[tilespmem:$0x1FDC0] =	vst v7;
	v7 =	vld [tilespmem:s20+$0xA4A0];
	_ =	sdelay $0x4  }
0x415: {  	[tilespmem:$0x1FDD0] =	vst v7;
	v7 =	vld [tilespmem:s20+$0xA4B0];
	_ =	sdelay $0x4  }
0x416: {  	[tilespmem:$0x1FDE0] =	vst v7;
	v7 =	vld [tilespmem:s20+$0xA4C0];
	_ =	sdelay $0x4  }
0x417: {  	[tilespmem:$0x1FDF0] =	vst v7;
	v7 =	vld [tilespmem:s20+$0xA4D0];
	_ =	sdelay $0x4  }
0x418: {  	[tilespmem:$0x1FE00] =	vst v7;
	v7 =	vld [tilespmem:s20+$0xA4E0];
	_ =	sdelay $0x4  }
0x419: {  	[tilespmem:$0x1FE10] =	vst v7;
	v7 =	vld [tilespmem:s20+$0xA4F0];
	_ =	sdelay $0x4  }
0x41a: {  	[tilespmem:$0x1FE20] =	vst v7;
	v7 =	vld [tilespmem:s20+$0xA500];
	_ =	sdelay $0x4  }
0x41b: {  	[tilespmem:$0x1FE30] =	vst v7;
	v7 =	vld [tilespmem:s20+$0xA510];
	_ =	sdelay $0x4  }
0x41c: {  	[tilespmem:$0x1FE40] =	vst v7;
	v7 =	vld [tilespmem:s20+$0xA520];
	_ =	sdelay $0x4  }
0x41d: {  	[tilespmem:$0x1FE50] =	vst v7;
	v7 =	vld [tilespmem:s20+$0xA530];
	_ =	sdelay $0x4  }
0x41e: {  	[tilespmem:$0x1FE60] =	vst v7;
	v7 =	vld [tilespmem:s20+$0xA540];
	_ =	sdelay $0x4  }
0x41f: {  	[tilespmem:$0x1FE70] =	vst v7;
	v7 =	vld [tilespmem:s20+$0xA550];
	_ =	sdelay $0x4  }
0x420: {  	[tilespmem:$0x1FE80] =	vst v7;
	v7 =	vld [tilespmem:s20+$0xA560];
	_ =	sdelay $0x4  }
0x421: {  	[tilespmem:$0x1FE90] =	vst v7;
	v7 =	vld [tilespmem:s20+$0xA570];
	_ =	sdelay $0x4  }
0x422: {  	[tilespmem:$0x1FEA0] =	vst v7;
	v7 =	vld [tilespmem:s20+$0xA580];
	_ =	sdelay $0x4  }
0x423: {  	[tilespmem:$0x1FEB0] =	vst v7;
	v7 =	vld [tilespmem:s20+$0xA590];
	_ =	sdelay $0x4  }
0x424: {  	[tilespmem:$0x1FEC0] =	vst v7;
	v7 =	vld [tilespmem:s20+$0xA5A0];
	_ =	sdelay $0x4  }
0x425: {  	[tilespmem:$0x1FED0] =	vst v7;
	v7 =	vld [tilespmem:s20+$0xA5B0];
	_ =	sdelay $0x4  }
0x426: {  	[tilespmem:$0x1FEE0] =	vst v7;
	v7 =	vld [tilespmem:s20+$0xA5C0];
	_ =	sdelay $0x4  }
0x427: {  	[tilespmem:$0x1FEF0] =	vst v7;
	v7 =	vld [tilespmem:s20+$0xA5D0];
	_ =	sdelay $0x4  }
0x428: {  	[tilespmem:$0x1FF00] =	vst v7;
	v7 =	vld [tilespmem:s20+$0xA5E0];
	_ =	sdelay $0x2  }
0x429: {  	v40 =	vld [tilespmem:s20+$0xA110]  }
0x42a: {  	v39 =	vld [tilespmem:s20+$0xA120]  }
0x42b: {  	[tilespmem:$0x1FF10] =	vst v7;
	v7 =	vld [tilespmem:s20+$0xA5F0]  }
0x42c: {  	v38 =	vld [tilespmem:s20+$0xA130]  }
0x42d: {  	v37 =	vld [tilespmem:s20+$0xA140]  }
0x42e: {  	v36 =	vld [tilespmem:s20+$0xA150]  }
0x42f: {  	v35 =	vld [tilespmem:s20+$0xA160]  }
0x430: {  	[tilespmem:$0x1FF20] =	vst v7;
	v7 =	vld [tilespmem:s20+$0xA600]  }
0x431: {  	v34 =	vld [tilespmem:s20+$0xA170]  }
0x432: {  	v33 =	vld [tilespmem:s20+$0xA180]  }
0x433: {  	v32 =	vld [tilespmem:s20+$0xA190]  }
0x434: {  	v31 =	vld [tilespmem:s20+$0xA1A0]  }
0x435: {  	[tilespmem:$0x1FF30] =	vst v7;
	v7 =	vld [tilespmem:s20+$0xA610]  }
0x436: {  	v30 =	vld [tilespmem:s20+$0xA1B0]  }
0x437: {  	v29 =	vld [tilespmem:s20+$0xA1C0]  }
0x438: {  	v28 =	vld [tilespmem:s20+$0xA1D0]  }
0x439: {  	v26 =	vld [tilespmem:s20+$0xA1E0]  }
0x43a: {  	[tilespmem:$0x1FF40] =	vst v7;
	v7 =	vld [tilespmem:s20+$0xA620]  }
0x43b: {  	v23 =	vld [tilespmem:s20+$0xA1F0]  }
0x43c: {  	v22 =	vld [tilespmem:s20+$0xA200]  }
0x43d: {  	v21 =	vld [tilespmem:s20+$0xA210]  }
0x43e: {  	v20 =	vld [tilespmem:s20+$0xA220]  }
0x43f: {  	[tilespmem:$0x1FF50] =	vst v7;
	v7 =	vld [tilespmem:s20+$0xA630]  }
0x440: {  	v19 =	vld [tilespmem:s20+$0xA230]  }
0x441: {  	v18 =	vld [tilespmem:s20+$0xA240]  }
0x442: {  	v17 =	vld [tilespmem:s20+$0xA250]  }
0x443: {  	v16 =	vld [tilespmem:s20+$0xA260]  }
0x444: {  	[tilespmem:$0x1FF60] =	vst v7;
	v7 =	vld [tilespmem:s20+$0xA640]  }
0x445: {  	v15 =	vld [tilespmem:s20+$0xA270]  }
0x446: {  	v14 =	vld [tilespmem:s20+$0xA280]  }
0x447: {  	v13 =	vld [tilespmem:s20+$0xA290]  }
0x448: {  	v12 =	vld [tilespmem:s20+$0xA2A0]  }
0x449: {  	[tilespmem:$0x1FF70] =	vst v7;
	v7 =	vld [tilespmem:s20+$0xA650]  }
0x44a: {  	v11 =	vld [tilespmem:s20+$0xA2B0]  }
0x44b: {  	v10 =	vld [tilespmem:s20+$0xA2C0]  }
0x44c: {  	v9 =	vld [tilespmem:s20+$0xA2D0]  }
0x44d: {  	v27 =	vld [tilespmem:s20+$0xA2E0]  }
0x44e: {  	[tilespmem:$0x1FF80] =	vst v7;
	v7 =	vld [tilespmem:s20+$0xA660]  }
0x44f: {  	v25 =	vld [tilespmem:s20+$0xA2F0]  }
0x450: {  	v6 =	vld [tilespmem:s20+$0xA300]  }
0x451: {  	v24 =	vld [tilespmem:s20+$0xA310]  }
0x452: {  	v3 =	vld [tilespmem:s20+$0xA320]  }
0x453: {  	p0 =	sne.s32 s21, $0x13;
	[tilespmem:$0x1FF90] =	vst v7;
	v7 =	vld [tilespmem:s20+$0xA670]  }
.Ltmp30:
0x454: {  	v4 =	vld [tilespmem:s20+$0xA330];
	(pc) =	sbr.rel @p0 .LBB2_38-.Ltmp30, $4  }
0x455: {  	v63 =	vld [tilespmem:s20+$0xA340]  }
0x456: {  	v62 =	vld [tilespmem:s20+$0xA350]  }
0x457: {  	v61 =	vld [tilespmem:s20+$0xA360]  }
0x458: {  	s22 =	sshll.u32 s21, $0x4;
	s21 =	sadd.s32 $0x1, s21;
	v60 =	vld [tilespmem:s20+$0xA680];
	[tilespmem:$0x1FFB0] =	vst v7  }
0x459: {  	v7 =	vld [tilespmem:s20+$0xA690];
	_ =	sdelay $0x4  }
0x45a: {  	[tilespmem:$0x1FA80] =	vst v7;
	v7 =	vld [tilespmem:s20+$0xA6A0];
	_ =	sdelay $0x4  }
0x45b: {  	[tilespmem:$0x1FA90] =	vst v7;
	v7 =	vld [tilespmem:s20+$0xA6B0];
	_ =	sdelay $0x2  }
0x45c: {  	s21 =	sand.u32 $0x3FFFFFF0, s22  }
0x45d: {  	v8 =	vld [tilespmem:s21+$0x14100]  }
0x45e: {  	[tilespmem:$0x1FAA0] =	vst v7;
	v7 =	vld [tilespmem:s20+$0xA6C0];
	_ =	sdelay $0x4  }
0x45f: {  	[tilespmem:$0x1FAB0] =	vst v7;
	v7 =	vmax.f32 v8, $1.000000000e+00  }
0x460: {  	(erf) = vrcp.f32 v7;
	v7 =	vld [tilespmem:s20+$0xA6D0];
	_ =	sdelay $0x4  }
0x461: {  	[tilespmem:$0x1FAC0] =	vst v7;
	v7 =	vld [tilespmem:s20+$0xA6E0];
	_ =	sdelay $0x4  }
0x462: {  	[tilespmem:$0x1FAD0] =	vst v7;
	v7 =	vld [tilespmem:s20+$0xA6F0];
	_ =	sdelay $0x4  }
0x463: {  	[tilespmem:$0x1FAE0] =	vst v7;
	v7 =	vld [tilespmem:s20+$0xA700];
	_ =	sdelay $0x4  }
0x464: {  	[tilespmem:$0x1FAF0] =	vst v7;
	v7 =	vld [tilespmem:s20+$0xA710];
	_ =	sdelay $0x4  }
0x465: {  	[tilespmem:$0x1FB00] =	vst v7;
	v7 =	vld [tilespmem:s20+$0xA720];
	_ =	sdelay $0x4  }
0x466: {  	[tilespmem:$0x1FB10] =	vst v7;
	v7 =	vld [tilespmem:s20+$0xA730];
	_ =	sdelay $0x4  }
0x467: {  	[tilespmem:$0x1FB20] =	vst v7;
	v7 =	vld [tilespmem:s20+$0xA740];
	_ =	sdelay $0x4  }
0x468: {  	[tilespmem:$0x1FB30] =	vst v7;
	v7 =	vld [tilespmem:s20+$0xA750];
	_ =	sdelay $0x4  }
0x469: {  	[tilespmem:$0x1FB40] =	vst v7;
	v7 =	vld [tilespmem:s20+$0xA760]  }
0x46a: {  	v50 =	vld [tilespmem:$0x1FFC0]  }
0x46b: {  	v52 =	vld [tilespmem:$0x1FFA0]  }
0x46c: {  	vm1 =	vgt.f32 v8, $0.0e+00;
	v8 =	vld [tilespmem:$0x1FFD0];
	_ =	sdelay $0x1  }
0x46d: {  	v51 =	vld [tilespmem:s20+$0x10];
	[tilespmem:$0x1FB50] =	vst v7;
	v7 =	vpop (erf)  }
0x46e: {  	v53 =	vld [tilespmem:s20+$0x30];
	v7 =	vmul.f32 v7, v50  }
0x46f: {  	v50 =	vld [tilespmem:s20+$0x0]  }
0x470: {  	v56 =	vld [tilespmem:s20+$0x40];
	v55 =	vnsel vm1, $0x0, v8;
	v7 =	vadd.f32 v7, v52  }
0x471: {  	[tilespmem:$0x1FA70] =	vst v55;
	v55 =	vbroadcast v55, $0x0;
	v52 =	vld [tilespmem:s20+$0x20]  }
0x472: {  	v57 =	vld [tilespmem:s20+$0x50];
	v54 =	vbroadcast v7, $0x0  }
0x473: {  	v58 =	vld [tilespmem:s20+$0x60];
	v48 =	vmul.f32 v55, v48  }
0x474: {  	v59 =	vld [tilespmem:s20+$0x70];
	v49 =	vmul.f32 v49, v55;
	v50 =	vmul.f32 v54, v50  }
0x475: {  	v47 =	vmul.f32 v47, v55;
	v8 =	vmov v7;
	v7 =	vld [tilespmem:s20+$0xA770];
	v51 =	vmul.f32 v54, v51  }
0x476: {  	v52 =	vmul.f32 v52, v54;
	v48 =	vadd.f32 v50, v48;
	v50 =	vmul.f32 v53, v54;
	v53 =	vld [tilespmem:s20+$0xA780]  }
0x477: {  	v49 =	vadd.f32 v49, v51;
	v51 =	vmul.f32 v56, v54;
	v56 =	vld [tilespmem:s20+$0xA790]  }
0x478: {  	v45 =	vmul.f32 v45, v55;
	v47 =	vadd.f32 v47, v52;
	v52 =	vmul.f32 v58, v54;
	v58 =	vld [tilespmem:s20+$0x90]  }
0x479: {  	[tilespmem:s20+$0x0] =	vst v48;
	v48 =	vmul.f32 v57, v54;
	v57 =	vmul.f32 v59, v54;
	v59 =	vld [tilespmem:s20+$0xA0]  }
0x47a: {  	v46 =	vmul.f32 v46, v55;
	v54 =	vld [tilespmem:$0x1FA70]  }
0x47b: {  	v45 =	vadd.f32 v45, v51;
	v51 =	vld [tilespmem:s20+$0xB0]  }
0x47c: {  	v42 =	vmul.f32 v42, v55;
	[tilespmem:s20+$0x10] =	vst v49;
	v46 =	vadd.f32 v46, v50;
	v49 =	vld [tilespmem:s20+$0xD0]  }
0x47d: {  	v44 =	vmul.f32 v44, v55;
	v43 =	vmul.f32 v43, v55;
	v50 =	vld [tilespmem:s20+$0x160]  }
0x47e: {  	[tilespmem:s20+$0x30] =	vst v46;
	v46 =	vbroadcast v8, $0x1;
	v42 =	vadd.f32 v42, v57;
	v57 =	vld [tilespmem:s20+$0xE0]  }
0x47f: {  	[tilespmem:s20+$0x20] =	vst v47;
	v43 =	vadd.f32 v43, v52;
	v52 =	vld [tilespmem:s20+$0xA7A0];
	v44 =	vadd.f32 v44, v48;
	v48 =	vbroadcast v54, $0x1  }
0x480: {  	[tilespmem:s20+$0x40] =	vst v45;
	v45 =	vld [tilespmem:s20+$0xC0];
	v58 =	vmul.f32 v58, v46  }
0x481: {  	[tilespmem:$0x1FB70] =	vst v53;
	v53 =	vld [tilespmem:s20+$0x80];
	v47 =	vmul.f32 v51, v46;
	v41 =	vmul.f32 v41, v48  }
0x482: {  	[tilespmem:s20+$0x70] =	vst v42;
	v42 =	vld [tilespmem:s20+$0xF0];
	v40 =	vmul.f32 v40, v48;
	v39 =	vmul.f32 v39, v48  }
0x483: {  	[tilespmem:s20+$0x60] =	vst v43;
	v51 =	vld [tilespmem:s20+$0x1B0];
	v43 =	vmul.f32 v57, v46;
	v38 =	vmul.f32 v38, v48  }
0x484: {  	v57 =	vld [tilespmem:s20+$0x110];
	v37 =	vmul.f32 v37, v48;
	v36 =	vmul.f32 v36, v48  }
0x485: {  	v35 =	vmul.f32 v35, v48;
	v34 =	vmul.f32 v34, v48;
	v48 =	vld [tilespmem:s20+$0x150]  }
0x486: {  	v59 =	vmul.f32 v59, v46;
	v55 =	vmul.f32 v53, v46;
	v53 =	vld [tilespmem:s20+$0xA7B0]  }
0x487: {  	v40 =	vadd.f32 v40, v58;
	v58 =	vld [tilespmem:s20+$0x120]  }
0x488: {  	v39 =	vadd.f32 v39, v59;
	v59 =	vld [tilespmem:s20+$0x130]  }
0x489: {  	v45 =	vmul.f32 v45, v46;
	v38 =	vadd.f32 v38, v47;
	v47 =	vld [tilespmem:s20+$0x140];
	v41 =	vadd.f32 v41, v55  }
0x48a: {  	v49 =	vmul.f32 v49, v46;
	v55 =	vld [tilespmem:s20+$0x100];
	[tilespmem:s20+$0x90] =	vst v40;
	v40 =	vbroadcast v8, $0x2  }
0x48b: {  	v37 =	vadd.f32 v37, v45;
	v45 =	vld [tilespmem:s20+$0x180];
	[tilespmem:s20+$0x80] =	vst v41;
	v41 =	vmul.f32 v42, v46;
	v46 =	vbroadcast v54, $0x2  }
0x48c: {  	v35 =	vadd.f32 v35, v43;
	v43 =	vld [tilespmem:s20+$0x200];
	v42 =	vmul.f32 v48, v40  }
0x48d: {  	[tilespmem:s20+$0xB0] =	vst v38;
	v38 =	vld [tilespmem:s20+$0x280];
	v58 =	vmul.f32 v58, v40;
	v31 =	vmul.f32 v31, v46  }
0x48e: {  	v48 =	vld [tilespmem:s20+$0x190];
	v59 =	vmul.f32 v59, v40;
	v30 =	vmul.f32 v30, v46  }
0x48f: {  	v36 =	vadd.f32 v36, v49;
	v49 =	vmul.f32 v55, v40;
	v55 =	vmul.f32 v57, v40;
	v57 =	vld [tilespmem:s20+$0x170]  }
0x490: {  	[tilespmem:s20+$0x50] =	vst v44;
	v44 =	vmul.f32 v50, v40;
	v26 =	vmul.f32 v26, v46;
	v31 =	vadd.f32 v31, v58;
	v58 =	vld [tilespmem:s20+$0x1D0]  }
0x491: {  	v50 =	vbroadcast v8, $0x3;
	v34 =	vadd.f32 v34, v41;
	v30 =	vadd.f32 v30, v59;
	v59 =	vld [tilespmem:s20+$0x1E0]  }
0x492: {  	v33 =	vmul.f32 v33, v46;
	v26 =	vadd.f32 v26, v44;
	v44 =	vld [tilespmem:s20+$0x210]  }
0x493: {  	v32 =	vmul.f32 v32, v46;
	[tilespmem:s20+$0xF0] =	vst v34;
	v34 =	vmul.f32 v51, v50;
	v51 =	vld [tilespmem:s20+$0x250]  }
0x494: {  	v41 =	vmul.f32 v47, v40;
	v33 =	vadd.f32 v33, v49;
	v49 =	vld [tilespmem:s20+$0x1A0]  }
0x495: {  	v29 =	vmul.f32 v29, v46;
	v28 =	vmul.f32 v28, v46;
	v32 =	vadd.f32 v32, v55;
	v55 =	vld [tilespmem:s20+$0x1C0]  }
0x496: {  	[tilespmem:s20+$0x100] =	vst v33;
	v33 =	vbroadcast v54, $0x3;
	v47 =	vmul.f32 v57, v40;
	v40 =	vld [tilespmem:s20+$0x1F0]  }
0x497: {  	v23 =	vmul.f32 v23, v46;
	v29 =	vadd.f32 v29, v41;
	v57 =	vmul.f32 v45, v50;
	v45 =	vld [tilespmem:s20+$0x220]  }
0x498: {  	v28 =	vadd.f32 v28, v42;
	v41 =	vmul.f32 v48, v50;
	v42 =	vmul.f32 v20, v33;
	v20 =	vld [tilespmem:s20+$0xA7D0]  }
0x499: {  	[tilespmem:s20+$0x160] =	vst v26;
	v48 =	vbroadcast v8, $0x4;
	v26 =	vmul.f32 v59, v50;
	v59 =	vld [tilespmem:s20+$0x270]  }
0x49a: {  	[tilespmem:s20+$0x140] =	vst v29;
	v22 =	vmul.f32 v22, v33;
	v23 =	vadd.f32 v23, v47;
	v47 =	vld [tilespmem:s20+$0x230]  }
0x49b: {  	[tilespmem:s20+$0x150] =	vst v28;
	v29 =	vmul.f32 v55, v50;
	v55 =	vmul.f32 v43, v48;
	v43 =	vld [tilespmem:s20+$0x2A0]  }
0x49c: {  	[tilespmem:s20+$0x110] =	vst v32;
	v32 =	vmul.f32 v58, v50;
	v19 =	vmul.f32 v19, v33;
	v28 =	vadd.f32 v22, v57;
	v22 =	vld [tilespmem:s20+$0xA7C0]  }
0x49d: {  	v58 =	vmul.f32 v44, v48;
	v44 =	vbroadcast v54, $0x5;
	v57 =	vld [tilespmem:s20+$0x260]  }
0x49e: {  	[tilespmem:s20+$0x120] =	vst v31;
	v31 =	vmul.f32 v49, v50;
	v19 =	vadd.f32 v19, v34;
	v34 =	vld [tilespmem:s20+$0x340]  }
0x49f: {  	[tilespmem:s20+$0x130] =	vst v30;
	v18 =	vmul.f32 v18, v33;
	v30 =	vmul.f32 v62, v44;
	v62 =	vld [tilespmem:$0x1FD30]  }
0x4a0: {  	v49 =	vbroadcast v54, $0x4;
	v46 =	vadd.f32 v42, v31;
	v31 =	vld [tilespmem:s20+$0x330]  }
0x4a1: {  	v18 =	vadd.f32 v18, v29;
	v29 =	vmul.f32 v63, v44;
	v63 =	vld [tilespmem:s20+$0x3D0]  }
0x4a2: {  	v42 =	vmul.f32 v25, v49;
	v25 =	vld [tilespmem:s20+$0x3F0]  }
0x4a3: {  	v17 =	vmul.f32 v17, v33;
	[tilespmem:s20+$0x170] =	vst v23;
	v23 =	vmul.f32 v40, v50;
	v50 =	vld [tilespmem:s20+$0x240]  }
0x4a4: {  	v40 =	vld [tilespmem:s20+$0x290]  }
0x4a5: {  	[tilespmem:s20+$0xD0] =	vst v36;
	v17 =	vadd.f32 v17, v32;
	v14 =	vmul.f32 v14, v49;
	v32 =	vmul.f32 v45, v48;
	v45 =	vld [tilespmem:s20+$0x2B0]  }
0x4a6: {  	v36 =	vmul.f32 v51, v48;
	v13 =	vmul.f32 v13, v49;
	[tilespmem:s20+$0x1A0] =	vst v46;
	v46 =	vld [tilespmem:s20+$0x2C0]  }
0x4a7: {  	v9 =	vmul.f32 v9, v49;
	v14 =	vadd.f32 v14, v55;
	v55 =	vmul.f32 v3, v44;
	v3 =	vld [tilespmem:s20+$0xA7F0]  }
0x4a8: {  	v21 =	vmul.f32 v21, v33;
	v16 =	vmul.f32 v16, v33;
	v13 =	vadd.f32 v13, v58;
	v58 =	vld [tilespmem:s20+$0x300]  }
0x4a9: {  	[tilespmem:s20+$0xA0] =	vst v39;
	v15 =	vmul.f32 v15, v33;
	v39 =	vmul.f32 v59, v48;
	v9 =	vadd.f32 v9, v36;
	v59 =	vld [tilespmem:s20+$0x310]  }
0x4aa: {  	[tilespmem:s20+$0xC0] =	vst v37;
	v6 =	vmul.f32 v6, v44;
	v4 =	vmul.f32 v4, v44;
	v36 =	vld [tilespmem:$0x1FCA0]  }
0x4ab: {  	v11 =	vmul.f32 v11, v49;
	v33 =	vmul.f32 v47, v48;
	[tilespmem:s20+$0x250] =	vst v9;
	v9 =	vadd.f32 v42, v39;
	v39 =	vld [tilespmem:$0x1FCB0]  }
0x4ac: {  	[tilespmem:s20+$0xE0] =	vst v35;
	v12 =	vmul.f32 v12, v49;
	v10 =	vmul.f32 v10, v49;
	v42 =	vld [tilespmem:$0x1FCC0]  }
0x4ad: {  	[tilespmem:s20+$0x200] =	vst v14;
	v37 =	vmul.f32 v57, v48;
	v11 =	vadd.f32 v11, v33;
	v35 =	vmul.f32 v50, v48;
	v48 =	vld [tilespmem:s20+$0x2D0]  }
0x4ae: {  	v12 =	vadd.f32 v12, v32;
	v32 =	vbroadcast v8, $0x6;
	[tilespmem:s20+$0x270] =	vst v9;
	v9 =	vld [tilespmem:s20+$0x2F0];
	v50 =	vmul.f32 v24, v44  }
0x4af: {  	v24 =	vld [tilespmem:s20+$0x3E0];
	[tilespmem:s20+$0x230] =	vst v11;
	v11 =	vbroadcast v8, $0x5;
	v14 =	vmul.f32 v36, v44  }
0x4b0: {  	v10 =	vadd.f32 v10, v35;
	v35 =	vmul.f32 v61, v44;
	v44 =	vmul.f32 v31, v32;
	v31 =	vld [tilespmem:s20+$0x410]  }
0x4b1: {  	v21 =	vadd.f32 v21, v41;
	v41 =	vmul.f32 v27, v49;
	v49 =	vmul.f32 v40, v11;
	v40 =	vld [tilespmem:s20+$0x360]  }
0x4b2: {  	v51 =	vmul.f32 v43, v11;
	v43 =	vld [tilespmem:s20+$0x370]  }
0x4b3: {  	v33 =	vbroadcast v54, $0x6;
	v57 =	vmul.f32 v45, v11;
	v45 =	vld [tilespmem:$0x1FCE0]  }
0x4b4: {  	[tilespmem:s20+$0x220] =	vst v12;
	v12 =	vmul.f32 v46, v11;
	v46 =	vmul.f32 v34, v32;
	v34 =	vld [tilespmem:s20+$0x420]  }
0x4b5: {  	[tilespmem:s20+$0x1C0] =	vst v18;
	v18 =	vmul.f32 v39, v33;
	v39 =	vld [tilespmem:$0x1FDA0]  }
0x4b6: {  	v47 =	vmul.f32 v38, v11;
	[tilespmem:s20+$0x240] =	vst v10;
	v10 =	vadd.f32 v41, v37;
	v37 =	vld [tilespmem:s20+$0x350]  }
0x4b7: {  	v41 =	vmul.f32 v59, v32;
	v59 =	vld [tilespmem:s20+$0x3B0]  }
0x4b8: {  	v15 =	vadd.f32 v15, v23;
	[tilespmem:s20+$0x210] =	vst v13;
	v13 =	vadd.f32 v6, v47;
	v6 =	vld [tilespmem:s20+$0xA7E0]  }
0x4b9: {  	v47 =	vld [tilespmem:$0x1FCF0]  }
0x4ba: {  	[tilespmem:s20+$0x1F0] =	vst v15;
	v15 =	vmul.f32 v48, v11;
	v48 =	vld [tilespmem:s20+$0x380]  }
0x4bb: {  	[tilespmem:s20+$0x180] =	vst v28;
	v28 =	vadd.f32 v55, v51;
	v51 =	vld [tilespmem:$0x1FD10]  }
0x4bc: {  	v55 =	vld [tilespmem:$0x1FD20]  }
0x4bd: {  	v4 =	vadd.f32 v4, v57;
	v57 =	vld [tilespmem:s20+$0x3A0]  }
0x4be: {  	v12 =	vadd.f32 v29, v12;
	v29 =	vld [tilespmem:s20+$0x400]  }
0x4bf: {  	v16 =	vadd.f32 v16, v26;
	[tilespmem:s20+$0x260] =	vst v10;
	v10 =	vld [tilespmem:s20+$0x2E0]  }
0x4c0: {  	[tilespmem:s20+$0x280] =	vst v13;
	v13 =	vadd.f32 v50, v49;
	v49 =	vld [tilespmem:$0x1FD00]  }
0x4c1: {  	[tilespmem:s20+$0x1E0] =	vst v16;
	v50 =	vld [tilespmem:s20+$0x390]  }
0x4c2: {  	v9 =	vmul.f32 v9, v11;
	[tilespmem:s20+$0x2B0] =	vst v4;
	v4 =	vadd.f32 v30, v15;
	v30 =	vld [tilespmem:$0x1FD60]  }
0x4c3: {  	[tilespmem:s20+$0x2C0] =	vst v12;
	v15 =	vmul.f32 v45, v33;
	v45 =	vld [tilespmem:$0x1FDC0]  }
0x4c4: {  	v16 =	vmul.f32 v42, v33;
	[tilespmem:s20+$0x2D0] =	vst v4;
	v4 =	vadd.f32 v14, v9;
	v10 =	vmul.f32 v10, v11;
	v11 =	vld [tilespmem:s20+$0x320]  }
0x4c5: {  	[tilespmem:s20+$0x290] =	vst v13;
	v13 =	vmul.f32 v43, v32;
	v43 =	vld [tilespmem:$0x1FDB0]  }
0x4c6: {  	v12 =	vmul.f32 v51, v33;
	v51 =	vld [tilespmem:$0x1FDE0];
	[tilespmem:s20+$0x2F0] =	vst v4;
	v4 =	vadd.f32 v16, v41  }
0x4c7: {  	v38 =	vmul.f32 v58, v32;
	v14 =	vmul.f32 v49, v33;
	v49 =	vld [tilespmem:s20+$0x470];
	v10 =	vadd.f32 v35, v10  }
0x4c8: {  	v36 =	vbroadcast v54, $0x8;
	[tilespmem:s20+$0x310] =	vst v4;
	v4 =	vadd.f32 v15, v44;
	v44 =	vld [tilespmem:s20+$0x450]  }
0x4c9: {  	[tilespmem:s20+$0x2E0] =	vst v10;
	v10 =	vadd.f32 v18, v38;
	v9 =	vmul.f32 v11, v32;
	v11 =	vld [tilespmem:$0x1FCD0]  }
0x4ca: {  	[tilespmem:$0x1FB60] =	vst v7;
	v7 =	vmov v8;
	v23 =	vmul.f32 v43, v36;
	v43 =	vld [tilespmem:$0x1FE50]  }
0x4cb: {  	v35 =	vbroadcast v7, $0x8;
	v38 =	vld [tilespmem:$0x1FD90];
	[tilespmem:s20+$0x300] =	vst v10;
	v10 =	vmul.f32 v37, v32  }
0x4cc: {  	v58 =	vbroadcast v54, $0x7;
	v37 =	vld [tilespmem:s20+$0x430]  }
0x4cd: {  	[tilespmem:s20+$0x330] =	vst v4;
	v15 =	vmul.f32 v31, v35;
	v31 =	vld [tilespmem:$0x1FF20];
	v4 =	vadd.f32 v14, v10;
	v10 =	vbroadcast v7, $0x7  }
0x4ce: {  	v14 =	vmul.f32 v39, v58;
	v39 =	vld [tilespmem:s20+$0x4D0];
	v11 =	vmul.f32 v11, v33  }
0x4cf: {  	v16 =	vmul.f32 v47, v33;
	v61 =	vmul.f32 v48, v10;
	v48 =	vld [tilespmem:$0x1FDD0]  }
0x4d0: {  	v26 =	vmul.f32 v50, v10;
	v18 =	vmul.f32 v57, v10;
	v57 =	vld [tilespmem:$0x1FDF0];
	v9 =	vadd.f32 v11, v9  }
0x4d1: {  	[tilespmem:s20+$0x1B0] =	vst v19;
	v19 =	vmul.f32 v59, v10;
	v59 =	vld [tilespmem:$0x1FE00];
	v50 =	vmul.f32 v37, v35  }
0x4d2: {  	v37 =	vld [tilespmem:s20+$0x4C0];
	v11 =	vmul.f32 v40, v32;
	[tilespmem:s20+$0x320] =	vst v9;
	v9 =	vadd.f32 v16, v46;
	v16 =	vmul.f32 v55, v33  }
0x4d3: {  	[tilespmem:s20+$0x350] =	vst v4;
	v32 =	vld [tilespmem:$0x1FD70]  }
0x4d4: {  	v40 =	vld [tilespmem:s20+$0x440];
	[tilespmem:s20+$0x340] =	vst v9;
	v9 =	vadd.f32 v12, v11;
	v4 =	vadd.f32 v16, v13;
	v13 =	vmul.f32 v62, v58  }
0x4d5: {  	v33 =	vld [tilespmem:$0x1FD80]  }
0x4d6: {  	v46 =	vld [tilespmem:s20+$0x460];
	[tilespmem:s20+$0x360] =	vst v9;
	v9 =	vadd.f32 v13, v61  }
0x4d7: {  	[tilespmem:s20+$0x1D0] =	vst v17;
	v11 =	vld [tilespmem:s20+$0x3C0]  }
0x4d8: {  	[tilespmem:s20+$0x380] =	vst v9;
	v9 =	vld [tilespmem:$0x1FD50]  }
0x4d9: {  	v17 =	vmul.f32 v24, v10;
	[tilespmem:s20+$0x370] =	vst v4;
	v4 =	vld [tilespmem:$0x1FD40]  }
0x4da: {  	[tilespmem:s20+$0x190] =	vst v21;
	v16 =	vmul.f32 v63, v10;
	v21 =	vmul.f32 v32, v58;
	v32 =	vld [tilespmem:s20+$0x490]  }
0x4db: {  	v12 =	vmul.f32 v30, v58;
	v55 =	vmul.f32 v40, v35;
	v61 =	vld [tilespmem:s20+$0x480]  }
0x4dc: {  	v40 =	vld [tilespmem:s20+$0x4E0];
	v24 =	vmul.f32 v33, v58;
	v11 =	vmul.f32 v11, v10  }
0x4dd: {  	[tilespmem:s20+$0x2A0] =	vst v28;
	v33 =	vld [tilespmem:$0x1FE10];
	v10 =	vmul.f32 v25, v10;
	v28 =	vmul.f32 v9, v58  }
0x4de: {  	v63 =	vbroadcast v7, $0x9;
	v12 =	vadd.f32 v12, v19;
	v27 =	vmul.f32 v4, v58;
	v4 =	vld [tilespmem:s20+$0xA800]  }
0x4df: {  	v10 =	vadd.f32 v14, v10;
	v14 =	vmul.f32 v48, v36;
	v48 =	vld [tilespmem:s20+$0x500];
	v18 =	vadd.f32 v28, v18  }
0x4e0: {  	[tilespmem:s20+$0x3B0] =	vst v12;
	v11 =	vadd.f32 v21, v11;
	v21 =	vmul.f32 v61, v63;
	v61 =	vld [tilespmem:s20+$0x530];
	v13 =	vadd.f32 v27, v26  }
0x4e1: {  	v42 =	vmul.f32 v29, v35;
	v9 =	vld [tilespmem:s20+$0xA810];
	[tilespmem:s20+$0x3A0] =	vst v18;
	v18 =	vmul.f32 v38, v58  }
0x4e2: {  	v47 =	vmul.f32 v34, v35;
	v41 =	vadd.f32 v24, v16;
	[tilespmem:s20+$0x390] =	vst v13;
	v13 =	vmul.f32 v49, v35;
	v49 =	vld [tilespmem:$0x1FE80]  }
0x4e3: {  	v62 =	vmul.f32 v46, v35;
	[tilespmem:s20+$0x3C0] =	vst v11;
	v58 =	vmul.f32 v44, v35;
	v35 =	vld [tilespmem:$0x1FE20];
	v11 =	vadd.f32 v18, v17  }
0x4e4: {  	[tilespmem:s20+$0x3D0] =	vst v41;
	v38 =	vld [tilespmem:$0x1FE30];
	v17 =	vmul.f32 v45, v36  }
0x4e5: {  	v44 =	vld [tilespmem:s20+$0x4F0];
	[tilespmem:s20+$0x3E0] =	vst v11;
	v11 =	vadd.f32 v23, v42  }
0x4e6: {  	[tilespmem:s20+$0x3F0] =	vst v10;
	v23 =	vmul.f32 v51, v36;
	v10 =	vadd.f32 v17, v15;
	v51 =	vld [tilespmem:$0x1FE90]  }
0x4e7: {  	v17 =	vmul.f32 v57, v36;
	v30 =	vld [tilespmem:s20+$0xA870];
	[tilespmem:s20+$0x400] =	vst v11;
	v11 =	vadd.f32 v14, v47  }
0x4e8: {  	v14 =	vmul.f32 v59, v36;
	[tilespmem:s20+$0x410] =	vst v10;
	v10 =	vadd.f32 v23, v50;
	v47 =	vld [tilespmem:$0x1FE70]  }
0x4e9: {  	v50 =	vld [tilespmem:s20+$0x510];
	[tilespmem:s20+$0x420] =	vst v11;
	v11 =	vadd.f32 v17, v55  }
0x4ea: {  	v17 =	vmul.f32 v33, v36;
	[tilespmem:s20+$0x430] =	vst v10;
	v10 =	vadd.f32 v14, v58;
	v14 =	vmul.f32 v35, v36;
	v36 =	vld [tilespmem:s20+$0x4A0]  }
0x4eb: {  	v55 =	vld [tilespmem:s20+$0x520]  }
0x4ec: {  	v59 =	vbroadcast v7, $0xA;
	v33 =	vld [tilespmem:s20+$0x550]  }
0x4ed: {  	v58 =	vmul.f32 v44, v63;
	v44 =	vld [tilespmem:$0x1FEE0]  }
0x4ee: {  	v15 =	vmul.f32 v32, v63;
	v32 =	vmul.f32 v48, v59;
	v48 =	vld [tilespmem:$0x1FEF0]  }
0x4ef: {  	v34 =	vbroadcast v54, $0x9;
	[tilespmem:s20+$0x440] =	vst v11;
	v11 =	vld [tilespmem:s20+$0x4B0]  }
0x4f0: {  	v16 =	vadd.f32 v17, v62;
	v62 =	vld [tilespmem:$0x1FEA0]  }
0x4f1: {  	v23 =	vmul.f32 v38, v34;
	[tilespmem:s20+$0x450] =	vst v10;
	v10 =	vadd.f32 v14, v13;
	v17 =	vmul.f32 v37, v63;
	v37 =	vld [tilespmem:$0x1FEC0]  }
0x4f2: {  	v13 =	vmul.f32 v39, v63;
	v39 =	vld [tilespmem:s20+$0x570]  }
0x4f3: {  	v41 =	vadd.f32 v23, v21;
	[tilespmem:s20+$0x470] =	vst v10;
	v10 =	vld [tilespmem:$0x1FE40]  }
0x4f4: {  	v45 =	vmul.f32 v11, v63;
	v11 =	vld [tilespmem:$0x1FE60]  }
0x4f5: {  	v23 =	vmul.f32 v43, v34;
	[tilespmem:s20+$0x480] =	vst v41;
	v41 =	vld [tilespmem:$0x1FED0];
	v19 =	vmul.f32 v36, v63  }
0x4f6: {  	v21 =	vmul.f32 v49, v34;
	v26 =	vmul.f32 v47, v34;
	v47 =	vld [tilespmem:s20+$0x580]  }
0x4f7: {  	v14 =	vmul.f32 v40, v63;
	v36 =	vld [tilespmem:s20+$0x560];
	v19 =	vadd.f32 v23, v19;
	v23 =	vmul.f32 v51, v34  }
0x4f8: {  	v12 =	vmul.f32 v62, v34;
	v63 =	vld [tilespmem:s20+$0x540];
	v42 =	vmul.f32 v10, v34  }
0x4f9: {  	v13 =	vadd.f32 v21, v13;
	[tilespmem:s20+$0x4A0] =	vst v19;
	v19 =	vbroadcast v54, $0xA;
	v46 =	vmul.f32 v11, v34;
	v34 =	vld [tilespmem:$0x1FEB0]  }
0x4fa: {  	v35 =	vmul.f32 v50, v59;
	v38 =	vmul.f32 v55, v59;
	v51 =	vld [tilespmem:$0x1FF00]  }
0x4fb: {  	v17 =	vadd.f32 v26, v17;
	v49 =	vmul.f32 v33, v59;
	v33 =	vld [tilespmem:s20+$0x5B0];
	[tilespmem:s20+$0x4D0] =	vst v13;
	v13 =	vmul.f32 v37, v19  }
0x4fc: {  	v10 =	vld [tilespmem:s20+$0xA820];
	v12 =	vadd.f32 v12, v58;
	v58 =	vmul.f32 v39, v59;
	v15 =	vadd.f32 v42, v15  }
0x4fd: {  	v42 =	vmul.f32 v61, v59;
	v61 =	vld [tilespmem:$0x1FF10];
	v43 =	vadd.f32 v13, v35;
	v13 =	vmul.f32 v44, v19  }
0x4fe: {  	[tilespmem:s20+$0x4C0] =	vst v17;
	v55 =	vmul.f32 v36, v59;
	v35 =	vld [tilespmem:$0x1FF30];
	v57 =	vadd.f32 v46, v45;
	v17 =	vmul.f32 v34, v19  }
0x4ff: {  	v45 =	vmul.f32 v63, v59;
	v59 =	vld [tilespmem:s20+$0x590];
	v50 =	vadd.f32 v13, v42;
	v13 =	vmul.f32 v51, v19  }
0x500: {  	v40 =	vadd.f32 v17, v32;
	v17 =	vmul.f32 v41, v19;
	v41 =	vld [tilespmem:$0x1FF40]  }
0x501: {  	[tilespmem:s20+$0x490] =	vst v15;
	v15 =	vbroadcast v7, $0xB;
	v62 =	vadd.f32 v13, v49;
	v49 =	vld [tilespmem:$0x1FF80]  }
0x502: {  	[tilespmem:s20+$0x460] =	vst v16;
	v37 =	vld [tilespmem:s20+$0x5D0];
	v63 =	vbroadcast v54, $0xB  }
0x503: {  	[tilespmem:s20+$0x4F0] =	vst v12;
	v12 =	vld [tilespmem:s20+$0xA840];
	v16 =	vmul.f32 v47, v15  }
0x504: {  	v11 =	vld [tilespmem:s20+$0xA830];
	v25 =	vmul.f32 v35, v63;
	v46 =	vadd.f32 v17, v38;
	v17 =	vmul.f32 v48, v19  }
0x505: {  	v44 =	vld [tilespmem:s20+$0x5F0];
	[tilespmem:s20+$0x500] =	vst v40;
	v40 =	vmul.f32 v59, v15;
	v42 =	vmul.f32 v41, v63  }
0x506: {  	[tilespmem:s20+$0x510] =	vst v43;
	v43 =	vld [tilespmem:$0x1FF50];
	v39 =	vadd.f32 v25, v16;
	v18 =	vmul.f32 v49, v63  }
0x507: {  	v47 =	vld [tilespmem:$0x1FF70];
	[tilespmem:s20+$0x4B0] =	vst v57;
	v57 =	vadd.f32 v17, v45;
	v17 =	vmul.f32 v37, v15;
	v16 =	vadd.f32 v42, v40  }
0x508: {  	v14 =	vadd.f32 v23, v14;
	v51 =	vld [tilespmem:$0x1FF90];
	[tilespmem:s20+$0x550] =	vst v62  }
0x509: {  	v62 =	vadd.f32 v18, v17;
	v17 =	vbroadcast v7, $0xD;
	[tilespmem:s20+$0x590] =	vst v16;
	v16 =	vbroadcast v7, $0xC;
	v7 =	vld [tilespmem:$0x1FA80]  }
0x50a: {  	[tilespmem:s20+$0x4E0] =	vst v14;
	v14 =	vmul.f32 v33, v15;
	v33 =	vld [tilespmem:s20+$0x650]  }
0x50b: {  	v23 =	vmul.f32 v61, v19;
	v61 =	vld [tilespmem:s20+$0x640]  }
0x50c: {  	v24 =	vbroadcast v54, $0xC;
	v34 =	vld [tilespmem:s20+$0x5C0]  }
0x50d: {  	[tilespmem:s20+$0x530] =	vst v50;
	v50 =	vld [tilespmem:s20+$0x610]  }
0x50e: {  	[tilespmem:s20+$0x580] =	vst v39;
	v39 =	vmul.f32 v7, v24;
	v7 =	vld [tilespmem:$0x1FA90]  }
0x50f: {  	v13 =	vmul.f32 v31, v19;
	v31 =	vld [tilespmem:$0x1FB70]  }
0x510: {  	v21 =	vadd.f32 v23, v55;
	v55 =	vld [tilespmem:s20+$0x620]  }
0x511: {  	v35 =	vmul.f32 v60, v24;
	v60 =	vld [tilespmem:s20+$0x6A0]  }
0x512: {  	v45 =	vld [tilespmem:$0x1FF60]  }
0x513: {  	v42 =	vmul.f32 v7, v24;
	v7 =	vld [tilespmem:$0x1FAA0]  }
0x514: {  	v32 =	vld [tilespmem:s20+$0x5A0]  }
0x515: {  	v36 =	vadd.f32 v13, v58;
	v13 =	vld [tilespmem:s20+$0xA850]  }
0x516: {  	v38 =	vld [tilespmem:s20+$0x5E0]  }
0x517: {  	v59 =	vld [tilespmem:$0x1FFB0]  }
0x518: {  	[tilespmem:s20+$0x520] =	vst v46;
	v46 =	vmul.f32 v45, v63;
	v45 =	vmul.f32 v7, v24;
	v7 =	vld [tilespmem:$0x1FAB0]  }
0x519: {  	v48 =	vld [tilespmem:s20+$0x600]  }
0x51a: {  	v25 =	vmul.f32 v43, v63;
	v28 =	vmul.f32 v47, v63;
	v37 =	vld [tilespmem:s20+$0x660]  }
0x51b: {  	[tilespmem:s20+$0x560] =	vst v21;
	v23 =	vmul.f32 v34, v15;
	v19 =	vmul.f32 v32, v15;
	v41 =	vld [tilespmem:s20+$0x670]  }
0x51c: {  	[tilespmem:s20+$0x540] =	vst v57;
	v57 =	vld [tilespmem:s20+$0x630];
	v21 =	vmul.f32 v38, v15;
	v15 =	vmul.f32 v44, v15  }
0x51d: {  	v58 =	vadd.f32 v28, v23;
	v23 =	vmul.f32 v59, v63;
	v49 =	vmul.f32 v7, v24;
	v7 =	vld [tilespmem:$0x1FAC0]  }
0x51e: {  	v19 =	vadd.f32 v25, v19;
	v25 =	vmul.f32 v51, v63;
	v63 =	vmul.f32 v48, v16;
	v48 =	vld [tilespmem:s20+$0x680]  }
0x51f: {  	v38 =	vadd.f32 v23, v15;
	v40 =	vmul.f32 v55, v16;
	v55 =	vld [tilespmem:s20+$0x690]  }
0x520: {  	[tilespmem:s20+$0x570] =	vst v36;
	v36 =	vmul.f32 v50, v16;
	v50 =	vmul.f32 v33, v16;
	v33 =	vld [tilespmem:s20+$0x6B0]  }
0x521: {  	v43 =	vmul.f32 v57, v16;
	[tilespmem:s20+$0x5F0] =	vst v38;
	v38 =	vld [tilespmem:s20+$0x6D0]  }
0x522: {  	v14 =	vadd.f32 v46, v14;
	v46 =	vmul.f32 v61, v16;
	v57 =	vmul.f32 v7, v24;
	v7 =	vld [tilespmem:$0x1FAD0]  }
0x523: {  	[tilespmem:s20+$0x5C0] =	vst v58;
	v58 =	vmul.f32 v37, v16;
	v16 =	vmul.f32 v41, v16;
	v41 =	vld [tilespmem:s20+$0x6F0];
	v44 =	vadd.f32 v39, v36  }
0x524: {  	v47 =	vadd.f32 v42, v40;
	v40 =	vld [tilespmem:$0x1FB00]  }
0x525: {  	[tilespmem:s20+$0x610] =	vst v44;
	v44 =	vld [tilespmem:$0x1FB20]  }
0x526: {  	[tilespmem:s20+$0x5D0] =	vst v62;
	v34 =	vadd.f32 v25, v21;
	v18 =	vadd.f32 v35, v63;
	v35 =	vld [tilespmem:s20+$0x6C0]  }
0x527: {  	[tilespmem:s20+$0x5A0] =	vst v19;
	v63 =	vbroadcast v54, $0xD;
	v61 =	vmul.f32 v7, v24;
	v7 =	vld [tilespmem:$0x1FAE0]  }
0x528: {  	[tilespmem:s20+$0x5E0] =	vst v34;
	v39 =	vld [tilespmem:s20+$0x6E0]  }
0x529: {  	[tilespmem:s20+$0x5B0] =	vst v14;
	v15 =	vmul.f32 v55, v17;
	v51 =	vadd.f32 v45, v43;
	v27 =	vmul.f32 v40, v63;
	v43 =	vld [tilespmem:$0x1FB10]  }
0x52a: {  	v26 =	vmul.f32 v33, v17;
	[tilespmem:s20+$0x620] =	vst v47;
	v29 =	vmul.f32 v44, v63;
	v47 =	vld [tilespmem:$0x1FB40]  }
0x52b: {  	[tilespmem:s20+$0x600] =	vst v18;
	v15 =	vadd.f32 v27, v15;
	v59 =	vadd.f32 v49, v46;
	v46 =	vld [tilespmem:$0x1FB30]  }
0x52c: {  	[tilespmem:s20+$0x630] =	vst v51;
	v51 =	vadd.f32 v29, v26;
	v24 =	vmul.f32 v7, v24;
	v7 =	vld [tilespmem:$0x1FAF0]  }
0x52d: {  	v36 =	vmul.f32 v48, v17;
	v42 =	vmul.f32 v60, v17;
	[tilespmem:s20+$0x690] =	vst v15;
	v49 =	vld [tilespmem:$0x1FB50]  }
0x52e: {  	v48 =	vld [tilespmem:s20+$0x700];
	v18 =	vmul.f32 v39, v17;
	[tilespmem:s20+$0x6B0] =	vst v51;
	v23 =	vmul.f32 v43, v63;
	v16 =	vadd.f32 v24, v16  }
0x52f: {  	v45 =	vmul.f32 v35, v17;
	v27 =	vmul.f32 v47, v63;
	[tilespmem:s20+$0x640] =	vst v59;
	v62 =	vadd.f32 v57, v50;
	v50 =	vld [tilespmem:s20+$0x710]  }
0x530: {  	v25 =	vmul.f32 v46, v63;
	v57 =	vld [tilespmem:s20+$0x720];
	v24 =	vmul.f32 v38, v17;
	[tilespmem:s20+$0x670] =	vst v16;
	v16 =	vadd.f32 v23, v42  }
0x531: {  	v59 =	vld [tilespmem:s20+$0x730];
	[tilespmem:s20+$0x650] =	vst v62;
	v34 =	vadd.f32 v61, v58;
	v58 =	vbroadcast v54, $0xE;
	v37 =	vmul.f32 v7, v63  }
0x532: {  	v33 =	vld [tilespmem:s20+$0x750];
	v23 =	vmul.f32 v49, v63;
	v60 =	vadd.f32 v27, v24;
	[tilespmem:s20+$0x6A0] =	vst v16;
	v16 =	vbroadcast v8, $0xE  }
0x533: {  	[tilespmem:s20+$0x660] =	vst v34;
	v40 =	vmul.f32 v52, v58;
	v44 =	vmul.f32 v53, v58;
	v7 =	vld [tilespmem:$0x1FB60];
	v14 =	vadd.f32 v37, v36  }
0x534: {  	v61 =	vld [tilespmem:s20+$0x740];
	v62 =	vadd.f32 v23, v18;
	[tilespmem:s20+$0x6D0] =	vst v60;
	v36 =	vmul.f32 v56, v58;
	v35 =	vmul.f32 v50, v16  }
0x535: {  	v28 =	vld [tilespmem:s20+$0xA860];
	v52 =	vmul.f32 v20, v58;
	v39 =	vmul.f32 v57, v16;
	[tilespmem:s20+$0x680] =	vst v14;
	v14 =	vadd.f32 v25, v45  }
0x536: {  	v6 =	vmul.f32 v6, v58;
	v37 =	vld [tilespmem:s20+$0x760];
	[tilespmem:s20+$0x6E0] =	vst v62;
	v43 =	vmul.f32 v59, v16;
	v42 =	vadd.f32 v36, v35  }
0x537: {  	v17 =	vmul.f32 v41, v17;
	v41 =	vld [tilespmem:s20+$0x770];
	v51 =	vmul.f32 v33, v16;
	v46 =	vadd.f32 v40, v39;
	[tilespmem:s20+$0x6C0] =	vst v14  }
0x538: {  	v23 =	vmul.f32 v31, v58;
	v45 =	vld [tilespmem:s20+$0x780];
	v55 =	vmul.f32 v7, v63;
	v50 =	vadd.f32 v44, v43;
	[tilespmem:s20+$0x710] =	vst v42  }
0x539: {  	v49 =	vld [tilespmem:s20+$0x790];
	v47 =	vmul.f32 v61, v16;
	v63 =	vmul.f32 v48, v16;
	v57 =	vadd.f32 v52, v51;
	[tilespmem:s20+$0x720] =	vst v46  }
0x53a: {  	v53 =	vld [tilespmem:s20+$0x7A0];
	v7 =	vbroadcast v8, $0xF;
	v48 =	vmul.f32 v22, v58;
	v34 =	vadd.f32 v55, v17;
	[tilespmem:s20+$0x730] =	vst v50  }
0x53b: {  	v56 =	vld [tilespmem:s20+$0x7B0];
	v8 =	vbroadcast v54, $0xF;
	v38 =	vadd.f32 v23, v63;
	v55 =	vmul.f32 v37, v16;
	[tilespmem:s20+$0x750] =	vst v57  }
0x53c: {  	v3 =	vmul.f32 v3, v58;
	v58 =	vld [tilespmem:s20+$0x7C0];
	v54 =	vadd.f32 v48, v47;
	v16 =	vmul.f32 v41, v16;
	[tilespmem:s20+$0x6F0] =	vst v34  }
0x53d: {  	v60 =	vld [tilespmem:s20+$0x7D0];
	v4 =	vmul.f32 v4, v8;
	[tilespmem:s20+$0x700] =	vst v38;
	v6 =	vadd.f32 v6, v55;
	v59 =	vmul.f32 v45, v7  }
0x53e: {  	v62 =	vld [tilespmem:s20+$0x7E0];
	v61 =	vmul.f32 v49, v7;
	v9 =	vmul.f32 v9, v8;
	[tilespmem:s20+$0x740] =	vst v54;
	v3 =	vadd.f32 v3, v16  }
0x53f: {  	v10 =	vmul.f32 v10, v8;
	v63 =	vld [tilespmem:s20+$0x7F0];
	[tilespmem:s20+$0x760] =	vst v6;
	v4 =	vadd.f32 v4, v59;
	v6 =	vmul.f32 v53, v7  }
0x540: {  	v11 =	vmul.f32 v11, v8;
	[tilespmem:s20+$0x770] =	vst v3;
	v3 =	vadd.f32 v9, v61;
	v9 =	vmul.f32 v56, v7  }
0x541: {  	[tilespmem:s20+$0x780] =	vst v4;
	v4 =	vadd.f32 v10, v6;
	v6 =	vmul.f32 v58, v7;
	v10 =	vmul.f32 v12, v8  }
0x542: {  	[tilespmem:s20+$0x790] =	vst v3;
	v3 =	vadd.f32 v11, v9;
	v9 =	vmul.f32 v60, v7;
	v11 =	vmul.f32 v13, v8  }
0x543: {  	[tilespmem:s20+$0x7A0] =	vst v4;
	v4 =	vadd.f32 v10, v6;
	v6 =	vmul.f32 v62, v7;
	v10 =	vmul.f32 v28, v8  }
0x544: {  	[tilespmem:s20+$0x7B0] =	vst v3;
	v3 =	vadd.f32 v11, v9;
	v7 =	vmul.f32 v63, v7;
	v8 =	vmul.f32 v30, v8  }
0x545: {  	[tilespmem:s20+$0x7C0] =	vst v4;
	v4 =	vadd.f32 v10, v6  }
0x546: {  	s19 =	sadd.s32 $0x1, s19;
	[tilespmem:s20+$0x7D0] =	vst v3;
	v3 =	vadd.f32 v8, v7  }
0x547: {  	p0 =	sne.s32 s19, s10;
	[tilespmem:s20+$0x7E0] =	vst v4  }
.Ltmp31:
0x548: {  	[tilespmem:s20+$0x7F0] =	vst v3;
	(pc) =	sbr.rel @p0 .LBB2_1-.Ltmp31, $4  }
0x549: {  	[hbm4b:s9+s3] =	stream.linear.scatter [tilespmem:s3], [sflag:$0x5], $0xA000, $0x38;
	[tilespmem:$0x1DA80] =	vst v63  }
0x54a: {  	_ =	swait.ge [sflag:s12], $0xA000  }
0x54b: {  	[sflag:s12] =	ssyncset.done $0x0;
	v8 =	vld [tilespmem:$0x1FFE0]  }
0x54c: {  	v3 =	vimm.f32 $0.0e+00;
	v4 =	vimm.f32 $-3.000000010e+38;
	v9 =	vld [tilespmem:$0x1FFF0];
	[sflag:s12] =	ssyncadd.s32 $0xFFFF6000  }
0x54d: {  	_ =	sfence.sel $0x180000  }
0x54e: {  	[bflag:$0x0] =	sbarrier.arrive $0xFFFF  }
0x54f: {  	p0 =	sne.s32 s2, $0x0;
	_ =	strace $0x90000047  }
0x550: {  	s0 =	sadd.s32 @!p0 $0x100000, s0;
	[bflag:$0x2] =	sbarrier.arrive $0xFFFF  }
0x551: {  	[sflag:s0] =	ssyncadd.tile.s32 @!p0 $0x1;
	_ =	shalt  }
.Lfunc_end2:
_tile_overlayer_lowered:
.L_overlay_start_2:
0x552: {  	(tag) =	ssettag $0x2  }
0x553: {  	s0 =	rddreg [dreg:$0x0];
	s2 =	stileid.u32  }
0x554: {  	s1 =	rddreg [dreg:$0x1];
	p0 =	sne.s32 s2, $0x0  }
0x555: {  	s3 =	rddreg [dreg:$0x2];
	[bflag:$0x3] =	sbarrier.arrive $0xFFFF;
	s2 =	simm.s32 @!p0 $0x1C05  }
0x556: {  	[timem:s3], [sflag:s2] =	dma.local @!p0 [hbm:s0], s1  }
0x557: {  	s0 =	simm.s32 @!p0 $0x5  }
0x558: {  	_ =	swait.ge @!p0 [sflag:s0], s1  }
0x559: {  	s1 =	ssub.s32 @!p0 $0x0, s1;
	[sflag:s0] =	ssyncset.done @!p0 $0x0  }
0x55a: {  	[sflag:s0] =	ssyncadd.s32 @!p0 s1  }
0x55b: {  	[bflag:$0x3] =	sbarrier.arrive $0xFFFF  }
0x55c: {  	_ =	shalt  }

</sc_bundles>
